<compile_context>
chip_gen: v7x
topology: tpu7x:2x2x1
jax: 0.10.2.dev20260603
libtpu: 0.0.44.dev20260713+nightly
codegen_flags: <defaults>
</compile_context>

<pallas_src>
import functools

import jax
import jax.numpy as jnp
from jax import lax
from jax.experimental import pallas as pl
from jax.experimental.pallas import tpu as pltpu
from jax.experimental.pallas import tpu_sc as plsc

_W, _H, _D = 1024, 1024, 64
_N = 524288
_NC = 2
_NS = 16
_NW = _NC * _NS
_L = 16
_CELLS = _W * _H

_RB = 128
_CELLW = _CELLS // _NW
_NBCH = _CELLW // _RB

_C = 128
_PW = _N // _NW
_NCH = _PW // _C
_G = _C // _L

_params = pltpu.CompilerParams(
    needs_layout_passes=False, use_tc_tiling_on_sc=True)
_mesh = plsc.VectorSubcoreMesh(core_axis_name="c", subcore_axis_name="s")


def _bp_prepare(chunk, wid, p64, stage, sem):
    base = wid * _CELLW + chunk * _RB
    pltpu.async_copy(p64.at[pl.ds(base, _RB)], stage.at[pl.ds(0, _RB)], sem)

    @pl.when(base + _RB < _CELLS)
    def _():
        pltpu.async_copy(p64.at[pl.ds(base + _RB, 8)],
                         stage.at[pl.ds(_RB, 8)], sem)


def _bp_compute(chunk, wid, p64, dup_hbm, stage, ob, sem):
    base = wid * _CELLW + chunk * _RB
    pltpu.make_async_copy(p64.at[pl.ds(base, _RB)], stage.at[pl.ds(0, _RB)],
                          sem).wait()

    @pl.when(base + _RB < _CELLS)
    def _():
        pltpu.make_async_copy(p64.at[pl.ds(base + _RB, 8)],
                              stage.at[pl.ds(_RB, 8)], sem).wait()

    @plsc.parallel_loop(0, _RB, unroll=2)
    def body(r):
        for k in range(_D // _L):
            sl = pl.ds(k * _L, _L)
            ob[r, sl] = stage[r, sl]
        for k in range(_D // _L):
            sl = pl.ds(k * _L, _L)
            ob[r, pl.ds(_D + k * _L, _L)] = stage[r + 1, sl]

    pltpu.sync_copy(ob, dup_hbm.at[pl.ds(base, _RB)])


@functools.partial(
    pl.kernel,
    out_type=jax.ShapeDtypeStruct((_CELLS, 2 * _D), jnp.float32),
    mesh=_mesh,
    compiler_params=_params,
    scratch_types=[
        pltpu.VMEM((_RB + 8, _D), jnp.float32),
        pltpu.VMEM((_RB, 2 * _D), jnp.float32),
        pltpu.SemaphoreType.DMA,
        pltpu.VMEM((_RB + 8, _D), jnp.float32),
        pltpu.VMEM((_RB, 2 * _D), jnp.float32),
        pltpu.SemaphoreType.DMA,
    ],
)
def _build_pairs(plane3d, dup_hbm,
                 stageA, obA, semA, stageB, obB, semB):
    p64 = plane3d.reshape(_CELLS, _D)
    wid = lax.axis_index("s") * _NC + lax.axis_index("c")
    _bp_prepare(0, wid, p64, stageA, semA)

    def pair(p, carry):
        g = p * 2
        _bp_prepare(g + 1, wid, p64, stageB, semB)
        _bp_compute(g, wid, p64, dup_hbm, stageA, obA, semA)

        @pl.when(g + 2 < _NBCH)
        def _():
            _bp_prepare(g + 2, wid, p64, stageA, semA)

        _bp_compute(g + 1, wid, p64, dup_hbm, stageB, obB, semB)
        return carry

    lax.fori_loop(0, _NBCH // 2, pair, 0)


def _prepare(chunk, wid, xt_hbm, dup_hbm, xv, yv, idxb, wb, rows, gsem):
    base = wid * _PW + chunk * _C
    pltpu.sync_copy(xt_hbm.at[0, pl.ds(base, _C)], xv)
    pltpu.sync_copy(xt_hbm.at[1, pl.ds(base, _C)], yv)
    for g in range(_G):
        sl = pl.ds(g * _L, _L)
        xs = xv[sl]
        ys = yv[sl]
        x0 = xs.astype(jnp.int32)
        y0 = ys.astype(jnp.int32)
        tx = xs - x0.astype(jnp.float32)
        ty = ys - y0.astype(jnp.float32)
        c00 = x0 * _H + y0
        idxb[pl.ds(0 * _C + g * _L, _L)] = c00
        idxb[pl.ds(1 * _C + g * _L, _L)] = c00 + _H
        wb[pl.ds(0 * _C + g * _L, _L)] = tx
        wb[pl.ds(1 * _C + g * _L, _L)] = ty
    for c in range(2):
        pltpu.async_copy(dup_hbm.at[idxb.at[pl.ds(c * _C, _C)]], rows.at[c],
                         gsem)


def _compute(half, dup_hbm, idxb, wb, rows, ob, gsem):
    for c in range(2):
        pltpu.make_async_copy(dup_hbm.at[idxb.at[pl.ds(c * _C, _C)]],
                              rows.at[c], gsem).wait()

    lane = lax.iota(jnp.int32, _L)
    zeros = jnp.zeros((_L,), jnp.int32)

    @plsc.parallel_loop(0, _C, unroll=4)
    def body(i):
        iv = zeros + i
        txv = plsc.load_gather(wb, [iv])
        tyv = plsc.load_gather(wb, [iv + _C])
        col = zeros + (i + half * _C)
        for k in range(_D // _L):
            lo = pl.ds(k * _L, _L)
            hi = pl.ds(_D + k * _L, _L)
            p00 = rows[0, i, lo]
            p01 = rows[0, i, hi]
            p10 = rows[1, i, lo]
            p11 = rows[1, i, hi]
            top = p00 + txv * (p10 - p00)
            bot = p01 + txv * (p11 - p01)
            res = top + tyv * (bot - top)
            plsc.store_scatter(ob, [lane + k * _L, col], res)


@functools.partial(
    pl.kernel,
    out_type=jax.ShapeDtypeStruct((_D, _N), jnp.float32),
    mesh=_mesh,
    compiler_params=_params,
    scratch_types=[
        pltpu.VMEM((_C,), jnp.float32),
        pltpu.VMEM((_C,), jnp.float32),
        pltpu.VMEM((2 * _C,), jnp.int32),
        pltpu.VMEM((2 * _C,), jnp.float32),
        pltpu.VMEM((2, _C, 2 * _D), jnp.float32),
        pltpu.SemaphoreType.DMA,
        pltpu.VMEM((_C,), jnp.float32),
        pltpu.VMEM((_C,), jnp.float32),
        pltpu.VMEM((2 * _C,), jnp.int32),
        pltpu.VMEM((2 * _C,), jnp.float32),
        pltpu.VMEM((2, _C, 2 * _D), jnp.float32),
        pltpu.SemaphoreType.DMA,
        pltpu.VMEM((2, _D, 2 * _C), jnp.float32),
        pltpu.SemaphoreType.DMA,
        pltpu.SemaphoreType.DMA,
    ],
)
def _bilerp_sc(xt_hbm, dup_hbm, out_hbm,
               xvA, yvA, idxA, wbA, rowsA, gsemA,
               xvB, yvB, idxB, wbB, rowsB, gsemB, ob, osem0, osem1):
    wid = lax.axis_index("s") * _NC + lax.axis_index("c")
    slotA = (xvA, yvA, idxA, wbA, rowsA, gsemA)
    slotB = (xvB, yvB, idxB, wbB, rowsB, gsemB)
    _prepare(0, wid, xt_hbm, dup_hbm, *slotA)

    def quad(q, carry):
        for s, osem in ((0, osem0), (1, osem1)):
            g = q * 4 + s * 2
            obs = ob.at[s]
            colbase = wid * _PW + g * _C
            dst = out_hbm.at[:, pl.ds(colbase, 2 * _C)]
            _prepare(g + 1, wid, xt_hbm, dup_hbm, *slotB)

            @pl.when(q > 0)
            def _():
                pltpu.make_async_copy(obs, dst, osem).wait()

            _compute(0, dup_hbm, idxA, wbA, rowsA, obs, gsemA)

            @pl.when(g + 2 < _NCH)
            def _():
                _prepare(g + 2, wid, xt_hbm, dup_hbm, *slotA)

            _compute(1, dup_hbm, idxB, wbB, rowsB, obs, gsemB)
            pltpu.async_copy(obs, dst, osem)
        return carry

    lax.fori_loop(0, _NCH // 4, quad, 0)
    final = out_hbm.at[:, pl.ds(wid * _PW, 2 * _C)]
    pltpu.make_async_copy(ob.at[0], final, osem0).wait()
    pltpu.make_async_copy(ob.at[1], final, osem1).wait()


def kernel(x, plane):
    dup = _build_pairs(plane)
    out_t = _bilerp_sc(x.T, dup)
    return out_t.T

# --- scband reference (transcript-rebuilt; emitter-appended) ---
"""Pipeline reference for scband-plane-90237262889647 (READ-ONLY COPY).

The authoritative reference and input builder live on the scoring server;
editing this copy changes nothing except your own understanding.
"""

import jax, jax.numpy as jnp
import numpy as np

W, H, D = 1024, 1024, 64
N = 524288


def lerp(a, b, t):
    return (1 - t) * a + t * b


def setup_inputs(seed: int = 0) -> dict:
    key = jax.random.key(seed)
    k1, k2 = jax.random.split(key)
    # continuous query coords scaled into the valid grid extent [0, W-2)
    # so that x0+1 and y0+1 are always in-bounds
    x = jax.random.uniform(k1, (N, 2), dtype=jnp.float32) * (W - 2)
    # learned plane param; flax nn.initializers.uniform() default scale = 0.01
    plane = jax.random.uniform(k2, (W, H, D), dtype=jnp.float32) * 0.01
    return {"x": x, "plane": plane}


def reference(x, plane):
    x_frac, x_whole = jnp.modf(x)
    tx, ty = x_frac.T
    x0, y0 = x_whole.astype(jnp.int32).T
    x1, y1 = (x0 + 1, y0 + 1)
    top = lerp(plane[x0, y0], plane[x1, y0], tx[..., jnp.newaxis])
    bottom = lerp(plane[x0, y1], plane[x1, y1], tx[..., jnp.newaxis])
    return lerp(top, bottom, ty[..., jnp.newaxis])

if __name__ == "__main__":
    import jax
    _d = setup_inputs()
    print(jax.jit(kernel)(*tuple(_d.values())))

</pallas_src>

<mosaic_0001>
#map = affine_map<(d0, d1) -> (0, 0, 0)>
#map1 = affine_map<(d0, d1) -> (0, 0)>
module attributes {stable_mosaic.version = 14 : i64} {
  func.func @_build_pairs(%arg0: i32, %arg1: i32, %arg2: memref<1024x1024x64xf32, #tpu.memory_space<hbm>>, %arg3: memref<1048576x128xf32, #tpu.memory_space<hbm>>, %arg4: memref<136x64xf32, #tpu.memory_space<vmem>>, %arg5: memref<128x128xf32, #tpu.memory_space<vmem>>, %arg6: memref<!tpu.dma_semaphore, #tpu.memory_space<semaphore_mem>>, %arg7: memref<136x64xf32, #tpu.memory_space<vmem>>, %arg8: memref<128x128xf32, #tpu.memory_space<vmem>>, %arg9: memref<!tpu.dma_semaphore, #tpu.memory_space<semaphore_mem>>) attributes {dimension_semantics = [#tpu.dimension_semantics<core_parallel>, #tpu.dimension_semantics<subcore_parallel>], iteration_bounds = array<i64: 2, 16>, scalar_prefetch = 0 : i64, scratch_operands = 6 : i64, tpu.core_type = #tpu.core_type<sc_vector_subcore>, window_params = [{transform_indices = #map}, {transform_indices = #map1}]} {
    %mul3A = arith.constant 2 : i32
    %mul3A_0 = arith.muli %arg1, %mul3A : i32
    %add3A = arith.addi %mul3A_0, %arg0 : i32
    %mul3A_1 = arith.constant 32768 : i32
    %mul3A_2 = arith.muli %add3A, %mul3A_1 : i32
    %add3A_3 = arith.constant 0 : i32
    %add3A_4 = arith.addi %mul3A_2, %add3A_3 : i32
    %dma_start3A = arith.constant 0 : i32
    %dma_start3A_5 = arith.constant 0 : i32
    %dma_start3A_6 = tpu.memref_slice %arg4[%dma_start3A, %dma_start3A_5] : memref<136x64xf32, #tpu.memory_space<vmem>> -> memref<128x64xf32, #tpu.memory_space<vmem>>
    %dma_start3A_7 = tpu.memref_reshape %arg2 : memref<1024x1024x64xf32, #tpu.memory_space<hbm>> -> memref<1048576x64xf32, #tpu.memory_space<hbm>>
    %dma_start3A_8 = arith.constant 0 : i32
    %dma_start3A_9 = tpu.memref_slice %dma_start3A_7[%add3A_4, %dma_start3A_8] : memref<1048576x64xf32, #tpu.memory_space<hbm>> -> memref<128x64xf32, #tpu.memory_space<hbm>>
    %dma_start3A_10 = arith.constant 0 : i32
    %dma_start3A_11 = arith.constant 0 : i32
    %dma_start3A_12 = tpu.memref_slice %arg4[%dma_start3A_10, %dma_start3A_11] : memref<136x64xf32, #tpu.memory_space<vmem>> -> memref<128x64xf32, #tpu.memory_space<vmem>>
    %dma_start3A_13 = tpu.memref_reshape %arg2 : memref<1024x1024x64xf32, #tpu.memory_space<hbm>> -> memref<1048576x64xf32, #tpu.memory_space<hbm>>
    %dma_start3A_14 = arith.constant 0 : i32
    %dma_start3A_15 = tpu.memref_slice %dma_start3A_13[%add3A_4, %dma_start3A_14] : memref<1048576x64xf32, #tpu.memory_space<hbm>> -> memref<128x64xf32, #tpu.memory_space<hbm>>
    tpu.enqueue_dma source(%dma_start3A_15 : memref<128x64xf32, #tpu.memory_space<hbm>>) target(%dma_start3A_12 : memref<128x64xf32, #tpu.memory_space<vmem>>) target_semaphore(%arg6 : memref<!tpu.dma_semaphore, #tpu.memory_space<semaphore_mem>>)
    %add3A_16 = arith.constant 128 : i32
    %add3A_17 = arith.addi %add3A_4, %add3A_16 : i32
    %lt3A = arith.constant 1048576 : i32
    %lt3A_18 = arith.cmpi slt, %add3A_17, %lt3A : i32
    %convert_element_type3A = arith.extui %lt3A_18 : i1 to i32
    %cond3A = arith.constant 0 : i32
    %cond3A_19 = arith.cmpi ne, %convert_element_type3A, %cond3A : i32
    scf.if %cond3A_19 {
      %add3A_25 = arith.constant 128 : i32
      %add3A_26 = arith.addi %add3A_4, %add3A_25 : i32
      %dma_start3A_27 = arith.constant 128 : i32
      %dma_start3A_28 = arith.constant 0 : i32
      %dma_start3A_29 = tpu.memref_slice %arg4[%dma_start3A_27, %dma_start3A_28] : memref<136x64xf32, #tpu.memory_space<vmem>> -> memref<8x64xf32, #tpu.memory_space<vmem>>
      %dma_start3A_30 = tpu.memref_reshape %arg2 : memref<1024x1024x64xf32, #tpu.memory_space<hbm>> -> memref<1048576x64xf32, #tpu.memory_space<hbm>>
      %dma_start3A_31 = arith.constant 0 : i32
      %dma_start3A_32 = tpu.memref_slice %dma_start3A_30[%add3A_26, %dma_start3A_31] : memref<1048576x64xf32, #tpu.memory_space<hbm>> -> memref<8x64xf32, #tpu.memory_space<hbm>>
      %dma_start3A_33 = arith.constant 128 : i32
      %dma_start3A_34 = arith.constant 0 : i32
      %dma_start3A_35 = tpu.memref_slice %arg4[%dma_start3A_33, %dma_start3A_34] : memref<136x64xf32, #tpu.memory_space<vmem>> -> memref<8x64xf32, #tpu.memory_space<vmem>>
      %dma_start3A_36 = tpu.memref_reshape %arg2 : memref<1024x1024x64xf32, #tpu.memory_space<hbm>> -> memref<1048576x64xf32, #tpu.memory_space<hbm>>
      %dma_start3A_37 = arith.constant 0 : i32
      %dma_start3A_38 = tpu.memref_slice %dma_start3A_36[%add3A_26, %dma_start3A_37] : memref<1048576x64xf32, #tpu.memory_space<hbm>> -> memref<8x64xf32, #tpu.memory_space<hbm>>
      tpu.enqueue_dma source(%dma_start3A_38 : memref<8x64xf32, #tpu.memory_space<hbm>>) target(%dma_start3A_35 : memref<8x64xf32, #tpu.memory_space<vmem>>) target_semaphore(%arg6 : memref<!tpu.dma_semaphore, #tpu.memory_space<semaphore_mem>>)
    } else {
    }
    %scan3A = arith.constant 0 : i32
    %scan3A_20 = arith.constant 0 : i32
    %scan3A_21 = arith.constant 128 : i32
    %scan3A_22 = arith.addi %scan3A_20, %scan3A_21 : i32
    %scan3A_23 = arith.constant 1 : i32
    scf.for %scan3A_25 = %scan3A_20 to %scan3A_22 step %scan3A_23  : i32 {
      %mul3A_26 = arith.constant 2 : i32
      %mul3A_27 = arith.muli %scan3A_25, %mul3A_26 : i32
      %add3A_28 = arith.constant 1 : i32
      %add3A_29 = arith.addi %mul3A_27, %add3A_28 : i32
      %mul3A_30 = arith.constant 32768 : i32
      %mul3A_31 = arith.muli %add3A, %mul3A_30 : i32
      %mul3A_32 = arith.constant 128 : i32
      %mul3A_33 = arith.muli %add3A_29, %mul3A_32 : i32
      %add3A_34 = arith.addi %mul3A_31, %mul3A_33 : i32
      %dma_start3A_35 = arith.constant 0 : i32
      %dma_start3A_36 = arith.constant 0 : i32
      %dma_start3A_37 = tpu.memref_slice %arg7[%dma_start3A_35, %dma_start3A_36] : memref<136x64xf32, #tpu.memory_space<vmem>> -> memref<128x64xf32, #tpu.memory_space<vmem>>
      %dma_start3A_38 = tpu.memref_reshape %arg2 : memref<1024x1024x64xf32, #tpu.memory_space<hbm>> -> memref<1048576x64xf32, #tpu.memory_space<hbm>>
      %dma_start3A_39 = arith.constant 0 : i32
      %dma_start3A_40 = tpu.memref_slice %dma_start3A_38[%add3A_34, %dma_start3A_39] : memref<1048576x64xf32, #tpu.memory_space<hbm>> -> memref<128x64xf32, #tpu.memory_space<hbm>>
      %dma_start3A_41 = arith.constant 0 : i32
      %dma_start3A_42 = arith.constant 0 : i32
      %dma_start3A_43 = tpu.memref_slice %arg7[%dma_start3A_41, %dma_start3A_42] : memref<136x64xf32, #tpu.memory_space<vmem>> -> memref<128x64xf32, #tpu.memory_space<vmem>>
      %dma_start3A_44 = tpu.memref_reshape %arg2 : memref<1024x1024x64xf32, #tpu.memory_space<hbm>> -> memref<1048576x64xf32, #tpu.memory_space<hbm>>
      %dma_start3A_45 = arith.constant 0 : i32
      %dma_start3A_46 = tpu.memref_slice %dma_start3A_44[%add3A_34, %dma_start3A_45] : memref<1048576x64xf32, #tpu.memory_space<hbm>> -> memref<128x64xf32, #tpu.memory_space<hbm>>
      tpu.enqueue_dma source(%dma_start3A_46 : memref<128x64xf32, #tpu.memory_space<hbm>>) target(%dma_start3A_43 : memref<128x64xf32, #tpu.memory_space<vmem>>) target_semaphore(%arg9 : memref<!tpu.dma_semaphore, #tpu.memory_space<semaphore_mem>>)
      %add3A_47 = arith.constant 128 : i32
      %add3A_48 = arith.addi %add3A_34, %add3A_47 : i32
      %lt3A_49 = arith.constant 1048576 : i32
      %lt3A_50 = arith.cmpi slt, %add3A_48, %lt3A_49 : i32
      %convert_element_type3A_51 = arith.extui %lt3A_50 : i1 to i32
      %cond3A_52 = arith.constant 0 : i32
      %cond3A_53 = arith.cmpi ne, %convert_element_type3A_51, %cond3A_52 : i32
      scf.if %cond3A_53 {
        %add3A_115 = arith.constant 128 : i32
        %add3A_116 = arith.addi %add3A_34, %add3A_115 : i32
        %dma_start3A_117 = arith.constant 128 : i32
        %dma_start3A_118 = arith.constant 0 : i32
        %dma_start3A_119 = tpu.memref_slice %arg7[%dma_start3A_117, %dma_start3A_118] : memref<136x64xf32, #tpu.memory_space<vmem>> -> memref<8x64xf32, #tpu.memory_space<vmem>>
        %dma_start3A_120 = tpu.memref_reshape %arg2 : memref<1024x1024x64xf32, #tpu.memory_space<hbm>> -> memref<1048576x64xf32, #tpu.memory_space<hbm>>
        %dma_start3A_121 = arith.constant 0 : i32
        %dma_start3A_122 = tpu.memref_slice %dma_start3A_120[%add3A_116, %dma_start3A_121] : memref<1048576x64xf32, #tpu.memory_space<hbm>> -> memref<8x64xf32, #tpu.memory_space<hbm>>
        %dma_start3A_123 = arith.constant 128 : i32
        %dma_start3A_124 = arith.constant 0 : i32
        %dma_start3A_125 = tpu.memref_slice %arg7[%dma_start3A_123, %dma_start3A_124] : memref<136x64xf32, #tpu.memory_space<vmem>> -> memref<8x64xf32, #tpu.memory_space<vmem>>
        %dma_start3A_126 = tpu.memref_reshape %arg2 : memref<1024x1024x64xf32, #tpu.memory_space<hbm>> -> memref<1048576x64xf32, #tpu.memory_space<hbm>>
        %dma_start3A_127 = arith.constant 0 : i32
        %dma_start3A_128 = tpu.memref_slice %dma_start3A_126[%add3A_116, %dma_start3A_127] : memref<1048576x64xf32, #tpu.memory_space<hbm>> -> memref<8x64xf32, #tpu.memory_space<hbm>>
        tpu.enqueue_dma source(%dma_start3A_128 : memref<8x64xf32, #tpu.memory_space<hbm>>) target(%dma_start3A_125 : memref<8x64xf32, #tpu.memory_space<vmem>>) target_semaphore(%arg9 : memref<!tpu.dma_semaphore, #tpu.memory_space<semaphore_mem>>)
      } else {
      }
      %mul3A_54 = arith.constant 32768 : i32
      %mul3A_55 = arith.muli %add3A, %mul3A_54 : i32
      %mul3A_56 = arith.constant 128 : i32
      %mul3A_57 = arith.muli %mul3A_27, %mul3A_56 : i32
      %add3A_58 = arith.addi %mul3A_55, %mul3A_57 : i32
      %dma_wait3A = arith.constant 0 : i32
      %dma_wait3A_59 = arith.constant 0 : i32
      %dma_wait3A_60 = tpu.memref_slice %arg4[%dma_wait3A, %dma_wait3A_59] : memref<136x64xf32, #tpu.memory_space<vmem>> -> memref<128x64xf32, #tpu.memory_space<vmem>>
      %dma_wait3A_61 = tpu.memref_reshape %arg2 : memref<1024x1024x64xf32, #tpu.memory_space<hbm>> -> memref<1048576x64xf32, #tpu.memory_space<hbm>>
      %dma_wait3A_62 = arith.constant 0 : i32
      %dma_wait3A_63 = tpu.memref_slice %dma_wait3A_61[%add3A_58, %dma_wait3A_62] : memref<1048576x64xf32, #tpu.memory_space<hbm>> -> memref<128x64xf32, #tpu.memory_space<hbm>>
      %dma_wait3A_64 = arith.constant 0 : i32
      %dma_wait3A_65 = arith.constant 0 : i32
      %dma_wait3A_66 = tpu.memref_slice %arg4[%dma_wait3A_64, %dma_wait3A_65] : memref<136x64xf32, #tpu.memory_space<vmem>> -> memref<128x64xf32, #tpu.memory_space<vmem>>
      %dma_wait3A_67 = tpu.memref_reshape %arg2 : memref<1024x1024x64xf32, #tpu.memory_space<hbm>> -> memref<1048576x64xf32, #tpu.memory_space<hbm>>
      %dma_wait3A_68 = arith.constant 0 : i32
      %dma_wait3A_69 = tpu.memref_slice %dma_wait3A_67[%add3A_58, %dma_wait3A_68] : memref<1048576x64xf32, #tpu.memory_space<hbm>> -> memref<128x64xf32, #tpu.memory_space<hbm>>
      tpu.wait_dma2 semaphore(%arg6 : memref<!tpu.dma_semaphore, #tpu.memory_space<semaphore_mem>>) src(%dma_wait3A_69 : memref<128x64xf32, #tpu.memory_space<hbm>>) dst(%dma_wait3A_66 : memref<128x64xf32, #tpu.memory_space<vmem>>)
      %add3A_70 = arith.constant 128 : i32
      %add3A_71 = arith.addi %add3A_58, %add3A_70 : i32
      %lt3A_72 = arith.constant 1048576 : i32
      %lt3A_73 = arith.cmpi slt, %add3A_71, %lt3A_72 : i32
      %convert_element_type3A_74 = arith.extui %lt3A_73 : i1 to i32
      %cond3A_75 = arith.constant 0 : i32
      %cond3A_76 = arith.cmpi ne, %convert_element_type3A_74, %cond3A_75 : i32
      scf.if %cond3A_76 {
        %add3A_115 = arith.constant 128 : i32
        %add3A_116 = arith.addi %add3A_58, %add3A_115 : i32
        %dma_wait3A_117 = arith.constant 128 : i32
        %dma_wait3A_118 = arith.constant 0 : i32
        %dma_wait3A_119 = tpu.memref_slice %arg4[%dma_wait3A_117, %dma_wait3A_118] : memref<136x64xf32, #tpu.memory_space<vmem>> -> memref<8x64xf32, #tpu.memory_space<vmem>>
        %dma_wait3A_120 = tpu.memref_reshape %arg2 : memref<1024x1024x64xf32, #tpu.memory_space<hbm>> -> memref<1048576x64xf32, #tpu.memory_space<hbm>>
        %dma_wait3A_121 = arith.constant 0 : i32
        %dma_wait3A_122 = tpu.memref_slice %dma_wait3A_120[%add3A_116, %dma_wait3A_121] : memref<1048576x64xf32, #tpu.memory_space<hbm>> -> memref<8x64xf32, #tpu.memory_space<hbm>>
        %dma_wait3A_123 = arith.constant 128 : i32
        %dma_wait3A_124 = arith.constant 0 : i32
        %dma_wait3A_125 = tpu.memref_slice %arg4[%dma_wait3A_123, %dma_wait3A_124] : memref<136x64xf32, #tpu.memory_space<vmem>> -> memref<8x64xf32, #tpu.memory_space<vmem>>
        %dma_wait3A_126 = tpu.memref_reshape %arg2 : memref<1024x1024x64xf32, #tpu.memory_space<hbm>> -> memref<1048576x64xf32, #tpu.memory_space<hbm>>
        %dma_wait3A_127 = arith.constant 0 : i32
        %dma_wait3A_128 = tpu.memref_slice %dma_wait3A_126[%add3A_116, %dma_wait3A_127] : memref<1048576x64xf32, #tpu.memory_space<hbm>> -> memref<8x64xf32, #tpu.memory_space<hbm>>
        tpu.wait_dma2 semaphore(%arg6 : memref<!tpu.dma_semaphore, #tpu.memory_space<semaphore_mem>>) src(%dma_wait3A_128 : memref<8x64xf32, #tpu.memory_space<hbm>>) dst(%dma_wait3A_125 : memref<8x64xf32, #tpu.memory_space<vmem>>)
      } else {
      }
      %parallel_loop3A = arith.constant 0 : i32
      %parallel_loop3A_77 = arith.constant 128 : i32
      %parallel_loop3A_78 = arith.constant 1 : i32
      scf.for %parallel_loop3A_115 = %parallel_loop3A to %parallel_loop3A_77 step %parallel_loop3A_78  : i32 {
        %parallel_loop3A_116 = arith.index_cast %parallel_loop3A_115 : i32 to index
        %parallel_loop3A_117 = arith.constant 0 : index
        %parallel_loop3A_118 = tpu.vector_load %arg4[%parallel_loop3A_116, %parallel_loop3A_117] {strides = array<i32>} : memref<136x64xf32, #tpu.memory_space<vmem>>, vector<16xf32>,
        %parallel_loop3A_119 = arith.index_cast %parallel_loop3A_115 : i32 to index
        %parallel_loop3A_120 = arith.constant 0 : index
        %parallel_loop3A_121 = tpu.vector_load %arg5[%parallel_loop3A_119, %parallel_loop3A_120] {strides = array<i32>} : memref<128x128xf32, #tpu.memory_space<vmem>>, vector<16xf32>,
        tpu.vector_store %arg5[%parallel_loop3A_119, %parallel_loop3A_120], %parallel_loop3A_118 {strides = array<i32>} : memref<128x128xf32, #tpu.memory_space<vmem>>, vector<16xf32>,
        %parallel_loop3A_122 = arith.index_cast %parallel_loop3A_115 : i32 to index
        %parallel_loop3A_123 = arith.constant 16 : index
        %parallel_loop3A_124 = tpu.vector_load %arg4[%parallel_loop3A_122, %parallel_loop3A_123] {strides = array<i32>} : memref<136x64xf32, #tpu.memory_space<vmem>>, vector<16xf32>,
        %parallel_loop3A_125 = arith.index_cast %parallel_loop3A_115 : i32 to index
        %parallel_loop3A_126 = arith.constant 16 : index
        %parallel_loop3A_127 = tpu.vector_load %arg5[%parallel_loop3A_125, %parallel_loop3A_126] {strides = array<i32>} : memref<128x128xf32, #tpu.memory_space<vmem>>, vector<16xf32>,
        tpu.vector_store %arg5[%parallel_loop3A_125, %parallel_loop3A_126], %parallel_loop3A_124 {strides = array<i32>} : memref<128x128xf32, #tpu.memory_space<vmem>>, vector<16xf32>,
        %parallel_loop3A_128 = arith.index_cast %parallel_loop3A_115 : i32 to index
        %parallel_loop3A_129 = arith.constant 32 : index
        %parallel_loop3A_130 = tpu.vector_load %arg4[%parallel_loop3A_128, %parallel_loop3A_129] {strides = array<i32>} : memref<136x64xf32, #tpu.memory_space<vmem>>, vector<16xf32>,
        %parallel_loop3A_131 = arith.index_cast %parallel_loop3A_115 : i32 to index
        %parallel_loop3A_132 = arith.constant 32 : index
        %parallel_loop3A_133 = tpu.vector_load %arg5[%parallel_loop3A_131, %parallel_loop3A_132] {strides = array<i32>} : memref<128x128xf32, #tpu.memory_space<vmem>>, vector<16xf32>,
        tpu.vector_store %arg5[%parallel_loop3A_131, %parallel_loop3A_132], %parallel_loop3A_130 {strides = array<i32>} : memref<128x128xf32, #tpu.memory_space<vmem>>, vector<16xf32>,
        %parallel_loop3A_134 = arith.index_cast %parallel_loop3A_115 : i32 to index
        %parallel_loop3A_135 = arith.constant 48 : index
        %parallel_loop3A_136 = tpu.vector_load %arg4[%parallel_loop3A_134, %parallel_loop3A_135] {strides = array<i32>} : memref<136x64xf32, #tpu.memory_space<vmem>>, vector<16xf32>,
        %parallel_loop3A_137 = arith.index_cast %parallel_loop3A_115 : i32 to index
        %parallel_loop3A_138 = arith.constant 48 : index
        %parallel_loop3A_139 = tpu.vector_load %arg5[%parallel_loop3A_137, %parallel_loop3A_138] {strides = array<i32>} : memref<128x128xf32, #tpu.memory_space<vmem>>, vector<16xf32>,
        tpu.vector_store %arg5[%parallel_loop3A_137, %parallel_loop3A_138], %parallel_loop3A_136 {strides = array<i32>} : memref<128x128xf32, #tpu.memory_space<vmem>>, vector<16xf32>,
        %parallel_loop3A_140 = arith.constant 1 : i32
        %parallel_loop3A_141 = arith.addi %parallel_loop3A_115, %parallel_loop3A_140 : i32
        %parallel_loop3A_142 = arith.index_cast %parallel_loop3A_141 : i32 to index
        %parallel_loop3A_143 = arith.constant 0 : index
        %parallel_loop3A_144 = tpu.vector_load %arg4[%parallel_loop3A_142, %parallel_loop3A_143] {strides = array<i32>} : memref<136x64xf32, #tpu.memory_space<vmem>>, vector<16xf32>,
        %parallel_loop3A_145 = arith.index_cast %parallel_loop3A_115 : i32 to index
        %parallel_loop3A_146 = arith.constant 64 : index
        %parallel_loop3A_147 = tpu.vector_load %arg5[%parallel_loop3A_145, %parallel_loop3A_146] {strides = array<i32>} : memref<128x128xf32, #tpu.memory_space<vmem>>, vector<16xf32>,
        tpu.vector_store %arg5[%parallel_loop3A_145, %parallel_loop3A_146], %parallel_loop3A_144 {strides = array<i32>} : memref<128x128xf32, #tpu.memory_space<vmem>>, vector<16xf32>,
        %parallel_loop3A_148 = arith.constant 1 : i32
        %parallel_loop3A_149 = arith.addi %parallel_loop3A_115, %parallel_loop3A_148 : i32
        %parallel_loop3A_150 = arith.index_cast %parallel_loop3A_149 : i32 to index
        %parallel_loop3A_151 = arith.constant 16 : index
        %parallel_loop3A_152 = tpu.vector_load %arg4[%parallel_loop3A_150, %parallel_loop3A_151] {strides = array<i32>} : memref<136x64xf32, #tpu.memory_space<vmem>>, vector<16xf32>,
        %parallel_loop3A_153 = arith.index_cast %parallel_loop3A_115 : i32 to index
        %parallel_loop3A_154 = arith.constant 80 : index
        %parallel_loop3A_155 = tpu.vector_load %arg5[%parallel_loop3A_153, %parallel_loop3A_154] {strides = array<i32>} : memref<128x128xf32, #tpu.memory_space<vmem>>, vector<16xf32>,
        tpu.vector_store %arg5[%parallel_loop3A_153, %parallel_loop3A_154], %parallel_loop3A_152 {strides = array<i32>} : memref<128x128xf32, #tpu.memory_space<vmem>>, vector<16xf32>,
        %parallel_loop3A_156 = arith.constant 1 : i32
        %parallel_loop3A_157 = arith.addi %parallel_loop3A_115, %parallel_loop3A_156 : i32
        %parallel_loop3A_158 = arith.index_cast %parallel_loop3A_157 : i32 to index
        %parallel_loop3A_159 = arith.constant 32 : index
        %parallel_loop3A_160 = tpu.vector_load %arg4[%parallel_loop3A_158, %parallel_loop3A_159] {strides = array<i32>} : memref<136x64xf32, #tpu.memory_space<vmem>>, vector<16xf32>,
        %parallel_loop3A_161 = arith.index_cast %parallel_loop3A_115 : i32 to index
        %parallel_loop3A_162 = arith.constant 96 : index
        %parallel_loop3A_163 = tpu.vector_load %arg5[%parallel_loop3A_161, %parallel_loop3A_162] {strides = array<i32>} : memref<128x128xf32, #tpu.memory_space<vmem>>, vector<16xf32>,
        tpu.vector_store %arg5[%parallel_loop3A_161, %parallel_loop3A_162], %parallel_loop3A_160 {strides = array<i32>} : memref<128x128xf32, #tpu.memory_space<vmem>>, vector<16xf32>,
        %parallel_loop3A_164 = arith.constant 1 : i32
        %parallel_loop3A_165 = arith.addi %parallel_loop3A_115, %parallel_loop3A_164 : i32
        %parallel_loop3A_166 = arith.index_cast %parallel_loop3A_165 : i32 to index
        %parallel_loop3A_167 = arith.constant 48 : index
        %parallel_loop3A_168 = tpu.vector_load %arg4[%parallel_loop3A_166, %parallel_loop3A_167] {strides = array<i32>} : memref<136x64xf32, #tpu.memory_space<vmem>>, vector<16xf32>,
        %parallel_loop3A_169 = arith.index_cast %parallel_loop3A_115 : i32 to index
        %parallel_loop3A_170 = arith.constant 112 : index
        %parallel_loop3A_171 = tpu.vector_load %arg5[%parallel_loop3A_169, %parallel_loop3A_170] {strides = array<i32>} : memref<128x128xf32, #tpu.memory_space<vmem>>, vector<16xf32>,
        tpu.vector_store %arg5[%parallel_loop3A_169, %parallel_loop3A_170], %parallel_loop3A_168 {strides = array<i32>} : memref<128x128xf32, #tpu.memory_space<vmem>>, vector<16xf32>,
      } {sc.loop_unroll_factor = 2 : i64, sc.parallel_access}
      "tpu.region"() ({
        %run_scoped3A = tpu.sem_alloc : memref<!tpu.dma_semaphore, #tpu.memory_space<semaphore_mem>>
        %dma_start3A_115 = arith.constant 0 : i32
        %dma_start3A_116 = tpu.memref_slice %arg3[%add3A_58, %dma_start3A_115] : memref<1048576x128xf32, #tpu.memory_space<hbm>> -> memref<128x128xf32, #tpu.memory_space<hbm>>
        %dma_start3A_117 = arith.constant 0 : i32
        %dma_start3A_118 = tpu.memref_slice %arg3[%add3A_58, %dma_start3A_117] : memref<1048576x128xf32, #tpu.memory_space<hbm>> -> memref<128x128xf32, #tpu.memory_space<hbm>>
        tpu.enqueue_dma source(%arg5 : memref<128x128xf32, #tpu.memory_space<vmem>>) target(%dma_start3A_118 : memref<128x128xf32, #tpu.memory_space<hbm>>) target_semaphore(%run_scoped3A : memref<!tpu.dma_semaphore, #tpu.memory_space<semaphore_mem>>)
        %dma_wait3A_119 = arith.constant 0 : i32
        %dma_wait3A_120 = tpu.memref_slice %arg3[%add3A_58, %dma_wait3A_119] : memref<1048576x128xf32, #tpu.memory_space<hbm>> -> memref<128x128xf32, #tpu.memory_space<hbm>>
        %dma_wait3A_121 = arith.constant 0 : i32
        %dma_wait3A_122 = tpu.memref_slice %arg3[%add3A_58, %dma_wait3A_121] : memref<1048576x128xf32, #tpu.memory_space<hbm>> -> memref<128x128xf32, #tpu.memory_space<hbm>>
        tpu.wait_dma2 semaphore(%run_scoped3A : memref<!tpu.dma_semaphore, #tpu.memory_space<semaphore_mem>>) src(%arg5 : memref<128x128xf32, #tpu.memory_space<vmem>>) dst(%dma_wait3A_122 : memref<128x128xf32, #tpu.memory_space<hbm>>)
        tpu.yield
      }) : () -> ()
      %add3A_79 = arith.constant 2 : i32
      %add3A_80 = arith.addi %mul3A_27, %add3A_79 : i32
      %lt3A_81 = arith.constant 256 : i32
      %lt3A_82 = arith.cmpi slt, %add3A_80, %lt3A_81 : i32
      %convert_element_type3A_83 = arith.extui %lt3A_82 : i1 to i32
      %cond3A_84 = arith.constant 0 : i32
      %cond3A_85 = arith.cmpi ne, %convert_element_type3A_83, %cond3A_84 : i32
      scf.if %cond3A_85 {
        %add3A_115 = arith.constant 2 : i32
        %add3A_116 = arith.addi %mul3A_27, %add3A_115 : i32
        %mul3A_117 = arith.constant 32768 : i32
        %mul3A_118 = arith.muli %add3A, %mul3A_117 : i32
        %mul3A_119 = arith.constant 128 : i32
        %mul3A_120 = arith.muli %add3A_116, %mul3A_119 : i32
        %add3A_121 = arith.addi %mul3A_118, %mul3A_120 : i32
        %dma_start3A_122 = arith.constant 0 : i32
        %dma_start3A_123 = arith.constant 0 : i32
        %dma_start3A_124 = tpu.memref_slice %arg4[%dma_start3A_122, %dma_start3A_123] : memref<136x64xf32, #tpu.memory_space<vmem>> -> memref<128x64xf32, #tpu.memory_space<vmem>>
        %dma_start3A_125 = tpu.memref_reshape %arg2 : memref<1024x1024x64xf32, #tpu.memory_space<hbm>> -> memref<1048576x64xf32, #tpu.memory_space<hbm>>
        %dma_start3A_126 = arith.constant 0 : i32
        %dma_start3A_127 = tpu.memref_slice %dma_start3A_125[%add3A_121, %dma_start3A_126] : memref<1048576x64xf32, #tpu.memory_space<hbm>> -> memref<128x64xf32, #tpu.memory_space<hbm>>
        %dma_start3A_128 = arith.constant 0 : i32
        %dma_start3A_129 = arith.constant 0 : i32
        %dma_start3A_130 = tpu.memref_slice %arg4[%dma_start3A_128, %dma_start3A_129] : memref<136x64xf32, #tpu.memory_space<vmem>> -> memref<128x64xf32, #tpu.memory_space<vmem>>
        %dma_start3A_131 = tpu.memref_reshape %arg2 : memref<1024x1024x64xf32, #tpu.memory_space<hbm>> -> memref<1048576x64xf32, #tpu.memory_space<hbm>>
        %dma_start3A_132 = arith.constant 0 : i32
        %dma_start3A_133 = tpu.memref_slice %dma_start3A_131[%add3A_121, %dma_start3A_132] : memref<1048576x64xf32, #tpu.memory_space<hbm>> -> memref<128x64xf32, #tpu.memory_space<hbm>>
        tpu.enqueue_dma source(%dma_start3A_133 : memref<128x64xf32, #tpu.memory_space<hbm>>) target(%dma_start3A_130 : memref<128x64xf32, #tpu.memory_space<vmem>>) target_semaphore(%arg6 : memref<!tpu.dma_semaphore, #tpu.memory_space<semaphore_mem>>)
        %add3A_134 = arith.constant 128 : i32
        %add3A_135 = arith.addi %add3A_121, %add3A_134 : i32
        %lt3A_136 = arith.constant 1048576 : i32
        %lt3A_137 = arith.cmpi slt, %add3A_135, %lt3A_136 : i32
        %convert_element_type3A_138 = arith.extui %lt3A_137 : i1 to i32
        %cond3A_139 = arith.constant 0 : i32
        %cond3A_140 = arith.cmpi ne, %convert_element_type3A_138, %cond3A_139 : i32
        scf.if %cond3A_140 {
          %add3A_141 = arith.constant 128 : i32
          %add3A_142 = arith.addi %add3A_121, %add3A_141 : i32
          %dma_start3A_143 = arith.constant 128 : i32
          %dma_start3A_144 = arith.constant 0 : i32
          %dma_start3A_145 = tpu.memref_slice %arg4[%dma_start3A_143, %dma_start3A_144] : memref<136x64xf32, #tpu.memory_space<vmem>> -> memref<8x64xf32, #tpu.memory_space<vmem>>
          %dma_start3A_146 = tpu.memref_reshape %arg2 : memref<1024x1024x64xf32, #tpu.memory_space<hbm>> -> memref<1048576x64xf32, #tpu.memory_space<hbm>>
          %dma_start3A_147 = arith.constant 0 : i32
          %dma_start3A_148 = tpu.memref_slice %dma_start3A_146[%add3A_142, %dma_start3A_147] : memref<1048576x64xf32, #tpu.memory_space<hbm>> -> memref<8x64xf32, #tpu.memory_space<hbm>>
          %dma_start3A_149 = arith.constant 128 : i32
          %dma_start3A_150 = arith.constant 0 : i32
          %dma_start3A_151 = tpu.memref_slice %arg4[%dma_start3A_149, %dma_start3A_150] : memref<136x64xf32, #tpu.memory_space<vmem>> -> memref<8x64xf32, #tpu.memory_space<vmem>>
          %dma_start3A_152 = tpu.memref_reshape %arg2 : memref<1024x1024x64xf32, #tpu.memory_space<hbm>> -> memref<1048576x64xf32, #tpu.memory_space<hbm>>
          %dma_start3A_153 = arith.constant 0 : i32
          %dma_start3A_154 = tpu.memref_slice %dma_start3A_152[%add3A_142, %dma_start3A_153] : memref<1048576x64xf32, #tpu.memory_space<hbm>> -> memref<8x64xf32, #tpu.memory_space<hbm>>
          tpu.enqueue_dma source(%dma_start3A_154 : memref<8x64xf32, #tpu.memory_space<hbm>>) target(%dma_start3A_151 : memref<8x64xf32, #tpu.memory_space<vmem>>) target_semaphore(%arg6 : memref<!tpu.dma_semaphore, #tpu.memory_space<semaphore_mem>>)
        } else {
        }
      } else {
      }
      %add3A_86 = arith.constant 1 : i32
      %add3A_87 = arith.addi %mul3A_27, %add3A_86 : i32
      %mul3A_88 = arith.constant 32768 : i32
      %mul3A_89 = arith.muli %add3A, %mul3A_88 : i32
      %mul3A_90 = arith.constant 128 : i32
      %mul3A_91 = arith.muli %add3A_87, %mul3A_90 : i32
      %add3A_92 = arith.addi %mul3A_89, %mul3A_91 : i32
      %dma_wait3A_93 = arith.constant 0 : i32
      %dma_wait3A_94 = arith.constant 0 : i32
      %dma_wait3A_95 = tpu.memref_slice %arg7[%dma_wait3A_93, %dma_wait3A_94] : memref<136x64xf32, #tpu.memory_space<vmem>> -> memref<128x64xf32, #tpu.memory_space<vmem>>
      %dma_wait3A_96 = tpu.memref_reshape %arg2 : memref<1024x1024x64xf32, #tpu.memory_space<hbm>> -> memref<1048576x64xf32, #tpu.memory_space<hbm>>
      %dma_wait3A_97 = arith.constant 0 : i32
      %dma_wait3A_98 = tpu.memref_slice %dma_wait3A_96[%add3A_92, %dma_wait3A_97] : memref<1048576x64xf32, #tpu.memory_space<hbm>> -> memref<128x64xf32, #tpu.memory_space<hbm>>
      %dma_wait3A_99 = arith.constant 0 : i32
      %dma_wait3A_100 = arith.constant 0 : i32
      %dma_wait3A_101 = tpu.memref_slice %arg7[%dma_wait3A_99, %dma_wait3A_100] : memref<136x64xf32, #tpu.memory_space<vmem>> -> memref<128x64xf32, #tpu.memory_space<vmem>>
      %dma_wait3A_102 = tpu.memref_reshape %arg2 : memref<1024x1024x64xf32, #tpu.memory_space<hbm>> -> memref<1048576x64xf32, #tpu.memory_space<hbm>>
      %dma_wait3A_103 = arith.constant 0 : i32
      %dma_wait3A_104 = tpu.memref_slice %dma_wait3A_102[%add3A_92, %dma_wait3A_103] : memref<1048576x64xf32, #tpu.memory_space<hbm>> -> memref<128x64xf32, #tpu.memory_space<hbm>>
      tpu.wait_dma2 semaphore(%arg9 : memref<!tpu.dma_semaphore, #tpu.memory_space<semaphore_mem>>) src(%dma_wait3A_104 : memref<128x64xf32, #tpu.memory_space<hbm>>) dst(%dma_wait3A_101 : memref<128x64xf32, #tpu.memory_space<vmem>>)
      %add3A_105 = arith.constant 128 : i32
      %add3A_106 = arith.addi %add3A_92, %add3A_105 : i32
      %lt3A_107 = arith.constant 1048576 : i32
      %lt3A_108 = arith.cmpi slt, %add3A_106, %lt3A_107 : i32
      %convert_element_type3A_109 = arith.extui %lt3A_108 : i1 to i32
      %cond3A_110 = arith.constant 0 : i32
      %cond3A_111 = arith.cmpi ne, %convert_element_type3A_109, %cond3A_110 : i32
      scf.if %cond3A_111 {
        %add3A_115 = arith.constant 128 : i32
        %add3A_116 = arith.addi %add3A_92, %add3A_115 : i32
        %dma_wait3A_117 = arith.constant 128 : i32
        %dma_wait3A_118 = arith.constant 0 : i32
        %dma_wait3A_119 = tpu.memref_slice %arg7[%dma_wait3A_117, %dma_wait3A_118] : memref<136x64xf32, #tpu.memory_space<vmem>> -> memref<8x64xf32, #tpu.memory_space<vmem>>
        %dma_wait3A_120 = tpu.memref_reshape %arg2 : memref<1024x1024x64xf32, #tpu.memory_space<hbm>> -> memref<1048576x64xf32, #tpu.memory_space<hbm>>
        %dma_wait3A_121 = arith.constant 0 : i32
        %dma_wait3A_122 = tpu.memref_slice %dma_wait3A_120[%add3A_116, %dma_wait3A_121] : memref<1048576x64xf32, #tpu.memory_space<hbm>> -> memref<8x64xf32, #tpu.memory_space<hbm>>
        %dma_wait3A_123 = arith.constant 128 : i32
        %dma_wait3A_124 = arith.constant 0 : i32
        %dma_wait3A_125 = tpu.memref_slice %arg7[%dma_wait3A_123, %dma_wait3A_124] : memref<136x64xf32, #tpu.memory_space<vmem>> -> memref<8x64xf32, #tpu.memory_space<vmem>>
        %dma_wait3A_126 = tpu.memref_reshape %arg2 : memref<1024x1024x64xf32, #tpu.memory_space<hbm>> -> memref<1048576x64xf32, #tpu.memory_space<hbm>>
        %dma_wait3A_127 = arith.constant 0 : i32
        %dma_wait3A_128 = tpu.memref_slice %dma_wait3A_126[%add3A_116, %dma_wait3A_127] : memref<1048576x64xf32, #tpu.memory_space<hbm>> -> memref<8x64xf32, #tpu.memory_space<hbm>>
        tpu.wait_dma2 semaphore(%arg9 : memref<!tpu.dma_semaphore, #tpu.memory_space<semaphore_mem>>) src(%dma_wait3A_128 : memref<8x64xf32, #tpu.memory_space<hbm>>) dst(%dma_wait3A_125 : memref<8x64xf32, #tpu.memory_space<vmem>>)
      } else {
      }
      %parallel_loop3A_112 = arith.constant 0 : i32
      %parallel_loop3A_113 = arith.constant 128 : i32
      %parallel_loop3A_114 = arith.constant 1 : i32
      scf.for %parallel_loop3A_115 = %parallel_loop3A_112 to %parallel_loop3A_113 step %parallel_loop3A_114  : i32 {
        %parallel_loop3A_116 = arith.index_cast %parallel_loop3A_115 : i32 to index
        %parallel_loop3A_117 = arith.constant 0 : index
        %parallel_loop3A_118 = tpu.vector_load %arg7[%parallel_loop3A_116, %parallel_loop3A_117] {strides = array<i32>} : memref<136x64xf32, #tpu.memory_space<vmem>>, vector<16xf32>,
        %parallel_loop3A_119 = arith.index_cast %parallel_loop3A_115 : i32 to index
        %parallel_loop3A_120 = arith.constant 0 : index
        %parallel_loop3A_121 = tpu.vector_load %arg8[%parallel_loop3A_119, %parallel_loop3A_120] {strides = array<i32>} : memref<128x128xf32, #tpu.memory_space<vmem>>, vector<16xf32>,
        tpu.vector_store %arg8[%parallel_loop3A_119, %parallel_loop3A_120], %parallel_loop3A_118 {strides = array<i32>} : memref<128x128xf32, #tpu.memory_space<vmem>>, vector<16xf32>,
        %parallel_loop3A_122 = arith.index_cast %parallel_loop3A_115 : i32 to index
        %parallel_loop3A_123 = arith.constant 16 : index
        %parallel_loop3A_124 = tpu.vector_load %arg7[%parallel_loop3A_122, %parallel_loop3A_123] {strides = array<i32>} : memref<136x64xf32, #tpu.memory_space<vmem>>, vector<16xf32>,
        %parallel_loop3A_125 = arith.index_cast %parallel_loop3A_115 : i32 to index
        %parallel_loop3A_126 = arith.constant 16 : index
        %parallel_loop3A_127 = tpu.vector_load %arg8[%parallel_loop3A_125, %parallel_loop3A_126] {strides = array<i32>} : memref<128x128xf32, #tpu.memory_space<vmem>>, vector<16xf32>,
        tpu.vector_store %arg8[%parallel_loop3A_125, %parallel_loop3A_126], %parallel_loop3A_124 {strides = array<i32>} : memref<128x128xf32, #tpu.memory_space<vmem>>, vector<16xf32>,
        %parallel_loop3A_128 = arith.index_cast %parallel_loop3A_115 : i32 to index
        %parallel_loop3A_129 = arith.constant 32 : index
        %parallel_loop3A_130 = tpu.vector_load %arg7[%parallel_loop3A_128, %parallel_loop3A_129] {strides = array<i32>} : memref<136x64xf32, #tpu.memory_space<vmem>>, vector<16xf32>,
        %parallel_loop3A_131 = arith.index_cast %parallel_loop3A_115 : i32 to index
        %parallel_loop3A_132 = arith.constant 32 : index
        %parallel_loop3A_133 = tpu.vector_load %arg8[%parallel_loop3A_131, %parallel_loop3A_132] {strides = array<i32>} : memref<128x128xf32, #tpu.memory_space<vmem>>, vector<16xf32>,
        tpu.vector_store %arg8[%parallel_loop3A_131, %parallel_loop3A_132], %parallel_loop3A_130 {strides = array<i32>} : memref<128x128xf32, #tpu.memory_space<vmem>>, vector<16xf32>,
        %parallel_loop3A_134 = arith.index_cast %parallel_loop3A_115 : i32 to index
        %parallel_loop3A_135 = arith.constant 48 : index
        %parallel_loop3A_136 = tpu.vector_load %arg7[%parallel_loop3A_134, %parallel_loop3A_135] {strides = array<i32>} : memref<136x64xf32, #tpu.memory_space<vmem>>, vector<16xf32>,
        %parallel_loop3A_137 = arith.index_cast %parallel_loop3A_115 : i32 to index
        %parallel_loop3A_138 = arith.constant 48 : index
        %parallel_loop3A_139 = tpu.vector_load %arg8[%parallel_loop3A_137, %parallel_loop3A_138] {strides = array<i32>} : memref<128x128xf32, #tpu.memory_space<vmem>>, vector<16xf32>,
        tpu.vector_store %arg8[%parallel_loop3A_137, %parallel_loop3A_138], %parallel_loop3A_136 {strides = array<i32>} : memref<128x128xf32, #tpu.memory_space<vmem>>, vector<16xf32>,
        %parallel_loop3A_140 = arith.constant 1 : i32
        %parallel_loop3A_141 = arith.addi %parallel_loop3A_115, %parallel_loop3A_140 : i32
        %parallel_loop3A_142 = arith.index_cast %parallel_loop3A_141 : i32 to index
        %parallel_loop3A_143 = arith.constant 0 : index
        %parallel_loop3A_144 = tpu.vector_load %arg7[%parallel_loop3A_142, %parallel_loop3A_143] {strides = array<i32>} : memref<136x64xf32, #tpu.memory_space<vmem>>, vector<16xf32>,
        %parallel_loop3A_145 = arith.index_cast %parallel_loop3A_115 : i32 to index
        %parallel_loop3A_146 = arith.constant 64 : index
        %parallel_loop3A_147 = tpu.vector_load %arg8[%parallel_loop3A_145, %parallel_loop3A_146] {strides = array<i32>} : memref<128x128xf32, #tpu.memory_space<vmem>>, vector<16xf32>,
        tpu.vector_store %arg8[%parallel_loop3A_145, %parallel_loop3A_146], %parallel_loop3A_144 {strides = array<i32>} : memref<128x128xf32, #tpu.memory_space<vmem>>, vector<16xf32>,
        %parallel_loop3A_148 = arith.constant 1 : i32
        %parallel_loop3A_149 = arith.addi %parallel_loop3A_115, %parallel_loop3A_148 : i32
        %parallel_loop3A_150 = arith.index_cast %parallel_loop3A_149 : i32 to index
        %parallel_loop3A_151 = arith.constant 16 : index
        %parallel_loop3A_152 = tpu.vector_load %arg7[%parallel_loop3A_150, %parallel_loop3A_151] {strides = array<i32>} : memref<136x64xf32, #tpu.memory_space<vmem>>, vector<16xf32>,
        %parallel_loop3A_153 = arith.index_cast %parallel_loop3A_115 : i32 to index
        %parallel_loop3A_154 = arith.constant 80 : index
        %parallel_loop3A_155 = tpu.vector_load %arg8[%parallel_loop3A_153, %parallel_loop3A_154] {strides = array<i32>} : memref<128x128xf32, #tpu.memory_space<vmem>>, vector<16xf32>,
        tpu.vector_store %arg8[%parallel_loop3A_153, %parallel_loop3A_154], %parallel_loop3A_152 {strides = array<i32>} : memref<128x128xf32, #tpu.memory_space<vmem>>, vector<16xf32>,
        %parallel_loop3A_156 = arith.constant 1 : i32
        %parallel_loop3A_157 = arith.addi %parallel_loop3A_115, %parallel_loop3A_156 : i32
        %parallel_loop3A_158 = arith.index_cast %parallel_loop3A_157 : i32 to index
        %parallel_loop3A_159 = arith.constant 32 : index
        %parallel_loop3A_160 = tpu.vector_load %arg7[%parallel_loop3A_158, %parallel_loop3A_159] {strides = array<i32>} : memref<136x64xf32, #tpu.memory_space<vmem>>, vector<16xf32>,
        %parallel_loop3A_161 = arith.index_cast %parallel_loop3A_115 : i32 to index
        %parallel_loop3A_162 = arith.constant 96 : index
        %parallel_loop3A_163 = tpu.vector_load %arg8[%parallel_loop3A_161, %parallel_loop3A_162] {strides = array<i32>} : memref<128x128xf32, #tpu.memory_space<vmem>>, vector<16xf32>,
        tpu.vector_store %arg8[%parallel_loop3A_161, %parallel_loop3A_162], %parallel_loop3A_160 {strides = array<i32>} : memref<128x128xf32, #tpu.memory_space<vmem>>, vector<16xf32>,
        %parallel_loop3A_164 = arith.constant 1 : i32
        %parallel_loop3A_165 = arith.addi %parallel_loop3A_115, %parallel_loop3A_164 : i32
        %parallel_loop3A_166 = arith.index_cast %parallel_loop3A_165 : i32 to index
        %parallel_loop3A_167 = arith.constant 48 : index
        %parallel_loop3A_168 = tpu.vector_load %arg7[%parallel_loop3A_166, %parallel_loop3A_167] {strides = array<i32>} : memref<136x64xf32, #tpu.memory_space<vmem>>, vector<16xf32>,
        %parallel_loop3A_169 = arith.index_cast %parallel_loop3A_115 : i32 to index
        %parallel_loop3A_170 = arith.constant 112 : index
        %parallel_loop3A_171 = tpu.vector_load %arg8[%parallel_loop3A_169, %parallel_loop3A_170] {strides = array<i32>} : memref<128x128xf32, #tpu.memory_space<vmem>>, vector<16xf32>,
        tpu.vector_store %arg8[%parallel_loop3A_169, %parallel_loop3A_170], %parallel_loop3A_168 {strides = array<i32>} : memref<128x128xf32, #tpu.memory_space<vmem>>, vector<16xf32>,
      } {sc.loop_unroll_factor = 2 : i64, sc.parallel_access}
      "tpu.region"() ({
        %run_scoped3A = tpu.sem_alloc : memref<!tpu.dma_semaphore, #tpu.memory_space<semaphore_mem>>
        %dma_start3A_115 = arith.constant 0 : i32
        %dma_start3A_116 = tpu.memref_slice %arg3[%add3A_92, %dma_start3A_115] : memref<1048576x128xf32, #tpu.memory_space<hbm>> -> memref<128x128xf32, #tpu.memory_space<hbm>>
        %dma_start3A_117 = arith.constant 0 : i32
        %dma_start3A_118 = tpu.memref_slice %arg3[%add3A_92, %dma_start3A_117] : memref<1048576x128xf32, #tpu.memory_space<hbm>> -> memref<128x128xf32, #tpu.memory_space<hbm>>
        tpu.enqueue_dma source(%arg8 : memref<128x128xf32, #tpu.memory_space<vmem>>) target(%dma_start3A_118 : memref<128x128xf32, #tpu.memory_space<hbm>>) target_semaphore(%run_scoped3A : memref<!tpu.dma_semaphore, #tpu.memory_space<semaphore_mem>>)
        %dma_wait3A_119 = arith.constant 0 : i32
        %dma_wait3A_120 = tpu.memref_slice %arg3[%add3A_92, %dma_wait3A_119] : memref<1048576x128xf32, #tpu.memory_space<hbm>> -> memref<128x128xf32, #tpu.memory_space<hbm>>
        %dma_wait3A_121 = arith.constant 0 : i32
        %dma_wait3A_122 = tpu.memref_slice %arg3[%add3A_92, %dma_wait3A_121] : memref<1048576x128xf32, #tpu.memory_space<hbm>> -> memref<128x128xf32, #tpu.memory_space<hbm>>
        tpu.wait_dma2 semaphore(%run_scoped3A : memref<!tpu.dma_semaphore, #tpu.memory_space<semaphore_mem>>) src(%arg8 : memref<128x128xf32, #tpu.memory_space<vmem>>) dst(%dma_wait3A_122 : memref<128x128xf32, #tpu.memory_space<hbm>>)
        tpu.yield
      }) : () -> ()
    }
    %scan3A_24 = arith.constant 128 : i32
    return
  }
}

#map = affine_map<(d0, d1) -> (0, 0)>
module attributes {stable_mosaic.version = 14 : i64} {
  func.func @_bilerp_sc(%arg0: i32, %arg1: i32, %arg2: memref<2x524288xf32, #tpu.memory_space<hbm>>, %arg3: memref<1048576x128xf32, #tpu.memory_space<hbm>>, %arg4: memref<64x524288xf32, #tpu.memory_space<hbm>>, %arg5: memref<128xf32, #tpu.memory_space<vmem>>, %arg6: memref<128xf32, #tpu.memory_space<vmem>>, %arg7: memref<256xi32, #tpu.memory_space<vmem>>, %arg8: memref<256xf32, #tpu.memory_space<vmem>>, %arg9: memref<2x128x128xf32, #tpu.memory_space<vmem>>, %arg10: memref<!tpu.dma_semaphore, #tpu.memory_space<semaphore_mem>>, %arg11: memref<128xf32, #tpu.memory_space<vmem>>, %arg12: memref<128xf32, #tpu.memory_space<vmem>>, %arg13: memref<256xi32, #tpu.memory_space<vmem>>, %arg14: memref<256xf32, #tpu.memory_space<vmem>>, %arg15: memref<2x128x128xf32, #tpu.memory_space<vmem>>, %arg16: memref<!tpu.dma_semaphore, #tpu.memory_space<semaphore_mem>>, %arg17: memref<2x64x256xf32, #tpu.memory_space<vmem>>, %arg18: memref<!tpu.dma_semaphore, #tpu.memory_space<semaphore_mem>>, %arg19: memref<!tpu.dma_semaphore, #tpu.memory_space<semaphore_mem>>) attributes {dimension_semantics = [#tpu.dimension_semantics<core_parallel>, #tpu.dimension_semantics<subcore_parallel>], iteration_bounds = array<i64: 2, 16>, scalar_prefetch = 0 : i64, scratch_operands = 15 : i64, tpu.core_type = #tpu.core_type<sc_vector_subcore>, window_params = [{transform_indices = #map}, {transform_indices = #map}, {transform_indices = #map}]} {
    %mul3A = arith.constant 2 : i32
    %mul3A_0 = arith.muli %arg1, %mul3A : i32
    %add3A = arith.addi %mul3A_0, %arg0 : i32
    %mul3A_1 = arith.constant 16384 : i32
    %mul3A_2 = arith.muli %add3A, %mul3A_1 : i32
    %add3A_3 = arith.constant 0 : i32
    %add3A_4 = arith.addi %mul3A_2, %add3A_3 : i32
    %run_scoped3A = arith.constant 0 : i32
    "tpu.region"() ({
      %run_scoped3A_253 = tpu.sem_alloc : memref<!tpu.dma_semaphore, #tpu.memory_space<semaphore_mem>>
      %dma_start3A_254 = tpu.memref_slice %arg2[%run_scoped3A, %add3A_4] : memref<2x524288xf32, #tpu.memory_space<hbm>> -> memref<1x128xf32, #tpu.memory_space<hbm>>
      %dma_start3A_255 = tpu.memref_squeeze %dma_start3A_254 : memref<1x128xf32, #tpu.memory_space<hbm>> -> memref<128xf32, #tpu.memory_space<hbm>>
      %dma_start3A_256 = tpu.memref_slice %arg2[%run_scoped3A, %add3A_4] : memref<2x524288xf32, #tpu.memory_space<hbm>> -> memref<1x128xf32, #tpu.memory_space<hbm>>
      %dma_start3A_257 = tpu.memref_squeeze %dma_start3A_256 : memref<1x128xf32, #tpu.memory_space<hbm>> -> memref<128xf32, #tpu.memory_space<hbm>>
      tpu.enqueue_dma source(%dma_start3A_257 : memref<128xf32, #tpu.memory_space<hbm>>) target(%arg5 : memref<128xf32, #tpu.memory_space<vmem>>) target_semaphore(%run_scoped3A_253 : memref<!tpu.dma_semaphore, #tpu.memory_space<semaphore_mem>>)
      %dma_wait3A_258 = tpu.memref_slice %arg2[%run_scoped3A, %add3A_4] : memref<2x524288xf32, #tpu.memory_space<hbm>> -> memref<1x128xf32, #tpu.memory_space<hbm>>
      %dma_wait3A_259 = tpu.memref_squeeze %dma_wait3A_258 : memref<1x128xf32, #tpu.memory_space<hbm>> -> memref<128xf32, #tpu.memory_space<hbm>>
      %dma_wait3A_260 = tpu.memref_slice %arg2[%run_scoped3A, %add3A_4] : memref<2x524288xf32, #tpu.memory_space<hbm>> -> memref<1x128xf32, #tpu.memory_space<hbm>>
      %dma_wait3A_261 = tpu.memref_squeeze %dma_wait3A_260 : memref<1x128xf32, #tpu.memory_space<hbm>> -> memref<128xf32, #tpu.memory_space<hbm>>
      tpu.wait_dma2 semaphore(%run_scoped3A_253 : memref<!tpu.dma_semaphore, #tpu.memory_space<semaphore_mem>>) src(%dma_wait3A_261 : memref<128xf32, #tpu.memory_space<hbm>>) dst(%arg5 : memref<128xf32, #tpu.memory_space<vmem>>)
      tpu.yield
    }) : () -> ()
    %run_scoped3A_5 = arith.constant 1 : i32
    "tpu.region"() ({
      %run_scoped3A_253 = tpu.sem_alloc : memref<!tpu.dma_semaphore, #tpu.memory_space<semaphore_mem>>
      %dma_start3A_254 = tpu.memref_slice %arg2[%run_scoped3A_5, %add3A_4] : memref<2x524288xf32, #tpu.memory_space<hbm>> -> memref<1x128xf32, #tpu.memory_space<hbm>>
      %dma_start3A_255 = tpu.memref_squeeze %dma_start3A_254 : memref<1x128xf32, #tpu.memory_space<hbm>> -> memref<128xf32, #tpu.memory_space<hbm>>
      %dma_start3A_256 = tpu.memref_slice %arg2[%run_scoped3A_5, %add3A_4] : memref<2x524288xf32, #tpu.memory_space<hbm>> -> memref<1x128xf32, #tpu.memory_space<hbm>>
      %dma_start3A_257 = tpu.memref_squeeze %dma_start3A_256 : memref<1x128xf32, #tpu.memory_space<hbm>> -> memref<128xf32, #tpu.memory_space<hbm>>
      tpu.enqueue_dma source(%dma_start3A_257 : memref<128xf32, #tpu.memory_space<hbm>>) target(%arg6 : memref<128xf32, #tpu.memory_space<vmem>>) target_semaphore(%run_scoped3A_253 : memref<!tpu.dma_semaphore, #tpu.memory_space<semaphore_mem>>)
      %dma_wait3A_258 = tpu.memref_slice %arg2[%run_scoped3A_5, %add3A_4] : memref<2x524288xf32, #tpu.memory_space<hbm>> -> memref<1x128xf32, #tpu.memory_space<hbm>>
      %dma_wait3A_259 = tpu.memref_squeeze %dma_wait3A_258 : memref<1x128xf32, #tpu.memory_space<hbm>> -> memref<128xf32, #tpu.memory_space<hbm>>
      %dma_wait3A_260 = tpu.memref_slice %arg2[%run_scoped3A_5, %add3A_4] : memref<2x524288xf32, #tpu.memory_space<hbm>> -> memref<1x128xf32, #tpu.memory_space<hbm>>
      %dma_wait3A_261 = tpu.memref_squeeze %dma_wait3A_260 : memref<1x128xf32, #tpu.memory_space<hbm>> -> memref<128xf32, #tpu.memory_space<hbm>>
      tpu.wait_dma2 semaphore(%run_scoped3A_253 : memref<!tpu.dma_semaphore, #tpu.memory_space<semaphore_mem>>) src(%dma_wait3A_261 : memref<128xf32, #tpu.memory_space<hbm>>) dst(%arg6 : memref<128xf32, #tpu.memory_space<vmem>>)
      tpu.yield
    }) : () -> ()
    %get3A = arith.constant 0 : index
    %get3A_6 = tpu.vector_load %arg5[%get3A] {strides = array<i32>} : memref<128xf32, #tpu.memory_space<vmem>>, vector<16xf32>,
    %get3A_7 = arith.constant 0 : index
    %get3A_8 = tpu.vector_load %arg6[%get3A_7] {strides = array<i32>} : memref<128xf32, #tpu.memory_space<vmem>>, vector<16xf32>,
    %convert_element_type3A = arith.fptosi %get3A_6 : vector<16xf32> to vector<16xi32>
    %convert_element_type3A_9 = arith.fptosi %get3A_8 : vector<16xf32> to vector<16xi32>
    %convert_element_type3A_10 = arith.sitofp %convert_element_type3A : vector<16xi32> to vector<16xf32>
    %sub3A = arith.subf %get3A_6, %convert_element_type3A_10 : vector<16xf32>
    %convert_element_type3A_11 = arith.sitofp %convert_element_type3A_9 : vector<16xi32> to vector<16xf32>
    %sub3A_12 = arith.subf %get3A_8, %convert_element_type3A_11 : vector<16xf32>
    %mul3A_13 = arith.constant 1024 : i32
    %mul3A_14 = vector.broadcast %mul3A_13 : i32 to vector<16xi32>
    %mul3A_15 = arith.muli %convert_element_type3A, %mul3A_14 : vector<16xi32>
    %add3A_16 = arith.addi %mul3A_15, %convert_element_type3A_9 : vector<16xi32>
    %swap3A = arith.constant 0 : index
    %swap3A_17 = tpu.vector_load %arg7[%swap3A] {strides = array<i32>} : memref<256xi32, #tpu.memory_space<vmem>>, vector<16xi32>,
    tpu.vector_store %arg7[%swap3A], %add3A_16 {strides = array<i32>} : memref<256xi32, #tpu.memory_space<vmem>>, vector<16xi32>,
    %add3A_18 = arith.constant 1024 : i32
    %add3A_19 = vector.broadcast %add3A_18 : i32 to vector<16xi32>
    %add3A_20 = arith.addi %add3A_16, %add3A_19 : vector<16xi32>
    %swap3A_21 = arith.constant 128 : index
    %swap3A_22 = tpu.vector_load %arg7[%swap3A_21] {strides = array<i32>} : memref<256xi32, #tpu.memory_space<vmem>>, vector<16xi32>,
    tpu.vector_store %arg7[%swap3A_21], %add3A_20 {strides = array<i32>} : memref<256xi32, #tpu.memory_space<vmem>>, vector<16xi32>,
    %swap3A_23 = arith.constant 0 : index
    %swap3A_24 = tpu.vector_load %arg8[%swap3A_23] {strides = array<i32>} : memref<256xf32, #tpu.memory_space<vmem>>, vector<16xf32>,
    tpu.vector_store %arg8[%swap3A_23], %sub3A {strides = array<i32>} : memref<256xf32, #tpu.memory_space<vmem>>, vector<16xf32>,
    %swap3A_25 = arith.constant 128 : index
    %swap3A_26 = tpu.vector_load %arg8[%swap3A_25] {strides = array<i32>} : memref<256xf32, #tpu.memory_space<vmem>>, vector<16xf32>,
    tpu.vector_store %arg8[%swap3A_25], %sub3A_12 {strides = array<i32>} : memref<256xf32, #tpu.memory_space<vmem>>, vector<16xf32>,
    %get3A_27 = arith.constant 16 : index
    %get3A_28 = tpu.vector_load %arg5[%get3A_27] {strides = array<i32>} : memref<128xf32, #tpu.memory_space<vmem>>, vector<16xf32>,
    %get3A_29 = arith.constant 16 : index
    %get3A_30 = tpu.vector_load %arg6[%get3A_29] {strides = array<i32>} : memref<128xf32, #tpu.memory_space<vmem>>, vector<16xf32>,
    %convert_element_type3A_31 = arith.fptosi %get3A_28 : vector<16xf32> to vector<16xi32>
    %convert_element_type3A_32 = arith.fptosi %get3A_30 : vector<16xf32> to vector<16xi32>
    %convert_element_type3A_33 = arith.sitofp %convert_element_type3A_31 : vector<16xi32> to vector<16xf32>
    %sub3A_34 = arith.subf %get3A_28, %convert_element_type3A_33 : vector<16xf32>
    %convert_element_type3A_35 = arith.sitofp %convert_element_type3A_32 : vector<16xi32> to vector<16xf32>
    %sub3A_36 = arith.subf %get3A_30, %convert_element_type3A_35 : vector<16xf32>
    %mul3A_37 = arith.constant 1024 : i32
    %mul3A_38 = vector.broadcast %mul3A_37 : i32 to vector<16xi32>
    %mul3A_39 = arith.muli %convert_element_type3A_31, %mul3A_38 : vector<16xi32>
    %add3A_40 = arith.addi %mul3A_39, %convert_element_type3A_32 : vector<16xi32>
    %swap3A_41 = arith.constant 16 : index
    %swap3A_42 = tpu.vector_load %arg7[%swap3A_41] {strides = array<i32>} : memref<256xi32, #tpu.memory_space<vmem>>, vector<16xi32>,
    tpu.vector_store %arg7[%swap3A_41], %add3A_40 {strides = array<i32>} : memref<256xi32, #tpu.memory_space<vmem>>, vector<16xi32>,
    %add3A_43 = arith.constant 1024 : i32
    %add3A_44 = vector.broadcast %add3A_43 : i32 to vector<16xi32>
    %add3A_45 = arith.addi %add3A_40, %add3A_44 : vector<16xi32>
    %swap3A_46 = arith.constant 144 : index
    %swap3A_47 = tpu.vector_load %arg7[%swap3A_46] {strides = array<i32>} : memref<256xi32, #tpu.memory_space<vmem>>, vector<16xi32>,
    tpu.vector_store %arg7[%swap3A_46], %add3A_45 {strides = array<i32>} : memref<256xi32, #tpu.memory_space<vmem>>, vector<16xi32>,
    %swap3A_48 = arith.constant 16 : index
    %swap3A_49 = tpu.vector_load %arg8[%swap3A_48] {strides = array<i32>} : memref<256xf32, #tpu.memory_space<vmem>>, vector<16xf32>,
    tpu.vector_store %arg8[%swap3A_48], %sub3A_34 {strides = array<i32>} : memref<256xf32, #tpu.memory_space<vmem>>, vector<16xf32>,
    %swap3A_50 = arith.constant 144 : index
    %swap3A_51 = tpu.vector_load %arg8[%swap3A_50] {strides = array<i32>} : memref<256xf32, #tpu.memory_space<vmem>>, vector<16xf32>,
    tpu.vector_store %arg8[%swap3A_50], %sub3A_36 {strides = array<i32>} : memref<256xf32, #tpu.memory_space<vmem>>, vector<16xf32>,
    %get3A_52 = arith.constant 32 : index
    %get3A_53 = tpu.vector_load %arg5[%get3A_52] {strides = array<i32>} : memref<128xf32, #tpu.memory_space<vmem>>, vector<16xf32>,
    %get3A_54 = arith.constant 32 : index
    %get3A_55 = tpu.vector_load %arg6[%get3A_54] {strides = array<i32>} : memref<128xf32, #tpu.memory_space<vmem>>, vector<16xf32>,
    %convert_element_type3A_56 = arith.fptosi %get3A_53 : vector<16xf32> to vector<16xi32>
    %convert_element_type3A_57 = arith.fptosi %get3A_55 : vector<16xf32> to vector<16xi32>
    %convert_element_type3A_58 = arith.sitofp %convert_element_type3A_56 : vector<16xi32> to vector<16xf32>
    %sub3A_59 = arith.subf %get3A_53, %convert_element_type3A_58 : vector<16xf32>
    %convert_element_type3A_60 = arith.sitofp %convert_element_type3A_57 : vector<16xi32> to vector<16xf32>
    %sub3A_61 = arith.subf %get3A_55, %convert_element_type3A_60 : vector<16xf32>
    %mul3A_62 = arith.constant 1024 : i32
    %mul3A_63 = vector.broadcast %mul3A_62 : i32 to vector<16xi32>
    %mul3A_64 = arith.muli %convert_element_type3A_56, %mul3A_63 : vector<16xi32>
    %add3A_65 = arith.addi %mul3A_64, %convert_element_type3A_57 : vector<16xi32>
    %swap3A_66 = arith.constant 32 : index
    %swap3A_67 = tpu.vector_load %arg7[%swap3A_66] {strides = array<i32>} : memref<256xi32, #tpu.memory_space<vmem>>, vector<16xi32>,
    tpu.vector_store %arg7[%swap3A_66], %add3A_65 {strides = array<i32>} : memref<256xi32, #tpu.memory_space<vmem>>, vector<16xi32>,
    %add3A_68 = arith.constant 1024 : i32
    %add3A_69 = vector.broadcast %add3A_68 : i32 to vector<16xi32>
    %add3A_70 = arith.addi %add3A_65, %add3A_69 : vector<16xi32>
    %swap3A_71 = arith.constant 160 : index
    %swap3A_72 = tpu.vector_load %arg7[%swap3A_71] {strides = array<i32>} : memref<256xi32, #tpu.memory_space<vmem>>, vector<16xi32>,
    tpu.vector_store %arg7[%swap3A_71], %add3A_70 {strides = array<i32>} : memref<256xi32, #tpu.memory_space<vmem>>, vector<16xi32>,
    %swap3A_73 = arith.constant 32 : index
    %swap3A_74 = tpu.vector_load %arg8[%swap3A_73] {strides = array<i32>} : memref<256xf32, #tpu.memory_space<vmem>>, vector<16xf32>,
    tpu.vector_store %arg8[%swap3A_73], %sub3A_59 {strides = array<i32>} : memref<256xf32, #tpu.memory_space<vmem>>, vector<16xf32>,
    %swap3A_75 = arith.constant 160 : index
    %swap3A_76 = tpu.vector_load %arg8[%swap3A_75] {strides = array<i32>} : memref<256xf32, #tpu.memory_space<vmem>>, vector<16xf32>,
    tpu.vector_store %arg8[%swap3A_75], %sub3A_61 {strides = array<i32>} : memref<256xf32, #tpu.memory_space<vmem>>, vector<16xf32>,
    %get3A_77 = arith.constant 48 : index
    %get3A_78 = tpu.vector_load %arg5[%get3A_77] {strides = array<i32>} : memref<128xf32, #tpu.memory_space<vmem>>, vector<16xf32>,
    %get3A_79 = arith.constant 48 : index
    %get3A_80 = tpu.vector_load %arg6[%get3A_79] {strides = array<i32>} : memref<128xf32, #tpu.memory_space<vmem>>, vector<16xf32>,
    %convert_element_type3A_81 = arith.fptosi %get3A_78 : vector<16xf32> to vector<16xi32>
    %convert_element_type3A_82 = arith.fptosi %get3A_80 : vector<16xf32> to vector<16xi32>
    %convert_element_type3A_83 = arith.sitofp %convert_element_type3A_81 : vector<16xi32> to vector<16xf32>
    %sub3A_84 = arith.subf %get3A_78, %convert_element_type3A_83 : vector<16xf32>
    %convert_element_type3A_85 = arith.sitofp %convert_element_type3A_82 : vector<16xi32> to vector<16xf32>
    %sub3A_86 = arith.subf %get3A_80, %convert_element_type3A_85 : vector<16xf32>
    %mul3A_87 = arith.constant 1024 : i32
    %mul3A_88 = vector.broadcast %mul3A_87 : i32 to vector<16xi32>
    %mul3A_89 = arith.muli %convert_element_type3A_81, %mul3A_88 : vector<16xi32>
    %add3A_90 = arith.addi %mul3A_89, %convert_element_type3A_82 : vector<16xi32>
    %swap3A_91 = arith.constant 48 : index
    %swap3A_92 = tpu.vector_load %arg7[%swap3A_91] {strides = array<i32>} : memref<256xi32, #tpu.memory_space<vmem>>, vector<16xi32>,
    tpu.vector_store %arg7[%swap3A_91], %add3A_90 {strides = array<i32>} : memref<256xi32, #tpu.memory_space<vmem>>, vector<16xi32>,
    %add3A_93 = arith.constant 1024 : i32
    %add3A_94 = vector.broadcast %add3A_93 : i32 to vector<16xi32>
    %add3A_95 = arith.addi %add3A_90, %add3A_94 : vector<16xi32>
    %swap3A_96 = arith.constant 176 : index
    %swap3A_97 = tpu.vector_load %arg7[%swap3A_96] {strides = array<i32>} : memref<256xi32, #tpu.memory_space<vmem>>, vector<16xi32>,
    tpu.vector_store %arg7[%swap3A_96], %add3A_95 {strides = array<i32>} : memref<256xi32, #tpu.memory_space<vmem>>, vector<16xi32>,
    %swap3A_98 = arith.constant 48 : index
    %swap3A_99 = tpu.vector_load %arg8[%swap3A_98] {strides = array<i32>} : memref<256xf32, #tpu.memory_space<vmem>>, vector<16xf32>,
    tpu.vector_store %arg8[%swap3A_98], %sub3A_84 {strides = array<i32>} : memref<256xf32, #tpu.memory_space<vmem>>, vector<16xf32>,
    %swap3A_100 = arith.constant 176 : index
    %swap3A_101 = tpu.vector_load %arg8[%swap3A_100] {strides = array<i32>} : memref<256xf32, #tpu.memory_space<vmem>>, vector<16xf32>,
    tpu.vector_store %arg8[%swap3A_100], %sub3A_86 {strides = array<i32>} : memref<256xf32, #tpu.memory_space<vmem>>, vector<16xf32>,
    %get3A_102 = arith.constant 64 : index
    %get3A_103 = tpu.vector_load %arg5[%get3A_102] {strides = array<i32>} : memref<128xf32, #tpu.memory_space<vmem>>, vector<16xf32>,
    %get3A_104 = arith.constant 64 : index
    %get3A_105 = tpu.vector_load %arg6[%get3A_104] {strides = array<i32>} : memref<128xf32, #tpu.memory_space<vmem>>, vector<16xf32>,
    %convert_element_type3A_106 = arith.fptosi %get3A_103 : vector<16xf32> to vector<16xi32>
    %convert_element_type3A_107 = arith.fptosi %get3A_105 : vector<16xf32> to vector<16xi32>
    %convert_element_type3A_108 = arith.sitofp %convert_element_type3A_106 : vector<16xi32> to vector<16xf32>
    %sub3A_109 = arith.subf %get3A_103, %convert_element_type3A_108 : vector<16xf32>
    %convert_element_type3A_110 = arith.sitofp %convert_element_type3A_107 : vector<16xi32> to vector<16xf32>
    %sub3A_111 = arith.subf %get3A_105, %convert_element_type3A_110 : vector<16xf32>
    %mul3A_112 = arith.constant 1024 : i32
    %mul3A_113 = vector.broadcast %mul3A_112 : i32 to vector<16xi32>
    %mul3A_114 = arith.muli %convert_element_type3A_106, %mul3A_113 : vector<16xi32>
    %add3A_115 = arith.addi %mul3A_114, %convert_element_type3A_107 : vector<16xi32>
    %swap3A_116 = arith.constant 64 : index
    %swap3A_117 = tpu.vector_load %arg7[%swap3A_116] {strides = array<i32>} : memref<256xi32, #tpu.memory_space<vmem>>, vector<16xi32>,
    tpu.vector_store %arg7[%swap3A_116], %add3A_115 {strides = array<i32>} : memref<256xi32, #tpu.memory_space<vmem>>, vector<16xi32>,
    %add3A_118 = arith.constant 1024 : i32
    %add3A_119 = vector.broadcast %add3A_118 : i32 to vector<16xi32>
    %add3A_120 = arith.addi %add3A_115, %add3A_119 : vector<16xi32>
    %swap3A_121 = arith.constant 192 : index
    %swap3A_122 = tpu.vector_load %arg7[%swap3A_121] {strides = array<i32>} : memref<256xi32, #tpu.memory_space<vmem>>, vector<16xi32>,
    tpu.vector_store %arg7[%swap3A_121], %add3A_120 {strides = array<i32>} : memref<256xi32, #tpu.memory_space<vmem>>, vector<16xi32>,
    %swap3A_123 = arith.constant 64 : index
    %swap3A_124 = tpu.vector_load %arg8[%swap3A_123] {strides = array<i32>} : memref<256xf32, #tpu.memory_space<vmem>>, vector<16xf32>,
    tpu.vector_store %arg8[%swap3A_123], %sub3A_109 {strides = array<i32>} : memref<256xf32, #tpu.memory_space<vmem>>, vector<16xf32>,
    %swap3A_125 = arith.constant 192 : index
    %swap3A_126 = tpu.vector_load %arg8[%swap3A_125] {strides = array<i32>} : memref<256xf32, #tpu.memory_space<vmem>>, vector<16xf32>,
    tpu.vector_store %arg8[%swap3A_125], %sub3A_111 {strides = array<i32>} : memref<256xf32, #tpu.memory_space<vmem>>, vector<16xf32>,
    %get3A_127 = arith.constant 80 : index
    %get3A_128 = tpu.vector_load %arg5[%get3A_127] {strides = array<i32>} : memref<128xf32, #tpu.memory_space<vmem>>, vector<16xf32>,
    %get3A_129 = arith.constant 80 : index
    %get3A_130 = tpu.vector_load %arg6[%get3A_129] {strides = array<i32>} : memref<128xf32, #tpu.memory_space<vmem>>, vector<16xf32>,
    %convert_element_type3A_131 = arith.fptosi %get3A_128 : vector<16xf32> to vector<16xi32>
    %convert_element_type3A_132 = arith.fptosi %get3A_130 : vector<16xf32> to vector<16xi32>
    %convert_element_type3A_133 = arith.sitofp %convert_element_type3A_131 : vector<16xi32> to vector<16xf32>
    %sub3A_134 = arith.subf %get3A_128, %convert_element_type3A_133 : vector<16xf32>
    %convert_element_type3A_135 = arith.sitofp %convert_element_type3A_132 : vector<16xi32> to vector<16xf32>
    %sub3A_136 = arith.subf %get3A_130, %convert_element_type3A_135 : vector<16xf32>
    %mul3A_137 = arith.constant 1024 : i32
    %mul3A_138 = vector.broadcast %mul3A_137 : i32 to vector<16xi32>
    %mul3A_139 = arith.muli %convert_element_type3A_131, %mul3A_138 : vector<16xi32>
    %add3A_140 = arith.addi %mul3A_139, %convert_element_type3A_132 : vector<16xi32>
    %swap3A_141 = arith.constant 80 : index
    %swap3A_142 = tpu.vector_load %arg7[%swap3A_141] {strides = array<i32>} : memref<256xi32, #tpu.memory_space<vmem>>, vector<16xi32>,
    tpu.vector_store %arg7[%swap3A_141], %add3A_140 {strides = array<i32>} : memref<256xi32, #tpu.memory_space<vmem>>, vector<16xi32>,
    %add3A_143 = arith.constant 1024 : i32
    %add3A_144 = vector.broadcast %add3A_143 : i32 to vector<16xi32>
    %add3A_145 = arith.addi %add3A_140, %add3A_144 : vector<16xi32>
    %swap3A_146 = arith.constant 208 : index
    %swap3A_147 = tpu.vector_load %arg7[%swap3A_146] {strides = array<i32>} : memref<256xi32, #tpu.memory_space<vmem>>, vector<16xi32>,
    tpu.vector_store %arg7[%swap3A_146], %add3A_145 {strides = array<i32>} : memref<256xi32, #tpu.memory_space<vmem>>, vector<16xi32>,
    %swap3A_148 = arith.constant 80 : index
    %swap3A_149 = tpu.vector_load %arg8[%swap3A_148] {strides = array<i32>} : memref<256xf32, #tpu.memory_space<vmem>>, vector<16xf32>,
    tpu.vector_store %arg8[%swap3A_148], %sub3A_134 {strides = array<i32>} : memref<256xf32, #tpu.memory_space<vmem>>, vector<16xf32>,
    %swap3A_150 = arith.constant 208 : index
    %swap3A_151 = tpu.vector_load %arg8[%swap3A_150] {strides = array<i32>} : memref<256xf32, #tpu.memory_space<vmem>>, vector<16xf32>,
    tpu.vector_store %arg8[%swap3A_150], %sub3A_136 {strides = array<i32>} : memref<256xf32, #tpu.memory_space<vmem>>, vector<16xf32>,
    %get3A_152 = arith.constant 96 : index
    %get3A_153 = tpu.vector_load %arg5[%get3A_152] {strides = array<i32>} : memref<128xf32, #tpu.memory_space<vmem>>, vector<16xf32>,
    %get3A_154 = arith.constant 96 : index
    %get3A_155 = tpu.vector_load %arg6[%get3A_154] {strides = array<i32>} : memref<128xf32, #tpu.memory_space<vmem>>, vector<16xf32>,
    %convert_element_type3A_156 = arith.fptosi %get3A_153 : vector<16xf32> to vector<16xi32>
    %convert_element_type3A_157 = arith.fptosi %get3A_155 : vector<16xf32> to vector<16xi32>
    %convert_element_type3A_158 = arith.sitofp %convert_element_type3A_156 : vector<16xi32> to vector<16xf32>
    %sub3A_159 = arith.subf %get3A_153, %convert_element_type3A_158 : vector<16xf32>
    %convert_element_type3A_160 = arith.sitofp %convert_element_type3A_157 : vector<16xi32> to vector<16xf32>
    %sub3A_161 = arith.subf %get3A_155, %convert_element_type3A_160 : vector<16xf32>
    %mul3A_162 = arith.constant 1024 : i32
    %mul3A_163 = vector.broadcast %mul3A_162 : i32 to vector<16xi32>
    %mul3A_164 = arith.muli %convert_element_type3A_156, %mul3A_163 : vector<16xi32>
    %add3A_165 = arith.addi %mul3A_164, %convert_element_type3A_157 : vector<16xi32>
    %swap3A_166 = arith.constant 96 : index
    %swap3A_167 = tpu.vector_load %arg7[%swap3A_166] {strides = array<i32>} : memref<256xi32, #tpu.memory_space<vmem>>, vector<16xi32>,
    tpu.vector_store %arg7[%swap3A_166], %add3A_165 {strides = array<i32>} : memref<256xi32, #tpu.memory_space<vmem>>, vector<16xi32>,
    %add3A_168 = arith.constant 1024 : i32
    %add3A_169 = vector.broadcast %add3A_168 : i32 to vector<16xi32>
    %add3A_170 = arith.addi %add3A_165, %add3A_169 : vector<16xi32>
    %swap3A_171 = arith.constant 224 : index
    %swap3A_172 = tpu.vector_load %arg7[%swap3A_171] {strides = array<i32>} : memref<256xi32, #tpu.memory_space<vmem>>, vector<16xi32>,
    tpu.vector_store %arg7[%swap3A_171], %add3A_170 {strides = array<i32>} : memref<256xi32, #tpu.memory_space<vmem>>, vector<16xi32>,
    %swap3A_173 = arith.constant 96 : index
    %swap3A_174 = tpu.vector_load %arg8[%swap3A_173] {strides = array<i32>} : memref<256xf32, #tpu.memory_space<vmem>>, vector<16xf32>,
    tpu.vector_store %arg8[%swap3A_173], %sub3A_159 {strides = array<i32>} : memref<256xf32, #tpu.memory_space<vmem>>, vector<16xf32>,
    %swap3A_175 = arith.constant 224 : index
    %swap3A_176 = tpu.vector_load %arg8[%swap3A_175] {strides = array<i32>} : memref<256xf32, #tpu.memory_space<vmem>>, vector<16xf32>,
    tpu.vector_store %arg8[%swap3A_175], %sub3A_161 {strides = array<i32>} : memref<256xf32, #tpu.memory_space<vmem>>, vector<16xf32>,
    %get3A_177 = arith.constant 112 : index
    %get3A_178 = tpu.vector_load %arg5[%get3A_177] {strides = array<i32>} : memref<128xf32, #tpu.memory_space<vmem>>, vector<16xf32>,
    %get3A_179 = arith.constant 112 : index
    %get3A_180 = tpu.vector_load %arg6[%get3A_179] {strides = array<i32>} : memref<128xf32, #tpu.memory_space<vmem>>, vector<16xf32>,
    %convert_element_type3A_181 = arith.fptosi %get3A_178 : vector<16xf32> to vector<16xi32>
    %convert_element_type3A_182 = arith.fptosi %get3A_180 : vector<16xf32> to vector<16xi32>
    %convert_element_type3A_183 = arith.sitofp %convert_element_type3A_181 : vector<16xi32> to vector<16xf32>
    %sub3A_184 = arith.subf %get3A_178, %convert_element_type3A_183 : vector<16xf32>
    %convert_element_type3A_185 = arith.sitofp %convert_element_type3A_182 : vector<16xi32> to vector<16xf32>
    %sub3A_186 = arith.subf %get3A_180, %convert_element_type3A_185 : vector<16xf32>
    %mul3A_187 = arith.constant 1024 : i32
    %mul3A_188 = vector.broadcast %mul3A_187 : i32 to vector<16xi32>
    %mul3A_189 = arith.muli %convert_element_type3A_181, %mul3A_188 : vector<16xi32>
    %add3A_190 = arith.addi %mul3A_189, %convert_element_type3A_182 : vector<16xi32>
    %swap3A_191 = arith.constant 112 : index
    %swap3A_192 = tpu.vector_load %arg7[%swap3A_191] {strides = array<i32>} : memref<256xi32, #tpu.memory_space<vmem>>, vector<16xi32>,
    tpu.vector_store %arg7[%swap3A_191], %add3A_190 {strides = array<i32>} : memref<256xi32, #tpu.memory_space<vmem>>, vector<16xi32>,
    %add3A_193 = arith.constant 1024 : i32
    %add3A_194 = vector.broadcast %add3A_193 : i32 to vector<16xi32>
    %add3A_195 = arith.addi %add3A_190, %add3A_194 : vector<16xi32>
    %swap3A_196 = arith.constant 240 : index
    %swap3A_197 = tpu.vector_load %arg7[%swap3A_196] {strides = array<i32>} : memref<256xi32, #tpu.memory_space<vmem>>, vector<16xi32>,
    tpu.vector_store %arg7[%swap3A_196], %add3A_195 {strides = array<i32>} : memref<256xi32, #tpu.memory_space<vmem>>, vector<16xi32>,
    %swap3A_198 = arith.constant 112 : index
    %swap3A_199 = tpu.vector_load %arg8[%swap3A_198] {strides = array<i32>} : memref<256xf32, #tpu.memory_space<vmem>>, vector<16xf32>,
    tpu.vector_store %arg8[%swap3A_198], %sub3A_184 {strides = array<i32>} : memref<256xf32, #tpu.memory_space<vmem>>, vector<16xf32>,
    %swap3A_200 = arith.constant 240 : index
    %swap3A_201 = tpu.vector_load %arg8[%swap3A_200] {strides = array<i32>} : memref<256xf32, #tpu.memory_space<vmem>>, vector<16xf32>,
    tpu.vector_store %arg8[%swap3A_200], %sub3A_186 {strides = array<i32>} : memref<256xf32, #tpu.memory_space<vmem>>, vector<16xf32>,
    %dma_start3A = arith.constant 0 : i32
    %dma_start3A_202 = arith.constant 0 : i32
    %dma_start3A_203 = arith.constant 0 : i32
    %dma_start3A_204 = tpu.memref_slice %arg9[%dma_start3A, %dma_start3A_202, %dma_start3A_203] : memref<2x128x128xf32, #tpu.memory_space<vmem>> -> memref<1x128x128xf32, #tpu.memory_space<vmem>>
    %dma_start3A_205 = tpu.memref_squeeze %dma_start3A_204 : memref<1x128x128xf32, #tpu.memory_space<vmem>> -> memref<128x128xf32, #tpu.memory_space<vmem>>
    %dma_start3A_206 = arith.constant 0 : i32
    %dma_start3A_207 = tpu.memref_slice %arg7[%dma_start3A_206] : memref<256xi32, #tpu.memory_space<vmem>> -> memref<128xi32, #tpu.memory_space<vmem>>
    %dma_start3A_208 = arith.constant 0 : i32
    %dma_start3A_209 = arith.constant 0 : i32
    %dma_start3A_210 = tpu.memref_slice %arg3[%dma_start3A_208, %dma_start3A_209] : memref<1048576x128xf32, #tpu.memory_space<hbm>> -> memref<1048576x128xf32, #tpu.memory_space<hbm>>
    tpu.enqueue_indirect_dma source(%dma_start3A_210 : memref<1048576x128xf32, #tpu.memory_space<hbm>>) target(%dma_start3A_205 : memref<128x128xf32, #tpu.memory_space<vmem>>) offsets(%dma_start3A_207 : memref<128xi32, #tpu.memory_space<vmem>>) semaphore(%arg10 : memref<!tpu.dma_semaphore, #tpu.memory_space<semaphore_mem>>)
    %dma_start3A_211 = arith.constant 1 : i32
    %dma_start3A_212 = arith.constant 0 : i32
    %dma_start3A_213 = arith.constant 0 : i32
    %dma_start3A_214 = tpu.memref_slice %arg9[%dma_start3A_211, %dma_start3A_212, %dma_start3A_213] : memref<2x128x128xf32, #tpu.memory_space<vmem>> -> memref<1x128x128xf32, #tpu.memory_space<vmem>>
    %dma_start3A_215 = tpu.memref_squeeze %dma_start3A_214 : memref<1x128x128xf32, #tpu.memory_space<vmem>> -> memref<128x128xf32, #tpu.memory_space<vmem>>
    %dma_start3A_216 = arith.constant 128 : i32
    %dma_start3A_217 = tpu.memref_slice %arg7[%dma_start3A_216] : memref<256xi32, #tpu.memory_space<vmem>> -> memref<128xi32, #tpu.memory_space<vmem>>
    %dma_start3A_218 = arith.constant 0 : i32
    %dma_start3A_219 = arith.constant 0 : i32
    %dma_start3A_220 = tpu.memref_slice %arg3[%dma_start3A_218, %dma_start3A_219] : memref<1048576x128xf32, #tpu.memory_space<hbm>> -> memref<1048576x128xf32, #tpu.memory_space<hbm>>
    tpu.enqueue_indirect_dma source(%dma_start3A_220 : memref<1048576x128xf32, #tpu.memory_space<hbm>>) target(%dma_start3A_215 : memref<128x128xf32, #tpu.memory_space<vmem>>) offsets(%dma_start3A_217 : memref<128xi32, #tpu.memory_space<vmem>>) semaphore(%arg10 : memref<!tpu.dma_semaphore, #tpu.memory_space<semaphore_mem>>)
    %scan3A = arith.constant 0 : i32
    %scan3A_221 = arith.constant 0 : i32
    %scan3A_222 = arith.constant 32 : i32
    %scan3A_223 = arith.addi %scan3A_221, %scan3A_222 : i32
    %scan3A_224 = arith.constant 1 : i32
    scf.for %scan3A_253 = %scan3A_221 to %scan3A_223 step %scan3A_224  : i32 {
      %mul3A_254 = arith.constant 4 : i32
      %mul3A_255 = arith.muli %scan3A_253, %mul3A_254 : i32
      %add3A_256 = arith.constant 0 : i32
      %add3A_257 = arith.addi %mul3A_255, %add3A_256 : i32
      %mul3A_258 = arith.constant 16384 : i32
      %mul3A_259 = arith.muli %add3A, %mul3A_258 : i32
      %mul3A_260 = arith.constant 128 : i32
      %mul3A_261 = arith.muli %add3A_257, %mul3A_260 : i32
      %add3A_262 = arith.addi %mul3A_259, %mul3A_261 : i32
      %add3A_263 = arith.constant 1 : i32
      %add3A_264 = arith.addi %add3A_257, %add3A_263 : i32
      %mul3A_265 = arith.constant 16384 : i32
      %mul3A_266 = arith.muli %add3A, %mul3A_265 : i32
      %mul3A_267 = arith.constant 128 : i32
      %mul3A_268 = arith.muli %add3A_264, %mul3A_267 : i32
      %add3A_269 = arith.addi %mul3A_266, %mul3A_268 : i32
      %run_scoped3A_270 = arith.constant 0 : i32
      "tpu.region"() ({
        %run_scoped3A_884 = tpu.sem_alloc : memref<!tpu.dma_semaphore, #tpu.memory_space<semaphore_mem>>
        %dma_start3A_885 = tpu.memref_slice %arg2[%run_scoped3A_270, %add3A_269] : memref<2x524288xf32, #tpu.memory_space<hbm>> -> memref<1x128xf32, #tpu.memory_space<hbm>>
        %dma_start3A_886 = tpu.memref_squeeze %dma_start3A_885 : memref<1x128xf32, #tpu.memory_space<hbm>> -> memref<128xf32, #tpu.memory_space<hbm>>
        %dma_start3A_887 = tpu.memref_slice %arg2[%run_scoped3A_270, %add3A_269] : memref<2x524288xf32, #tpu.memory_space<hbm>> -> memref<1x128xf32, #tpu.memory_space<hbm>>
        %dma_start3A_888 = tpu.memref_squeeze %dma_start3A_887 : memref<1x128xf32, #tpu.memory_space<hbm>> -> memref<128xf32, #tpu.memory_space<hbm>>
        tpu.enqueue_dma source(%dma_start3A_888 : memref<128xf32, #tpu.memory_space<hbm>>) target(%arg11 : memref<128xf32, #tpu.memory_space<vmem>>) target_semaphore(%run_scoped3A_884 : memref<!tpu.dma_semaphore, #tpu.memory_space<semaphore_mem>>)
        %dma_wait3A_889 = tpu.memref_slice %arg2[%run_scoped3A_270, %add3A_269] : memref<2x524288xf32, #tpu.memory_space<hbm>> -> memref<1x128xf32, #tpu.memory_space<hbm>>
        %dma_wait3A_890 = tpu.memref_squeeze %dma_wait3A_889 : memref<1x128xf32, #tpu.memory_space<hbm>> -> memref<128xf32, #tpu.memory_space<hbm>>
        %dma_wait3A_891 = tpu.memref_slice %arg2[%run_scoped3A_270, %add3A_269] : memref<2x524288xf32, #tpu.memory_space<hbm>> -> memref<1x128xf32, #tpu.memory_space<hbm>>
        %dma_wait3A_892 = tpu.memref_squeeze %dma_wait3A_891 : memref<1x128xf32, #tpu.memory_space<hbm>> -> memref<128xf32, #tpu.memory_space<hbm>>
        tpu.wait_dma2 semaphore(%run_scoped3A_884 : memref<!tpu.dma_semaphore, #tpu.memory_space<semaphore_mem>>) src(%dma_wait3A_892 : memref<128xf32, #tpu.memory_space<hbm>>) dst(%arg11 : memref<128xf32, #tpu.memory_space<vmem>>)
        tpu.yield
      }) : () -> ()
      %run_scoped3A_271 = arith.constant 1 : i32
      "tpu.region"() ({
        %run_scoped3A_884 = tpu.sem_alloc : memref<!tpu.dma_semaphore, #tpu.memory_space<semaphore_mem>>
        %dma_start3A_885 = tpu.memref_slice %arg2[%run_scoped3A_271, %add3A_269] : memref<2x524288xf32, #tpu.memory_space<hbm>> -> memref<1x128xf32, #tpu.memory_space<hbm>>
        %dma_start3A_886 = tpu.memref_squeeze %dma_start3A_885 : memref<1x128xf32, #tpu.memory_space<hbm>> -> memref<128xf32, #tpu.memory_space<hbm>>
        %dma_start3A_887 = tpu.memref_slice %arg2[%run_scoped3A_271, %add3A_269] : memref<2x524288xf32, #tpu.memory_space<hbm>> -> memref<1x128xf32, #tpu.memory_space<hbm>>
        %dma_start3A_888 = tpu.memref_squeeze %dma_start3A_887 : memref<1x128xf32, #tpu.memory_space<hbm>> -> memref<128xf32, #tpu.memory_space<hbm>>
        tpu.enqueue_dma source(%dma_start3A_888 : memref<128xf32, #tpu.memory_space<hbm>>) target(%arg12 : memref<128xf32, #tpu.memory_space<vmem>>) target_semaphore(%run_scoped3A_884 : memref<!tpu.dma_semaphore, #tpu.memory_space<semaphore_mem>>)
        %dma_wait3A_889 = tpu.memref_slice %arg2[%run_scoped3A_271, %add3A_269] : memref<2x524288xf32, #tpu.memory_space<hbm>> -> memref<1x128xf32, #tpu.memory_space<hbm>>
        %dma_wait3A_890 = tpu.memref_squeeze %dma_wait3A_889 : memref<1x128xf32, #tpu.memory_space<hbm>> -> memref<128xf32, #tpu.memory_space<hbm>>
        %dma_wait3A_891 = tpu.memref_slice %arg2[%run_scoped3A_271, %add3A_269] : memref<2x524288xf32, #tpu.memory_space<hbm>> -> memref<1x128xf32, #tpu.memory_space<hbm>>
        %dma_wait3A_892 = tpu.memref_squeeze %dma_wait3A_891 : memref<1x128xf32, #tpu.memory_space<hbm>> -> memref<128xf32, #tpu.memory_space<hbm>>
        tpu.wait_dma2 semaphore(%run_scoped3A_884 : memref<!tpu.dma_semaphore, #tpu.memory_space<semaphore_mem>>) src(%dma_wait3A_892 : memref<128xf32, #tpu.memory_space<hbm>>) dst(%arg12 : memref<128xf32, #tpu.memory_space<vmem>>)
        tpu.yield
      }) : () -> ()
      %get3A_272 = arith.constant 0 : index
      %get3A_273 = tpu.vector_load %arg11[%get3A_272] {strides = array<i32>} : memref<128xf32, #tpu.memory_space<vmem>>, vector<16xf32>,
      %get3A_274 = arith.constant 0 : index
      %get3A_275 = tpu.vector_load %arg12[%get3A_274] {strides = array<i32>} : memref<128xf32, #tpu.memory_space<vmem>>, vector<16xf32>,
      %convert_element_type3A_276 = arith.fptosi %get3A_273 : vector<16xf32> to vector<16xi32>
      %convert_element_type3A_277 = arith.fptosi %get3A_275 : vector<16xf32> to vector<16xi32>
      %convert_element_type3A_278 = arith.sitofp %convert_element_type3A_276 : vector<16xi32> to vector<16xf32>
      %sub3A_279 = arith.subf %get3A_273, %convert_element_type3A_278 : vector<16xf32>
      %convert_element_type3A_280 = arith.sitofp %convert_element_type3A_277 : vector<16xi32> to vector<16xf32>
      %sub3A_281 = arith.subf %get3A_275, %convert_element_type3A_280 : vector<16xf32>
      %mul3A_282 = arith.constant 1024 : i32
      %mul3A_283 = vector.broadcast %mul3A_282 : i32 to vector<16xi32>
      %mul3A_284 = arith.muli %convert_element_type3A_276, %mul3A_283 : vector<16xi32>
      %add3A_285 = arith.addi %mul3A_284, %convert_element_type3A_277 : vector<16xi32>
      %swap3A_286 = arith.constant 0 : index
      %swap3A_287 = tpu.vector_load %arg13[%swap3A_286] {strides = array<i32>} : memref<256xi32, #tpu.memory_space<vmem>>, vector<16xi32>,
      tpu.vector_store %arg13[%swap3A_286], %add3A_285 {strides = array<i32>} : memref<256xi32, #tpu.memory_space<vmem>>, vector<16xi32>,
      %add3A_288 = arith.constant 1024 : i32
      %add3A_289 = vector.broadcast %add3A_288 : i32 to vector<16xi32>
      %add3A_290 = arith.addi %add3A_285, %add3A_289 : vector<16xi32>
      %swap3A_291 = arith.constant 128 : index
      %swap3A_292 = tpu.vector_load %arg13[%swap3A_291] {strides = array<i32>} : memref<256xi32, #tpu.memory_space<vmem>>, vector<16xi32>,
      tpu.vector_store %arg13[%swap3A_291], %add3A_290 {strides = array<i32>} : memref<256xi32, #tpu.memory_space<vmem>>, vector<16xi32>,
      %swap3A_293 = arith.constant 0 : index
      %swap3A_294 = tpu.vector_load %arg14[%swap3A_293] {strides = array<i32>} : memref<256xf32, #tpu.memory_space<vmem>>, vector<16xf32>,
      tpu.vector_store %arg14[%swap3A_293], %sub3A_279 {strides = array<i32>} : memref<256xf32, #tpu.memory_space<vmem>>, vector<16xf32>,
      %swap3A_295 = arith.constant 128 : index
      %swap3A_296 = tpu.vector_load %arg14[%swap3A_295] {strides = array<i32>} : memref<256xf32, #tpu.memory_space<vmem>>, vector<16xf32>,
      tpu.vector_store %arg14[%swap3A_295], %sub3A_281 {strides = array<i32>} : memref<256xf32, #tpu.memory_space<vmem>>, vector<16xf32>,
      %get3A_297 = arith.constant 16 : index
      %get3A_298 = tpu.vector_load %arg11[%get3A_297] {strides = array<i32>} : memref<128xf32, #tpu.memory_space<vmem>>, vector<16xf32>,
      %get3A_299 = arith.constant 16 : index
      %get3A_300 = tpu.vector_load %arg12[%get3A_299] {strides = array<i32>} : memref<128xf32, #tpu.memory_space<vmem>>, vector<16xf32>,
      %convert_element_type3A_301 = arith.fptosi %get3A_298 : vector<16xf32> to vector<16xi32>
      %convert_element_type3A_302 = arith.fptosi %get3A_300 : vector<16xf32> to vector<16xi32>
      %convert_element_type3A_303 = arith.sitofp %convert_element_type3A_301 : vector<16xi32> to vector<16xf32>
      %sub3A_304 = arith.subf %get3A_298, %convert_element_type3A_303 : vector<16xf32>
      %convert_element_type3A_305 = arith.sitofp %convert_element_type3A_302 : vector<16xi32> to vector<16xf32>
      %sub3A_306 = arith.subf %get3A_300, %convert_element_type3A_305 : vector<16xf32>
      %mul3A_307 = arith.constant 1024 : i32
      %mul3A_308 = vector.broadcast %mul3A_307 : i32 to vector<16xi32>
      %mul3A_309 = arith.muli %convert_element_type3A_301, %mul3A_308 : vector<16xi32>
      %add3A_310 = arith.addi %mul3A_309, %convert_element_type3A_302 : vector<16xi32>
      %swap3A_311 = arith.constant 16 : index
      %swap3A_312 = tpu.vector_load %arg13[%swap3A_311] {strides = array<i32>} : memref<256xi32, #tpu.memory_space<vmem>>, vector<16xi32>,
      tpu.vector_store %arg13[%swap3A_311], %add3A_310 {strides = array<i32>} : memref<256xi32, #tpu.memory_space<vmem>>, vector<16xi32>,
      %add3A_313 = arith.constant 1024 : i32
      %add3A_314 = vector.broadcast %add3A_313 : i32 to vector<16xi32>
      %add3A_315 = arith.addi %add3A_310, %add3A_314 : vector<16xi32>
      %swap3A_316 = arith.constant 144 : index
      %swap3A_317 = tpu.vector_load %arg13[%swap3A_316] {strides = array<i32>} : memref<256xi32, #tpu.memory_space<vmem>>, vector<16xi32>,
      tpu.vector_store %arg13[%swap3A_316], %add3A_315 {strides = array<i32>} : memref<256xi32, #tpu.memory_space<vmem>>, vector<16xi32>,
      %swap3A_318 = arith.constant 16 : index
      %swap3A_319 = tpu.vector_load %arg14[%swap3A_318] {strides = array<i32>} : memref<256xf32, #tpu.memory_space<vmem>>, vector<16xf32>,
      tpu.vector_store %arg14[%swap3A_318], %sub3A_304 {strides = array<i32>} : memref<256xf32, #tpu.memory_space<vmem>>, vector<16xf32>,
      %swap3A_320 = arith.constant 144 : index
      %swap3A_321 = tpu.vector_load %arg14[%swap3A_320] {strides = array<i32>} : memref<256xf32, #tpu.memory_space<vmem>>, vector<16xf32>,
      tpu.vector_store %arg14[%swap3A_320], %sub3A_306 {strides = array<i32>} : memref<256xf32, #tpu.memory_space<vmem>>, vector<16xf32>,
      %get3A_322 = arith.constant 32 : index
      %get3A_323 = tpu.vector_load %arg11[%get3A_322] {strides = array<i32>} : memref<128xf32, #tpu.memory_space<vmem>>, vector<16xf32>,
      %get3A_324 = arith.constant 32 : index
      %get3A_325 = tpu.vector_load %arg12[%get3A_324] {strides = array<i32>} : memref<128xf32, #tpu.memory_space<vmem>>, vector<16xf32>,
      %convert_element_type3A_326 = arith.fptosi %get3A_323 : vector<16xf32> to vector<16xi32>
      %convert_element_type3A_327 = arith.fptosi %get3A_325 : vector<16xf32> to vector<16xi32>
      %convert_element_type3A_328 = arith.sitofp %convert_element_type3A_326 : vector<16xi32> to vector<16xf32>
      %sub3A_329 = arith.subf %get3A_323, %convert_element_type3A_328 : vector<16xf32>
      %convert_element_type3A_330 = arith.sitofp %convert_element_type3A_327 : vector<16xi32> to vector<16xf32>
      %sub3A_331 = arith.subf %get3A_325, %convert_element_type3A_330 : vector<16xf32>
      %mul3A_332 = arith.constant 1024 : i32
      %mul3A_333 = vector.broadcast %mul3A_332 : i32 to vector<16xi32>
      %mul3A_334 = arith.muli %convert_element_type3A_326, %mul3A_333 : vector<16xi32>
      %add3A_335 = arith.addi %mul3A_334, %convert_element_type3A_327 : vector<16xi32>
      %swap3A_336 = arith.constant 32 : index
      %swap3A_337 = tpu.vector_load %arg13[%swap3A_336] {strides = array<i32>} : memref<256xi32, #tpu.memory_space<vmem>>, vector<16xi32>,
      tpu.vector_store %arg13[%swap3A_336], %add3A_335 {strides = array<i32>} : memref<256xi32, #tpu.memory_space<vmem>>, vector<16xi32>,
      %add3A_338 = arith.constant 1024 : i32
      %add3A_339 = vector.broadcast %add3A_338 : i32 to vector<16xi32>
      %add3A_340 = arith.addi %add3A_335, %add3A_339 : vector<16xi32>
      %swap3A_341 = arith.constant 160 : index
      %swap3A_342 = tpu.vector_load %arg13[%swap3A_341] {strides = array<i32>} : memref<256xi32, #tpu.memory_space<vmem>>, vector<16xi32>,
      tpu.vector_store %arg13[%swap3A_341], %add3A_340 {strides = array<i32>} : memref<256xi32, #tpu.memory_space<vmem>>, vector<16xi32>,
      %swap3A_343 = arith.constant 32 : index
      %swap3A_344 = tpu.vector_load %arg14[%swap3A_343] {strides = array<i32>} : memref<256xf32, #tpu.memory_space<vmem>>, vector<16xf32>,
      tpu.vector_store %arg14[%swap3A_343], %sub3A_329 {strides = array<i32>} : memref<256xf32, #tpu.memory_space<vmem>>, vector<16xf32>,
      %swap3A_345 = arith.constant 160 : index
      %swap3A_346 = tpu.vector_load %arg14[%swap3A_345] {strides = array<i32>} : memref<256xf32, #tpu.memory_space<vmem>>, vector<16xf32>,
      tpu.vector_store %arg14[%swap3A_345], %sub3A_331 {strides = array<i32>} : memref<256xf32, #tpu.memory_space<vmem>>, vector<16xf32>,
      %get3A_347 = arith.constant 48 : index
      %get3A_348 = tpu.vector_load %arg11[%get3A_347] {strides = array<i32>} : memref<128xf32, #tpu.memory_space<vmem>>, vector<16xf32>,
      %get3A_349 = arith.constant 48 : index
      %get3A_350 = tpu.vector_load %arg12[%get3A_349] {strides = array<i32>} : memref<128xf32, #tpu.memory_space<vmem>>, vector<16xf32>,
      %convert_element_type3A_351 = arith.fptosi %get3A_348 : vector<16xf32> to vector<16xi32>
      %convert_element_type3A_352 = arith.fptosi %get3A_350 : vector<16xf32> to vector<16xi32>
      %convert_element_type3A_353 = arith.sitofp %convert_element_type3A_351 : vector<16xi32> to vector<16xf32>
      %sub3A_354 = arith.subf %get3A_348, %convert_element_type3A_353 : vector<16xf32>
      %convert_element_type3A_355 = arith.sitofp %convert_element_type3A_352 : vector<16xi32> to vector<16xf32>
      %sub3A_356 = arith.subf %get3A_350, %convert_element_type3A_355 : vector<16xf32>
      %mul3A_357 = arith.constant 1024 : i32
      %mul3A_358 = vector.broadcast %mul3A_357 : i32 to vector<16xi32>
      %mul3A_359 = arith.muli %convert_element_type3A_351, %mul3A_358 : vector<16xi32>
      %add3A_360 = arith.addi %mul3A_359, %convert_element_type3A_352 : vector<16xi32>
      %swap3A_361 = arith.constant 48 : index
      %swap3A_362 = tpu.vector_load %arg13[%swap3A_361] {strides = array<i32>} : memref<256xi32, #tpu.memory_space<vmem>>, vector<16xi32>,
      tpu.vector_store %arg13[%swap3A_361], %add3A_360 {strides = array<i32>} : memref<256xi32, #tpu.memory_space<vmem>>, vector<16xi32>,
      %add3A_363 = arith.constant 1024 : i32
      %add3A_364 = vector.broadcast %add3A_363 : i32 to vector<16xi32>
      %add3A_365 = arith.addi %add3A_360, %add3A_364 : vector<16xi32>
      %swap3A_366 = arith.constant 176 : index
      %swap3A_367 = tpu.vector_load %arg13[%swap3A_366] {strides = array<i32>} : memref<256xi32, #tpu.memory_space<vmem>>, vector<16xi32>,
      tpu.vector_store %arg13[%swap3A_366], %add3A_365 {strides = array<i32>} : memref<256xi32, #tpu.memory_space<vmem>>, vector<16xi32>,
      %swap3A_368 = arith.constant 48 : index
      %swap3A_369 = tpu.vector_load %arg14[%swap3A_368] {strides = array<i32>} : memref<256xf32, #tpu.memory_space<vmem>>, vector<16xf32>,
      tpu.vector_store %arg14[%swap3A_368], %sub3A_354 {strides = array<i32>} : memref<256xf32, #tpu.memory_space<vmem>>, vector<16xf32>,
      %swap3A_370 = arith.constant 176 : index
      %swap3A_371 = tpu.vector_load %arg14[%swap3A_370] {strides = array<i32>} : memref<256xf32, #tpu.memory_space<vmem>>, vector<16xf32>,
      tpu.vector_store %arg14[%swap3A_370], %sub3A_356 {strides = array<i32>} : memref<256xf32, #tpu.memory_space<vmem>>, vector<16xf32>,
      %get3A_372 = arith.constant 64 : index
      %get3A_373 = tpu.vector_load %arg11[%get3A_372] {strides = array<i32>} : memref<128xf32, #tpu.memory_space<vmem>>, vector<16xf32>,
      %get3A_374 = arith.constant 64 : index
      %get3A_375 = tpu.vector_load %arg12[%get3A_374] {strides = array<i32>} : memref<128xf32, #tpu.memory_space<vmem>>, vector<16xf32>,
      %convert_element_type3A_376 = arith.fptosi %get3A_373 : vector<16xf32> to vector<16xi32>
      %convert_element_type3A_377 = arith.fptosi %get3A_375 : vector<16xf32> to vector<16xi32>
      %convert_element_type3A_378 = arith.sitofp %convert_element_type3A_376 : vector<16xi32> to vector<16xf32>
      %sub3A_379 = arith.subf %get3A_373, %convert_element_type3A_378 : vector<16xf32>
      %convert_element_type3A_380 = arith.sitofp %convert_element_type3A_377 : vector<16xi32> to vector<16xf32>
      %sub3A_381 = arith.subf %get3A_375, %convert_element_type3A_380 : vector<16xf32>
      %mul3A_382 = arith.constant 1024 : i32
      %mul3A_383 = vector.broadcast %mul3A_382 : i32 to vector<16xi32>
      %mul3A_384 = arith.muli %convert_element_type3A_376, %mul3A_383 : vector<16xi32>
      %add3A_385 = arith.addi %mul3A_384, %convert_element_type3A_377 : vector<16xi32>
      %swap3A_386 = arith.constant 64 : index
      %swap3A_387 = tpu.vector_load %arg13[%swap3A_386] {strides = array<i32>} : memref<256xi32, #tpu.memory_space<vmem>>, vector<16xi32>,
      tpu.vector_store %arg13[%swap3A_386], %add3A_385 {strides = array<i32>} : memref<256xi32, #tpu.memory_space<vmem>>, vector<16xi32>,
      %add3A_388 = arith.constant 1024 : i32
      %add3A_389 = vector.broadcast %add3A_388 : i32 to vector<16xi32>
      %add3A_390 = arith.addi %add3A_385, %add3A_389 : vector<16xi32>
      %swap3A_391 = arith.constant 192 : index
      %swap3A_392 = tpu.vector_load %arg13[%swap3A_391] {strides = array<i32>} : memref<256xi32, #tpu.memory_space<vmem>>, vector<16xi32>,
      tpu.vector_store %arg13[%swap3A_391], %add3A_390 {strides = array<i32>} : memref<256xi32, #tpu.memory_space<vmem>>, vector<16xi32>,
      %swap3A_393 = arith.constant 64 : index
      %swap3A_394 = tpu.vector_load %arg14[%swap3A_393] {strides = array<i32>} : memref<256xf32, #tpu.memory_space<vmem>>, vector<16xf32>,
      tpu.vector_store %arg14[%swap3A_393], %sub3A_379 {strides = array<i32>} : memref<256xf32, #tpu.memory_space<vmem>>, vector<16xf32>,
      %swap3A_395 = arith.constant 192 : index
      %swap3A_396 = tpu.vector_load %arg14[%swap3A_395] {strides = array<i32>} : memref<256xf32, #tpu.memory_space<vmem>>, vector<16xf32>,
      tpu.vector_store %arg14[%swap3A_395], %sub3A_381 {strides = array<i32>} : memref<256xf32, #tpu.memory_space<vmem>>, vector<16xf32>,
      %get3A_397 = arith.constant 80 : index
      %get3A_398 = tpu.vector_load %arg11[%get3A_397] {strides = array<i32>} : memref<128xf32, #tpu.memory_space<vmem>>, vector<16xf32>,
      %get3A_399 = arith.constant 80 : index
      %get3A_400 = tpu.vector_load %arg12[%get3A_399] {strides = array<i32>} : memref<128xf32, #tpu.memory_space<vmem>>, vector<16xf32>,
      %convert_element_type3A_401 = arith.fptosi %get3A_398 : vector<16xf32> to vector<16xi32>
      %convert_element_type3A_402 = arith.fptosi %get3A_400 : vector<16xf32> to vector<16xi32>
      %convert_element_type3A_403 = arith.sitofp %convert_element_type3A_401 : vector<16xi32> to vector<16xf32>
      %sub3A_404 = arith.subf %get3A_398, %convert_element_type3A_403 : vector<16xf32>
      %convert_element_type3A_405 = arith.sitofp %convert_element_type3A_402 : vector<16xi32> to vector<16xf32>
      %sub3A_406 = arith.subf %get3A_400, %convert_element_type3A_405 : vector<16xf32>
      %mul3A_407 = arith.constant 1024 : i32
      %mul3A_408 = vector.broadcast %mul3A_407 : i32 to vector<16xi32>
      %mul3A_409 = arith.muli %convert_element_type3A_401, %mul3A_408 : vector<16xi32>
      %add3A_410 = arith.addi %mul3A_409, %convert_element_type3A_402 : vector<16xi32>
      %swap3A_411 = arith.constant 80 : index
      %swap3A_412 = tpu.vector_load %arg13[%swap3A_411] {strides = array<i32>} : memref<256xi32, #tpu.memory_space<vmem>>, vector<16xi32>,
      tpu.vector_store %arg13[%swap3A_411], %add3A_410 {strides = array<i32>} : memref<256xi32, #tpu.memory_space<vmem>>, vector<16xi32>,
      %add3A_413 = arith.constant 1024 : i32
      %add3A_414 = vector.broadcast %add3A_413 : i32 to vector<16xi32>
      %add3A_415 = arith.addi %add3A_410, %add3A_414 : vector<16xi32>
      %swap3A_416 = arith.constant 208 : index
      %swap3A_417 = tpu.vector_load %arg13[%swap3A_416] {strides = array<i32>} : memref<256xi32, #tpu.memory_space<vmem>>, vector<16xi32>,
      tpu.vector_store %arg13[%swap3A_416], %add3A_415 {strides = array<i32>} : memref<256xi32, #tpu.memory_space<vmem>>, vector<16xi32>,
      %swap3A_418 = arith.constant 80 : index
      %swap3A_419 = tpu.vector_load %arg14[%swap3A_418] {strides = array<i32>} : memref<256xf32, #tpu.memory_space<vmem>>, vector<16xf32>,
      tpu.vector_store %arg14[%swap3A_418], %sub3A_404 {strides = array<i32>} : memref<256xf32, #tpu.memory_space<vmem>>, vector<16xf32>,
      %swap3A_420 = arith.constant 208 : index
      %swap3A_421 = tpu.vector_load %arg14[%swap3A_420] {strides = array<i32>} : memref<256xf32, #tpu.memory_space<vmem>>, vector<16xf32>,
      tpu.vector_store %arg14[%swap3A_420], %sub3A_406 {strides = array<i32>} : memref<256xf32, #tpu.memory_space<vmem>>, vector<16xf32>,
      %get3A_422 = arith.constant 96 : index
      %get3A_423 = tpu.vector_load %arg11[%get3A_422] {strides = array<i32>} : memref<128xf32, #tpu.memory_space<vmem>>, vector<16xf32>,
      %get3A_424 = arith.constant 96 : index
      %get3A_425 = tpu.vector_load %arg12[%get3A_424] {strides = array<i32>} : memref<128xf32, #tpu.memory_space<vmem>>, vector<16xf32>,
      %convert_element_type3A_426 = arith.fptosi %get3A_423 : vector<16xf32> to vector<16xi32>
      %convert_element_type3A_427 = arith.fptosi %get3A_425 : vector<16xf32> to vector<16xi32>
      %convert_element_type3A_428 = arith.sitofp %convert_element_type3A_426 : vector<16xi32> to vector<16xf32>
      %sub3A_429 = arith.subf %get3A_423, %convert_element_type3A_428 : vector<16xf32>
      %convert_element_type3A_430 = arith.sitofp %convert_element_type3A_427 : vector<16xi32> to vector<16xf32>
      %sub3A_431 = arith.subf %get3A_425, %convert_element_type3A_430 : vector<16xf32>
      %mul3A_432 = arith.constant 1024 : i32
      %mul3A_433 = vector.broadcast %mul3A_432 : i32 to vector<16xi32>
      %mul3A_434 = arith.muli %convert_element_type3A_426, %mul3A_433 : vector<16xi32>
      %add3A_435 = arith.addi %mul3A_434, %convert_element_type3A_427 : vector<16xi32>
      %swap3A_436 = arith.constant 96 : index
      %swap3A_437 = tpu.vector_load %arg13[%swap3A_436] {strides = array<i32>} : memref<256xi32, #tpu.memory_space<vmem>>, vector<16xi32>,
      tpu.vector_store %arg13[%swap3A_436], %add3A_435 {strides = array<i32>} : memref<256xi32, #tpu.memory_space<vmem>>, vector<16xi32>,
      %add3A_438 = arith.constant 1024 : i32
      %add3A_439 = vector.broadcast %add3A_438 : i32 to vector<16xi32>
      %add3A_440 = arith.addi %add3A_435, %add3A_439 : vector<16xi32>
      %swap3A_441 = arith.constant 224 : index
      %swap3A_442 = tpu.vector_load %arg13[%swap3A_441] {strides = array<i32>} : memref<256xi32, #tpu.memory_space<vmem>>, vector<16xi32>,
      tpu.vector_store %arg13[%swap3A_441], %add3A_440 {strides = array<i32>} : memref<256xi32, #tpu.memory_space<vmem>>, vector<16xi32>,
      %swap3A_443 = arith.constant 96 : index
      %swap3A_444 = tpu.vector_load %arg14[%swap3A_443] {strides = array<i32>} : memref<256xf32, #tpu.memory_space<vmem>>, vector<16xf32>,
      tpu.vector_store %arg14[%swap3A_443], %sub3A_429 {strides = array<i32>} : memref<256xf32, #tpu.memory_space<vmem>>, vector<16xf32>,
      %swap3A_445 = arith.constant 224 : index
      %swap3A_446 = tpu.vector_load %arg14[%swap3A_445] {strides = array<i32>} : memref<256xf32, #tpu.memory_space<vmem>>, vector<16xf32>,
      tpu.vector_store %arg14[%swap3A_445], %sub3A_431 {strides = array<i32>} : memref<256xf32, #tpu.memory_space<vmem>>, vector<16xf32>,
      %get3A_447 = arith.constant 112 : index
      %get3A_448 = tpu.vector_load %arg11[%get3A_447] {strides = array<i32>} : memref<128xf32, #tpu.memory_space<vmem>>, vector<16xf32>,
      %get3A_449 = arith.constant 112 : index
      %get3A_450 = tpu.vector_load %arg12[%get3A_449] {strides = array<i32>} : memref<128xf32, #tpu.memory_space<vmem>>, vector<16xf32>,
      %convert_element_type3A_451 = arith.fptosi %get3A_448 : vector<16xf32> to vector<16xi32>
      %convert_element_type3A_452 = arith.fptosi %get3A_450 : vector<16xf32> to vector<16xi32>
      %convert_element_type3A_453 = arith.sitofp %convert_element_type3A_451 : vector<16xi32> to vector<16xf32>
      %sub3A_454 = arith.subf %get3A_448, %convert_element_type3A_453 : vector<16xf32>
      %convert_element_type3A_455 = arith.sitofp %convert_element_type3A_452 : vector<16xi32> to vector<16xf32>
      %sub3A_456 = arith.subf %get3A_450, %convert_element_type3A_455 : vector<16xf32>
      %mul3A_457 = arith.constant 1024 : i32
      %mul3A_458 = vector.broadcast %mul3A_457 : i32 to vector<16xi32>
      %mul3A_459 = arith.muli %convert_element_type3A_451, %mul3A_458 : vector<16xi32>
      %add3A_460 = arith.addi %mul3A_459, %convert_element_type3A_452 : vector<16xi32>
      %swap3A_461 = arith.constant 112 : index
      %swap3A_462 = tpu.vector_load %arg13[%swap3A_461] {strides = array<i32>} : memref<256xi32, #tpu.memory_space<vmem>>, vector<16xi32>,
      tpu.vector_store %arg13[%swap3A_461], %add3A_460 {strides = array<i32>} : memref<256xi32, #tpu.memory_space<vmem>>, vector<16xi32>,
      %add3A_463 = arith.constant 1024 : i32
      %add3A_464 = vector.broadcast %add3A_463 : i32 to vector<16xi32>
      %add3A_465 = arith.addi %add3A_460, %add3A_464 : vector<16xi32>
      %swap3A_466 = arith.constant 240 : index
      %swap3A_467 = tpu.vector_load %arg13[%swap3A_466] {strides = array<i32>} : memref<256xi32, #tpu.memory_space<vmem>>, vector<16xi32>,
      tpu.vector_store %arg13[%swap3A_466], %add3A_465 {strides = array<i32>} : memref<256xi32, #tpu.memory_space<vmem>>, vector<16xi32>,
      %swap3A_468 = arith.constant 112 : index
      %swap3A_469 = tpu.vector_load %arg14[%swap3A_468] {strides = array<i32>} : memref<256xf32, #tpu.memory_space<vmem>>, vector<16xf32>,
      tpu.vector_store %arg14[%swap3A_468], %sub3A_454 {strides = array<i32>} : memref<256xf32, #tpu.memory_space<vmem>>, vector<16xf32>,
      %swap3A_470 = arith.constant 240 : index
      %swap3A_471 = tpu.vector_load %arg14[%swap3A_470] {strides = array<i32>} : memref<256xf32, #tpu.memory_space<vmem>>, vector<16xf32>,
      tpu.vector_store %arg14[%swap3A_470], %sub3A_456 {strides = array<i32>} : memref<256xf32, #tpu.memory_space<vmem>>, vector<16xf32>,
      %dma_start3A_472 = arith.constant 0 : i32
      %dma_start3A_473 = arith.constant 0 : i32
      %dma_start3A_474 = arith.constant 0 : i32
      %dma_start3A_475 = tpu.memref_slice %arg15[%dma_start3A_472, %dma_start3A_473, %dma_start3A_474] : memref<2x128x128xf32, #tpu.memory_space<vmem>> -> memref<1x128x128xf32, #tpu.memory_space<vmem>>
      %dma_start3A_476 = tpu.memref_squeeze %dma_start3A_475 : memref<1x128x128xf32, #tpu.memory_space<vmem>> -> memref<128x128xf32, #tpu.memory_space<vmem>>
      %dma_start3A_477 = arith.constant 0 : i32
      %dma_start3A_478 = tpu.memref_slice %arg13[%dma_start3A_477] : memref<256xi32, #tpu.memory_space<vmem>> -> memref<128xi32, #tpu.memory_space<vmem>>
      %dma_start3A_479 = arith.constant 0 : i32
      %dma_start3A_480 = arith.constant 0 : i32
      %dma_start3A_481 = tpu.memref_slice %arg3[%dma_start3A_479, %dma_start3A_480] : memref<1048576x128xf32, #tpu.memory_space<hbm>> -> memref<1048576x128xf32, #tpu.memory_space<hbm>>
      tpu.enqueue_indirect_dma source(%dma_start3A_481 : memref<1048576x128xf32, #tpu.memory_space<hbm>>) target(%dma_start3A_476 : memref<128x128xf32, #tpu.memory_space<vmem>>) offsets(%dma_start3A_478 : memref<128xi32, #tpu.memory_space<vmem>>) semaphore(%arg16 : memref<!tpu.dma_semaphore, #tpu.memory_space<semaphore_mem>>)
      %dma_start3A_482 = arith.constant 1 : i32
      %dma_start3A_483 = arith.constant 0 : i32
      %dma_start3A_484 = arith.constant 0 : i32
      %dma_start3A_485 = tpu.memref_slice %arg15[%dma_start3A_482, %dma_start3A_483, %dma_start3A_484] : memref<2x128x128xf32, #tpu.memory_space<vmem>> -> memref<1x128x128xf32, #tpu.memory_space<vmem>>
      %dma_start3A_486 = tpu.memref_squeeze %dma_start3A_485 : memref<1x128x128xf32, #tpu.memory_space<vmem>> -> memref<128x128xf32, #tpu.memory_space<vmem>>
      %dma_start3A_487 = arith.constant 128 : i32
      %dma_start3A_488 = tpu.memref_slice %arg13[%dma_start3A_487] : memref<256xi32, #tpu.memory_space<vmem>> -> memref<128xi32, #tpu.memory_space<vmem>>
      %dma_start3A_489 = arith.constant 0 : i32
      %dma_start3A_490 = arith.constant 0 : i32
      %dma_start3A_491 = tpu.memref_slice %arg3[%dma_start3A_489, %dma_start3A_490] : memref<1048576x128xf32, #tpu.memory_space<hbm>> -> memref<1048576x128xf32, #tpu.memory_space<hbm>>
      tpu.enqueue_indirect_dma source(%dma_start3A_491 : memref<1048576x128xf32, #tpu.memory_space<hbm>>) target(%dma_start3A_486 : memref<128x128xf32, #tpu.memory_space<vmem>>) offsets(%dma_start3A_488 : memref<128xi32, #tpu.memory_space<vmem>>) semaphore(%arg16 : memref<!tpu.dma_semaphore, #tpu.memory_space<semaphore_mem>>)
      %gt3A = arith.constant 0 : i32
      %gt3A_492 = arith.cmpi sgt, %scan3A_253, %gt3A : i32
      %convert_element_type3A_493 = arith.extui %gt3A_492 : i1 to i32
      %cond3A = arith.constant 0 : i32
      %cond3A_494 = arith.constant 0 : i32
      %cond3A_495 = arith.cmpi ne, %convert_element_type3A_493, %cond3A_494 : i32
      scf.if %cond3A_495 {
        %dma_wait3A_884 = arith.constant 0 : i32
        %dma_wait3A_885 = arith.constant 0 : i32
        %dma_wait3A_886 = tpu.memref_slice %arg17[%cond3A, %dma_wait3A_884, %dma_wait3A_885] : memref<2x64x256xf32, #tpu.memory_space<vmem>> -> memref<1x64x256xf32, #tpu.memory_space<vmem>>
        %dma_wait3A_887 = tpu.memref_squeeze %dma_wait3A_886 : memref<1x64x256xf32, #tpu.memory_space<vmem>> -> memref<64x256xf32, #tpu.memory_space<vmem>>
        %dma_wait3A_888 = arith.constant 0 : i32
        %dma_wait3A_889 = tpu.memref_slice %arg4[%dma_wait3A_888, %add3A_262] : memref<64x524288xf32, #tpu.memory_space<hbm>> -> memref<64x256xf32, #tpu.memory_space<hbm>>
        %dma_wait3A_890 = arith.constant 0 : i32
        %dma_wait3A_891 = tpu.memref_slice %arg4[%dma_wait3A_890, %add3A_262] : memref<64x524288xf32, #tpu.memory_space<hbm>> -> memref<64x256xf32, #tpu.memory_space<hbm>>
        %dma_wait3A_892 = arith.constant 0 : i32
        %dma_wait3A_893 = arith.constant 0 : i32
        %dma_wait3A_894 = tpu.memref_slice %arg17[%cond3A, %dma_wait3A_892, %dma_wait3A_893] : memref<2x64x256xf32, #tpu.memory_space<vmem>> -> memref<1x64x256xf32, #tpu.memory_space<vmem>>
        %dma_wait3A_895 = tpu.memref_squeeze %dma_wait3A_894 : memref<1x64x256xf32, #tpu.memory_space<vmem>> -> memref<64x256xf32, #tpu.memory_space<vmem>>
        tpu.wait_dma2 semaphore(%arg18 : memref<!tpu.dma_semaphore, #tpu.memory_space<semaphore_mem>>) src(%dma_wait3A_895 : memref<64x256xf32, #tpu.memory_space<vmem>>) dst(%dma_wait3A_891 : memref<64x256xf32, #tpu.memory_space<hbm>>)
      } else {
      }
      %dma_wait3A_496 = arith.constant 0 : i32
      %dma_wait3A_497 = arith.constant 0 : i32
      %dma_wait3A_498 = arith.constant 0 : i32
      %dma_wait3A_499 = tpu.memref_slice %arg9[%dma_wait3A_496, %dma_wait3A_497, %dma_wait3A_498] : memref<2x128x128xf32, #tpu.memory_space<vmem>> -> memref<1x128x128xf32, #tpu.memory_space<vmem>>
      %dma_wait3A_500 = tpu.memref_squeeze %dma_wait3A_499 : memref<1x128x128xf32, #tpu.memory_space<vmem>> -> memref<128x128xf32, #tpu.memory_space<vmem>>
      %dma_wait3A_501 = arith.constant 0 : i32
      %dma_wait3A_502 = tpu.memref_slice %arg7[%dma_wait3A_501] : memref<256xi32, #tpu.memory_space<vmem>> -> memref<128xi32, #tpu.memory_space<vmem>>
      %dma_wait3A_503 = arith.constant 0 : i32
      %dma_wait3A_504 = arith.constant 0 : i32
      %dma_wait3A_505 = tpu.memref_slice %arg3[%dma_wait3A_503, %dma_wait3A_504] : memref<1048576x128xf32, #tpu.memory_space<hbm>> -> memref<1048576x128xf32, #tpu.memory_space<hbm>>
      tpu.wait_indirect_dma semaphore(%arg10 : memref<!tpu.dma_semaphore, #tpu.memory_space<semaphore_mem>>) src(%dma_wait3A_505 : memref<1048576x128xf32, #tpu.memory_space<hbm>>) dst(%dma_wait3A_500 : memref<128x128xf32, #tpu.memory_space<vmem>>)
      %dma_wait3A_506 = arith.constant 1 : i32
      %dma_wait3A_507 = arith.constant 0 : i32
      %dma_wait3A_508 = arith.constant 0 : i32
      %dma_wait3A_509 = tpu.memref_slice %arg9[%dma_wait3A_506, %dma_wait3A_507, %dma_wait3A_508] : memref<2x128x128xf32, #tpu.memory_space<vmem>> -> memref<1x128x128xf32, #tpu.memory_space<vmem>>
      %dma_wait3A_510 = tpu.memref_squeeze %dma_wait3A_509 : memref<1x128x128xf32, #tpu.memory_space<vmem>> -> memref<128x128xf32, #tpu.memory_space<vmem>>
      %dma_wait3A_511 = arith.constant 128 : i32
      %dma_wait3A_512 = tpu.memref_slice %arg7[%dma_wait3A_511] : memref<256xi32, #tpu.memory_space<vmem>> -> memref<128xi32, #tpu.memory_space<vmem>>
      %dma_wait3A_513 = arith.constant 0 : i32
      %dma_wait3A_514 = arith.constant 0 : i32
      %dma_wait3A_515 = tpu.memref_slice %arg3[%dma_wait3A_513, %dma_wait3A_514] : memref<1048576x128xf32, #tpu.memory_space<hbm>> -> memref<1048576x128xf32, #tpu.memory_space<hbm>>
      tpu.wait_indirect_dma semaphore(%arg10 : memref<!tpu.dma_semaphore, #tpu.memory_space<semaphore_mem>>) src(%dma_wait3A_515 : memref<1048576x128xf32, #tpu.memory_space<hbm>>) dst(%dma_wait3A_510 : memref<128x128xf32, #tpu.memory_space<vmem>>)
      %iota3A = tpu.iota {dimensions = array<i32: 0>} : vector<16xi32>
      %broadcast_in_dim3A = arith.constant 0 : i32
      %broadcast_in_dim3A_516 = vector.broadcast %broadcast_in_dim3A : i32 to vector<16xi32>
      %parallel_loop3A = arith.constant 0 : i32
      %parallel_loop3A_517 = arith.constant 128 : i32
      %parallel_loop3A_518 = arith.constant 1 : i32
      %parallel_loop3A_519 = arith.constant 0 : i32
      scf.for %parallel_loop3A_884 = %parallel_loop3A to %parallel_loop3A_517 step %parallel_loop3A_518  : i32 {
        %parallel_loop3A_885 = vector.broadcast %parallel_loop3A_884 : i32 to vector<16xi32>
        %parallel_loop3A_886 = arith.addi %broadcast_in_dim3A_516, %parallel_loop3A_885 : vector<16xi32>
        %parallel_loop3A_887 = tpu.vector_load_idx %arg8[%parallel_loop3A_886] : memref<256xf32, #tpu.memory_space<vmem>>[vector<16xi32>], vector<16xf32>,
        %parallel_loop3A_888 = arith.constant 128 : i32
        %parallel_loop3A_889 = vector.broadcast %parallel_loop3A_888 : i32 to vector<16xi32>
        %parallel_loop3A_890 = arith.addi %parallel_loop3A_886, %parallel_loop3A_889 : vector<16xi32>
        %parallel_loop3A_891 = tpu.vector_load_idx %arg8[%parallel_loop3A_890] : memref<256xf32, #tpu.memory_space<vmem>>[vector<16xi32>], vector<16xf32>,
        %parallel_loop3A_892 = arith.constant 0 : i32
        %parallel_loop3A_893 = arith.addi %parallel_loop3A_884, %parallel_loop3A_892 : i32
        %parallel_loop3A_894 = vector.broadcast %parallel_loop3A_893 : i32 to vector<16xi32>
        %parallel_loop3A_895 = arith.addi %broadcast_in_dim3A_516, %parallel_loop3A_894 : vector<16xi32>
        %parallel_loop3A_896 = arith.constant 0 : i32
        %parallel_loop3A_897 = arith.index_cast %parallel_loop3A_896 : i32 to index
        %parallel_loop3A_898 = arith.index_cast %parallel_loop3A_884 : i32 to index
        %parallel_loop3A_899 = arith.constant 0 : index
        %parallel_loop3A_900 = tpu.vector_load %arg9[%parallel_loop3A_897, %parallel_loop3A_898, %parallel_loop3A_899] {strides = array<i32>} : memref<2x128x128xf32, #tpu.memory_space<vmem>>, vector<16xf32>,
        %parallel_loop3A_901 = arith.constant 0 : i32
        %parallel_loop3A_902 = arith.index_cast %parallel_loop3A_901 : i32 to index
        %parallel_loop3A_903 = arith.index_cast %parallel_loop3A_884 : i32 to index
        %parallel_loop3A_904 = arith.constant 64 : index
        %parallel_loop3A_905 = tpu.vector_load %arg9[%parallel_loop3A_902, %parallel_loop3A_903, %parallel_loop3A_904] {strides = array<i32>} : memref<2x128x128xf32, #tpu.memory_space<vmem>>, vector<16xf32>,
        %parallel_loop3A_906 = arith.constant 1 : i32
        %parallel_loop3A_907 = arith.index_cast %parallel_loop3A_906 : i32 to index
        %parallel_loop3A_908 = arith.index_cast %parallel_loop3A_884 : i32 to index
        %parallel_loop3A_909 = arith.constant 0 : index
        %parallel_loop3A_910 = tpu.vector_load %arg9[%parallel_loop3A_907, %parallel_loop3A_908, %parallel_loop3A_909] {strides = array<i32>} : memref<2x128x128xf32, #tpu.memory_space<vmem>>, vector<16xf32>,
        %parallel_loop3A_911 = arith.constant 1 : i32
        %parallel_loop3A_912 = arith.index_cast %parallel_loop3A_911 : i32 to index
        %parallel_loop3A_913 = arith.index_cast %parallel_loop3A_884 : i32 to index
        %parallel_loop3A_914 = arith.constant 64 : index
        %parallel_loop3A_915 = tpu.vector_load %arg9[%parallel_loop3A_912, %parallel_loop3A_913, %parallel_loop3A_914] {strides = array<i32>} : memref<2x128x128xf32, #tpu.memory_space<vmem>>, vector<16xf32>,
        %parallel_loop3A_916 = arith.subf %parallel_loop3A_910, %parallel_loop3A_900 : vector<16xf32>
        %parallel_loop3A_917 = arith.mulf %parallel_loop3A_887, %parallel_loop3A_916 : vector<16xf32>
        %parallel_loop3A_918 = arith.addf %parallel_loop3A_900, %parallel_loop3A_917 : vector<16xf32>
        %parallel_loop3A_919 = arith.subf %parallel_loop3A_915, %parallel_loop3A_905 : vector<16xf32>
        %parallel_loop3A_920 = arith.mulf %parallel_loop3A_887, %parallel_loop3A_919 : vector<16xf32>
        %parallel_loop3A_921 = arith.addf %parallel_loop3A_905, %parallel_loop3A_920 : vector<16xf32>
        %parallel_loop3A_922 = arith.subf %parallel_loop3A_921, %parallel_loop3A_918 : vector<16xf32>
        %parallel_loop3A_923 = arith.mulf %parallel_loop3A_891, %parallel_loop3A_922 : vector<16xf32>
        %parallel_loop3A_924 = arith.addf %parallel_loop3A_918, %parallel_loop3A_923 : vector<16xf32>
        %parallel_loop3A_925 = arith.constant 0 : i32
        %parallel_loop3A_926 = vector.broadcast %parallel_loop3A_925 : i32 to vector<16xi32>
        %parallel_loop3A_927 = arith.addi %iota3A, %parallel_loop3A_926 : vector<16xi32>
        %parallel_loop3A_928 = arith.constant 0 : i32
        %parallel_loop3A_929 = arith.constant 0 : i32
        %parallel_loop3A_930 = tpu.memref_slice %arg17[%parallel_loop3A_519, %parallel_loop3A_928, %parallel_loop3A_929] : memref<2x64x256xf32, #tpu.memory_space<vmem>> -> memref<1x64x256xf32, #tpu.memory_space<vmem>>
        %parallel_loop3A_931 = tpu.memref_squeeze %parallel_loop3A_930 : memref<1x64x256xf32, #tpu.memory_space<vmem>> -> memref<64x256xf32, #tpu.memory_space<vmem>>
        tpu.vector_store_idx %parallel_loop3A_931[%parallel_loop3A_927, %parallel_loop3A_895], %parallel_loop3A_924 : memref<64x256xf32, #tpu.memory_space<vmem>>[vector<16xi32>, vector<16xi32>], vector<16xf32>,
        %parallel_loop3A_932 = arith.constant 0 : i32
        %parallel_loop3A_933 = arith.index_cast %parallel_loop3A_932 : i32 to index
        %parallel_loop3A_934 = arith.index_cast %parallel_loop3A_884 : i32 to index
        %parallel_loop3A_935 = arith.constant 16 : index
        %parallel_loop3A_936 = tpu.vector_load %arg9[%parallel_loop3A_933, %parallel_loop3A_934, %parallel_loop3A_935] {strides = array<i32>} : memref<2x128x128xf32, #tpu.memory_space<vmem>>, vector<16xf32>,
        %parallel_loop3A_937 = arith.constant 0 : i32
        %parallel_loop3A_938 = arith.index_cast %parallel_loop3A_937 : i32 to index
        %parallel_loop3A_939 = arith.index_cast %parallel_loop3A_884 : i32 to index
        %parallel_loop3A_940 = arith.constant 80 : index
        %parallel_loop3A_941 = tpu.vector_load %arg9[%parallel_loop3A_938, %parallel_loop3A_939, %parallel_loop3A_940] {strides = array<i32>} : memref<2x128x128xf32, #tpu.memory_space<vmem>>, vector<16xf32>,
        %parallel_loop3A_942 = arith.constant 1 : i32
        %parallel_loop3A_943 = arith.index_cast %parallel_loop3A_942 : i32 to index
        %parallel_loop3A_944 = arith.index_cast %parallel_loop3A_884 : i32 to index
        %parallel_loop3A_945 = arith.constant 16 : index
        %parallel_loop3A_946 = tpu.vector_load %arg9[%parallel_loop3A_943, %parallel_loop3A_944, %parallel_loop3A_945] {strides = array<i32>} : memref<2x128x128xf32, #tpu.memory_space<vmem>>, vector<16xf32>,
        %parallel_loop3A_947 = arith.constant 1 : i32
        %parallel_loop3A_948 = arith.index_cast %parallel_loop3A_947 : i32 to index
        %parallel_loop3A_949 = arith.index_cast %parallel_loop3A_884 : i32 to index
        %parallel_loop3A_950 = arith.constant 80 : index
        %parallel_loop3A_951 = tpu.vector_load %arg9[%parallel_loop3A_948, %parallel_loop3A_949, %parallel_loop3A_950] {strides = array<i32>} : memref<2x128x128xf32, #tpu.memory_space<vmem>>, vector<16xf32>,
        %parallel_loop3A_952 = arith.subf %parallel_loop3A_946, %parallel_loop3A_936 : vector<16xf32>
        %parallel_loop3A_953 = arith.mulf %parallel_loop3A_887, %parallel_loop3A_952 : vector<16xf32>
        %parallel_loop3A_954 = arith.addf %parallel_loop3A_936, %parallel_loop3A_953 : vector<16xf32>
        %parallel_loop3A_955 = arith.subf %parallel_loop3A_951, %parallel_loop3A_941 : vector<16xf32>
        %parallel_loop3A_956 = arith.mulf %parallel_loop3A_887, %parallel_loop3A_955 : vector<16xf32>
        %parallel_loop3A_957 = arith.addf %parallel_loop3A_941, %parallel_loop3A_956 : vector<16xf32>
        %parallel_loop3A_958 = arith.subf %parallel_loop3A_957, %parallel_loop3A_954 : vector<16xf32>
        %parallel_loop3A_959 = arith.mulf %parallel_loop3A_891, %parallel_loop3A_958 : vector<16xf32>
        %parallel_loop3A_960 = arith.addf %parallel_loop3A_954, %parallel_loop3A_959 : vector<16xf32>
        %parallel_loop3A_961 = arith.constant 16 : i32
        %parallel_loop3A_962 = vector.broadcast %parallel_loop3A_961 : i32 to vector<16xi32>
        %parallel_loop3A_963 = arith.addi %iota3A, %parallel_loop3A_962 : vector<16xi32>
        %parallel_loop3A_964 = arith.constant 0 : i32
        %parallel_loop3A_965 = arith.constant 0 : i32
        %parallel_loop3A_966 = tpu.memref_slice %arg17[%parallel_loop3A_519, %parallel_loop3A_964, %parallel_loop3A_965] : memref<2x64x256xf32, #tpu.memory_space<vmem>> -> memref<1x64x256xf32, #tpu.memory_space<vmem>>
        %parallel_loop3A_967 = tpu.memref_squeeze %parallel_loop3A_966 : memref<1x64x256xf32, #tpu.memory_space<vmem>> -> memref<64x256xf32, #tpu.memory_space<vmem>>
        tpu.vector_store_idx %parallel_loop3A_967[%parallel_loop3A_963, %parallel_loop3A_895], %parallel_loop3A_960 : memref<64x256xf32, #tpu.memory_space<vmem>>[vector<16xi32>, vector<16xi32>], vector<16xf32>,
        %parallel_loop3A_968 = arith.constant 0 : i32
        %parallel_loop3A_969 = arith.index_cast %parallel_loop3A_968 : i32 to index
        %parallel_loop3A_970 = arith.index_cast %parallel_loop3A_884 : i32 to index
        %parallel_loop3A_971 = arith.constant 32 : index
        %parallel_loop3A_972 = tpu.vector_load %arg9[%parallel_loop3A_969, %parallel_loop3A_970, %parallel_loop3A_971] {strides = array<i32>} : memref<2x128x128xf32, #tpu.memory_space<vmem>>, vector<16xf32>,
        %parallel_loop3A_973 = arith.constant 0 : i32
        %parallel_loop3A_974 = arith.index_cast %parallel_loop3A_973 : i32 to index
        %parallel_loop3A_975 = arith.index_cast %parallel_loop3A_884 : i32 to index
        %parallel_loop3A_976 = arith.constant 96 : index
        %parallel_loop3A_977 = tpu.vector_load %arg9[%parallel_loop3A_974, %parallel_loop3A_975, %parallel_loop3A_976] {strides = array<i32>} : memref<2x128x128xf32, #tpu.memory_space<vmem>>, vector<16xf32>,
        %parallel_loop3A_978 = arith.constant 1 : i32
        %parallel_loop3A_979 = arith.index_cast %parallel_loop3A_978 : i32 to index
        %parallel_loop3A_980 = arith.index_cast %parallel_loop3A_884 : i32 to index
        %parallel_loop3A_981 = arith.constant 32 : index
        %parallel_loop3A_982 = tpu.vector_load %arg9[%parallel_loop3A_979, %parallel_loop3A_980, %parallel_loop3A_981] {strides = array<i32>} : memref<2x128x128xf32, #tpu.memory_space<vmem>>, vector<16xf32>,
        %parallel_loop3A_983 = arith.constant 1 : i32
        %parallel_loop3A_984 = arith.index_cast %parallel_loop3A_983 : i32 to index
        %parallel_loop3A_985 = arith.index_cast %parallel_loop3A_884 : i32 to index
        %parallel_loop3A_986 = arith.constant 96 : index
        %parallel_loop3A_987 = tpu.vector_load %arg9[%parallel_loop3A_984, %parallel_loop3A_985, %parallel_loop3A_986] {strides = array<i32>} : memref<2x128x128xf32, #tpu.memory_space<vmem>>, vector<16xf32>,
        %parallel_loop3A_988 = arith.subf %parallel_loop3A_982, %parallel_loop3A_972 : vector<16xf32>
        %parallel_loop3A_989 = arith.mulf %parallel_loop3A_887, %parallel_loop3A_988 : vector<16xf32>
        %parallel_loop3A_990 = arith.addf %parallel_loop3A_972, %parallel_loop3A_989 : vector<16xf32>
        %parallel_loop3A_991 = arith.subf %parallel_loop3A_987, %parallel_loop3A_977 : vector<16xf32>
        %parallel_loop3A_992 = arith.mulf %parallel_loop3A_887, %parallel_loop3A_991 : vector<16xf32>
        %parallel_loop3A_993 = arith.addf %parallel_loop3A_977, %parallel_loop3A_992 : vector<16xf32>
        %parallel_loop3A_994 = arith.subf %parallel_loop3A_993, %parallel_loop3A_990 : vector<16xf32>
        %parallel_loop3A_995 = arith.mulf %parallel_loop3A_891, %parallel_loop3A_994 : vector<16xf32>
        %parallel_loop3A_996 = arith.addf %parallel_loop3A_990, %parallel_loop3A_995 : vector<16xf32>
        %parallel_loop3A_997 = arith.constant 32 : i32
        %parallel_loop3A_998 = vector.broadcast %parallel_loop3A_997 : i32 to vector<16xi32>
        %parallel_loop3A_999 = arith.addi %iota3A, %parallel_loop3A_998 : vector<16xi32>
        %parallel_loop3A_1000 = arith.constant 0 : i32
        %parallel_loop3A_1001 = arith.constant 0 : i32
        %parallel_loop3A_1002 = tpu.memref_slice %arg17[%parallel_loop3A_519, %parallel_loop3A_1000, %parallel_loop3A_1001] : memref<2x64x256xf32, #tpu.memory_space<vmem>> -> memref<1x64x256xf32, #tpu.memory_space<vmem>>
        %parallel_loop3A_1003 = tpu.memref_squeeze %parallel_loop3A_1002 : memref<1x64x256xf32, #tpu.memory_space<vmem>> -> memref<64x256xf32, #tpu.memory_space<vmem>>
        tpu.vector_store_idx %parallel_loop3A_1003[%parallel_loop3A_999, %parallel_loop3A_895], %parallel_loop3A_996 : memref<64x256xf32, #tpu.memory_space<vmem>>[vector<16xi32>, vector<16xi32>], vector<16xf32>,
        %parallel_loop3A_1004 = arith.constant 0 : i32
        %parallel_loop3A_1005 = arith.index_cast %parallel_loop3A_1004 : i32 to index
        %parallel_loop3A_1006 = arith.index_cast %parallel_loop3A_884 : i32 to index
        %parallel_loop3A_1007 = arith.constant 48 : index
        %parallel_loop3A_1008 = tpu.vector_load %arg9[%parallel_loop3A_1005, %parallel_loop3A_1006, %parallel_loop3A_1007] {strides = array<i32>} : memref<2x128x128xf32, #tpu.memory_space<vmem>>, vector<16xf32>,
        %parallel_loop3A_1009 = arith.constant 0 : i32
        %parallel_loop3A_1010 = arith.index_cast %parallel_loop3A_1009 : i32 to index
        %parallel_loop3A_1011 = arith.index_cast %parallel_loop3A_884 : i32 to index
        %parallel_loop3A_1012 = arith.constant 112 : index
        %parallel_loop3A_1013 = tpu.vector_load %arg9[%parallel_loop3A_1010, %parallel_loop3A_1011, %parallel_loop3A_1012] {strides = array<i32>} : memref<2x128x128xf32, #tpu.memory_space<vmem>>, vector<16xf32>,
        %parallel_loop3A_1014 = arith.constant 1 : i32
        %parallel_loop3A_1015 = arith.index_cast %parallel_loop3A_1014 : i32 to index
        %parallel_loop3A_1016 = arith.index_cast %parallel_loop3A_884 : i32 to index
        %parallel_loop3A_1017 = arith.constant 48 : index
        %parallel_loop3A_1018 = tpu.vector_load %arg9[%parallel_loop3A_1015, %parallel_loop3A_1016, %parallel_loop3A_1017] {strides = array<i32>} : memref<2x128x128xf32, #tpu.memory_space<vmem>>, vector<16xf32>,
        %parallel_loop3A_1019 = arith.constant 1 : i32
        %parallel_loop3A_1020 = arith.index_cast %parallel_loop3A_1019 : i32 to index
        %parallel_loop3A_1021 = arith.index_cast %parallel_loop3A_884 : i32 to index
        %parallel_loop3A_1022 = arith.constant 112 : index
        %parallel_loop3A_1023 = tpu.vector_load %arg9[%parallel_loop3A_1020, %parallel_loop3A_1021, %parallel_loop3A_1022] {strides = array<i32>} : memref<2x128x128xf32, #tpu.memory_space<vmem>>, vector<16xf32>,
        %parallel_loop3A_1024 = arith.subf %parallel_loop3A_1018, %parallel_loop3A_1008 : vector<16xf32>
        %parallel_loop3A_1025 = arith.mulf %parallel_loop3A_887, %parallel_loop3A_1024 : vector<16xf32>
        %parallel_loop3A_1026 = arith.addf %parallel_loop3A_1008, %parallel_loop3A_1025 : vector<16xf32>
        %parallel_loop3A_1027 = arith.subf %parallel_loop3A_1023, %parallel_loop3A_1013 : vector<16xf32>
        %parallel_loop3A_1028 = arith.mulf %parallel_loop3A_887, %parallel_loop3A_1027 : vector<16xf32>
        %parallel_loop3A_1029 = arith.addf %parallel_loop3A_1013, %parallel_loop3A_1028 : vector<16xf32>
        %parallel_loop3A_1030 = arith.subf %parallel_loop3A_1029, %parallel_loop3A_1026 : vector<16xf32>
        %parallel_loop3A_1031 = arith.mulf %parallel_loop3A_891, %parallel_loop3A_1030 : vector<16xf32>
        %parallel_loop3A_1032 = arith.addf %parallel_loop3A_1026, %parallel_loop3A_1031 : vector<16xf32>
        %parallel_loop3A_1033 = arith.constant 48 : i32
        %parallel_loop3A_1034 = vector.broadcast %parallel_loop3A_1033 : i32 to vector<16xi32>
        %parallel_loop3A_1035 = arith.addi %iota3A, %parallel_loop3A_1034 : vector<16xi32>
        %parallel_loop3A_1036 = arith.constant 0 : i32
        %parallel_loop3A_1037 = arith.constant 0 : i32
        %parallel_loop3A_1038 = tpu.memref_slice %arg17[%parallel_loop3A_519, %parallel_loop3A_1036, %parallel_loop3A_1037] : memref<2x64x256xf32, #tpu.memory_space<vmem>> -> memref<1x64x256xf32, #tpu.memory_space<vmem>>
        %parallel_loop3A_1039 = tpu.memref_squeeze %parallel_loop3A_1038 : memref<1x64x256xf32, #tpu.memory_space<vmem>> -> memref<64x256xf32, #tpu.memory_space<vmem>>
        tpu.vector_store_idx %parallel_loop3A_1039[%parallel_loop3A_1035, %parallel_loop3A_895], %parallel_loop3A_1032 : memref<64x256xf32, #tpu.memory_space<vmem>>[vector<16xi32>, vector<16xi32>], vector<16xf32>,
      } {sc.loop_unroll_factor = 4 : i64, sc.parallel_access}
      %add3A_520 = arith.constant 2 : i32
      %add3A_521 = arith.addi %add3A_257, %add3A_520 : i32
      %lt3A = arith.constant 128 : i32
      %lt3A_522 = arith.cmpi slt, %add3A_521, %lt3A : i32
      %convert_element_type3A_523 = arith.extui %lt3A_522 : i1 to i32
      %cond3A_524 = arith.constant 0 : i32
      %cond3A_525 = arith.cmpi ne, %convert_element_type3A_523, %cond3A_524 : i32
      scf.if %cond3A_525 {
        %add3A_884 = arith.constant 2 : i32
        %add3A_885 = arith.addi %add3A_257, %add3A_884 : i32
        %mul3A_886 = arith.constant 16384 : i32
        %mul3A_887 = arith.muli %add3A, %mul3A_886 : i32
        %mul3A_888 = arith.constant 128 : i32
        %mul3A_889 = arith.muli %add3A_885, %mul3A_888 : i32
        %add3A_890 = arith.addi %mul3A_887, %mul3A_889 : i32
        %run_scoped3A_891 = arith.constant 0 : i32
        "tpu.region"() ({
          %run_scoped3A_1113 = tpu.sem_alloc : memref<!tpu.dma_semaphore, #tpu.memory_space<semaphore_mem>>
          %dma_start3A_1114 = tpu.memref_slice %arg2[%run_scoped3A_891, %add3A_890] : memref<2x524288xf32, #tpu.memory_space<hbm>> -> memref<1x128xf32, #tpu.memory_space<hbm>>
          %dma_start3A_1115 = tpu.memref_squeeze %dma_start3A_1114 : memref<1x128xf32, #tpu.memory_space<hbm>> -> memref<128xf32, #tpu.memory_space<hbm>>
          %dma_start3A_1116 = tpu.memref_slice %arg2[%run_scoped3A_891, %add3A_890] : memref<2x524288xf32, #tpu.memory_space<hbm>> -> memref<1x128xf32, #tpu.memory_space<hbm>>
          %dma_start3A_1117 = tpu.memref_squeeze %dma_start3A_1116 : memref<1x128xf32, #tpu.memory_space<hbm>> -> memref<128xf32, #tpu.memory_space<hbm>>
          tpu.enqueue_dma source(%dma_start3A_1117 : memref<128xf32, #tpu.memory_space<hbm>>) target(%arg5 : memref<128xf32, #tpu.memory_space<vmem>>) target_semaphore(%run_scoped3A_1113 : memref<!tpu.dma_semaphore, #tpu.memory_space<semaphore_mem>>)
          %dma_wait3A_1118 = tpu.memref_slice %arg2[%run_scoped3A_891, %add3A_890] : memref<2x524288xf32, #tpu.memory_space<hbm>> -> memref<1x128xf32, #tpu.memory_space<hbm>>
          %dma_wait3A_1119 = tpu.memref_squeeze %dma_wait3A_1118 : memref<1x128xf32, #tpu.memory_space<hbm>> -> memref<128xf32, #tpu.memory_space<hbm>>
          %dma_wait3A_1120 = tpu.memref_slice %arg2[%run_scoped3A_891, %add3A_890] : memref<2x524288xf32, #tpu.memory_space<hbm>> -> memref<1x128xf32, #tpu.memory_space<hbm>>
          %dma_wait3A_1121 = tpu.memref_squeeze %dma_wait3A_1120 : memref<1x128xf32, #tpu.memory_space<hbm>> -> memref<128xf32, #tpu.memory_space<hbm>>
          tpu.wait_dma2 semaphore(%run_scoped3A_1113 : memref<!tpu.dma_semaphore, #tpu.memory_space<semaphore_mem>>) src(%dma_wait3A_1121 : memref<128xf32, #tpu.memory_space<hbm>>) dst(%arg5 : memref<128xf32, #tpu.memory_space<vmem>>)
          tpu.yield
        }) : () -> ()
        %run_scoped3A_892 = arith.constant 1 : i32
        "tpu.region"() ({
          %run_scoped3A_1113 = tpu.sem_alloc : memref<!tpu.dma_semaphore, #tpu.memory_space<semaphore_mem>>
          %dma_start3A_1114 = tpu.memref_slice %arg2[%run_scoped3A_892, %add3A_890] : memref<2x524288xf32, #tpu.memory_space<hbm>> -> memref<1x128xf32, #tpu.memory_space<hbm>>
          %dma_start3A_1115 = tpu.memref_squeeze %dma_start3A_1114 : memref<1x128xf32, #tpu.memory_space<hbm>> -> memref<128xf32, #tpu.memory_space<hbm>>
          %dma_start3A_1116 = tpu.memref_slice %arg2[%run_scoped3A_892, %add3A_890] : memref<2x524288xf32, #tpu.memory_space<hbm>> -> memref<1x128xf32, #tpu.memory_space<hbm>>
          %dma_start3A_1117 = tpu.memref_squeeze %dma_start3A_1116 : memref<1x128xf32, #tpu.memory_space<hbm>> -> memref<128xf32, #tpu.memory_space<hbm>>
          tpu.enqueue_dma source(%dma_start3A_1117 : memref<128xf32, #tpu.memory_space<hbm>>) target(%arg6 : memref<128xf32, #tpu.memory_space<vmem>>) target_semaphore(%run_scoped3A_1113 : memref<!tpu.dma_semaphore, #tpu.memory_space<semaphore_mem>>)
          %dma_wait3A_1118 = tpu.memref_slice %arg2[%run_scoped3A_892, %add3A_890] : memref<2x524288xf32, #tpu.memory_space<hbm>> -> memref<1x128xf32, #tpu.memory_space<hbm>>
          %dma_wait3A_1119 = tpu.memref_squeeze %dma_wait3A_1118 : memref<1x128xf32, #tpu.memory_space<hbm>> -> memref<128xf32, #tpu.memory_space<hbm>>
          %dma_wait3A_1120 = tpu.memref_slice %arg2[%run_scoped3A_892, %add3A_890] : memref<2x524288xf32, #tpu.memory_space<hbm>> -> memref<1x128xf32, #tpu.memory_space<hbm>>
          %dma_wait3A_1121 = tpu.memref_squeeze %dma_wait3A_1120 : memref<1x128xf32, #tpu.memory_space<hbm>> -> memref<128xf32, #tpu.memory_space<hbm>>
          tpu.wait_dma2 semaphore(%run_scoped3A_1113 : memref<!tpu.dma_semaphore, #tpu.memory_space<semaphore_mem>>) src(%dma_wait3A_1121 : memref<128xf32, #tpu.memory_space<hbm>>) dst(%arg6 : memref<128xf32, #tpu.memory_space<vmem>>)
          tpu.yield
        }) : () -> ()
        %get3A_893 = arith.constant 0 : index
        %get3A_894 = tpu.vector_load %arg5[%get3A_893] {strides = array<i32>} : memref<128xf32, #tpu.memory_space<vmem>>, vector<16xf32>,
        %get3A_895 = arith.constant 0 : index
        %get3A_896 = tpu.vector_load %arg6[%get3A_895] {strides = array<i32>} : memref<128xf32, #tpu.memory_space<vmem>>, vector<16xf32>,
        %convert_element_type3A_897 = arith.fptosi %get3A_894 : vector<16xf32> to vector<16xi32>
        %convert_element_type3A_898 = arith.fptosi %get3A_896 : vector<16xf32> to vector<16xi32>
        %convert_element_type3A_899 = arith.sitofp %convert_element_type3A_897 : vector<16xi32> to vector<16xf32>
        %sub3A_900 = arith.subf %get3A_894, %convert_element_type3A_899 : vector<16xf32>
        %convert_element_type3A_901 = arith.sitofp %convert_element_type3A_898 : vector<16xi32> to vector<16xf32>
        %sub3A_902 = arith.subf %get3A_896, %convert_element_type3A_901 : vector<16xf32>
        %mul3A_903 = arith.constant 1024 : i32
        %mul3A_904 = vector.broadcast %mul3A_903 : i32 to vector<16xi32>
        %mul3A_905 = arith.muli %convert_element_type3A_897, %mul3A_904 : vector<16xi32>
        %add3A_906 = arith.addi %mul3A_905, %convert_element_type3A_898 : vector<16xi32>
        %swap3A_907 = arith.constant 0 : index
        %swap3A_908 = tpu.vector_load %arg7[%swap3A_907] {strides = array<i32>} : memref<256xi32, #tpu.memory_space<vmem>>, vector<16xi32>,
        tpu.vector_store %arg7[%swap3A_907], %add3A_906 {strides = array<i32>} : memref<256xi32, #tpu.memory_space<vmem>>, vector<16xi32>,
        %add3A_909 = arith.constant 1024 : i32
        %add3A_910 = vector.broadcast %add3A_909 : i32 to vector<16xi32>
        %add3A_911 = arith.addi %add3A_906, %add3A_910 : vector<16xi32>
        %swap3A_912 = arith.constant 128 : index
        %swap3A_913 = tpu.vector_load %arg7[%swap3A_912] {strides = array<i32>} : memref<256xi32, #tpu.memory_space<vmem>>, vector<16xi32>,
        tpu.vector_store %arg7[%swap3A_912], %add3A_911 {strides = array<i32>} : memref<256xi32, #tpu.memory_space<vmem>>, vector<16xi32>,
        %swap3A_914 = arith.constant 0 : index
        %swap3A_915 = tpu.vector_load %arg8[%swap3A_914] {strides = array<i32>} : memref<256xf32, #tpu.memory_space<vmem>>, vector<16xf32>,
        tpu.vector_store %arg8[%swap3A_914], %sub3A_900 {strides = array<i32>} : memref<256xf32, #tpu.memory_space<vmem>>, vector<16xf32>,
        %swap3A_916 = arith.constant 128 : index
        %swap3A_917 = tpu.vector_load %arg8[%swap3A_916] {strides = array<i32>} : memref<256xf32, #tpu.memory_space<vmem>>, vector<16xf32>,
        tpu.vector_store %arg8[%swap3A_916], %sub3A_902 {strides = array<i32>} : memref<256xf32, #tpu.memory_space<vmem>>, vector<16xf32>,
        %get3A_918 = arith.constant 16 : index
        %get3A_919 = tpu.vector_load %arg5[%get3A_918] {strides = array<i32>} : memref<128xf32, #tpu.memory_space<vmem>>, vector<16xf32>,
        %get3A_920 = arith.constant 16 : index
        %get3A_921 = tpu.vector_load %arg6[%get3A_920] {strides = array<i32>} : memref<128xf32, #tpu.memory_space<vmem>>, vector<16xf32>,
        %convert_element_type3A_922 = arith.fptosi %get3A_919 : vector<16xf32> to vector<16xi32>
        %convert_element_type3A_923 = arith.fptosi %get3A_921 : vector<16xf32> to vector<16xi32>
        %convert_element_type3A_924 = arith.sitofp %convert_element_type3A_922 : vector<16xi32> to vector<16xf32>
        %sub3A_925 = arith.subf %get3A_919, %convert_element_type3A_924 : vector<16xf32>
        %convert_element_type3A_926 = arith.sitofp %convert_element_type3A_923 : vector<16xi32> to vector<16xf32>
        %sub3A_927 = arith.subf %get3A_921, %convert_element_type3A_926 : vector<16xf32>
        %mul3A_928 = arith.constant 1024 : i32
        %mul3A_929 = vector.broadcast %mul3A_928 : i32 to vector<16xi32>
        %mul3A_930 = arith.muli %convert_element_type3A_922, %mul3A_929 : vector<16xi32>
        %add3A_931 = arith.addi %mul3A_930, %convert_element_type3A_923 : vector<16xi32>
        %swap3A_932 = arith.constant 16 : index
        %swap3A_933 = tpu.vector_load %arg7[%swap3A_932] {strides = array<i32>} : memref<256xi32, #tpu.memory_space<vmem>>, vector<16xi32>,
        tpu.vector_store %arg7[%swap3A_932], %add3A_931 {strides = array<i32>} : memref<256xi32, #tpu.memory_space<vmem>>, vector<16xi32>,
        %add3A_934 = arith.constant 1024 : i32
        %add3A_935 = vector.broadcast %add3A_934 : i32 to vector<16xi32>
        %add3A_936 = arith.addi %add3A_931, %add3A_935 : vector<16xi32>
        %swap3A_937 = arith.constant 144 : index
        %swap3A_938 = tpu.vector_load %arg7[%swap3A_937] {strides = array<i32>} : memref<256xi32, #tpu.memory_space<vmem>>, vector<16xi32>,
        tpu.vector_store %arg7[%swap3A_937], %add3A_936 {strides = array<i32>} : memref<256xi32, #tpu.memory_space<vmem>>, vector<16xi32>,
        %swap3A_939 = arith.constant 16 : index
        %swap3A_940 = tpu.vector_load %arg8[%swap3A_939] {strides = array<i32>} : memref<256xf32, #tpu.memory_space<vmem>>, vector<16xf32>,
        tpu.vector_store %arg8[%swap3A_939], %sub3A_925 {strides = array<i32>} : memref<256xf32, #tpu.memory_space<vmem>>, vector<16xf32>,
        %swap3A_941 = arith.constant 144 : index
        %swap3A_942 = tpu.vector_load %arg8[%swap3A_941] {strides = array<i32>} : memref<256xf32, #tpu.memory_space<vmem>>, vector<16xf32>,
        tpu.vector_store %arg8[%swap3A_941], %sub3A_927 {strides = array<i32>} : memref<256xf32, #tpu.memory_space<vmem>>, vector<16xf32>,
        %get3A_943 = arith.constant 32 : index
        %get3A_944 = tpu.vector_load %arg5[%get3A_943] {strides = array<i32>} : memref<128xf32, #tpu.memory_space<vmem>>, vector<16xf32>,
        %get3A_945 = arith.constant 32 : index
        %get3A_946 = tpu.vector_load %arg6[%get3A_945] {strides = array<i32>} : memref<128xf32, #tpu.memory_space<vmem>>, vector<16xf32>,
        %convert_element_type3A_947 = arith.fptosi %get3A_944 : vector<16xf32> to vector<16xi32>
        %convert_element_type3A_948 = arith.fptosi %get3A_946 : vector<16xf32> to vector<16xi32>
        %convert_element_type3A_949 = arith.sitofp %convert_element_type3A_947 : vector<16xi32> to vector<16xf32>
        %sub3A_950 = arith.subf %get3A_944, %convert_element_type3A_949 : vector<16xf32>
        %convert_element_type3A_951 = arith.sitofp %convert_element_type3A_948 : vector<16xi32> to vector<16xf32>
        %sub3A_952 = arith.subf %get3A_946, %convert_element_type3A_951 : vector<16xf32>
        %mul3A_953 = arith.constant 1024 : i32
        %mul3A_954 = vector.broadcast %mul3A_953 : i32 to vector<16xi32>
        %mul3A_955 = arith.muli %convert_element_type3A_947, %mul3A_954 : vector<16xi32>
        %add3A_956 = arith.addi %mul3A_955, %convert_element_type3A_948 : vector<16xi32>
        %swap3A_957 = arith.constant 32 : index
        %swap3A_958 = tpu.vector_load %arg7[%swap3A_957] {strides = array<i32>} : memref<256xi32, #tpu.memory_space<vmem>>, vector<16xi32>,
        tpu.vector_store %arg7[%swap3A_957], %add3A_956 {strides = array<i32>} : memref<256xi32, #tpu.memory_space<vmem>>, vector<16xi32>,
        %add3A_959 = arith.constant 1024 : i32
        %add3A_960 = vector.broadcast %add3A_959 : i32 to vector<16xi32>
        %add3A_961 = arith.addi %add3A_956, %add3A_960 : vector<16xi32>
        %swap3A_962 = arith.constant 160 : index
        %swap3A_963 = tpu.vector_load %arg7[%swap3A_962] {strides = array<i32>} : memref<256xi32, #tpu.memory_space<vmem>>, vector<16xi32>,
        tpu.vector_store %arg7[%swap3A_962], %add3A_961 {strides = array<i32>} : memref<256xi32, #tpu.memory_space<vmem>>, vector<16xi32>,
        %swap3A_964 = arith.constant 32 : index
        %swap3A_965 = tpu.vector_load %arg8[%swap3A_964] {strides = array<i32>} : memref<256xf32, #tpu.memory_space<vmem>>, vector<16xf32>,
        tpu.vector_store %arg8[%swap3A_964], %sub3A_950 {strides = array<i32>} : memref<256xf32, #tpu.memory_space<vmem>>, vector<16xf32>,
        %swap3A_966 = arith.constant 160 : index
        %swap3A_967 = tpu.vector_load %arg8[%swap3A_966] {strides = array<i32>} : memref<256xf32, #tpu.memory_space<vmem>>, vector<16xf32>,
        tpu.vector_store %arg8[%swap3A_966], %sub3A_952 {strides = array<i32>} : memref<256xf32, #tpu.memory_space<vmem>>, vector<16xf32>,
        %get3A_968 = arith.constant 48 : index
        %get3A_969 = tpu.vector_load %arg5[%get3A_968] {strides = array<i32>} : memref<128xf32, #tpu.memory_space<vmem>>, vector<16xf32>,
        %get3A_970 = arith.constant 48 : index
        %get3A_971 = tpu.vector_load %arg6[%get3A_970] {strides = array<i32>} : memref<128xf32, #tpu.memory_space<vmem>>, vector<16xf32>,
        %convert_element_type3A_972 = arith.fptosi %get3A_969 : vector<16xf32> to vector<16xi32>
        %convert_element_type3A_973 = arith.fptosi %get3A_971 : vector<16xf32> to vector<16xi32>
        %convert_element_type3A_974 = arith.sitofp %convert_element_type3A_972 : vector<16xi32> to vector<16xf32>
        %sub3A_975 = arith.subf %get3A_969, %convert_element_type3A_974 : vector<16xf32>
        %convert_element_type3A_976 = arith.sitofp %convert_element_type3A_973 : vector<16xi32> to vector<16xf32>
        %sub3A_977 = arith.subf %get3A_971, %convert_element_type3A_976 : vector<16xf32>
        %mul3A_978 = arith.constant 1024 : i32
        %mul3A_979 = vector.broadcast %mul3A_978 : i32 to vector<16xi32>
        %mul3A_980 = arith.muli %convert_element_type3A_972, %mul3A_979 : vector<16xi32>
        %add3A_981 = arith.addi %mul3A_980, %convert_element_type3A_973 : vector<16xi32>
        %swap3A_982 = arith.constant 48 : index
        %swap3A_983 = tpu.vector_load %arg7[%swap3A_982] {strides = array<i32>} : memref<256xi32, #tpu.memory_space<vmem>>, vector<16xi32>,
        tpu.vector_store %arg7[%swap3A_982], %add3A_981 {strides = array<i32>} : memref<256xi32, #tpu.memory_space<vmem>>, vector<16xi32>,
        %add3A_984 = arith.constant 1024 : i32
        %add3A_985 = vector.broadcast %add3A_984 : i32 to vector<16xi32>
        %add3A_986 = arith.addi %add3A_981, %add3A_985 : vector<16xi32>
        %swap3A_987 = arith.constant 176 : index
        %swap3A_988 = tpu.vector_load %arg7[%swap3A_987] {strides = array<i32>} : memref<256xi32, #tpu.memory_space<vmem>>, vector<16xi32>,
        tpu.vector_store %arg7[%swap3A_987], %add3A_986 {strides = array<i32>} : memref<256xi32, #tpu.memory_space<vmem>>, vector<16xi32>,
        %swap3A_989 = arith.constant 48 : index
        %swap3A_990 = tpu.vector_load %arg8[%swap3A_989] {strides = array<i32>} : memref<256xf32, #tpu.memory_space<vmem>>, vector<16xf32>,
        tpu.vector_store %arg8[%swap3A_989], %sub3A_975 {strides = array<i32>} : memref<256xf32, #tpu.memory_space<vmem>>, vector<16xf32>,
        %swap3A_991 = arith.constant 176 : index
        %swap3A_992 = tpu.vector_load %arg8[%swap3A_991] {strides = array<i32>} : memref<256xf32, #tpu.memory_space<vmem>>, vector<16xf32>,
        tpu.vector_store %arg8[%swap3A_991], %sub3A_977 {strides = array<i32>} : memref<256xf32, #tpu.memory_space<vmem>>, vector<16xf32>,
        %get3A_993 = arith.constant 64 : index
        %get3A_994 = tpu.vector_load %arg5[%get3A_993] {strides = array<i32>} : memref<128xf32, #tpu.memory_space<vmem>>, vector<16xf32>,
        %get3A_995 = arith.constant 64 : index
        %get3A_996 = tpu.vector_load %arg6[%get3A_995] {strides = array<i32>} : memref<128xf32, #tpu.memory_space<vmem>>, vector<16xf32>,
        %convert_element_type3A_997 = arith.fptosi %get3A_994 : vector<16xf32> to vector<16xi32>
        %convert_element_type3A_998 = arith.fptosi %get3A_996 : vector<16xf32> to vector<16xi32>
        %convert_element_type3A_999 = arith.sitofp %convert_element_type3A_997 : vector<16xi32> to vector<16xf32>
        %sub3A_1000 = arith.subf %get3A_994, %convert_element_type3A_999 : vector<16xf32>
        %convert_element_type3A_1001 = arith.sitofp %convert_element_type3A_998 : vector<16xi32> to vector<16xf32>
        %sub3A_1002 = arith.subf %get3A_996, %convert_element_type3A_1001 : vector<16xf32>
        %mul3A_1003 = arith.constant 1024 : i32
        %mul3A_1004 = vector.broadcast %mul3A_1003 : i32 to vector<16xi32>
        %mul3A_1005 = arith.muli %convert_element_type3A_997, %mul3A_1004 : vector<16xi32>
        %add3A_1006 = arith.addi %mul3A_1005, %convert_element_type3A_998 : vector<16xi32>
        %swap3A_1007 = arith.constant 64 : index
        %swap3A_1008 = tpu.vector_load %arg7[%swap3A_1007] {strides = array<i32>} : memref<256xi32, #tpu.memory_space<vmem>>, vector<16xi32>,
        tpu.vector_store %arg7[%swap3A_1007], %add3A_1006 {strides = array<i32>} : memref<256xi32, #tpu.memory_space<vmem>>, vector<16xi32>,
        %add3A_1009 = arith.constant 1024 : i32
        %add3A_1010 = vector.broadcast %add3A_1009 : i32 to vector<16xi32>
        %add3A_1011 = arith.addi %add3A_1006, %add3A_1010 : vector<16xi32>
        %swap3A_1012 = arith.constant 192 : index
        %swap3A_1013 = tpu.vector_load %arg7[%swap3A_1012] {strides = array<i32>} : memref<256xi32, #tpu.memory_space<vmem>>, vector<16xi32>,
        tpu.vector_store %arg7[%swap3A_1012], %add3A_1011 {strides = array<i32>} : memref<256xi32, #tpu.memory_space<vmem>>, vector<16xi32>,
        %swap3A_1014 = arith.constant 64 : index
        %swap3A_1015 = tpu.vector_load %arg8[%swap3A_1014] {strides = array<i32>} : memref<256xf32, #tpu.memory_space<vmem>>, vector<16xf32>,
        tpu.vector_store %arg8[%swap3A_1014], %sub3A_1000 {strides = array<i32>} : memref<256xf32, #tpu.memory_space<vmem>>, vector<16xf32>,
        %swap3A_1016 = arith.constant 192 : index
        %swap3A_1017 = tpu.vector_load %arg8[%swap3A_1016] {strides = array<i32>} : memref<256xf32, #tpu.memory_space<vmem>>, vector<16xf32>,
        tpu.vector_store %arg8[%swap3A_1016], %sub3A_1002 {strides = array<i32>} : memref<256xf32, #tpu.memory_space<vmem>>, vector<16xf32>,
        %get3A_1018 = arith.constant 80 : index
        %get3A_1019 = tpu.vector_load %arg5[%get3A_1018] {strides = array<i32>} : memref<128xf32, #tpu.memory_space<vmem>>, vector<16xf32>,
        %get3A_1020 = arith.constant 80 : index
        %get3A_1021 = tpu.vector_load %arg6[%get3A_1020] {strides = array<i32>} : memref<128xf32, #tpu.memory_space<vmem>>, vector<16xf32>,
        %convert_element_type3A_1022 = arith.fptosi %get3A_1019 : vector<16xf32> to vector<16xi32>
        %convert_element_type3A_1023 = arith.fptosi %get3A_1021 : vector<16xf32> to vector<16xi32>
        %convert_element_type3A_1024 = arith.sitofp %convert_element_type3A_1022 : vector<16xi32> to vector<16xf32>
        %sub3A_1025 = arith.subf %get3A_1019, %convert_element_type3A_1024 : vector<16xf32>
        %convert_element_type3A_1026 = arith.sitofp %convert_element_type3A_1023 : vector<16xi32> to vector<16xf32>
        %sub3A_1027 = arith.subf %get3A_1021, %convert_element_type3A_1026 : vector<16xf32>
        %mul3A_1028 = arith.constant 1024 : i32
        %mul3A_1029 = vector.broadcast %mul3A_1028 : i32 to vector<16xi32>
        %mul3A_1030 = arith.muli %convert_element_type3A_1022, %mul3A_1029 : vector<16xi32>
        %add3A_1031 = arith.addi %mul3A_1030, %convert_element_type3A_1023 : vector<16xi32>
        %swap3A_1032 = arith.constant 80 : index
        %swap3A_1033 = tpu.vector_load %arg7[%swap3A_1032] {strides = array<i32>} : memref<256xi32, #tpu.memory_space<vmem>>, vector<16xi32>,
        tpu.vector_store %arg7[%swap3A_1032], %add3A_1031 {strides = array<i32>} : memref<256xi32, #tpu.memory_space<vmem>>, vector<16xi32>,
        %add3A_1034 = arith.constant 1024 : i32
        %add3A_1035 = vector.broadcast %add3A_1034 : i32 to vector<16xi32>
        %add3A_1036 = arith.addi %add3A_1031, %add3A_1035 : vector<16xi32>
        %swap3A_1037 = arith.constant 208 : index
        %swap3A_1038 = tpu.vector_load %arg7[%swap3A_1037] {strides = array<i32>} : memref<256xi32, #tpu.memory_space<vmem>>, vector<16xi32>,
        tpu.vector_store %arg7[%swap3A_1037], %add3A_1036 {strides = array<i32>} : memref<256xi32, #tpu.memory_space<vmem>>, vector<16xi32>,
        %swap3A_1039 = arith.constant 80 : index
        %swap3A_1040 = tpu.vector_load %arg8[%swap3A_1039] {strides = array<i32>} : memref<256xf32, #tpu.memory_space<vmem>>, vector<16xf32>,
        tpu.vector_store %arg8[%swap3A_1039], %sub3A_1025 {strides = array<i32>} : memref<256xf32, #tpu.memory_space<vmem>>, vector<16xf32>,
        %swap3A_1041 = arith.constant 208 : index
        %swap3A_1042 = tpu.vector_load %arg8[%swap3A_1041] {strides = array<i32>} : memref<256xf32, #tpu.memory_space<vmem>>, vector<16xf32>,
        tpu.vector_store %arg8[%swap3A_1041], %sub3A_1027 {strides = array<i32>} : memref<256xf32, #tpu.memory_space<vmem>>, vector<16xf32>,
        %get3A_1043 = arith.constant 96 : index
        %get3A_1044 = tpu.vector_load %arg5[%get3A_1043] {strides = array<i32>} : memref<128xf32, #tpu.memory_space<vmem>>, vector<16xf32>,
        %get3A_1045 = arith.constant 96 : index
        %get3A_1046 = tpu.vector_load %arg6[%get3A_1045] {strides = array<i32>} : memref<128xf32, #tpu.memory_space<vmem>>, vector<16xf32>,
        %convert_element_type3A_1047 = arith.fptosi %get3A_1044 : vector<16xf32> to vector<16xi32>
        %convert_element_type3A_1048 = arith.fptosi %get3A_1046 : vector<16xf32> to vector<16xi32>
        %convert_element_type3A_1049 = arith.sitofp %convert_element_type3A_1047 : vector<16xi32> to vector<16xf32>
        %sub3A_1050 = arith.subf %get3A_1044, %convert_element_type3A_1049 : vector<16xf32>
        %convert_element_type3A_1051 = arith.sitofp %convert_element_type3A_1048 : vector<16xi32> to vector<16xf32>
        %sub3A_1052 = arith.subf %get3A_1046, %convert_element_type3A_1051 : vector<16xf32>
        %mul3A_1053 = arith.constant 1024 : i32
        %mul3A_1054 = vector.broadcast %mul3A_1053 : i32 to vector<16xi32>
        %mul3A_1055 = arith.muli %convert_element_type3A_1047, %mul3A_1054 : vector<16xi32>
        %add3A_1056 = arith.addi %mul3A_1055, %convert_element_type3A_1048 : vector<16xi32>
        %swap3A_1057 = arith.constant 96 : index
        %swap3A_1058 = tpu.vector_load %arg7[%swap3A_1057] {strides = array<i32>} : memref<256xi32, #tpu.memory_space<vmem>>, vector<16xi32>,
        tpu.vector_store %arg7[%swap3A_1057], %add3A_1056 {strides = array<i32>} : memref<256xi32, #tpu.memory_space<vmem>>, vector<16xi32>,
        %add3A_1059 = arith.constant 1024 : i32
        %add3A_1060 = vector.broadcast %add3A_1059 : i32 to vector<16xi32>
        %add3A_1061 = arith.addi %add3A_1056, %add3A_1060 : vector<16xi32>
        %swap3A_1062 = arith.constant 224 : index
        %swap3A_1063 = tpu.vector_load %arg7[%swap3A_1062] {strides = array<i32>} : memref<256xi32, #tpu.memory_space<vmem>>, vector<16xi32>,
        tpu.vector_store %arg7[%swap3A_1062], %add3A_1061 {strides = array<i32>} : memref<256xi32, #tpu.memory_space<vmem>>, vector<16xi32>,
        %swap3A_1064 = arith.constant 96 : index
        %swap3A_1065 = tpu.vector_load %arg8[%swap3A_1064] {strides = array<i32>} : memref<256xf32, #tpu.memory_space<vmem>>, vector<16xf32>,
        tpu.vector_store %arg8[%swap3A_1064], %sub3A_1050 {strides = array<i32>} : memref<256xf32, #tpu.memory_space<vmem>>, vector<16xf32>,
        %swap3A_1066 = arith.constant 224 : index
        %swap3A_1067 = tpu.vector_load %arg8[%swap3A_1066] {strides = array<i32>} : memref<256xf32, #tpu.memory_space<vmem>>, vector<16xf32>,
        tpu.vector_store %arg8[%swap3A_1066], %sub3A_1052 {strides = array<i32>} : memref<256xf32, #tpu.memory_space<vmem>>, vector<16xf32>,
        %get3A_1068 = arith.constant 112 : index
        %get3A_1069 = tpu.vector_load %arg5[%get3A_1068] {strides = array<i32>} : memref<128xf32, #tpu.memory_space<vmem>>, vector<16xf32>,
        %get3A_1070 = arith.constant 112 : index
        %get3A_1071 = tpu.vector_load %arg6[%get3A_1070] {strides = array<i32>} : memref<128xf32, #tpu.memory_space<vmem>>, vector<16xf32>,
        %convert_element_type3A_1072 = arith.fptosi %get3A_1069 : vector<16xf32> to vector<16xi32>
        %convert_element_type3A_1073 = arith.fptosi %get3A_1071 : vector<16xf32> to vector<16xi32>
        %convert_element_type3A_1074 = arith.sitofp %convert_element_type3A_1072 : vector<16xi32> to vector<16xf32>
        %sub3A_1075 = arith.subf %get3A_1069, %convert_element_type3A_1074 : vector<16xf32>
        %convert_element_type3A_1076 = arith.sitofp %convert_element_type3A_1073 : vector<16xi32> to vector<16xf32>
        %sub3A_1077 = arith.subf %get3A_1071, %convert_element_type3A_1076 : vector<16xf32>
        %mul3A_1078 = arith.constant 1024 : i32
        %mul3A_1079 = vector.broadcast %mul3A_1078 : i32 to vector<16xi32>
        %mul3A_1080 = arith.muli %convert_element_type3A_1072, %mul3A_1079 : vector<16xi32>
        %add3A_1081 = arith.addi %mul3A_1080, %convert_element_type3A_1073 : vector<16xi32>
        %swap3A_1082 = arith.constant 112 : index
        %swap3A_1083 = tpu.vector_load %arg7[%swap3A_1082] {strides = array<i32>} : memref<256xi32, #tpu.memory_space<vmem>>, vector<16xi32>,
        tpu.vector_store %arg7[%swap3A_1082], %add3A_1081 {strides = array<i32>} : memref<256xi32, #tpu.memory_space<vmem>>, vector<16xi32>,
        %add3A_1084 = arith.constant 1024 : i32
        %add3A_1085 = vector.broadcast %add3A_1084 : i32 to vector<16xi32>
        %add3A_1086 = arith.addi %add3A_1081, %add3A_1085 : vector<16xi32>
        %swap3A_1087 = arith.constant 240 : index
        %swap3A_1088 = tpu.vector_load %arg7[%swap3A_1087] {strides = array<i32>} : memref<256xi32, #tpu.memory_space<vmem>>, vector<16xi32>,
        tpu.vector_store %arg7[%swap3A_1087], %add3A_1086 {strides = array<i32>} : memref<256xi32, #tpu.memory_space<vmem>>, vector<16xi32>,
        %swap3A_1089 = arith.constant 112 : index
        %swap3A_1090 = tpu.vector_load %arg8[%swap3A_1089] {strides = array<i32>} : memref<256xf32, #tpu.memory_space<vmem>>, vector<16xf32>,
        tpu.vector_store %arg8[%swap3A_1089], %sub3A_1075 {strides = array<i32>} : memref<256xf32, #tpu.memory_space<vmem>>, vector<16xf32>,
        %swap3A_1091 = arith.constant 240 : index
        %swap3A_1092 = tpu.vector_load %arg8[%swap3A_1091] {strides = array<i32>} : memref<256xf32, #tpu.memory_space<vmem>>, vector<16xf32>,
        tpu.vector_store %arg8[%swap3A_1091], %sub3A_1077 {strides = array<i32>} : memref<256xf32, #tpu.memory_space<vmem>>, vector<16xf32>,
        %dma_start3A_1093 = arith.constant 0 : i32
        %dma_start3A_1094 = arith.constant 0 : i32
        %dma_start3A_1095 = arith.constant 0 : i32
        %dma_start3A_1096 = tpu.memref_slice %arg9[%dma_start3A_1093, %dma_start3A_1094, %dma_start3A_1095] : memref<2x128x128xf32, #tpu.memory_space<vmem>> -> memref<1x128x128xf32, #tpu.memory_space<vmem>>
        %dma_start3A_1097 = tpu.memref_squeeze %dma_start3A_1096 : memref<1x128x128xf32, #tpu.memory_space<vmem>> -> memref<128x128xf32, #tpu.memory_space<vmem>>
        %dma_start3A_1098 = arith.constant 0 : i32
        %dma_start3A_1099 = tpu.memref_slice %arg7[%dma_start3A_1098] : memref<256xi32, #tpu.memory_space<vmem>> -> memref<128xi32, #tpu.memory_space<vmem>>
        %dma_start3A_1100 = arith.constant 0 : i32
        %dma_start3A_1101 = arith.constant 0 : i32
        %dma_start3A_1102 = tpu.memref_slice %arg3[%dma_start3A_1100, %dma_start3A_1101] : memref<1048576x128xf32, #tpu.memory_space<hbm>> -> memref<1048576x128xf32, #tpu.memory_space<hbm>>
        tpu.enqueue_indirect_dma source(%dma_start3A_1102 : memref<1048576x128xf32, #tpu.memory_space<hbm>>) target(%dma_start3A_1097 : memref<128x128xf32, #tpu.memory_space<vmem>>) offsets(%dma_start3A_1099 : memref<128xi32, #tpu.memory_space<vmem>>) semaphore(%arg10 : memref<!tpu.dma_semaphore, #tpu.memory_space<semaphore_mem>>)
        %dma_start3A_1103 = arith.constant 1 : i32
        %dma_start3A_1104 = arith.constant 0 : i32
        %dma_start3A_1105 = arith.constant 0 : i32
        %dma_start3A_1106 = tpu.memref_slice %arg9[%dma_start3A_1103, %dma_start3A_1104, %dma_start3A_1105] : memref<2x128x128xf32, #tpu.memory_space<vmem>> -> memref<1x128x128xf32, #tpu.memory_space<vmem>>
        %dma_start3A_1107 = tpu.memref_squeeze %dma_start3A_1106 : memref<1x128x128xf32, #tpu.memory_space<vmem>> -> memref<128x128xf32, #tpu.memory_space<vmem>>
        %dma_start3A_1108 = arith.constant 128 : i32
        %dma_start3A_1109 = tpu.memref_slice %arg7[%dma_start3A_1108] : memref<256xi32, #tpu.memory_space<vmem>> -> memref<128xi32, #tpu.memory_space<vmem>>
        %dma_start3A_1110 = arith.constant 0 : i32
        %dma_start3A_1111 = arith.constant 0 : i32
        %dma_start3A_1112 = tpu.memref_slice %arg3[%dma_start3A_1110, %dma_start3A_1111] : memref<1048576x128xf32, #tpu.memory_space<hbm>> -> memref<1048576x128xf32, #tpu.memory_space<hbm>>
        tpu.enqueue_indirect_dma source(%dma_start3A_1112 : memref<1048576x128xf32, #tpu.memory_space<hbm>>) target(%dma_start3A_1107 : memref<128x128xf32, #tpu.memory_space<vmem>>) offsets(%dma_start3A_1109 : memref<128xi32, #tpu.memory_space<vmem>>) semaphore(%arg10 : memref<!tpu.dma_semaphore, #tpu.memory_space<semaphore_mem>>)
      } else {
      }
      %dma_wait3A_526 = arith.constant 0 : i32
      %dma_wait3A_527 = arith.constant 0 : i32
      %dma_wait3A_528 = arith.constant 0 : i32
      %dma_wait3A_529 = tpu.memref_slice %arg15[%dma_wait3A_526, %dma_wait3A_527, %dma_wait3A_528] : memref<2x128x128xf32, #tpu.memory_space<vmem>> -> memref<1x128x128xf32, #tpu.memory_space<vmem>>
      %dma_wait3A_530 = tpu.memref_squeeze %dma_wait3A_529 : memref<1x128x128xf32, #tpu.memory_space<vmem>> -> memref<128x128xf32, #tpu.memory_space<vmem>>
      %dma_wait3A_531 = arith.constant 0 : i32
      %dma_wait3A_532 = tpu.memref_slice %arg13[%dma_wait3A_531] : memref<256xi32, #tpu.memory_space<vmem>> -> memref<128xi32, #tpu.memory_space<vmem>>
      %dma_wait3A_533 = arith.constant 0 : i32
      %dma_wait3A_534 = arith.constant 0 : i32
      %dma_wait3A_535 = tpu.memref_slice %arg3[%dma_wait3A_533, %dma_wait3A_534] : memref<1048576x128xf32, #tpu.memory_space<hbm>> -> memref<1048576x128xf32, #tpu.memory_space<hbm>>
      tpu.wait_indirect_dma semaphore(%arg16 : memref<!tpu.dma_semaphore, #tpu.memory_space<semaphore_mem>>) src(%dma_wait3A_535 : memref<1048576x128xf32, #tpu.memory_space<hbm>>) dst(%dma_wait3A_530 : memref<128x128xf32, #tpu.memory_space<vmem>>)
      %dma_wait3A_536 = arith.constant 1 : i32
      %dma_wait3A_537 = arith.constant 0 : i32
      %dma_wait3A_538 = arith.constant 0 : i32
      %dma_wait3A_539 = tpu.memref_slice %arg15[%dma_wait3A_536, %dma_wait3A_537, %dma_wait3A_538] : memref<2x128x128xf32, #tpu.memory_space<vmem>> -> memref<1x128x128xf32, #tpu.memory_space<vmem>>
      %dma_wait3A_540 = tpu.memref_squeeze %dma_wait3A_539 : memref<1x128x128xf32, #tpu.memory_space<vmem>> -> memref<128x128xf32, #tpu.memory_space<vmem>>
      %dma_wait3A_541 = arith.constant 128 : i32
      %dma_wait3A_542 = tpu.memref_slice %arg13[%dma_wait3A_541] : memref<256xi32, #tpu.memory_space<vmem>> -> memref<128xi32, #tpu.memory_space<vmem>>
      %dma_wait3A_543 = arith.constant 0 : i32
      %dma_wait3A_544 = arith.constant 0 : i32
      %dma_wait3A_545 = tpu.memref_slice %arg3[%dma_wait3A_543, %dma_wait3A_544] : memref<1048576x128xf32, #tpu.memory_space<hbm>> -> memref<1048576x128xf32, #tpu.memory_space<hbm>>
      tpu.wait_indirect_dma semaphore(%arg16 : memref<!tpu.dma_semaphore, #tpu.memory_space<semaphore_mem>>) src(%dma_wait3A_545 : memref<1048576x128xf32, #tpu.memory_space<hbm>>) dst(%dma_wait3A_540 : memref<128x128xf32, #tpu.memory_space<vmem>>)
      %iota3A_546 = tpu.iota {dimensions = array<i32: 0>} : vector<16xi32>
      %broadcast_in_dim3A_547 = arith.constant 0 : i32
      %broadcast_in_dim3A_548 = vector.broadcast %broadcast_in_dim3A_547 : i32 to vector<16xi32>
      %parallel_loop3A_549 = arith.constant 0 : i32
      %parallel_loop3A_550 = arith.constant 128 : i32
      %parallel_loop3A_551 = arith.constant 1 : i32
      %parallel_loop3A_552 = arith.constant 0 : i32
      scf.for %parallel_loop3A_884 = %parallel_loop3A_549 to %parallel_loop3A_550 step %parallel_loop3A_551  : i32 {
        %parallel_loop3A_885 = vector.broadcast %parallel_loop3A_884 : i32 to vector<16xi32>
        %parallel_loop3A_886 = arith.addi %broadcast_in_dim3A_548, %parallel_loop3A_885 : vector<16xi32>
        %parallel_loop3A_887 = tpu.vector_load_idx %arg14[%parallel_loop3A_886] : memref<256xf32, #tpu.memory_space<vmem>>[vector<16xi32>], vector<16xf32>,
        %parallel_loop3A_888 = arith.constant 128 : i32
        %parallel_loop3A_889 = vector.broadcast %parallel_loop3A_888 : i32 to vector<16xi32>
        %parallel_loop3A_890 = arith.addi %parallel_loop3A_886, %parallel_loop3A_889 : vector<16xi32>
        %parallel_loop3A_891 = tpu.vector_load_idx %arg14[%parallel_loop3A_890] : memref<256xf32, #tpu.memory_space<vmem>>[vector<16xi32>], vector<16xf32>,
        %parallel_loop3A_892 = arith.constant 128 : i32
        %parallel_loop3A_893 = arith.addi %parallel_loop3A_884, %parallel_loop3A_892 : i32
        %parallel_loop3A_894 = vector.broadcast %parallel_loop3A_893 : i32 to vector<16xi32>
        %parallel_loop3A_895 = arith.addi %broadcast_in_dim3A_548, %parallel_loop3A_894 : vector<16xi32>
        %parallel_loop3A_896 = arith.constant 0 : i32
        %parallel_loop3A_897 = arith.index_cast %parallel_loop3A_896 : i32 to index
        %parallel_loop3A_898 = arith.index_cast %parallel_loop3A_884 : i32 to index
        %parallel_loop3A_899 = arith.constant 0 : index
        %parallel_loop3A_900 = tpu.vector_load %arg15[%parallel_loop3A_897, %parallel_loop3A_898, %parallel_loop3A_899] {strides = array<i32>} : memref<2x128x128xf32, #tpu.memory_space<vmem>>, vector<16xf32>,
        %parallel_loop3A_901 = arith.constant 0 : i32
        %parallel_loop3A_902 = arith.index_cast %parallel_loop3A_901 : i32 to index
        %parallel_loop3A_903 = arith.index_cast %parallel_loop3A_884 : i32 to index
        %parallel_loop3A_904 = arith.constant 64 : index
        %parallel_loop3A_905 = tpu.vector_load %arg15[%parallel_loop3A_902, %parallel_loop3A_903, %parallel_loop3A_904] {strides = array<i32>} : memref<2x128x128xf32, #tpu.memory_space<vmem>>, vector<16xf32>,
        %parallel_loop3A_906 = arith.constant 1 : i32
        %parallel_loop3A_907 = arith.index_cast %parallel_loop3A_906 : i32 to index
        %parallel_loop3A_908 = arith.index_cast %parallel_loop3A_884 : i32 to index
        %parallel_loop3A_909 = arith.constant 0 : index
        %parallel_loop3A_910 = tpu.vector_load %arg15[%parallel_loop3A_907, %parallel_loop3A_908, %parallel_loop3A_909] {strides = array<i32>} : memref<2x128x128xf32, #tpu.memory_space<vmem>>, vector<16xf32>,
        %parallel_loop3A_911 = arith.constant 1 : i32
        %parallel_loop3A_912 = arith.index_cast %parallel_loop3A_911 : i32 to index
        %parallel_loop3A_913 = arith.index_cast %parallel_loop3A_884 : i32 to index
        %parallel_loop3A_914 = arith.constant 64 : index
        %parallel_loop3A_915 = tpu.vector_load %arg15[%parallel_loop3A_912, %parallel_loop3A_913, %parallel_loop3A_914] {strides = array<i32>} : memref<2x128x128xf32, #tpu.memory_space<vmem>>, vector<16xf32>,
        %parallel_loop3A_916 = arith.subf %parallel_loop3A_910, %parallel_loop3A_900 : vector<16xf32>
        %parallel_loop3A_917 = arith.mulf %parallel_loop3A_887, %parallel_loop3A_916 : vector<16xf32>
        %parallel_loop3A_918 = arith.addf %parallel_loop3A_900, %parallel_loop3A_917 : vector<16xf32>
        %parallel_loop3A_919 = arith.subf %parallel_loop3A_915, %parallel_loop3A_905 : vector<16xf32>
        %parallel_loop3A_920 = arith.mulf %parallel_loop3A_887, %parallel_loop3A_919 : vector<16xf32>
        %parallel_loop3A_921 = arith.addf %parallel_loop3A_905, %parallel_loop3A_920 : vector<16xf32>
        %parallel_loop3A_922 = arith.subf %parallel_loop3A_921, %parallel_loop3A_918 : vector<16xf32>
        %parallel_loop3A_923 = arith.mulf %parallel_loop3A_891, %parallel_loop3A_922 : vector<16xf32>
        %parallel_loop3A_924 = arith.addf %parallel_loop3A_918, %parallel_loop3A_923 : vector<16xf32>
        %parallel_loop3A_925 = arith.constant 0 : i32
        %parallel_loop3A_926 = vector.broadcast %parallel_loop3A_925 : i32 to vector<16xi32>
        %parallel_loop3A_927 = arith.addi %iota3A_546, %parallel_loop3A_926 : vector<16xi32>
        %parallel_loop3A_928 = arith.constant 0 : i32
        %parallel_loop3A_929 = arith.constant 0 : i32
        %parallel_loop3A_930 = tpu.memref_slice %arg17[%parallel_loop3A_552, %parallel_loop3A_928, %parallel_loop3A_929] : memref<2x64x256xf32, #tpu.memory_space<vmem>> -> memref<1x64x256xf32, #tpu.memory_space<vmem>>
        %parallel_loop3A_931 = tpu.memref_squeeze %parallel_loop3A_930 : memref<1x64x256xf32, #tpu.memory_space<vmem>> -> memref<64x256xf32, #tpu.memory_space<vmem>>
        tpu.vector_store_idx %parallel_loop3A_931[%parallel_loop3A_927, %parallel_loop3A_895], %parallel_loop3A_924 : memref<64x256xf32, #tpu.memory_space<vmem>>[vector<16xi32>, vector<16xi32>], vector<16xf32>,
        %parallel_loop3A_932 = arith.constant 0 : i32
        %parallel_loop3A_933 = arith.index_cast %parallel_loop3A_932 : i32 to index
        %parallel_loop3A_934 = arith.index_cast %parallel_loop3A_884 : i32 to index
        %parallel_loop3A_935 = arith.constant 16 : index
        %parallel_loop3A_936 = tpu.vector_load %arg15[%parallel_loop3A_933, %parallel_loop3A_934, %parallel_loop3A_935] {strides = array<i32>} : memref<2x128x128xf32, #tpu.memory_space<vmem>>, vector<16xf32>,
        %parallel_loop3A_937 = arith.constant 0 : i32
        %parallel_loop3A_938 = arith.index_cast %parallel_loop3A_937 : i32 to index
        %parallel_loop3A_939 = arith.index_cast %parallel_loop3A_884 : i32 to index
        %parallel_loop3A_940 = arith.constant 80 : index
        %parallel_loop3A_941 = tpu.vector_load %arg15[%parallel_loop3A_938, %parallel_loop3A_939, %parallel_loop3A_940] {strides = array<i32>} : memref<2x128x128xf32, #tpu.memory_space<vmem>>, vector<16xf32>,
        %parallel_loop3A_942 = arith.constant 1 : i32
        %parallel_loop3A_943 = arith.index_cast %parallel_loop3A_942 : i32 to index
        %parallel_loop3A_944 = arith.index_cast %parallel_loop3A_884 : i32 to index
        %parallel_loop3A_945 = arith.constant 16 : index
        %parallel_loop3A_946 = tpu.vector_load %arg15[%parallel_loop3A_943, %parallel_loop3A_944, %parallel_loop3A_945] {strides = array<i32>} : memref<2x128x128xf32, #tpu.memory_space<vmem>>, vector<16xf32>,
        %parallel_loop3A_947 = arith.constant 1 : i32
        %parallel_loop3A_948 = arith.index_cast %parallel_loop3A_947 : i32 to index
        %parallel_loop3A_949 = arith.index_cast %parallel_loop3A_884 : i32 to index
        %parallel_loop3A_950 = arith.constant 80 : index
        %parallel_loop3A_951 = tpu.vector_load %arg15[%parallel_loop3A_948, %parallel_loop3A_949, %parallel_loop3A_950] {strides = array<i32>} : memref<2x128x128xf32, #tpu.memory_space<vmem>>, vector<16xf32>,
        %parallel_loop3A_952 = arith.subf %parallel_loop3A_946, %parallel_loop3A_936 : vector<16xf32>
        %parallel_loop3A_953 = arith.mulf %parallel_loop3A_887, %parallel_loop3A_952 : vector<16xf32>
        %parallel_loop3A_954 = arith.addf %parallel_loop3A_936, %parallel_loop3A_953 : vector<16xf32>
        %parallel_loop3A_955 = arith.subf %parallel_loop3A_951, %parallel_loop3A_941 : vector<16xf32>
        %parallel_loop3A_956 = arith.mulf %parallel_loop3A_887, %parallel_loop3A_955 : vector<16xf32>
        %parallel_loop3A_957 = arith.addf %parallel_loop3A_941, %parallel_loop3A_956 : vector<16xf32>
        %parallel_loop3A_958 = arith.subf %parallel_loop3A_957, %parallel_loop3A_954 : vector<16xf32>
        %parallel_loop3A_959 = arith.mulf %parallel_loop3A_891, %parallel_loop3A_958 : vector<16xf32>
        %parallel_loop3A_960 = arith.addf %parallel_loop3A_954, %parallel_loop3A_959 : vector<16xf32>
        %parallel_loop3A_961 = arith.constant 16 : i32
        %parallel_loop3A_962 = vector.broadcast %parallel_loop3A_961 : i32 to vector<16xi32>
        %parallel_loop3A_963 = arith.addi %iota3A_546, %parallel_loop3A_962 : vector<16xi32>
        %parallel_loop3A_964 = arith.constant 0 : i32
        %parallel_loop3A_965 = arith.constant 0 : i32
        %parallel_loop3A_966 = tpu.memref_slice %arg17[%parallel_loop3A_552, %parallel_loop3A_964, %parallel_loop3A_965] : memref<2x64x256xf32, #tpu.memory_space<vmem>> -> memref<1x64x256xf32, #tpu.memory_space<vmem>>
        %parallel_loop3A_967 = tpu.memref_squeeze %parallel_loop3A_966 : memref<1x64x256xf32, #tpu.memory_space<vmem>> -> memref<64x256xf32, #tpu.memory_space<vmem>>
        tpu.vector_store_idx %parallel_loop3A_967[%parallel_loop3A_963, %parallel_loop3A_895], %parallel_loop3A_960 : memref<64x256xf32, #tpu.memory_space<vmem>>[vector<16xi32>, vector<16xi32>], vector<16xf32>,
        %parallel_loop3A_968 = arith.constant 0 : i32
        %parallel_loop3A_969 = arith.index_cast %parallel_loop3A_968 : i32 to index
        %parallel_loop3A_970 = arith.index_cast %parallel_loop3A_884 : i32 to index
        %parallel_loop3A_971 = arith.constant 32 : index
        %parallel_loop3A_972 = tpu.vector_load %arg15[%parallel_loop3A_969, %parallel_loop3A_970, %parallel_loop3A_971] {strides = array<i32>} : memref<2x128x128xf32, #tpu.memory_space<vmem>>, vector<16xf32>,
        %parallel_loop3A_973 = arith.constant 0 : i32
        %parallel_loop3A_974 = arith.index_cast %parallel_loop3A_973 : i32 to index
        %parallel_loop3A_975 = arith.index_cast %parallel_loop3A_884 : i32 to index
        %parallel_loop3A_976 = arith.constant 96 : index
        %parallel_loop3A_977 = tpu.vector_load %arg15[%parallel_loop3A_974, %parallel_loop3A_975, %parallel_loop3A_976] {strides = array<i32>} : memref<2x128x128xf32, #tpu.memory_space<vmem>>, vector<16xf32>,
        %parallel_loop3A_978 = arith.constant 1 : i32
        %parallel_loop3A_979 = arith.index_cast %parallel_loop3A_978 : i32 to index
        %parallel_loop3A_980 = arith.index_cast %parallel_loop3A_884 : i32 to index
        %parallel_loop3A_981 = arith.constant 32 : index
        %parallel_loop3A_982 = tpu.vector_load %arg15[%parallel_loop3A_979, %parallel_loop3A_980, %parallel_loop3A_981] {strides = array<i32>} : memref<2x128x128xf32, #tpu.memory_space<vmem>>, vector<16xf32>,
        %parallel_loop3A_983 = arith.constant 1 : i32
        %parallel_loop3A_984 = arith.index_cast %parallel_loop3A_983 : i32 to index
        %parallel_loop3A_985 = arith.index_cast %parallel_loop3A_884 : i32 to index
        %parallel_loop3A_986 = arith.constant 96 : index
        %parallel_loop3A_987 = tpu.vector_load %arg15[%parallel_loop3A_984, %parallel_loop3A_985, %parallel_loop3A_986] {strides = array<i32>} : memref<2x128x128xf32, #tpu.memory_space<vmem>>, vector<16xf32>,
        %parallel_loop3A_988 = arith.subf %parallel_loop3A_982, %parallel_loop3A_972 : vector<16xf32>
        %parallel_loop3A_989 = arith.mulf %parallel_loop3A_887, %parallel_loop3A_988 : vector<16xf32>
        %parallel_loop3A_990 = arith.addf %parallel_loop3A_972, %parallel_loop3A_989 : vector<16xf32>
        %parallel_loop3A_991 = arith.subf %parallel_loop3A_987, %parallel_loop3A_977 : vector<16xf32>
        %parallel_loop3A_992 = arith.mulf %parallel_loop3A_887, %parallel_loop3A_991 : vector<16xf32>
        %parallel_loop3A_993 = arith.addf %parallel_loop3A_977, %parallel_loop3A_992 : vector<16xf32>
        %parallel_loop3A_994 = arith.subf %parallel_loop3A_993, %parallel_loop3A_990 : vector<16xf32>
        %parallel_loop3A_995 = arith.mulf %parallel_loop3A_891, %parallel_loop3A_994 : vector<16xf32>
        %parallel_loop3A_996 = arith.addf %parallel_loop3A_990, %parallel_loop3A_995 : vector<16xf32>
        %parallel_loop3A_997 = arith.constant 32 : i32
        %parallel_loop3A_998 = vector.broadcast %parallel_loop3A_997 : i32 to vector<16xi32>
        %parallel_loop3A_999 = arith.addi %iota3A_546, %parallel_loop3A_998 : vector<16xi32>
        %parallel_loop3A_1000 = arith.constant 0 : i32
        %parallel_loop3A_1001 = arith.constant 0 : i32
        %parallel_loop3A_1002 = tpu.memref_slice %arg17[%parallel_loop3A_552, %parallel_loop3A_1000, %parallel_loop3A_1001] : memref<2x64x256xf32, #tpu.memory_space<vmem>> -> memref<1x64x256xf32, #tpu.memory_space<vmem>>
        %parallel_loop3A_1003 = tpu.memref_squeeze %parallel_loop3A_1002 : memref<1x64x256xf32, #tpu.memory_space<vmem>> -> memref<64x256xf32, #tpu.memory_space<vmem>>
        tpu.vector_store_idx %parallel_loop3A_1003[%parallel_loop3A_999, %parallel_loop3A_895], %parallel_loop3A_996 : memref<64x256xf32, #tpu.memory_space<vmem>>[vector<16xi32>, vector<16xi32>], vector<16xf32>,
        %parallel_loop3A_1004 = arith.constant 0 : i32
        %parallel_loop3A_1005 = arith.index_cast %parallel_loop3A_1004 : i32 to index
        %parallel_loop3A_1006 = arith.index_cast %parallel_loop3A_884 : i32 to index
        %parallel_loop3A_1007 = arith.constant 48 : index
        %parallel_loop3A_1008 = tpu.vector_load %arg15[%parallel_loop3A_1005, %parallel_loop3A_1006, %parallel_loop3A_1007] {strides = array<i32>} : memref<2x128x128xf32, #tpu.memory_space<vmem>>, vector<16xf32>,
        %parallel_loop3A_1009 = arith.constant 0 : i32
        %parallel_loop3A_1010 = arith.index_cast %parallel_loop3A_1009 : i32 to index
        %parallel_loop3A_1011 = arith.index_cast %parallel_loop3A_884 : i32 to index
        %parallel_loop3A_1012 = arith.constant 112 : index
        %parallel_loop3A_1013 = tpu.vector_load %arg15[%parallel_loop3A_1010, %parallel_loop3A_1011, %parallel_loop3A_1012] {strides = array<i32>} : memref<2x128x128xf32, #tpu.memory_space<vmem>>, vector<16xf32>,
        %parallel_loop3A_1014 = arith.constant 1 : i32
        %parallel_loop3A_1015 = arith.index_cast %parallel_loop3A_1014 : i32 to index
        %parallel_loop3A_1016 = arith.index_cast %parallel_loop3A_884 : i32 to index
        %parallel_loop3A_1017 = arith.constant 48 : index
        %parallel_loop3A_1018 = tpu.vector_load %arg15[%parallel_loop3A_1015, %parallel_loop3A_1016, %parallel_loop3A_1017] {strides = array<i32>} : memref<2x128x128xf32, #tpu.memory_space<vmem>>, vector<16xf32>,
        %parallel_loop3A_1019 = arith.constant 1 : i32
        %parallel_loop3A_1020 = arith.index_cast %parallel_loop3A_1019 : i32 to index
        %parallel_loop3A_1021 = arith.index_cast %parallel_loop3A_884 : i32 to index
        %parallel_loop3A_1022 = arith.constant 112 : index
        %parallel_loop3A_1023 = tpu.vector_load %arg15[%parallel_loop3A_1020, %parallel_loop3A_1021, %parallel_loop3A_1022] {strides = array<i32>} : memref<2x128x128xf32, #tpu.memory_space<vmem>>, vector<16xf32>,
        %parallel_loop3A_1024 = arith.subf %parallel_loop3A_1018, %parallel_loop3A_1008 : vector<16xf32>
        %parallel_loop3A_1025 = arith.mulf %parallel_loop3A_887, %parallel_loop3A_1024 : vector<16xf32>
        %parallel_loop3A_1026 = arith.addf %parallel_loop3A_1008, %parallel_loop3A_1025 : vector<16xf32>
        %parallel_loop3A_1027 = arith.subf %parallel_loop3A_1023, %parallel_loop3A_1013 : vector<16xf32>
        %parallel_loop3A_1028 = arith.mulf %parallel_loop3A_887, %parallel_loop3A_1027 : vector<16xf32>
        %parallel_loop3A_1029 = arith.addf %parallel_loop3A_1013, %parallel_loop3A_1028 : vector<16xf32>
        %parallel_loop3A_1030 = arith.subf %parallel_loop3A_1029, %parallel_loop3A_1026 : vector<16xf32>
        %parallel_loop3A_1031 = arith.mulf %parallel_loop3A_891, %parallel_loop3A_1030 : vector<16xf32>
        %parallel_loop3A_1032 = arith.addf %parallel_loop3A_1026, %parallel_loop3A_1031 : vector<16xf32>
        %parallel_loop3A_1033 = arith.constant 48 : i32
        %parallel_loop3A_1034 = vector.broadcast %parallel_loop3A_1033 : i32 to vector<16xi32>
        %parallel_loop3A_1035 = arith.addi %iota3A_546, %parallel_loop3A_1034 : vector<16xi32>
        %parallel_loop3A_1036 = arith.constant 0 : i32
        %parallel_loop3A_1037 = arith.constant 0 : i32
        %parallel_loop3A_1038 = tpu.memref_slice %arg17[%parallel_loop3A_552, %parallel_loop3A_1036, %parallel_loop3A_1037] : memref<2x64x256xf32, #tpu.memory_space<vmem>> -> memref<1x64x256xf32, #tpu.memory_space<vmem>>
        %parallel_loop3A_1039 = tpu.memref_squeeze %parallel_loop3A_1038 : memref<1x64x256xf32, #tpu.memory_space<vmem>> -> memref<64x256xf32, #tpu.memory_space<vmem>>
        tpu.vector_store_idx %parallel_loop3A_1039[%parallel_loop3A_1035, %parallel_loop3A_895], %parallel_loop3A_1032 : memref<64x256xf32, #tpu.memory_space<vmem>>[vector<16xi32>, vector<16xi32>], vector<16xf32>,
      } {sc.loop_unroll_factor = 4 : i64, sc.parallel_access}
      %dma_start3A_553 = arith.constant 0 : i32
      %dma_start3A_554 = arith.constant 0 : i32
      %dma_start3A_555 = arith.constant 0 : i32
      %dma_start3A_556 = tpu.memref_slice %arg17[%dma_start3A_553, %dma_start3A_554, %dma_start3A_555] : memref<2x64x256xf32, #tpu.memory_space<vmem>> -> memref<1x64x256xf32, #tpu.memory_space<vmem>>
      %dma_start3A_557 = tpu.memref_squeeze %dma_start3A_556 : memref<1x64x256xf32, #tpu.memory_space<vmem>> -> memref<64x256xf32, #tpu.memory_space<vmem>>
      %dma_start3A_558 = arith.constant 0 : i32
      %dma_start3A_559 = tpu.memref_slice %arg4[%dma_start3A_558, %add3A_262] : memref<64x524288xf32, #tpu.memory_space<hbm>> -> memref<64x256xf32, #tpu.memory_space<hbm>>
      %dma_start3A_560 = arith.constant 0 : i32
      %dma_start3A_561 = tpu.memref_slice %arg4[%dma_start3A_560, %add3A_262] : memref<64x524288xf32, #tpu.memory_space<hbm>> -> memref<64x256xf32, #tpu.memory_space<hbm>>
      %dma_start3A_562 = arith.constant 0 : i32
      %dma_start3A_563 = arith.constant 0 : i32
      %dma_start3A_564 = tpu.memref_slice %arg17[%dma_start3A_553, %dma_start3A_562, %dma_start3A_563] : memref<2x64x256xf32, #tpu.memory_space<vmem>> -> memref<1x64x256xf32, #tpu.memory_space<vmem>>
      %dma_start3A_565 = tpu.memref_squeeze %dma_start3A_564 : memref<1x64x256xf32, #tpu.memory_space<vmem>> -> memref<64x256xf32, #tpu.memory_space<vmem>>
      tpu.enqueue_dma source(%dma_start3A_565 : memref<64x256xf32, #tpu.memory_space<vmem>>) target(%dma_start3A_561 : memref<64x256xf32, #tpu.memory_space<hbm>>) target_semaphore(%arg18 : memref<!tpu.dma_semaphore, #tpu.memory_space<semaphore_mem>>)
      %mul3A_566 = arith.constant 4 : i32
      %mul3A_567 = arith.muli %scan3A_253, %mul3A_566 : i32
      %add3A_568 = arith.constant 2 : i32
      %add3A_569 = arith.addi %mul3A_567, %add3A_568 : i32
      %mul3A_570 = arith.constant 16384 : i32
      %mul3A_571 = arith.muli %add3A, %mul3A_570 : i32
      %mul3A_572 = arith.constant 128 : i32
      %mul3A_573 = arith.muli %add3A_569, %mul3A_572 : i32
      %add3A_574 = arith.addi %mul3A_571, %mul3A_573 : i32
      %add3A_575 = arith.constant 1 : i32
      %add3A_576 = arith.addi %add3A_569, %add3A_575 : i32
      %mul3A_577 = arith.constant 16384 : i32
      %mul3A_578 = arith.muli %add3A, %mul3A_577 : i32
      %mul3A_579 = arith.constant 128 : i32
      %mul3A_580 = arith.muli %add3A_576, %mul3A_579 : i32
      %add3A_581 = arith.addi %mul3A_578, %mul3A_580 : i32
      %run_scoped3A_582 = arith.constant 0 : i32
      "tpu.region"() ({
        %run_scoped3A_884 = tpu.sem_alloc : memref<!tpu.dma_semaphore, #tpu.memory_space<semaphore_mem>>
        %dma_start3A_885 = tpu.memref_slice %arg2[%run_scoped3A_582, %add3A_581] : memref<2x524288xf32, #tpu.memory_space<hbm>> -> memref<1x128xf32, #tpu.memory_space<hbm>>
        %dma_start3A_886 = tpu.memref_squeeze %dma_start3A_885 : memref<1x128xf32, #tpu.memory_space<hbm>> -> memref<128xf32, #tpu.memory_space<hbm>>
        %dma_start3A_887 = tpu.memref_slice %arg2[%run_scoped3A_582, %add3A_581] : memref<2x524288xf32, #tpu.memory_space<hbm>> -> memref<1x128xf32, #tpu.memory_space<hbm>>
        %dma_start3A_888 = tpu.memref_squeeze %dma_start3A_887 : memref<1x128xf32, #tpu.memory_space<hbm>> -> memref<128xf32, #tpu.memory_space<hbm>>
        tpu.enqueue_dma source(%dma_start3A_888 : memref<128xf32, #tpu.memory_space<hbm>>) target(%arg11 : memref<128xf32, #tpu.memory_space<vmem>>) target_semaphore(%run_scoped3A_884 : memref<!tpu.dma_semaphore, #tpu.memory_space<semaphore_mem>>)
        %dma_wait3A_889 = tpu.memref_slice %arg2[%run_scoped3A_582, %add3A_581] : memref<2x524288xf32, #tpu.memory_space<hbm>> -> memref<1x128xf32, #tpu.memory_space<hbm>>
        %dma_wait3A_890 = tpu.memref_squeeze %dma_wait3A_889 : memref<1x128xf32, #tpu.memory_space<hbm>> -> memref<128xf32, #tpu.memory_space<hbm>>
        %dma_wait3A_891 = tpu.memref_slice %arg2[%run_scoped3A_582, %add3A_581] : memref<2x524288xf32, #tpu.memory_space<hbm>> -> memref<1x128xf32, #tpu.memory_space<hbm>>
        %dma_wait3A_892 = tpu.memref_squeeze %dma_wait3A_891 : memref<1x128xf32, #tpu.memory_space<hbm>> -> memref<128xf32, #tpu.memory_space<hbm>>
        tpu.wait_dma2 semaphore(%run_scoped3A_884 : memref<!tpu.dma_semaphore, #tpu.memory_space<semaphore_mem>>) src(%dma_wait3A_892 : memref<128xf32, #tpu.memory_space<hbm>>) dst(%arg11 : memref<128xf32, #tpu.memory_space<vmem>>)
        tpu.yield
      }) : () -> ()
      %run_scoped3A_583 = arith.constant 1 : i32
      "tpu.region"() ({
        %run_scoped3A_884 = tpu.sem_alloc : memref<!tpu.dma_semaphore, #tpu.memory_space<semaphore_mem>>
        %dma_start3A_885 = tpu.memref_slice %arg2[%run_scoped3A_583, %add3A_581] : memref<2x524288xf32, #tpu.memory_space<hbm>> -> memref<1x128xf32, #tpu.memory_space<hbm>>
        %dma_start3A_886 = tpu.memref_squeeze %dma_start3A_885 : memref<1x128xf32, #tpu.memory_space<hbm>> -> memref<128xf32, #tpu.memory_space<hbm>>
        %dma_start3A_887 = tpu.memref_slice %arg2[%run_scoped3A_583, %add3A_581] : memref<2x524288xf32, #tpu.memory_space<hbm>> -> memref<1x128xf32, #tpu.memory_space<hbm>>
        %dma_start3A_888 = tpu.memref_squeeze %dma_start3A_887 : memref<1x128xf32, #tpu.memory_space<hbm>> -> memref<128xf32, #tpu.memory_space<hbm>>
        tpu.enqueue_dma source(%dma_start3A_888 : memref<128xf32, #tpu.memory_space<hbm>>) target(%arg12 : memref<128xf32, #tpu.memory_space<vmem>>) target_semaphore(%run_scoped3A_884 : memref<!tpu.dma_semaphore, #tpu.memory_space<semaphore_mem>>)
        %dma_wait3A_889 = tpu.memref_slice %arg2[%run_scoped3A_583, %add3A_581] : memref<2x524288xf32, #tpu.memory_space<hbm>> -> memref<1x128xf32, #tpu.memory_space<hbm>>
        %dma_wait3A_890 = tpu.memref_squeeze %dma_wait3A_889 : memref<1x128xf32, #tpu.memory_space<hbm>> -> memref<128xf32, #tpu.memory_space<hbm>>
        %dma_wait3A_891 = tpu.memref_slice %arg2[%run_scoped3A_583, %add3A_581] : memref<2x524288xf32, #tpu.memory_space<hbm>> -> memref<1x128xf32, #tpu.memory_space<hbm>>
        %dma_wait3A_892 = tpu.memref_squeeze %dma_wait3A_891 : memref<1x128xf32, #tpu.memory_space<hbm>> -> memref<128xf32, #tpu.memory_space<hbm>>
        tpu.wait_dma2 semaphore(%run_scoped3A_884 : memref<!tpu.dma_semaphore, #tpu.memory_space<semaphore_mem>>) src(%dma_wait3A_892 : memref<128xf32, #tpu.memory_space<hbm>>) dst(%arg12 : memref<128xf32, #tpu.memory_space<vmem>>)
        tpu.yield
      }) : () -> ()
      %get3A_584 = arith.constant 0 : index
      %get3A_585 = tpu.vector_load %arg11[%get3A_584] {strides = array<i32>} : memref<128xf32, #tpu.memory_space<vmem>>, vector<16xf32>,
      %get3A_586 = arith.constant 0 : index
      %get3A_587 = tpu.vector_load %arg12[%get3A_586] {strides = array<i32>} : memref<128xf32, #tpu.memory_space<vmem>>, vector<16xf32>,
      %convert_element_type3A_588 = arith.fptosi %get3A_585 : vector<16xf32> to vector<16xi32>
      %convert_element_type3A_589 = arith.fptosi %get3A_587 : vector<16xf32> to vector<16xi32>
      %convert_element_type3A_590 = arith.sitofp %convert_element_type3A_588 : vector<16xi32> to vector<16xf32>
      %sub3A_591 = arith.subf %get3A_585, %convert_element_type3A_590 : vector<16xf32>
      %convert_element_type3A_592 = arith.sitofp %convert_element_type3A_589 : vector<16xi32> to vector<16xf32>
      %sub3A_593 = arith.subf %get3A_587, %convert_element_type3A_592 : vector<16xf32>
      %mul3A_594 = arith.constant 1024 : i32
      %mul3A_595 = vector.broadcast %mul3A_594 : i32 to vector<16xi32>
      %mul3A_596 = arith.muli %convert_element_type3A_588, %mul3A_595 : vector<16xi32>
      %add3A_597 = arith.addi %mul3A_596, %convert_element_type3A_589 : vector<16xi32>
      %swap3A_598 = arith.constant 0 : index
      %swap3A_599 = tpu.vector_load %arg13[%swap3A_598] {strides = array<i32>} : memref<256xi32, #tpu.memory_space<vmem>>, vector<16xi32>,
      tpu.vector_store %arg13[%swap3A_598], %add3A_597 {strides = array<i32>} : memref<256xi32, #tpu.memory_space<vmem>>, vector<16xi32>,
      %add3A_600 = arith.constant 1024 : i32
      %add3A_601 = vector.broadcast %add3A_600 : i32 to vector<16xi32>
      %add3A_602 = arith.addi %add3A_597, %add3A_601 : vector<16xi32>
      %swap3A_603 = arith.constant 128 : index
      %swap3A_604 = tpu.vector_load %arg13[%swap3A_603] {strides = array<i32>} : memref<256xi32, #tpu.memory_space<vmem>>, vector<16xi32>,
      tpu.vector_store %arg13[%swap3A_603], %add3A_602 {strides = array<i32>} : memref<256xi32, #tpu.memory_space<vmem>>, vector<16xi32>,
      %swap3A_605 = arith.constant 0 : index
      %swap3A_606 = tpu.vector_load %arg14[%swap3A_605] {strides = array<i32>} : memref<256xf32, #tpu.memory_space<vmem>>, vector<16xf32>,
      tpu.vector_store %arg14[%swap3A_605], %sub3A_591 {strides = array<i32>} : memref<256xf32, #tpu.memory_space<vmem>>, vector<16xf32>,
      %swap3A_607 = arith.constant 128 : index
      %swap3A_608 = tpu.vector_load %arg14[%swap3A_607] {strides = array<i32>} : memref<256xf32, #tpu.memory_space<vmem>>, vector<16xf32>,
      tpu.vector_store %arg14[%swap3A_607], %sub3A_593 {strides = array<i32>} : memref<256xf32, #tpu.memory_space<vmem>>, vector<16xf32>,
      %get3A_609 = arith.constant 16 : index
      %get3A_610 = tpu.vector_load %arg11[%get3A_609] {strides = array<i32>} : memref<128xf32, #tpu.memory_space<vmem>>, vector<16xf32>,
      %get3A_611 = arith.constant 16 : index
      %get3A_612 = tpu.vector_load %arg12[%get3A_611] {strides = array<i32>} : memref<128xf32, #tpu.memory_space<vmem>>, vector<16xf32>,
      %convert_element_type3A_613 = arith.fptosi %get3A_610 : vector<16xf32> to vector<16xi32>
      %convert_element_type3A_614 = arith.fptosi %get3A_612 : vector<16xf32> to vector<16xi32>
      %convert_element_type3A_615 = arith.sitofp %convert_element_type3A_613 : vector<16xi32> to vector<16xf32>
      %sub3A_616 = arith.subf %get3A_610, %convert_element_type3A_615 : vector<16xf32>
      %convert_element_type3A_617 = arith.sitofp %convert_element_type3A_614 : vector<16xi32> to vector<16xf32>
      %sub3A_618 = arith.subf %get3A_612, %convert_element_type3A_617 : vector<16xf32>
      %mul3A_619 = arith.constant 1024 : i32
      %mul3A_620 = vector.broadcast %mul3A_619 : i32 to vector<16xi32>
      %mul3A_621 = arith.muli %convert_element_type3A_613, %mul3A_620 : vector<16xi32>
      %add3A_622 = arith.addi %mul3A_621, %convert_element_type3A_614 : vector<16xi32>
      %swap3A_623 = arith.constant 16 : index
      %swap3A_624 = tpu.vector_load %arg13[%swap3A_623] {strides = array<i32>} : memref<256xi32, #tpu.memory_space<vmem>>, vector<16xi32>,
      tpu.vector_store %arg13[%swap3A_623], %add3A_622 {strides = array<i32>} : memref<256xi32, #tpu.memory_space<vmem>>, vector<16xi32>,
      %add3A_625 = arith.constant 1024 : i32
      %add3A_626 = vector.broadcast %add3A_625 : i32 to vector<16xi32>
      %add3A_627 = arith.addi %add3A_622, %add3A_626 : vector<16xi32>
      %swap3A_628 = arith.constant 144 : index
      %swap3A_629 = tpu.vector_load %arg13[%swap3A_628] {strides = array<i32>} : memref<256xi32, #tpu.memory_space<vmem>>, vector<16xi32>,
      tpu.vector_store %arg13[%swap3A_628], %add3A_627 {strides = array<i32>} : memref<256xi32, #tpu.memory_space<vmem>>, vector<16xi32>,
      %swap3A_630 = arith.constant 16 : index
      %swap3A_631 = tpu.vector_load %arg14[%swap3A_630] {strides = array<i32>} : memref<256xf32, #tpu.memory_space<vmem>>, vector<16xf32>,
      tpu.vector_store %arg14[%swap3A_630], %sub3A_616 {strides = array<i32>} : memref<256xf32, #tpu.memory_space<vmem>>, vector<16xf32>,
      %swap3A_632 = arith.constant 144 : index
      %swap3A_633 = tpu.vector_load %arg14[%swap3A_632] {strides = array<i32>} : memref<256xf32, #tpu.memory_space<vmem>>, vector<16xf32>,
      tpu.vector_store %arg14[%swap3A_632], %sub3A_618 {strides = array<i32>} : memref<256xf32, #tpu.memory_space<vmem>>, vector<16xf32>,
      %get3A_634 = arith.constant 32 : index
      %get3A_635 = tpu.vector_load %arg11[%get3A_634] {strides = array<i32>} : memref<128xf32, #tpu.memory_space<vmem>>, vector<16xf32>,
      %get3A_636 = arith.constant 32 : index
      %get3A_637 = tpu.vector_load %arg12[%get3A_636] {strides = array<i32>} : memref<128xf32, #tpu.memory_space<vmem>>, vector<16xf32>,
      %convert_element_type3A_638 = arith.fptosi %get3A_635 : vector<16xf32> to vector<16xi32>
      %convert_element_type3A_639 = arith.fptosi %get3A_637 : vector<16xf32> to vector<16xi32>
      %convert_element_type3A_640 = arith.sitofp %convert_element_type3A_638 : vector<16xi32> to vector<16xf32>
      %sub3A_641 = arith.subf %get3A_635, %convert_element_type3A_640 : vector<16xf32>
      %convert_element_type3A_642 = arith.sitofp %convert_element_type3A_639 : vector<16xi32> to vector<16xf32>
      %sub3A_643 = arith.subf %get3A_637, %convert_element_type3A_642 : vector<16xf32>
      %mul3A_644 = arith.constant 1024 : i32
      %mul3A_645 = vector.broadcast %mul3A_644 : i32 to vector<16xi32>
      %mul3A_646 = arith.muli %convert_element_type3A_638, %mul3A_645 : vector<16xi32>
      %add3A_647 = arith.addi %mul3A_646, %convert_element_type3A_639 : vector<16xi32>
      %swap3A_648 = arith.constant 32 : index
      %swap3A_649 = tpu.vector_load %arg13[%swap3A_648] {strides = array<i32>} : memref<256xi32, #tpu.memory_space<vmem>>, vector<16xi32>,
      tpu.vector_store %arg13[%swap3A_648], %add3A_647 {strides = array<i32>} : memref<256xi32, #tpu.memory_space<vmem>>, vector<16xi32>,
      %add3A_650 = arith.constant 1024 : i32
      %add3A_651 = vector.broadcast %add3A_650 : i32 to vector<16xi32>
      %add3A_652 = arith.addi %add3A_647, %add3A_651 : vector<16xi32>
      %swap3A_653 = arith.constant 160 : index
      %swap3A_654 = tpu.vector_load %arg13[%swap3A_653] {strides = array<i32>} : memref<256xi32, #tpu.memory_space<vmem>>, vector<16xi32>,
      tpu.vector_store %arg13[%swap3A_653], %add3A_652 {strides = array<i32>} : memref<256xi32, #tpu.memory_space<vmem>>, vector<16xi32>,
      %swap3A_655 = arith.constant 32 : index
      %swap3A_656 = tpu.vector_load %arg14[%swap3A_655] {strides = array<i32>} : memref<256xf32, #tpu.memory_space<vmem>>, vector<16xf32>,
      tpu.vector_store %arg14[%swap3A_655], %sub3A_641 {strides = array<i32>} : memref<256xf32, #tpu.memory_space<vmem>>, vector<16xf32>,
      %swap3A_657 = arith.constant 160 : index
      %swap3A_658 = tpu.vector_load %arg14[%swap3A_657] {strides = array<i32>} : memref<256xf32, #tpu.memory_space<vmem>>, vector<16xf32>,
      tpu.vector_store %arg14[%swap3A_657], %sub3A_643 {strides = array<i32>} : memref<256xf32, #tpu.memory_space<vmem>>, vector<16xf32>,
      %get3A_659 = arith.constant 48 : index
      %get3A_660 = tpu.vector_load %arg11[%get3A_659] {strides = array<i32>} : memref<128xf32, #tpu.memory_space<vmem>>, vector<16xf32>,
      %get3A_661 = arith.constant 48 : index
      %get3A_662 = tpu.vector_load %arg12[%get3A_661] {strides = array<i32>} : memref<128xf32, #tpu.memory_space<vmem>>, vector<16xf32>,
      %convert_element_type3A_663 = arith.fptosi %get3A_660 : vector<16xf32> to vector<16xi32>
      %convert_element_type3A_664 = arith.fptosi %get3A_662 : vector<16xf32> to vector<16xi32>
      %convert_element_type3A_665 = arith.sitofp %convert_element_type3A_663 : vector<16xi32> to vector<16xf32>
      %sub3A_666 = arith.subf %get3A_660, %convert_element_type3A_665 : vector<16xf32>
      %convert_element_type3A_667 = arith.sitofp %convert_element_type3A_664 : vector<16xi32> to vector<16xf32>
      %sub3A_668 = arith.subf %get3A_662, %convert_element_type3A_667 : vector<16xf32>
      %mul3A_669 = arith.constant 1024 : i32
      %mul3A_670 = vector.broadcast %mul3A_669 : i32 to vector<16xi32>
      %mul3A_671 = arith.muli %convert_element_type3A_663, %mul3A_670 : vector<16xi32>
      %add3A_672 = arith.addi %mul3A_671, %convert_element_type3A_664 : vector<16xi32>
      %swap3A_673 = arith.constant 48 : index
      %swap3A_674 = tpu.vector_load %arg13[%swap3A_673] {strides = array<i32>} : memref<256xi32, #tpu.memory_space<vmem>>, vector<16xi32>,
      tpu.vector_store %arg13[%swap3A_673], %add3A_672 {strides = array<i32>} : memref<256xi32, #tpu.memory_space<vmem>>, vector<16xi32>,
      %add3A_675 = arith.constant 1024 : i32
      %add3A_676 = vector.broadcast %add3A_675 : i32 to vector<16xi32>
      %add3A_677 = arith.addi %add3A_672, %add3A_676 : vector<16xi32>
      %swap3A_678 = arith.constant 176 : index
      %swap3A_679 = tpu.vector_load %arg13[%swap3A_678] {strides = array<i32>} : memref<256xi32, #tpu.memory_space<vmem>>, vector<16xi32>,
      tpu.vector_store %arg13[%swap3A_678], %add3A_677 {strides = array<i32>} : memref<256xi32, #tpu.memory_space<vmem>>, vector<16xi32>,
      %swap3A_680 = arith.constant 48 : index
      %swap3A_681 = tpu.vector_load %arg14[%swap3A_680] {strides = array<i32>} : memref<256xf32, #tpu.memory_space<vmem>>, vector<16xf32>,
      tpu.vector_store %arg14[%swap3A_680], %sub3A_666 {strides = array<i32>} : memref<256xf32, #tpu.memory_space<vmem>>, vector<16xf32>,
      %swap3A_682 = arith.constant 176 : index
      %swap3A_683 = tpu.vector_load %arg14[%swap3A_682] {strides = array<i32>} : memref<256xf32, #tpu.memory_space<vmem>>, vector<16xf32>,
      tpu.vector_store %arg14[%swap3A_682], %sub3A_668 {strides = array<i32>} : memref<256xf32, #tpu.memory_space<vmem>>, vector<16xf32>,
      %get3A_684 = arith.constant 64 : index
      %get3A_685 = tpu.vector_load %arg11[%get3A_684] {strides = array<i32>} : memref<128xf32, #tpu.memory_space<vmem>>, vector<16xf32>,
      %get3A_686 = arith.constant 64 : index
      %get3A_687 = tpu.vector_load %arg12[%get3A_686] {strides = array<i32>} : memref<128xf32, #tpu.memory_space<vmem>>, vector<16xf32>,
      %convert_element_type3A_688 = arith.fptosi %get3A_685 : vector<16xf32> to vector<16xi32>
      %convert_element_type3A_689 = arith.fptosi %get3A_687 : vector<16xf32> to vector<16xi32>
      %convert_element_type3A_690 = arith.sitofp %convert_element_type3A_688 : vector<16xi32> to vector<16xf32>
      %sub3A_691 = arith.subf %get3A_685, %convert_element_type3A_690 : vector<16xf32>
      %convert_element_type3A_692 = arith.sitofp %convert_element_type3A_689 : vector<16xi32> to vector<16xf32>
      %sub3A_693 = arith.subf %get3A_687, %convert_element_type3A_692 : vector<16xf32>
      %mul3A_694 = arith.constant 1024 : i32
      %mul3A_695 = vector.broadcast %mul3A_694 : i32 to vector<16xi32>
      %mul3A_696 = arith.muli %convert_element_type3A_688, %mul3A_695 : vector<16xi32>
      %add3A_697 = arith.addi %mul3A_696, %convert_element_type3A_689 : vector<16xi32>
      %swap3A_698 = arith.constant 64 : index
      %swap3A_699 = tpu.vector_load %arg13[%swap3A_698] {strides = array<i32>} : memref<256xi32, #tpu.memory_space<vmem>>, vector<16xi32>,
      tpu.vector_store %arg13[%swap3A_698], %add3A_697 {strides = array<i32>} : memref<256xi32, #tpu.memory_space<vmem>>, vector<16xi32>,
      %add3A_700 = arith.constant 1024 : i32
      %add3A_701 = vector.broadcast %add3A_700 : i32 to vector<16xi32>
      %add3A_702 = arith.addi %add3A_697, %add3A_701 : vector<16xi32>
      %swap3A_703 = arith.constant 192 : index
      %swap3A_704 = tpu.vector_load %arg13[%swap3A_703] {strides = array<i32>} : memref<256xi32, #tpu.memory_space<vmem>>, vector<16xi32>,
      tpu.vector_store %arg13[%swap3A_703], %add3A_702 {strides = array<i32>} : memref<256xi32, #tpu.memory_space<vmem>>, vector<16xi32>,
      %swap3A_705 = arith.constant 64 : index
      %swap3A_706 = tpu.vector_load %arg14[%swap3A_705] {strides = array<i32>} : memref<256xf32, #tpu.memory_space<vmem>>, vector<16xf32>,
      tpu.vector_store %arg14[%swap3A_705], %sub3A_691 {strides = array<i32>} : memref<256xf32, #tpu.memory_space<vmem>>, vector<16xf32>,
      %swap3A_707 = arith.constant 192 : index
      %swap3A_708 = tpu.vector_load %arg14[%swap3A_707] {strides = array<i32>} : memref<256xf32, #tpu.memory_space<vmem>>, vector<16xf32>,
      tpu.vector_store %arg14[%swap3A_707], %sub3A_693 {strides = array<i32>} : memref<256xf32, #tpu.memory_space<vmem>>, vector<16xf32>,
      %get3A_709 = arith.constant 80 : index
      %get3A_710 = tpu.vector_load %arg11[%get3A_709] {strides = array<i32>} : memref<128xf32, #tpu.memory_space<vmem>>, vector<16xf32>,
      %get3A_711 = arith.constant 80 : index
      %get3A_712 = tpu.vector_load %arg12[%get3A_711] {strides = array<i32>} : memref<128xf32, #tpu.memory_space<vmem>>, vector<16xf32>,
      %convert_element_type3A_713 = arith.fptosi %get3A_710 : vector<16xf32> to vector<16xi32>
      %convert_element_type3A_714 = arith.fptosi %get3A_712 : vector<16xf32> to vector<16xi32>
      %convert_element_type3A_715 = arith.sitofp %convert_element_type3A_713 : vector<16xi32> to vector<16xf32>
      %sub3A_716 = arith.subf %get3A_710, %convert_element_type3A_715 : vector<16xf32>
      %convert_element_type3A_717 = arith.sitofp %convert_element_type3A_714 : vector<16xi32> to vector<16xf32>
      %sub3A_718 = arith.subf %get3A_712, %convert_element_type3A_717 : vector<16xf32>
      %mul3A_719 = arith.constant 1024 : i32
      %mul3A_720 = vector.broadcast %mul3A_719 : i32 to vector<16xi32>
      %mul3A_721 = arith.muli %convert_element_type3A_713, %mul3A_720 : vector<16xi32>
      %add3A_722 = arith.addi %mul3A_721, %convert_element_type3A_714 : vector<16xi32>
      %swap3A_723 = arith.constant 80 : index
      %swap3A_724 = tpu.vector_load %arg13[%swap3A_723] {strides = array<i32>} : memref<256xi32, #tpu.memory_space<vmem>>, vector<16xi32>,
      tpu.vector_store %arg13[%swap3A_723], %add3A_722 {strides = array<i32>} : memref<256xi32, #tpu.memory_space<vmem>>, vector<16xi32>,
      %add3A_725 = arith.constant 1024 : i32
      %add3A_726 = vector.broadcast %add3A_725 : i32 to vector<16xi32>
      %add3A_727 = arith.addi %add3A_722, %add3A_726 : vector<16xi32>
      %swap3A_728 = arith.constant 208 : index
      %swap3A_729 = tpu.vector_load %arg13[%swap3A_728] {strides = array<i32>} : memref<256xi32, #tpu.memory_space<vmem>>, vector<16xi32>,
      tpu.vector_store %arg13[%swap3A_728], %add3A_727 {strides = array<i32>} : memref<256xi32, #tpu.memory_space<vmem>>, vector<16xi32>,
      %swap3A_730 = arith.constant 80 : index
      %swap3A_731 = tpu.vector_load %arg14[%swap3A_730] {strides = array<i32>} : memref<256xf32, #tpu.memory_space<vmem>>, vector<16xf32>,
      tpu.vector_store %arg14[%swap3A_730], %sub3A_716 {strides = array<i32>} : memref<256xf32, #tpu.memory_space<vmem>>, vector<16xf32>,
      %swap3A_732 = arith.constant 208 : index
      %swap3A_733 = tpu.vector_load %arg14[%swap3A_732] {strides = array<i32>} : memref<256xf32, #tpu.memory_space<vmem>>, vector<16xf32>,
      tpu.vector_store %arg14[%swap3A_732], %sub3A_718 {strides = array<i32>} : memref<256xf32, #tpu.memory_space<vmem>>, vector<16xf32>,
      %get3A_734 = arith.constant 96 : index
      %get3A_735 = tpu.vector_load %arg11[%get3A_734] {strides = array<i32>} : memref<128xf32, #tpu.memory_space<vmem>>, vector<16xf32>,
      %get3A_736 = arith.constant 96 : index
      %get3A_737 = tpu.vector_load %arg12[%get3A_736] {strides = array<i32>} : memref<128xf32, #tpu.memory_space<vmem>>, vector<16xf32>,
      %convert_element_type3A_738 = arith.fptosi %get3A_735 : vector<16xf32> to vector<16xi32>
      %convert_element_type3A_739 = arith.fptosi %get3A_737 : vector<16xf32> to vector<16xi32>
      %convert_element_type3A_740 = arith.sitofp %convert_element_type3A_738 : vector<16xi32> to vector<16xf32>
      %sub3A_741 = arith.subf %get3A_735, %convert_element_type3A_740 : vector<16xf32>
      %convert_element_type3A_742 = arith.sitofp %convert_element_type3A_739 : vector<16xi32> to vector<16xf32>
      %sub3A_743 = arith.subf %get3A_737, %convert_element_type3A_742 : vector<16xf32>
      %mul3A_744 = arith.constant 1024 : i32
      %mul3A_745 = vector.broadcast %mul3A_744 : i32 to vector<16xi32>
      %mul3A_746 = arith.muli %convert_element_type3A_738, %mul3A_745 : vector<16xi32>
      %add3A_747 = arith.addi %mul3A_746, %convert_element_type3A_739 : vector<16xi32>
      %swap3A_748 = arith.constant 96 : index
      %swap3A_749 = tpu.vector_load %arg13[%swap3A_748] {strides = array<i32>} : memref<256xi32, #tpu.memory_space<vmem>>, vector<16xi32>,
      tpu.vector_store %arg13[%swap3A_748], %add3A_747 {strides = array<i32>} : memref<256xi32, #tpu.memory_space<vmem>>, vector<16xi32>,
      %add3A_750 = arith.constant 1024 : i32
      %add3A_751 = vector.broadcast %add3A_750 : i32 to vector<16xi32>
      %add3A_752 = arith.addi %add3A_747, %add3A_751 : vector<16xi32>
      %swap3A_753 = arith.constant 224 : index
      %swap3A_754 = tpu.vector_load %arg13[%swap3A_753] {strides = array<i32>} : memref<256xi32, #tpu.memory_space<vmem>>, vector<16xi32>,
      tpu.vector_store %arg13[%swap3A_753], %add3A_752 {strides = array<i32>} : memref<256xi32, #tpu.memory_space<vmem>>, vector<16xi32>,
      %swap3A_755 = arith.constant 96 : index
      %swap3A_756 = tpu.vector_load %arg14[%swap3A_755] {strides = array<i32>} : memref<256xf32, #tpu.memory_space<vmem>>, vector<16xf32>,
      tpu.vector_store %arg14[%swap3A_755], %sub3A_741 {strides = array<i32>} : memref<256xf32, #tpu.memory_space<vmem>>, vector<16xf32>,
      %swap3A_757 = arith.constant 224 : index
      %swap3A_758 = tpu.vector_load %arg14[%swap3A_757] {strides = array<i32>} : memref<256xf32, #tpu.memory_space<vmem>>, vector<16xf32>,
      tpu.vector_store %arg14[%swap3A_757], %sub3A_743 {strides = array<i32>} : memref<256xf32, #tpu.memory_space<vmem>>, vector<16xf32>,
      %get3A_759 = arith.constant 112 : index
      %get3A_760 = tpu.vector_load %arg11[%get3A_759] {strides = array<i32>} : memref<128xf32, #tpu.memory_space<vmem>>, vector<16xf32>,
      %get3A_761 = arith.constant 112 : index
      %get3A_762 = tpu.vector_load %arg12[%get3A_761] {strides = array<i32>} : memref<128xf32, #tpu.memory_space<vmem>>, vector<16xf32>,
      %convert_element_type3A_763 = arith.fptosi %get3A_760 : vector<16xf32> to vector<16xi32>
      %convert_element_type3A_764 = arith.fptosi %get3A_762 : vector<16xf32> to vector<16xi32>
      %convert_element_type3A_765 = arith.sitofp %convert_element_type3A_763 : vector<16xi32> to vector<16xf32>
      %sub3A_766 = arith.subf %get3A_760, %convert_element_type3A_765 : vector<16xf32>
      %convert_element_type3A_767 = arith.sitofp %convert_element_type3A_764 : vector<16xi32> to vector<16xf32>
      %sub3A_768 = arith.subf %get3A_762, %convert_element_type3A_767 : vector<16xf32>
      %mul3A_769 = arith.constant 1024 : i32
      %mul3A_770 = vector.broadcast %mul3A_769 : i32 to vector<16xi32>
      %mul3A_771 = arith.muli %convert_element_type3A_763, %mul3A_770 : vector<16xi32>
      %add3A_772 = arith.addi %mul3A_771, %convert_element_type3A_764 : vector<16xi32>
      %swap3A_773 = arith.constant 112 : index
      %swap3A_774 = tpu.vector_load %arg13[%swap3A_773] {strides = array<i32>} : memref<256xi32, #tpu.memory_space<vmem>>, vector<16xi32>,
      tpu.vector_store %arg13[%swap3A_773], %add3A_772 {strides = array<i32>} : memref<256xi32, #tpu.memory_space<vmem>>, vector<16xi32>,
      %add3A_775 = arith.constant 1024 : i32
      %add3A_776 = vector.broadcast %add3A_775 : i32 to vector<16xi32>
      %add3A_777 = arith.addi %add3A_772, %add3A_776 : vector<16xi32>
      %swap3A_778 = arith.constant 240 : index
      %swap3A_779 = tpu.vector_load %arg13[%swap3A_778] {strides = array<i32>} : memref<256xi32, #tpu.memory_space<vmem>>, vector<16xi32>,
      tpu.vector_store %arg13[%swap3A_778], %add3A_777 {strides = array<i32>} : memref<256xi32, #tpu.memory_space<vmem>>, vector<16xi32>,
      %swap3A_780 = arith.constant 112 : index
      %swap3A_781 = tpu.vector_load %arg14[%swap3A_780] {strides = array<i32>} : memref<256xf32, #tpu.memory_space<vmem>>, vector<16xf32>,
      tpu.vector_store %arg14[%swap3A_780], %sub3A_766 {strides = array<i32>} : memref<256xf32, #tpu.memory_space<vmem>>, vector<16xf32>,
      %swap3A_782 = arith.constant 240 : index
      %swap3A_783 = tpu.vector_load %arg14[%swap3A_782] {strides = array<i32>} : memref<256xf32, #tpu.memory_space<vmem>>, vector<16xf32>,
      tpu.vector_store %arg14[%swap3A_782], %sub3A_768 {strides = array<i32>} : memref<256xf32, #tpu.memory_space<vmem>>, vector<16xf32>,
      %dma_start3A_784 = arith.constant 0 : i32
      %dma_start3A_785 = arith.constant 0 : i32
      %dma_start3A_786 = arith.constant 0 : i32
      %dma_start3A_787 = tpu.memref_slice %arg15[%dma_start3A_784, %dma_start3A_785, %dma_start3A_786] : memref<2x128x128xf32, #tpu.memory_space<vmem>> -> memref<1x128x128xf32, #tpu.memory_space<vmem>>
      %dma_start3A_788 = tpu.memref_squeeze %dma_start3A_787 : memref<1x128x128xf32, #tpu.memory_space<vmem>> -> memref<128x128xf32, #tpu.memory_space<vmem>>
      %dma_start3A_789 = arith.constant 0 : i32
      %dma_start3A_790 = tpu.memref_slice %arg13[%dma_start3A_789] : memref<256xi32, #tpu.memory_space<vmem>> -> memref<128xi32, #tpu.memory_space<vmem>>
      %dma_start3A_791 = arith.constant 0 : i32
      %dma_start3A_792 = arith.constant 0 : i32
      %dma_start3A_793 = tpu.memref_slice %arg3[%dma_start3A_791, %dma_start3A_792] : memref<1048576x128xf32, #tpu.memory_space<hbm>> -> memref<1048576x128xf32, #tpu.memory_space<hbm>>
      tpu.enqueue_indirect_dma source(%dma_start3A_793 : memref<1048576x128xf32, #tpu.memory_space<hbm>>) target(%dma_start3A_788 : memref<128x128xf32, #tpu.memory_space<vmem>>) offsets(%dma_start3A_790 : memref<128xi32, #tpu.memory_space<vmem>>) semaphore(%arg16 : memref<!tpu.dma_semaphore, #tpu.memory_space<semaphore_mem>>)
      %dma_start3A_794 = arith.constant 1 : i32
      %dma_start3A_795 = arith.constant 0 : i32
      %dma_start3A_796 = arith.constant 0 : i32
      %dma_start3A_797 = tpu.memref_slice %arg15[%dma_start3A_794, %dma_start3A_795, %dma_start3A_796] : memref<2x128x128xf32, #tpu.memory_space<vmem>> -> memref<1x128x128xf32, #tpu.memory_space<vmem>>
      %dma_start3A_798 = tpu.memref_squeeze %dma_start3A_797 : memref<1x128x128xf32, #tpu.memory_space<vmem>> -> memref<128x128xf32, #tpu.memory_space<vmem>>
      %dma_start3A_799 = arith.constant 128 : i32
      %dma_start3A_800 = tpu.memref_slice %arg13[%dma_start3A_799] : memref<256xi32, #tpu.memory_space<vmem>> -> memref<128xi32, #tpu.memory_space<vmem>>
      %dma_start3A_801 = arith.constant 0 : i32
      %dma_start3A_802 = arith.constant 0 : i32
      %dma_start3A_803 = tpu.memref_slice %arg3[%dma_start3A_801, %dma_start3A_802] : memref<1048576x128xf32, #tpu.memory_space<hbm>> -> memref<1048576x128xf32, #tpu.memory_space<hbm>>
      tpu.enqueue_indirect_dma source(%dma_start3A_803 : memref<1048576x128xf32, #tpu.memory_space<hbm>>) target(%dma_start3A_798 : memref<128x128xf32, #tpu.memory_space<vmem>>) offsets(%dma_start3A_800 : memref<128xi32, #tpu.memory_space<vmem>>) semaphore(%arg16 : memref<!tpu.dma_semaphore, #tpu.memory_space<semaphore_mem>>)
      %gt3A_804 = arith.constant 0 : i32
      %gt3A_805 = arith.cmpi sgt, %scan3A_253, %gt3A_804 : i32
      %convert_element_type3A_806 = arith.extui %gt3A_805 : i1 to i32
      %cond3A_807 = arith.constant 1 : i32
      %cond3A_808 = arith.constant 0 : i32
      %cond3A_809 = arith.cmpi ne, %convert_element_type3A_806, %cond3A_808 : i32
      scf.if %cond3A_809 {
        %dma_wait3A_884 = arith.constant 0 : i32
        %dma_wait3A_885 = arith.constant 0 : i32
        %dma_wait3A_886 = tpu.memref_slice %arg17[%cond3A_807, %dma_wait3A_884, %dma_wait3A_885] : memref<2x64x256xf32, #tpu.memory_space<vmem>> -> memref<1x64x256xf32, #tpu.memory_space<vmem>>
        %dma_wait3A_887 = tpu.memref_squeeze %dma_wait3A_886 : memref<1x64x256xf32, #tpu.memory_space<vmem>> -> memref<64x256xf32, #tpu.memory_space<vmem>>
        %dma_wait3A_888 = arith.constant 0 : i32
        %dma_wait3A_889 = tpu.memref_slice %arg4[%dma_wait3A_888, %add3A_574] : memref<64x524288xf32, #tpu.memory_space<hbm>> -> memref<64x256xf32, #tpu.memory_space<hbm>>
        %dma_wait3A_890 = arith.constant 0 : i32
        %dma_wait3A_891 = tpu.memref_slice %arg4[%dma_wait3A_890, %add3A_574] : memref<64x524288xf32, #tpu.memory_space<hbm>> -> memref<64x256xf32, #tpu.memory_space<hbm>>
        %dma_wait3A_892 = arith.constant 0 : i32
        %dma_wait3A_893 = arith.constant 0 : i32
        %dma_wait3A_894 = tpu.memref_slice %arg17[%cond3A_807, %dma_wait3A_892, %dma_wait3A_893] : memref<2x64x256xf32, #tpu.memory_space<vmem>> -> memref<1x64x256xf32, #tpu.memory_space<vmem>>
        %dma_wait3A_895 = tpu.memref_squeeze %dma_wait3A_894 : memref<1x64x256xf32, #tpu.memory_space<vmem>> -> memref<64x256xf32, #tpu.memory_space<vmem>>
        tpu.wait_dma2 semaphore(%arg19 : memref<!tpu.dma_semaphore, #tpu.memory_space<semaphore_mem>>) src(%dma_wait3A_895 : memref<64x256xf32, #tpu.memory_space<vmem>>) dst(%dma_wait3A_891 : memref<64x256xf32, #tpu.memory_space<hbm>>)
      } else {
      }
      %dma_wait3A_810 = arith.constant 0 : i32
      %dma_wait3A_811 = arith.constant 0 : i32
      %dma_wait3A_812 = arith.constant 0 : i32
      %dma_wait3A_813 = tpu.memref_slice %arg9[%dma_wait3A_810, %dma_wait3A_811, %dma_wait3A_812] : memref<2x128x128xf32, #tpu.memory_space<vmem>> -> memref<1x128x128xf32, #tpu.memory_space<vmem>>
      %dma_wait3A_814 = tpu.memref_squeeze %dma_wait3A_813 : memref<1x128x128xf32, #tpu.memory_space<vmem>> -> memref<128x128xf32, #tpu.memory_space<vmem>>
      %dma_wait3A_815 = arith.constant 0 : i32
      %dma_wait3A_816 = tpu.memref_slice %arg7[%dma_wait3A_815] : memref<256xi32, #tpu.memory_space<vmem>> -> memref<128xi32, #tpu.memory_space<vmem>>
      %dma_wait3A_817 = arith.constant 0 : i32
      %dma_wait3A_818 = arith.constant 0 : i32
      %dma_wait3A_819 = tpu.memref_slice %arg3[%dma_wait3A_817, %dma_wait3A_818] : memref<1048576x128xf32, #tpu.memory_space<hbm>> -> memref<1048576x128xf32, #tpu.memory_space<hbm>>
      tpu.wait_indirect_dma semaphore(%arg10 : memref<!tpu.dma_semaphore, #tpu.memory_space<semaphore_mem>>) src(%dma_wait3A_819 : memref<1048576x128xf32, #tpu.memory_space<hbm>>) dst(%dma_wait3A_814 : memref<128x128xf32, #tpu.memory_space<vmem>>)
      %dma_wait3A_820 = arith.constant 1 : i32
      %dma_wait3A_821 = arith.constant 0 : i32
      %dma_wait3A_822 = arith.constant 0 : i32
      %dma_wait3A_823 = tpu.memref_slice %arg9[%dma_wait3A_820, %dma_wait3A_821, %dma_wait3A_822] : memref<2x128x128xf32, #tpu.memory_space<vmem>> -> memref<1x128x128xf32, #tpu.memory_space<vmem>>
      %dma_wait3A_824 = tpu.memref_squeeze %dma_wait3A_823 : memref<1x128x128xf32, #tpu.memory_space<vmem>> -> memref<128x128xf32, #tpu.memory_space<vmem>>
      %dma_wait3A_825 = arith.constant 128 : i32
      %dma_wait3A_826 = tpu.memref_slice %arg7[%dma_wait3A_825] : memref<256xi32, #tpu.memory_space<vmem>> -> memref<128xi32, #tpu.memory_space<vmem>>
      %dma_wait3A_827 = arith.constant 0 : i32
      %dma_wait3A_828 = arith.constant 0 : i32
      %dma_wait3A_829 = tpu.memref_slice %arg3[%dma_wait3A_827, %dma_wait3A_828] : memref<1048576x128xf32, #tpu.memory_space<hbm>> -> memref<1048576x128xf32, #tpu.memory_space<hbm>>
      tpu.wait_indirect_dma semaphore(%arg10 : memref<!tpu.dma_semaphore, #tpu.memory_space<semaphore_mem>>) src(%dma_wait3A_829 : memref<1048576x128xf32, #tpu.memory_space<hbm>>) dst(%dma_wait3A_824 : memref<128x128xf32, #tpu.memory_space<vmem>>)
      %iota3A_830 = tpu.iota {dimensions = array<i32: 0>} : vector<16xi32>
      %broadcast_in_dim3A_831 = arith.constant 0 : i32
      %broadcast_in_dim3A_832 = vector.broadcast %broadcast_in_dim3A_831 : i32 to vector<16xi32>
      %parallel_loop3A_833 = arith.constant 0 : i32
      %parallel_loop3A_834 = arith.constant 128 : i32
      %parallel_loop3A_835 = arith.constant 1 : i32
      %parallel_loop3A_836 = arith.constant 1 : i32
      scf.for %parallel_loop3A_884 = %parallel_loop3A_833 to %parallel_loop3A_834 step %parallel_loop3A_835  : i32 {
        %parallel_loop3A_885 = vector.broadcast %parallel_loop3A_884 : i32 to vector<16xi32>
        %parallel_loop3A_886 = arith.addi %broadcast_in_dim3A_832, %parallel_loop3A_885 : vector<16xi32>
        %parallel_loop3A_887 = tpu.vector_load_idx %arg8[%parallel_loop3A_886] : memref<256xf32, #tpu.memory_space<vmem>>[vector<16xi32>], vector<16xf32>,
        %parallel_loop3A_888 = arith.constant 128 : i32
        %parallel_loop3A_889 = vector.broadcast %parallel_loop3A_888 : i32 to vector<16xi32>
        %parallel_loop3A_890 = arith.addi %parallel_loop3A_886, %parallel_loop3A_889 : vector<16xi32>
        %parallel_loop3A_891 = tpu.vector_load_idx %arg8[%parallel_loop3A_890] : memref<256xf32, #tpu.memory_space<vmem>>[vector<16xi32>], vector<16xf32>,
        %parallel_loop3A_892 = arith.constant 0 : i32
        %parallel_loop3A_893 = arith.addi %parallel_loop3A_884, %parallel_loop3A_892 : i32
        %parallel_loop3A_894 = vector.broadcast %parallel_loop3A_893 : i32 to vector<16xi32>
        %parallel_loop3A_895 = arith.addi %broadcast_in_dim3A_832, %parallel_loop3A_894 : vector<16xi32>
        %parallel_loop3A_896 = arith.constant 0 : i32
        %parallel_loop3A_897 = arith.index_cast %parallel_loop3A_896 : i32 to index
        %parallel_loop3A_898 = arith.index_cast %parallel_loop3A_884 : i32 to index
        %parallel_loop3A_899 = arith.constant 0 : index
        %parallel_loop3A_900 = tpu.vector_load %arg9[%parallel_loop3A_897, %parallel_loop3A_898, %parallel_loop3A_899] {strides = array<i32>} : memref<2x128x128xf32, #tpu.memory_space<vmem>>, vector<16xf32>,
        %parallel_loop3A_901 = arith.constant 0 : i32
        %parallel_loop3A_902 = arith.index_cast %parallel_loop3A_901 : i32 to index
        %parallel_loop3A_903 = arith.index_cast %parallel_loop3A_884 : i32 to index
        %parallel_loop3A_904 = arith.constant 64 : index
        %parallel_loop3A_905 = tpu.vector_load %arg9[%parallel_loop3A_902, %parallel_loop3A_903, %parallel_loop3A_904] {strides = array<i32>} : memref<2x128x128xf32, #tpu.memory_space<vmem>>, vector<16xf32>,
        %parallel_loop3A_906 = arith.constant 1 : i32
        %parallel_loop3A_907 = arith.index_cast %parallel_loop3A_906 : i32 to index
        %parallel_loop3A_908 = arith.index_cast %parallel_loop3A_884 : i32 to index
        %parallel_loop3A_909 = arith.constant 0 : index
        %parallel_loop3A_910 = tpu.vector_load %arg9[%parallel_loop3A_907, %parallel_loop3A_908, %parallel_loop3A_909] {strides = array<i32>} : memref<2x128x128xf32, #tpu.memory_space<vmem>>, vector<16xf32>,
        %parallel_loop3A_911 = arith.constant 1 : i32
        %parallel_loop3A_912 = arith.index_cast %parallel_loop3A_911 : i32 to index
        %parallel_loop3A_913 = arith.index_cast %parallel_loop3A_884 : i32 to index
        %parallel_loop3A_914 = arith.constant 64 : index
        %parallel_loop3A_915 = tpu.vector_load %arg9[%parallel_loop3A_912, %parallel_loop3A_913, %parallel_loop3A_914] {strides = array<i32>} : memref<2x128x128xf32, #tpu.memory_space<vmem>>, vector<16xf32>,
        %parallel_loop3A_916 = arith.subf %parallel_loop3A_910, %parallel_loop3A_900 : vector<16xf32>
        %parallel_loop3A_917 = arith.mulf %parallel_loop3A_887, %parallel_loop3A_916 : vector<16xf32>
        %parallel_loop3A_918 = arith.addf %parallel_loop3A_900, %parallel_loop3A_917 : vector<16xf32>
        %parallel_loop3A_919 = arith.subf %parallel_loop3A_915, %parallel_loop3A_905 : vector<16xf32>
        %parallel_loop3A_920 = arith.mulf %parallel_loop3A_887, %parallel_loop3A_919 : vector<16xf32>
        %parallel_loop3A_921 = arith.addf %parallel_loop3A_905, %parallel_loop3A_920 : vector<16xf32>
        %parallel_loop3A_922 = arith.subf %parallel_loop3A_921, %parallel_loop3A_918 : vector<16xf32>
        %parallel_loop3A_923 = arith.mulf %parallel_loop3A_891, %parallel_loop3A_922 : vector<16xf32>
        %parallel_loop3A_924 = arith.addf %parallel_loop3A_918, %parallel_loop3A_923 : vector<16xf32>
        %parallel_loop3A_925 = arith.constant 0 : i32
        %parallel_loop3A_926 = vector.broadcast %parallel_loop3A_925 : i32 to vector<16xi32>
        %parallel_loop3A_927 = arith.addi %iota3A_830, %parallel_loop3A_926 : vector<16xi32>
        %parallel_loop3A_928 = arith.constant 0 : i32
        %parallel_loop3A_929 = arith.constant 0 : i32
        %parallel_loop3A_930 = tpu.memref_slice %arg17[%parallel_loop3A_836, %parallel_loop3A_928, %parallel_loop3A_929] : memref<2x64x256xf32, #tpu.memory_space<vmem>> -> memref<1x64x256xf32, #tpu.memory_space<vmem>>
        %parallel_loop3A_931 = tpu.memref_squeeze %parallel_loop3A_930 : memref<1x64x256xf32, #tpu.memory_space<vmem>> -> memref<64x256xf32, #tpu.memory_space<vmem>>
        tpu.vector_store_idx %parallel_loop3A_931[%parallel_loop3A_927, %parallel_loop3A_895], %parallel_loop3A_924 : memref<64x256xf32, #tpu.memory_space<vmem>>[vector<16xi32>, vector<16xi32>], vector<16xf32>,
        %parallel_loop3A_932 = arith.constant 0 : i32
        %parallel_loop3A_933 = arith.index_cast %parallel_loop3A_932 : i32 to index
        %parallel_loop3A_934 = arith.index_cast %parallel_loop3A_884 : i32 to index
        %parallel_loop3A_935 = arith.constant 16 : index
        %parallel_loop3A_936 = tpu.vector_load %arg9[%parallel_loop3A_933, %parallel_loop3A_934, %parallel_loop3A_935] {strides = array<i32>} : memref<2x128x128xf32, #tpu.memory_space<vmem>>, vector<16xf32>,
        %parallel_loop3A_937 = arith.constant 0 : i32
        %parallel_loop3A_938 = arith.index_cast %parallel_loop3A_937 : i32 to index
        %parallel_loop3A_939 = arith.index_cast %parallel_loop3A_884 : i32 to index
        %parallel_loop3A_940 = arith.constant 80 : index
        %parallel_loop3A_941 = tpu.vector_load %arg9[%parallel_loop3A_938, %parallel_loop3A_939, %parallel_loop3A_940] {strides = array<i32>} : memref<2x128x128xf32, #tpu.memory_space<vmem>>, vector<16xf32>,
        %parallel_loop3A_942 = arith.constant 1 : i32
        %parallel_loop3A_943 = arith.index_cast %parallel_loop3A_942 : i32 to index
        %parallel_loop3A_944 = arith.index_cast %parallel_loop3A_884 : i32 to index
        %parallel_loop3A_945 = arith.constant 16 : index
        %parallel_loop3A_946 = tpu.vector_load %arg9[%parallel_loop3A_943, %parallel_loop3A_944, %parallel_loop3A_945] {strides = array<i32>} : memref<2x128x128xf32, #tpu.memory_space<vmem>>, vector<16xf32>,
        %parallel_loop3A_947 = arith.constant 1 : i32
        %parallel_loop3A_948 = arith.index_cast %parallel_loop3A_947 : i32 to index
        %parallel_loop3A_949 = arith.index_cast %parallel_loop3A_884 : i32 to index
        %parallel_loop3A_950 = arith.constant 80 : index
        %parallel_loop3A_951 = tpu.vector_load %arg9[%parallel_loop3A_948, %parallel_loop3A_949, %parallel_loop3A_950] {strides = array<i32>} : memref<2x128x128xf32, #tpu.memory_space<vmem>>, vector<16xf32>,
        %parallel_loop3A_952 = arith.subf %parallel_loop3A_946, %parallel_loop3A_936 : vector<16xf32>
        %parallel_loop3A_953 = arith.mulf %parallel_loop3A_887, %parallel_loop3A_952 : vector<16xf32>
        %parallel_loop3A_954 = arith.addf %parallel_loop3A_936, %parallel_loop3A_953 : vector<16xf32>
        %parallel_loop3A_955 = arith.subf %parallel_loop3A_951, %parallel_loop3A_941 : vector<16xf32>
        %parallel_loop3A_956 = arith.mulf %parallel_loop3A_887, %parallel_loop3A_955 : vector<16xf32>
        %parallel_loop3A_957 = arith.addf %parallel_loop3A_941, %parallel_loop3A_956 : vector<16xf32>
        %parallel_loop3A_958 = arith.subf %parallel_loop3A_957, %parallel_loop3A_954 : vector<16xf32>
        %parallel_loop3A_959 = arith.mulf %parallel_loop3A_891, %parallel_loop3A_958 : vector<16xf32>
        %parallel_loop3A_960 = arith.addf %parallel_loop3A_954, %parallel_loop3A_959 : vector<16xf32>
        %parallel_loop3A_961 = arith.constant 16 : i32
        %parallel_loop3A_962 = vector.broadcast %parallel_loop3A_961 : i32 to vector<16xi32>
        %parallel_loop3A_963 = arith.addi %iota3A_830, %parallel_loop3A_962 : vector<16xi32>
        %parallel_loop3A_964 = arith.constant 0 : i32
        %parallel_loop3A_965 = arith.constant 0 : i32
        %parallel_loop3A_966 = tpu.memref_slice %arg17[%parallel_loop3A_836, %parallel_loop3A_964, %parallel_loop3A_965] : memref<2x64x256xf32, #tpu.memory_space<vmem>> -> memref<1x64x256xf32, #tpu.memory_space<vmem>>
        %parallel_loop3A_967 = tpu.memref_squeeze %parallel_loop3A_966 : memref<1x64x256xf32, #tpu.memory_space<vmem>> -> memref<64x256xf32, #tpu.memory_space<vmem>>
        tpu.vector_store_idx %parallel_loop3A_967[%parallel_loop3A_963, %parallel_loop3A_895], %parallel_loop3A_960 : memref<64x256xf32, #tpu.memory_space<vmem>>[vector<16xi32>, vector<16xi32>], vector<16xf32>,
        %parallel_loop3A_968 = arith.constant 0 : i32
        %parallel_loop3A_969 = arith.index_cast %parallel_loop3A_968 : i32 to index
        %parallel_loop3A_970 = arith.index_cast %parallel_loop3A_884 : i32 to index
        %parallel_loop3A_971 = arith.constant 32 : index
        %parallel_loop3A_972 = tpu.vector_load %arg9[%parallel_loop3A_969, %parallel_loop3A_970, %parallel_loop3A_971] {strides = array<i32>} : memref<2x128x128xf32, #tpu.memory_space<vmem>>, vector<16xf32>,
        %parallel_loop3A_973 = arith.constant 0 : i32
        %parallel_loop3A_974 = arith.index_cast %parallel_loop3A_973 : i32 to index
        %parallel_loop3A_975 = arith.index_cast %parallel_loop3A_884 : i32 to index
        %parallel_loop3A_976 = arith.constant 96 : index
        %parallel_loop3A_977 = tpu.vector_load %arg9[%parallel_loop3A_974, %parallel_loop3A_975, %parallel_loop3A_976] {strides = array<i32>} : memref<2x128x128xf32, #tpu.memory_space<vmem>>, vector<16xf32>,
        %parallel_loop3A_978 = arith.constant 1 : i32
        %parallel_loop3A_979 = arith.index_cast %parallel_loop3A_978 : i32 to index
        %parallel_loop3A_980 = arith.index_cast %parallel_loop3A_884 : i32 to index
        %parallel_loop3A_981 = arith.constant 32 : index
        %parallel_loop3A_982 = tpu.vector_load %arg9[%parallel_loop3A_979, %parallel_loop3A_980, %parallel_loop3A_981] {strides = array<i32>} : memref<2x128x128xf32, #tpu.memory_space<vmem>>, vector<16xf32>,
        %parallel_loop3A_983 = arith.constant 1 : i32
        %parallel_loop3A_984 = arith.index_cast %parallel_loop3A_983 : i32 to index
        %parallel_loop3A_985 = arith.index_cast %parallel_loop3A_884 : i32 to index
        %parallel_loop3A_986 = arith.constant 96 : index
        %parallel_loop3A_987 = tpu.vector_load %arg9[%parallel_loop3A_984, %parallel_loop3A_985, %parallel_loop3A_986] {strides = array<i32>} : memref<2x128x128xf32, #tpu.memory_space<vmem>>, vector<16xf32>,
        %parallel_loop3A_988 = arith.subf %parallel_loop3A_982, %parallel_loop3A_972 : vector<16xf32>
        %parallel_loop3A_989 = arith.mulf %parallel_loop3A_887, %parallel_loop3A_988 : vector<16xf32>
        %parallel_loop3A_990 = arith.addf %parallel_loop3A_972, %parallel_loop3A_989 : vector<16xf32>
        %parallel_loop3A_991 = arith.subf %parallel_loop3A_987, %parallel_loop3A_977 : vector<16xf32>
        %parallel_loop3A_992 = arith.mulf %parallel_loop3A_887, %parallel_loop3A_991 : vector<16xf32>
        %parallel_loop3A_993 = arith.addf %parallel_loop3A_977, %parallel_loop3A_992 : vector<16xf32>
        %parallel_loop3A_994 = arith.subf %parallel_loop3A_993, %parallel_loop3A_990 : vector<16xf32>
        %parallel_loop3A_995 = arith.mulf %parallel_loop3A_891, %parallel_loop3A_994 : vector<16xf32>
        %parallel_loop3A_996 = arith.addf %parallel_loop3A_990, %parallel_loop3A_995 : vector<16xf32>
        %parallel_loop3A_997 = arith.constant 32 : i32
        %parallel_loop3A_998 = vector.broadcast %parallel_loop3A_997 : i32 to vector<16xi32>
        %parallel_loop3A_999 = arith.addi %iota3A_830, %parallel_loop3A_998 : vector<16xi32>
        %parallel_loop3A_1000 = arith.constant 0 : i32
        %parallel_loop3A_1001 = arith.constant 0 : i32
        %parallel_loop3A_1002 = tpu.memref_slice %arg17[%parallel_loop3A_836, %parallel_loop3A_1000, %parallel_loop3A_1001] : memref<2x64x256xf32, #tpu.memory_space<vmem>> -> memref<1x64x256xf32, #tpu.memory_space<vmem>>
        %parallel_loop3A_1003 = tpu.memref_squeeze %parallel_loop3A_1002 : memref<1x64x256xf32, #tpu.memory_space<vmem>> -> memref<64x256xf32, #tpu.memory_space<vmem>>
        tpu.vector_store_idx %parallel_loop3A_1003[%parallel_loop3A_999, %parallel_loop3A_895], %parallel_loop3A_996 : memref<64x256xf32, #tpu.memory_space<vmem>>[vector<16xi32>, vector<16xi32>], vector<16xf32>,
        %parallel_loop3A_1004 = arith.constant 0 : i32
        %parallel_loop3A_1005 = arith.index_cast %parallel_loop3A_1004 : i32 to index
        %parallel_loop3A_1006 = arith.index_cast %parallel_loop3A_884 : i32 to index
        %parallel_loop3A_1007 = arith.constant 48 : index
        %parallel_loop3A_1008 = tpu.vector_load %arg9[%parallel_loop3A_1005, %parallel_loop3A_1006, %parallel_loop3A_1007] {strides = array<i32>} : memref<2x128x128xf32, #tpu.memory_space<vmem>>, vector<16xf32>,
        %parallel_loop3A_1009 = arith.constant 0 : i32
        %parallel_loop3A_1010 = arith.index_cast %parallel_loop3A_1009 : i32 to index
        %parallel_loop3A_1011 = arith.index_cast %parallel_loop3A_884 : i32 to index
        %parallel_loop3A_1012 = arith.constant 112 : index
        %parallel_loop3A_1013 = tpu.vector_load %arg9[%parallel_loop3A_1010, %parallel_loop3A_1011, %parallel_loop3A_1012] {strides = array<i32>} : memref<2x128x128xf32, #tpu.memory_space<vmem>>, vector<16xf32>,
        %parallel_loop3A_1014 = arith.constant 1 : i32
        %parallel_loop3A_1015 = arith.index_cast %parallel_loop3A_1014 : i32 to index
        %parallel_loop3A_1016 = arith.index_cast %parallel_loop3A_884 : i32 to index
        %parallel_loop3A_1017 = arith.constant 48 : index
        %parallel_loop3A_1018 = tpu.vector_load %arg9[%parallel_loop3A_1015, %parallel_loop3A_1016, %parallel_loop3A_1017] {strides = array<i32>} : memref<2x128x128xf32, #tpu.memory_space<vmem>>, vector<16xf32>,
        %parallel_loop3A_1019 = arith.constant 1 : i32
        %parallel_loop3A_1020 = arith.index_cast %parallel_loop3A_1019 : i32 to index
        %parallel_loop3A_1021 = arith.index_cast %parallel_loop3A_884 : i32 to index
        %parallel_loop3A_1022 = arith.constant 112 : index
        %parallel_loop3A_1023 = tpu.vector_load %arg9[%parallel_loop3A_1020, %parallel_loop3A_1021, %parallel_loop3A_1022] {strides = array<i32>} : memref<2x128x128xf32, #tpu.memory_space<vmem>>, vector<16xf32>,
        %parallel_loop3A_1024 = arith.subf %parallel_loop3A_1018, %parallel_loop3A_1008 : vector<16xf32>
        %parallel_loop3A_1025 = arith.mulf %parallel_loop3A_887, %parallel_loop3A_1024 : vector<16xf32>
        %parallel_loop3A_1026 = arith.addf %parallel_loop3A_1008, %parallel_loop3A_1025 : vector<16xf32>
        %parallel_loop3A_1027 = arith.subf %parallel_loop3A_1023, %parallel_loop3A_1013 : vector<16xf32>
        %parallel_loop3A_1028 = arith.mulf %parallel_loop3A_887, %parallel_loop3A_1027 : vector<16xf32>
        %parallel_loop3A_1029 = arith.addf %parallel_loop3A_1013, %parallel_loop3A_1028 : vector<16xf32>
        %parallel_loop3A_1030 = arith.subf %parallel_loop3A_1029, %parallel_loop3A_1026 : vector<16xf32>
        %parallel_loop3A_1031 = arith.mulf %parallel_loop3A_891, %parallel_loop3A_1030 : vector<16xf32>
        %parallel_loop3A_1032 = arith.addf %parallel_loop3A_1026, %parallel_loop3A_1031 : vector<16xf32>
        %parallel_loop3A_1033 = arith.constant 48 : i32
        %parallel_loop3A_1034 = vector.broadcast %parallel_loop3A_1033 : i32 to vector<16xi32>
        %parallel_loop3A_1035 = arith.addi %iota3A_830, %parallel_loop3A_1034 : vector<16xi32>
        %parallel_loop3A_1036 = arith.constant 0 : i32
        %parallel_loop3A_1037 = arith.constant 0 : i32
        %parallel_loop3A_1038 = tpu.memref_slice %arg17[%parallel_loop3A_836, %parallel_loop3A_1036, %parallel_loop3A_1037] : memref<2x64x256xf32, #tpu.memory_space<vmem>> -> memref<1x64x256xf32, #tpu.memory_space<vmem>>
        %parallel_loop3A_1039 = tpu.memref_squeeze %parallel_loop3A_1038 : memref<1x64x256xf32, #tpu.memory_space<vmem>> -> memref<64x256xf32, #tpu.memory_space<vmem>>
        tpu.vector_store_idx %parallel_loop3A_1039[%parallel_loop3A_1035, %parallel_loop3A_895], %parallel_loop3A_1032 : memref<64x256xf32, #tpu.memory_space<vmem>>[vector<16xi32>, vector<16xi32>], vector<16xf32>,
      } {sc.loop_unroll_factor = 4 : i64, sc.parallel_access}
      %add3A_837 = arith.constant 2 : i32
      %add3A_838 = arith.addi %add3A_569, %add3A_837 : i32
      %lt3A_839 = arith.constant 128 : i32
      %lt3A_840 = arith.cmpi slt, %add3A_838, %lt3A_839 : i32
      %convert_element_type3A_841 = arith.extui %lt3A_840 : i1 to i32
      %cond3A_842 = arith.constant 0 : i32
      %cond3A_843 = arith.cmpi ne, %convert_element_type3A_841, %cond3A_842 : i32
      scf.if %cond3A_843 {
        %add3A_884 = arith.constant 2 : i32
        %add3A_885 = arith.addi %add3A_569, %add3A_884 : i32
        %mul3A_886 = arith.constant 16384 : i32
        %mul3A_887 = arith.muli %add3A, %mul3A_886 : i32
        %mul3A_888 = arith.constant 128 : i32
        %mul3A_889 = arith.muli %add3A_885, %mul3A_888 : i32
        %add3A_890 = arith.addi %mul3A_887, %mul3A_889 : i32
        %run_scoped3A_891 = arith.constant 0 : i32
        "tpu.region"() ({
          %run_scoped3A_1113 = tpu.sem_alloc : memref<!tpu.dma_semaphore, #tpu.memory_space<semaphore_mem>>
          %dma_start3A_1114 = tpu.memref_slice %arg2[%run_scoped3A_891, %add3A_890] : memref<2x524288xf32, #tpu.memory_space<hbm>> -> memref<1x128xf32, #tpu.memory_space<hbm>>
          %dma_start3A_1115 = tpu.memref_squeeze %dma_start3A_1114 : memref<1x128xf32, #tpu.memory_space<hbm>> -> memref<128xf32, #tpu.memory_space<hbm>>
          %dma_start3A_1116 = tpu.memref_slice %arg2[%run_scoped3A_891, %add3A_890] : memref<2x524288xf32, #tpu.memory_space<hbm>> -> memref<1x128xf32, #tpu.memory_space<hbm>>
          %dma_start3A_1117 = tpu.memref_squeeze %dma_start3A_1116 : memref<1x128xf32, #tpu.memory_space<hbm>> -> memref<128xf32, #tpu.memory_space<hbm>>
          tpu.enqueue_dma source(%dma_start3A_1117 : memref<128xf32, #tpu.memory_space<hbm>>) target(%arg5 : memref<128xf32, #tpu.memory_space<vmem>>) target_semaphore(%run_scoped3A_1113 : memref<!tpu.dma_semaphore, #tpu.memory_space<semaphore_mem>>)
          %dma_wait3A_1118 = tpu.memref_slice %arg2[%run_scoped3A_891, %add3A_890] : memref<2x524288xf32, #tpu.memory_space<hbm>> -> memref<1x128xf32, #tpu.memory_space<hbm>>
          %dma_wait3A_1119 = tpu.memref_squeeze %dma_wait3A_1118 : memref<1x128xf32, #tpu.memory_space<hbm>> -> memref<128xf32, #tpu.memory_space<hbm>>
          %dma_wait3A_1120 = tpu.memref_slice %arg2[%run_scoped3A_891, %add3A_890] : memref<2x524288xf32, #tpu.memory_space<hbm>> -> memref<1x128xf32, #tpu.memory_space<hbm>>
          %dma_wait3A_1121 = tpu.memref_squeeze %dma_wait3A_1120 : memref<1x128xf32, #tpu.memory_space<hbm>> -> memref<128xf32, #tpu.memory_space<hbm>>
          tpu.wait_dma2 semaphore(%run_scoped3A_1113 : memref<!tpu.dma_semaphore, #tpu.memory_space<semaphore_mem>>) src(%dma_wait3A_1121 : memref<128xf32, #tpu.memory_space<hbm>>) dst(%arg5 : memref<128xf32, #tpu.memory_space<vmem>>)
          tpu.yield
        }) : () -> ()
        %run_scoped3A_892 = arith.constant 1 : i32
        "tpu.region"() ({
          %run_scoped3A_1113 = tpu.sem_alloc : memref<!tpu.dma_semaphore, #tpu.memory_space<semaphore_mem>>
          %dma_start3A_1114 = tpu.memref_slice %arg2[%run_scoped3A_892, %add3A_890] : memref<2x524288xf32, #tpu.memory_space<hbm>> -> memref<1x128xf32, #tpu.memory_space<hbm>>
          %dma_start3A_1115 = tpu.memref_squeeze %dma_start3A_1114 : memref<1x128xf32, #tpu.memory_space<hbm>> -> memref<128xf32, #tpu.memory_space<hbm>>
          %dma_start3A_1116 = tpu.memref_slice %arg2[%run_scoped3A_892, %add3A_890] : memref<2x524288xf32, #tpu.memory_space<hbm>> -> memref<1x128xf32, #tpu.memory_space<hbm>>
          %dma_start3A_1117 = tpu.memref_squeeze %dma_start3A_1116 : memref<1x128xf32, #tpu.memory_space<hbm>> -> memref<128xf32, #tpu.memory_space<hbm>>
          tpu.enqueue_dma source(%dma_start3A_1117 : memref<128xf32, #tpu.memory_space<hbm>>) target(%arg6 : memref<128xf32, #tpu.memory_space<vmem>>) target_semaphore(%run_scoped3A_1113 : memref<!tpu.dma_semaphore, #tpu.memory_space<semaphore_mem>>)
          %dma_wait3A_1118 = tpu.memref_slice %arg2[%run_scoped3A_892, %add3A_890] : memref<2x524288xf32, #tpu.memory_space<hbm>> -> memref<1x128xf32, #tpu.memory_space<hbm>>
          %dma_wait3A_1119 = tpu.memref_squeeze %dma_wait3A_1118 : memref<1x128xf32, #tpu.memory_space<hbm>> -> memref<128xf32, #tpu.memory_space<hbm>>
          %dma_wait3A_1120 = tpu.memref_slice %arg2[%run_scoped3A_892, %add3A_890] : memref<2x524288xf32, #tpu.memory_space<hbm>> -> memref<1x128xf32, #tpu.memory_space<hbm>>
          %dma_wait3A_1121 = tpu.memref_squeeze %dma_wait3A_1120 : memref<1x128xf32, #tpu.memory_space<hbm>> -> memref<128xf32, #tpu.memory_space<hbm>>
          tpu.wait_dma2 semaphore(%run_scoped3A_1113 : memref<!tpu.dma_semaphore, #tpu.memory_space<semaphore_mem>>) src(%dma_wait3A_1121 : memref<128xf32, #tpu.memory_space<hbm>>) dst(%arg6 : memref<128xf32, #tpu.memory_space<vmem>>)
          tpu.yield
        }) : () -> ()
        %get3A_893 = arith.constant 0 : index
        %get3A_894 = tpu.vector_load %arg5[%get3A_893] {strides = array<i32>} : memref<128xf32, #tpu.memory_space<vmem>>, vector<16xf32>,
        %get3A_895 = arith.constant 0 : index
        %get3A_896 = tpu.vector_load %arg6[%get3A_895] {strides = array<i32>} : memref<128xf32, #tpu.memory_space<vmem>>, vector<16xf32>,
        %convert_element_type3A_897 = arith.fptosi %get3A_894 : vector<16xf32> to vector<16xi32>
        %convert_element_type3A_898 = arith.fptosi %get3A_896 : vector<16xf32> to vector<16xi32>
        %convert_element_type3A_899 = arith.sitofp %convert_element_type3A_897 : vector<16xi32> to vector<16xf32>
        %sub3A_900 = arith.subf %get3A_894, %convert_element_type3A_899 : vector<16xf32>
        %convert_element_type3A_901 = arith.sitofp %convert_element_type3A_898 : vector<16xi32> to vector<16xf32>
        %sub3A_902 = arith.subf %get3A_896, %convert_element_type3A_901 : vector<16xf32>
        %mul3A_903 = arith.constant 1024 : i32
        %mul3A_904 = vector.broadcast %mul3A_903 : i32 to vector<16xi32>
        %mul3A_905 = arith.muli %convert_element_type3A_897, %mul3A_904 : vector<16xi32>
        %add3A_906 = arith.addi %mul3A_905, %convert_element_type3A_898 : vector<16xi32>
        %swap3A_907 = arith.constant 0 : index
        %swap3A_908 = tpu.vector_load %arg7[%swap3A_907] {strides = array<i32>} : memref<256xi32, #tpu.memory_space<vmem>>, vector<16xi32>,
        tpu.vector_store %arg7[%swap3A_907], %add3A_906 {strides = array<i32>} : memref<256xi32, #tpu.memory_space<vmem>>, vector<16xi32>,
        %add3A_909 = arith.constant 1024 : i32
        %add3A_910 = vector.broadcast %add3A_909 : i32 to vector<16xi32>
        %add3A_911 = arith.addi %add3A_906, %add3A_910 : vector<16xi32>
        %swap3A_912 = arith.constant 128 : index
        %swap3A_913 = tpu.vector_load %arg7[%swap3A_912] {strides = array<i32>} : memref<256xi32, #tpu.memory_space<vmem>>, vector<16xi32>,
        tpu.vector_store %arg7[%swap3A_912], %add3A_911 {strides = array<i32>} : memref<256xi32, #tpu.memory_space<vmem>>, vector<16xi32>,
        %swap3A_914 = arith.constant 0 : index
        %swap3A_915 = tpu.vector_load %arg8[%swap3A_914] {strides = array<i32>} : memref<256xf32, #tpu.memory_space<vmem>>, vector<16xf32>,
        tpu.vector_store %arg8[%swap3A_914], %sub3A_900 {strides = array<i32>} : memref<256xf32, #tpu.memory_space<vmem>>, vector<16xf32>,
        %swap3A_916 = arith.constant 128 : index
        %swap3A_917 = tpu.vector_load %arg8[%swap3A_916] {strides = array<i32>} : memref<256xf32, #tpu.memory_space<vmem>>, vector<16xf32>,
        tpu.vector_store %arg8[%swap3A_916], %sub3A_902 {strides = array<i32>} : memref<256xf32, #tpu.memory_space<vmem>>, vector<16xf32>,
        %get3A_918 = arith.constant 16 : index
        %get3A_919 = tpu.vector_load %arg5[%get3A_918] {strides = array<i32>} : memref<128xf32, #tpu.memory_space<vmem>>, vector<16xf32>,
        %get3A_920 = arith.constant 16 : index
        %get3A_921 = tpu.vector_load %arg6[%get3A_920] {strides = array<i32>} : memref<128xf32, #tpu.memory_space<vmem>>, vector<16xf32>,
        %convert_element_type3A_922 = arith.fptosi %get3A_919 : vector<16xf32> to vector<16xi32>
        %convert_element_type3A_923 = arith.fptosi %get3A_921 : vector<16xf32> to vector<16xi32>
        %convert_element_type3A_924 = arith.sitofp %convert_element_type3A_922 : vector<16xi32> to vector<16xf32>
        %sub3A_925 = arith.subf %get3A_919, %convert_element_type3A_924 : vector<16xf32>
        %convert_element_type3A_926 = arith.sitofp %convert_element_type3A_923 : vector<16xi32> to vector<16xf32>
        %sub3A_927 = arith.subf %get3A_921, %convert_element_type3A_926 : vector<16xf32>
        %mul3A_928 = arith.constant 1024 : i32
        %mul3A_929 = vector.broadcast %mul3A_928 : i32 to vector<16xi32>
        %mul3A_930 = arith.muli %convert_element_type3A_922, %mul3A_929 : vector<16xi32>
        %add3A_931 = arith.addi %mul3A_930, %convert_element_type3A_923 : vector<16xi32>
        %swap3A_932 = arith.constant 16 : index
        %swap3A_933 = tpu.vector_load %arg7[%swap3A_932] {strides = array<i32>} : memref<256xi32, #tpu.memory_space<vmem>>, vector<16xi32>,
        tpu.vector_store %arg7[%swap3A_932], %add3A_931 {strides = array<i32>} : memref<256xi32, #tpu.memory_space<vmem>>, vector<16xi32>,
        %add3A_934 = arith.constant 1024 : i32
        %add3A_935 = vector.broadcast %add3A_934 : i32 to vector<16xi32>
        %add3A_936 = arith.addi %add3A_931, %add3A_935 : vector<16xi32>
        %swap3A_937 = arith.constant 144 : index
        %swap3A_938 = tpu.vector_load %arg7[%swap3A_937] {strides = array<i32>} : memref<256xi32, #tpu.memory_space<vmem>>, vector<16xi32>,
        tpu.vector_store %arg7[%swap3A_937], %add3A_936 {strides = array<i32>} : memref<256xi32, #tpu.memory_space<vmem>>, vector<16xi32>,
        %swap3A_939 = arith.constant 16 : index
        %swap3A_940 = tpu.vector_load %arg8[%swap3A_939] {strides = array<i32>} : memref<256xf32, #tpu.memory_space<vmem>>, vector<16xf32>,
        tpu.vector_store %arg8[%swap3A_939], %sub3A_925 {strides = array<i32>} : memref<256xf32, #tpu.memory_space<vmem>>, vector<16xf32>,
        %swap3A_941 = arith.constant 144 : index
        %swap3A_942 = tpu.vector_load %arg8[%swap3A_941] {strides = array<i32>} : memref<256xf32, #tpu.memory_space<vmem>>, vector<16xf32>,
        tpu.vector_store %arg8[%swap3A_941], %sub3A_927 {strides = array<i32>} : memref<256xf32, #tpu.memory_space<vmem>>, vector<16xf32>,
        %get3A_943 = arith.constant 32 : index
        %get3A_944 = tpu.vector_load %arg5[%get3A_943] {strides = array<i32>} : memref<128xf32, #tpu.memory_space<vmem>>, vector<16xf32>,
        %get3A_945 = arith.constant 32 : index
        %get3A_946 = tpu.vector_load %arg6[%get3A_945] {strides = array<i32>} : memref<128xf32, #tpu.memory_space<vmem>>, vector<16xf32>,
        %convert_element_type3A_947 = arith.fptosi %get3A_944 : vector<16xf32> to vector<16xi32>
        %convert_element_type3A_948 = arith.fptosi %get3A_946 : vector<16xf32> to vector<16xi32>
        %convert_element_type3A_949 = arith.sitofp %convert_element_type3A_947 : vector<16xi32> to vector<16xf32>
        %sub3A_950 = arith.subf %get3A_944, %convert_element_type3A_949 : vector<16xf32>
        %convert_element_type3A_951 = arith.sitofp %convert_element_type3A_948 : vector<16xi32> to vector<16xf32>
        %sub3A_952 = arith.subf %get3A_946, %convert_element_type3A_951 : vector<16xf32>
        %mul3A_953 = arith.constant 1024 : i32
        %mul3A_954 = vector.broadcast %mul3A_953 : i32 to vector<16xi32>
        %mul3A_955 = arith.muli %convert_element_type3A_947, %mul3A_954 : vector<16xi32>
        %add3A_956 = arith.addi %mul3A_955, %convert_element_type3A_948 : vector<16xi32>
        %swap3A_957 = arith.constant 32 : index
        %swap3A_958 = tpu.vector_load %arg7[%swap3A_957] {strides = array<i32>} : memref<256xi32, #tpu.memory_space<vmem>>, vector<16xi32>,
        tpu.vector_store %arg7[%swap3A_957], %add3A_956 {strides = array<i32>} : memref<256xi32, #tpu.memory_space<vmem>>, vector<16xi32>,
        %add3A_959 = arith.constant 1024 : i32
        %add3A_960 = vector.broadcast %add3A_959 : i32 to vector<16xi32>
        %add3A_961 = arith.addi %add3A_956, %add3A_960 : vector<16xi32>
        %swap3A_962 = arith.constant 160 : index
        %swap3A_963 = tpu.vector_load %arg7[%swap3A_962] {strides = array<i32>} : memref<256xi32, #tpu.memory_space<vmem>>, vector<16xi32>,
        tpu.vector_store %arg7[%swap3A_962], %add3A_961 {strides = array<i32>} : memref<256xi32, #tpu.memory_space<vmem>>, vector<16xi32>,
        %swap3A_964 = arith.constant 32 : index
        %swap3A_965 = tpu.vector_load %arg8[%swap3A_964] {strides = array<i32>} : memref<256xf32, #tpu.memory_space<vmem>>, vector<16xf32>,
        tpu.vector_store %arg8[%swap3A_964], %sub3A_950 {strides = array<i32>} : memref<256xf32, #tpu.memory_space<vmem>>, vector<16xf32>,
        %swap3A_966 = arith.constant 160 : index
        %swap3A_967 = tpu.vector_load %arg8[%swap3A_966] {strides = array<i32>} : memref<256xf32, #tpu.memory_space<vmem>>, vector<16xf32>,
        tpu.vector_store %arg8[%swap3A_966], %sub3A_952 {strides = array<i32>} : memref<256xf32, #tpu.memory_space<vmem>>, vector<16xf32>,
        %get3A_968 = arith.constant 48 : index
        %get3A_969 = tpu.vector_load %arg5[%get3A_968] {strides = array<i32>} : memref<128xf32, #tpu.memory_space<vmem>>, vector<16xf32>,
        %get3A_970 = arith.constant 48 : index
        %get3A_971 = tpu.vector_load %arg6[%get3A_970] {strides = array<i32>} : memref<128xf32, #tpu.memory_space<vmem>>, vector<16xf32>,
        %convert_element_type3A_972 = arith.fptosi %get3A_969 : vector<16xf32> to vector<16xi32>
        %convert_element_type3A_973 = arith.fptosi %get3A_971 : vector<16xf32> to vector<16xi32>
        %convert_element_type3A_974 = arith.sitofp %convert_element_type3A_972 : vector<16xi32> to vector<16xf32>
        %sub3A_975 = arith.subf %get3A_969, %convert_element_type3A_974 : vector<16xf32>
        %convert_element_type3A_976 = arith.sitofp %convert_element_type3A_973 : vector<16xi32> to vector<16xf32>
        %sub3A_977 = arith.subf %get3A_971, %convert_element_type3A_976 : vector<16xf32>
        %mul3A_978 = arith.constant 1024 : i32
        %mul3A_979 = vector.broadcast %mul3A_978 : i32 to vector<16xi32>
        %mul3A_980 = arith.muli %convert_element_type3A_972, %mul3A_979 : vector<16xi32>
        %add3A_981 = arith.addi %mul3A_980, %convert_element_type3A_973 : vector<16xi32>
        %swap3A_982 = arith.constant 48 : index
        %swap3A_983 = tpu.vector_load %arg7[%swap3A_982] {strides = array<i32>} : memref<256xi32, #tpu.memory_space<vmem>>, vector<16xi32>,
        tpu.vector_store %arg7[%swap3A_982], %add3A_981 {strides = array<i32>} : memref<256xi32, #tpu.memory_space<vmem>>, vector<16xi32>,
        %add3A_984 = arith.constant 1024 : i32
        %add3A_985 = vector.broadcast %add3A_984 : i32 to vector<16xi32>
        %add3A_986 = arith.addi %add3A_981, %add3A_985 : vector<16xi32>
        %swap3A_987 = arith.constant 176 : index
        %swap3A_988 = tpu.vector_load %arg7[%swap3A_987] {strides = array<i32>} : memref<256xi32, #tpu.memory_space<vmem>>, vector<16xi32>,
        tpu.vector_store %arg7[%swap3A_987], %add3A_986 {strides = array<i32>} : memref<256xi32, #tpu.memory_space<vmem>>, vector<16xi32>,
        %swap3A_989 = arith.constant 48 : index
        %swap3A_990 = tpu.vector_load %arg8[%swap3A_989] {strides = array<i32>} : memref<256xf32, #tpu.memory_space<vmem>>, vector<16xf32>,
        tpu.vector_store %arg8[%swap3A_989], %sub3A_975 {strides = array<i32>} : memref<256xf32, #tpu.memory_space<vmem>>, vector<16xf32>,
        %swap3A_991 = arith.constant 176 : index
        %swap3A_992 = tpu.vector_load %arg8[%swap3A_991] {strides = array<i32>} : memref<256xf32, #tpu.memory_space<vmem>>, vector<16xf32>,
        tpu.vector_store %arg8[%swap3A_991], %sub3A_977 {strides = array<i32>} : memref<256xf32, #tpu.memory_space<vmem>>, vector<16xf32>,
        %get3A_993 = arith.constant 64 : index
        %get3A_994 = tpu.vector_load %arg5[%get3A_993] {strides = array<i32>} : memref<128xf32, #tpu.memory_space<vmem>>, vector<16xf32>,
        %get3A_995 = arith.constant 64 : index
        %get3A_996 = tpu.vector_load %arg6[%get3A_995] {strides = array<i32>} : memref<128xf32, #tpu.memory_space<vmem>>, vector<16xf32>,
        %convert_element_type3A_997 = arith.fptosi %get3A_994 : vector<16xf32> to vector<16xi32>
        %convert_element_type3A_998 = arith.fptosi %get3A_996 : vector<16xf32> to vector<16xi32>
        %convert_element_type3A_999 = arith.sitofp %convert_element_type3A_997 : vector<16xi32> to vector<16xf32>
        %sub3A_1000 = arith.subf %get3A_994, %convert_element_type3A_999 : vector<16xf32>
        %convert_element_type3A_1001 = arith.sitofp %convert_element_type3A_998 : vector<16xi32> to vector<16xf32>
        %sub3A_1002 = arith.subf %get3A_996, %convert_element_type3A_1001 : vector<16xf32>
        %mul3A_1003 = arith.constant 1024 : i32
        %mul3A_1004 = vector.broadcast %mul3A_1003 : i32 to vector<16xi32>
        %mul3A_1005 = arith.muli %convert_element_type3A_997, %mul3A_1004 : vector<16xi32>
        %add3A_1006 = arith.addi %mul3A_1005, %convert_element_type3A_998 : vector<16xi32>
        %swap3A_1007 = arith.constant 64 : index
        %swap3A_1008 = tpu.vector_load %arg7[%swap3A_1007] {strides = array<i32>} : memref<256xi32, #tpu.memory_space<vmem>>, vector<16xi32>,
        tpu.vector_store %arg7[%swap3A_1007], %add3A_1006 {strides = array<i32>} : memref<256xi32, #tpu.memory_space<vmem>>, vector<16xi32>,
        %add3A_1009 = arith.constant 1024 : i32
        %add3A_1010 = vector.broadcast %add3A_1009 : i32 to vector<16xi32>
        %add3A_1011 = arith.addi %add3A_1006, %add3A_1010 : vector<16xi32>
        %swap3A_1012 = arith.constant 192 : index
        %swap3A_1013 = tpu.vector_load %arg7[%swap3A_1012] {strides = array<i32>} : memref<256xi32, #tpu.memory_space<vmem>>, vector<16xi32>,
        tpu.vector_store %arg7[%swap3A_1012], %add3A_1011 {strides = array<i32>} : memref<256xi32, #tpu.memory_space<vmem>>, vector<16xi32>,
        %swap3A_1014 = arith.constant 64 : index
        %swap3A_1015 = tpu.vector_load %arg8[%swap3A_1014] {strides = array<i32>} : memref<256xf32, #tpu.memory_space<vmem>>, vector<16xf32>,
        tpu.vector_store %arg8[%swap3A_1014], %sub3A_1000 {strides = array<i32>} : memref<256xf32, #tpu.memory_space<vmem>>, vector<16xf32>,
        %swap3A_1016 = arith.constant 192 : index
        %swap3A_1017 = tpu.vector_load %arg8[%swap3A_1016] {strides = array<i32>} : memref<256xf32, #tpu.memory_space<vmem>>, vector<16xf32>,
        tpu.vector_store %arg8[%swap3A_1016], %sub3A_1002 {strides = array<i32>} : memref<256xf32, #tpu.memory_space<vmem>>, vector<16xf32>,
        %get3A_1018 = arith.constant 80 : index
        %get3A_1019 = tpu.vector_load %arg5[%get3A_1018] {strides = array<i32>} : memref<128xf32, #tpu.memory_space<vmem>>, vector<16xf32>,
        %get3A_1020 = arith.constant 80 : index
        %get3A_1021 = tpu.vector_load %arg6[%get3A_1020] {strides = array<i32>} : memref<128xf32, #tpu.memory_space<vmem>>, vector<16xf32>,
        %convert_element_type3A_1022 = arith.fptosi %get3A_1019 : vector<16xf32> to vector<16xi32>
        %convert_element_type3A_1023 = arith.fptosi %get3A_1021 : vector<16xf32> to vector<16xi32>
        %convert_element_type3A_1024 = arith.sitofp %convert_element_type3A_1022 : vector<16xi32> to vector<16xf32>
        %sub3A_1025 = arith.subf %get3A_1019, %convert_element_type3A_1024 : vector<16xf32>
        %convert_element_type3A_1026 = arith.sitofp %convert_element_type3A_1023 : vector<16xi32> to vector<16xf32>
        %sub3A_1027 = arith.subf %get3A_1021, %convert_element_type3A_1026 : vector<16xf32>
        %mul3A_1028 = arith.constant 1024 : i32
        %mul3A_1029 = vector.broadcast %mul3A_1028 : i32 to vector<16xi32>
        %mul3A_1030 = arith.muli %convert_element_type3A_1022, %mul3A_1029 : vector<16xi32>
        %add3A_1031 = arith.addi %mul3A_1030, %convert_element_type3A_1023 : vector<16xi32>
        %swap3A_1032 = arith.constant 80 : index
        %swap3A_1033 = tpu.vector_load %arg7[%swap3A_1032] {strides = array<i32>} : memref<256xi32, #tpu.memory_space<vmem>>, vector<16xi32>,
        tpu.vector_store %arg7[%swap3A_1032], %add3A_1031 {strides = array<i32>} : memref<256xi32, #tpu.memory_space<vmem>>, vector<16xi32>,
        %add3A_1034 = arith.constant 1024 : i32
        %add3A_1035 = vector.broadcast %add3A_1034 : i32 to vector<16xi32>
        %add3A_1036 = arith.addi %add3A_1031, %add3A_1035 : vector<16xi32>
        %swap3A_1037 = arith.constant 208 : index
        %swap3A_1038 = tpu.vector_load %arg7[%swap3A_1037] {strides = array<i32>} : memref<256xi32, #tpu.memory_space<vmem>>, vector<16xi32>,
        tpu.vector_store %arg7[%swap3A_1037], %add3A_1036 {strides = array<i32>} : memref<256xi32, #tpu.memory_space<vmem>>, vector<16xi32>,
        %swap3A_1039 = arith.constant 80 : index
        %swap3A_1040 = tpu.vector_load %arg8[%swap3A_1039] {strides = array<i32>} : memref<256xf32, #tpu.memory_space<vmem>>, vector<16xf32>,
        tpu.vector_store %arg8[%swap3A_1039], %sub3A_1025 {strides = array<i32>} : memref<256xf32, #tpu.memory_space<vmem>>, vector<16xf32>,
        %swap3A_1041 = arith.constant 208 : index
        %swap3A_1042 = tpu.vector_load %arg8[%swap3A_1041] {strides = array<i32>} : memref<256xf32, #tpu.memory_space<vmem>>, vector<16xf32>,
        tpu.vector_store %arg8[%swap3A_1041], %sub3A_1027 {strides = array<i32>} : memref<256xf32, #tpu.memory_space<vmem>>, vector<16xf32>,
        %get3A_1043 = arith.constant 96 : index
        %get3A_1044 = tpu.vector_load %arg5[%get3A_1043] {strides = array<i32>} : memref<128xf32, #tpu.memory_space<vmem>>, vector<16xf32>,
        %get3A_1045 = arith.constant 96 : index
        %get3A_1046 = tpu.vector_load %arg6[%get3A_1045] {strides = array<i32>} : memref<128xf32, #tpu.memory_space<vmem>>, vector<16xf32>,
        %convert_element_type3A_1047 = arith.fptosi %get3A_1044 : vector<16xf32> to vector<16xi32>
        %convert_element_type3A_1048 = arith.fptosi %get3A_1046 : vector<16xf32> to vector<16xi32>
        %convert_element_type3A_1049 = arith.sitofp %convert_element_type3A_1047 : vector<16xi32> to vector<16xf32>
        %sub3A_1050 = arith.subf %get3A_1044, %convert_element_type3A_1049 : vector<16xf32>
        %convert_element_type3A_1051 = arith.sitofp %convert_element_type3A_1048 : vector<16xi32> to vector<16xf32>
        %sub3A_1052 = arith.subf %get3A_1046, %convert_element_type3A_1051 : vector<16xf32>
        %mul3A_1053 = arith.constant 1024 : i32
        %mul3A_1054 = vector.broadcast %mul3A_1053 : i32 to vector<16xi32>
        %mul3A_1055 = arith.muli %convert_element_type3A_1047, %mul3A_1054 : vector<16xi32>
        %add3A_1056 = arith.addi %mul3A_1055, %convert_element_type3A_1048 : vector<16xi32>
        %swap3A_1057 = arith.constant 96 : index
        %swap3A_1058 = tpu.vector_load %arg7[%swap3A_1057] {strides = array<i32>} : memref<256xi32, #tpu.memory_space<vmem>>, vector<16xi32>,
        tpu.vector_store %arg7[%swap3A_1057], %add3A_1056 {strides = array<i32>} : memref<256xi32, #tpu.memory_space<vmem>>, vector<16xi32>,
        %add3A_1059 = arith.constant 1024 : i32
        %add3A_1060 = vector.broadcast %add3A_1059 : i32 to vector<16xi32>
        %add3A_1061 = arith.addi %add3A_1056, %add3A_1060 : vector<16xi32>
        %swap3A_1062 = arith.constant 224 : index
        %swap3A_1063 = tpu.vector_load %arg7[%swap3A_1062] {strides = array<i32>} : memref<256xi32, #tpu.memory_space<vmem>>, vector<16xi32>,
        tpu.vector_store %arg7[%swap3A_1062], %add3A_1061 {strides = array<i32>} : memref<256xi32, #tpu.memory_space<vmem>>, vector<16xi32>,
        %swap3A_1064 = arith.constant 96 : index
        %swap3A_1065 = tpu.vector_load %arg8[%swap3A_1064] {strides = array<i32>} : memref<256xf32, #tpu.memory_space<vmem>>, vector<16xf32>,
        tpu.vector_store %arg8[%swap3A_1064], %sub3A_1050 {strides = array<i32>} : memref<256xf32, #tpu.memory_space<vmem>>, vector<16xf32>,
        %swap3A_1066 = arith.constant 224 : index
        %swap3A_1067 = tpu.vector_load %arg8[%swap3A_1066] {strides = array<i32>} : memref<256xf32, #tpu.memory_space<vmem>>, vector<16xf32>,
        tpu.vector_store %arg8[%swap3A_1066], %sub3A_1052 {strides = array<i32>} : memref<256xf32, #tpu.memory_space<vmem>>, vector<16xf32>,
        %get3A_1068 = arith.constant 112 : index
        %get3A_1069 = tpu.vector_load %arg5[%get3A_1068] {strides = array<i32>} : memref<128xf32, #tpu.memory_space<vmem>>, vector<16xf32>,
        %get3A_1070 = arith.constant 112 : index
        %get3A_1071 = tpu.vector_load %arg6[%get3A_1070] {strides = array<i32>} : memref<128xf32, #tpu.memory_space<vmem>>, vector<16xf32>,
        %convert_element_type3A_1072 = arith.fptosi %get3A_1069 : vector<16xf32> to vector<16xi32>
        %convert_element_type3A_1073 = arith.fptosi %get3A_1071 : vector<16xf32> to vector<16xi32>
        %convert_element_type3A_1074 = arith.sitofp %convert_element_type3A_1072 : vector<16xi32> to vector<16xf32>
        %sub3A_1075 = arith.subf %get3A_1069, %convert_element_type3A_1074 : vector<16xf32>
        %convert_element_type3A_1076 = arith.sitofp %convert_element_type3A_1073 : vector<16xi32> to vector<16xf32>
        %sub3A_1077 = arith.subf %get3A_1071, %convert_element_type3A_1076 : vector<16xf32>
        %mul3A_1078 = arith.constant 1024 : i32
        %mul3A_1079 = vector.broadcast %mul3A_1078 : i32 to vector<16xi32>
        %mul3A_1080 = arith.muli %convert_element_type3A_1072, %mul3A_1079 : vector<16xi32>
        %add3A_1081 = arith.addi %mul3A_1080, %convert_element_type3A_1073 : vector<16xi32>
        %swap3A_1082 = arith.constant 112 : index
        %swap3A_1083 = tpu.vector_load %arg7[%swap3A_1082] {strides = array<i32>} : memref<256xi32, #tpu.memory_space<vmem>>, vector<16xi32>,
        tpu.vector_store %arg7[%swap3A_1082], %add3A_1081 {strides = array<i32>} : memref<256xi32, #tpu.memory_space<vmem>>, vector<16xi32>,
        %add3A_1084 = arith.constant 1024 : i32
        %add3A_1085 = vector.broadcast %add3A_1084 : i32 to vector<16xi32>
        %add3A_1086 = arith.addi %add3A_1081, %add3A_1085 : vector<16xi32>
        %swap3A_1087 = arith.constant 240 : index
        %swap3A_1088 = tpu.vector_load %arg7[%swap3A_1087] {strides = array<i32>} : memref<256xi32, #tpu.memory_space<vmem>>, vector<16xi32>,
        tpu.vector_store %arg7[%swap3A_1087], %add3A_1086 {strides = array<i32>} : memref<256xi32, #tpu.memory_space<vmem>>, vector<16xi32>,
        %swap3A_1089 = arith.constant 112 : index
        %swap3A_1090 = tpu.vector_load %arg8[%swap3A_1089] {strides = array<i32>} : memref<256xf32, #tpu.memory_space<vmem>>, vector<16xf32>,
        tpu.vector_store %arg8[%swap3A_1089], %sub3A_1075 {strides = array<i32>} : memref<256xf32, #tpu.memory_space<vmem>>, vector<16xf32>,
        %swap3A_1091 = arith.constant 240 : index
        %swap3A_1092 = tpu.vector_load %arg8[%swap3A_1091] {strides = array<i32>} : memref<256xf32, #tpu.memory_space<vmem>>, vector<16xf32>,
        tpu.vector_store %arg8[%swap3A_1091], %sub3A_1077 {strides = array<i32>} : memref<256xf32, #tpu.memory_space<vmem>>, vector<16xf32>,
        %dma_start3A_1093 = arith.constant 0 : i32
        %dma_start3A_1094 = arith.constant 0 : i32
        %dma_start3A_1095 = arith.constant 0 : i32
        %dma_start3A_1096 = tpu.memref_slice %arg9[%dma_start3A_1093, %dma_start3A_1094, %dma_start3A_1095] : memref<2x128x128xf32, #tpu.memory_space<vmem>> -> memref<1x128x128xf32, #tpu.memory_space<vmem>>
        %dma_start3A_1097 = tpu.memref_squeeze %dma_start3A_1096 : memref<1x128x128xf32, #tpu.memory_space<vmem>> -> memref<128x128xf32, #tpu.memory_space<vmem>>
        %dma_start3A_1098 = arith.constant 0 : i32
        %dma_start3A_1099 = tpu.memref_slice %arg7[%dma_start3A_1098] : memref<256xi32, #tpu.memory_space<vmem>> -> memref<128xi32, #tpu.memory_space<vmem>>
        %dma_start3A_1100 = arith.constant 0 : i32
        %dma_start3A_1101 = arith.constant 0 : i32
        %dma_start3A_1102 = tpu.memref_slice %arg3[%dma_start3A_1100, %dma_start3A_1101] : memref<1048576x128xf32, #tpu.memory_space<hbm>> -> memref<1048576x128xf32, #tpu.memory_space<hbm>>
        tpu.enqueue_indirect_dma source(%dma_start3A_1102 : memref<1048576x128xf32, #tpu.memory_space<hbm>>) target(%dma_start3A_1097 : memref<128x128xf32, #tpu.memory_space<vmem>>) offsets(%dma_start3A_1099 : memref<128xi32, #tpu.memory_space<vmem>>) semaphore(%arg10 : memref<!tpu.dma_semaphore, #tpu.memory_space<semaphore_mem>>)
        %dma_start3A_1103 = arith.constant 1 : i32
        %dma_start3A_1104 = arith.constant 0 : i32
        %dma_start3A_1105 = arith.constant 0 : i32
        %dma_start3A_1106 = tpu.memref_slice %arg9[%dma_start3A_1103, %dma_start3A_1104, %dma_start3A_1105] : memref<2x128x128xf32, #tpu.memory_space<vmem>> -> memref<1x128x128xf32, #tpu.memory_space<vmem>>
        %dma_start3A_1107 = tpu.memref_squeeze %dma_start3A_1106 : memref<1x128x128xf32, #tpu.memory_space<vmem>> -> memref<128x128xf32, #tpu.memory_space<vmem>>
        %dma_start3A_1108 = arith.constant 128 : i32
        %dma_start3A_1109 = tpu.memref_slice %arg7[%dma_start3A_1108] : memref<256xi32, #tpu.memory_space<vmem>> -> memref<128xi32, #tpu.memory_space<vmem>>
        %dma_start3A_1110 = arith.constant 0 : i32
        %dma_start3A_1111 = arith.constant 0 : i32
        %dma_start3A_1112 = tpu.memref_slice %arg3[%dma_start3A_1110, %dma_start3A_1111] : memref<1048576x128xf32, #tpu.memory_space<hbm>> -> memref<1048576x128xf32, #tpu.memory_space<hbm>>
        tpu.enqueue_indirect_dma source(%dma_start3A_1112 : memref<1048576x128xf32, #tpu.memory_space<hbm>>) target(%dma_start3A_1107 : memref<128x128xf32, #tpu.memory_space<vmem>>) offsets(%dma_start3A_1109 : memref<128xi32, #tpu.memory_space<vmem>>) semaphore(%arg10 : memref<!tpu.dma_semaphore, #tpu.memory_space<semaphore_mem>>)
      } else {
      }
      %dma_wait3A_844 = arith.constant 0 : i32
      %dma_wait3A_845 = arith.constant 0 : i32
      %dma_wait3A_846 = arith.constant 0 : i32
      %dma_wait3A_847 = tpu.memref_slice %arg15[%dma_wait3A_844, %dma_wait3A_845, %dma_wait3A_846] : memref<2x128x128xf32, #tpu.memory_space<vmem>> -> memref<1x128x128xf32, #tpu.memory_space<vmem>>
      %dma_wait3A_848 = tpu.memref_squeeze %dma_wait3A_847 : memref<1x128x128xf32, #tpu.memory_space<vmem>> -> memref<128x128xf32, #tpu.memory_space<vmem>>
      %dma_wait3A_849 = arith.constant 0 : i32
      %dma_wait3A_850 = tpu.memref_slice %arg13[%dma_wait3A_849] : memref<256xi32, #tpu.memory_space<vmem>> -> memref<128xi32, #tpu.memory_space<vmem>>
      %dma_wait3A_851 = arith.constant 0 : i32
      %dma_wait3A_852 = arith.constant 0 : i32
      %dma_wait3A_853 = tpu.memref_slice %arg3[%dma_wait3A_851, %dma_wait3A_852] : memref<1048576x128xf32, #tpu.memory_space<hbm>> -> memref<1048576x128xf32, #tpu.memory_space<hbm>>
      tpu.wait_indirect_dma semaphore(%arg16 : memref<!tpu.dma_semaphore, #tpu.memory_space<semaphore_mem>>) src(%dma_wait3A_853 : memref<1048576x128xf32, #tpu.memory_space<hbm>>) dst(%dma_wait3A_848 : memref<128x128xf32, #tpu.memory_space<vmem>>)
      %dma_wait3A_854 = arith.constant 1 : i32
      %dma_wait3A_855 = arith.constant 0 : i32
      %dma_wait3A_856 = arith.constant 0 : i32
      %dma_wait3A_857 = tpu.memref_slice %arg15[%dma_wait3A_854, %dma_wait3A_855, %dma_wait3A_856] : memref<2x128x128xf32, #tpu.memory_space<vmem>> -> memref<1x128x128xf32, #tpu.memory_space<vmem>>
      %dma_wait3A_858 = tpu.memref_squeeze %dma_wait3A_857 : memref<1x128x128xf32, #tpu.memory_space<vmem>> -> memref<128x128xf32, #tpu.memory_space<vmem>>
      %dma_wait3A_859 = arith.constant 128 : i32
      %dma_wait3A_860 = tpu.memref_slice %arg13[%dma_wait3A_859] : memref<256xi32, #tpu.memory_space<vmem>> -> memref<128xi32, #tpu.memory_space<vmem>>
      %dma_wait3A_861 = arith.constant 0 : i32
      %dma_wait3A_862 = arith.constant 0 : i32
      %dma_wait3A_863 = tpu.memref_slice %arg3[%dma_wait3A_861, %dma_wait3A_862] : memref<1048576x128xf32, #tpu.memory_space<hbm>> -> memref<1048576x128xf32, #tpu.memory_space<hbm>>
      tpu.wait_indirect_dma semaphore(%arg16 : memref<!tpu.dma_semaphore, #tpu.memory_space<semaphore_mem>>) src(%dma_wait3A_863 : memref<1048576x128xf32, #tpu.memory_space<hbm>>) dst(%dma_wait3A_858 : memref<128x128xf32, #tpu.memory_space<vmem>>)
      %iota3A_864 = tpu.iota {dimensions = array<i32: 0>} : vector<16xi32>
      %broadcast_in_dim3A_865 = arith.constant 0 : i32
      %broadcast_in_dim3A_866 = vector.broadcast %broadcast_in_dim3A_865 : i32 to vector<16xi32>
      %parallel_loop3A_867 = arith.constant 0 : i32
      %parallel_loop3A_868 = arith.constant 128 : i32
      %parallel_loop3A_869 = arith.constant 1 : i32
      %parallel_loop3A_870 = arith.constant 1 : i32
      scf.for %parallel_loop3A_884 = %parallel_loop3A_867 to %parallel_loop3A_868 step %parallel_loop3A_869  : i32 {
        %parallel_loop3A_885 = vector.broadcast %parallel_loop3A_884 : i32 to vector<16xi32>
        %parallel_loop3A_886 = arith.addi %broadcast_in_dim3A_866, %parallel_loop3A_885 : vector<16xi32>
        %parallel_loop3A_887 = tpu.vector_load_idx %arg14[%parallel_loop3A_886] : memref<256xf32, #tpu.memory_space<vmem>>[vector<16xi32>], vector<16xf32>,
        %parallel_loop3A_888 = arith.constant 128 : i32
        %parallel_loop3A_889 = vector.broadcast %parallel_loop3A_888 : i32 to vector<16xi32>
        %parallel_loop3A_890 = arith.addi %parallel_loop3A_886, %parallel_loop3A_889 : vector<16xi32>
        %parallel_loop3A_891 = tpu.vector_load_idx %arg14[%parallel_loop3A_890] : memref<256xf32, #tpu.memory_space<vmem>>[vector<16xi32>], vector<16xf32>,
        %parallel_loop3A_892 = arith.constant 128 : i32
        %parallel_loop3A_893 = arith.addi %parallel_loop3A_884, %parallel_loop3A_892 : i32
        %parallel_loop3A_894 = vector.broadcast %parallel_loop3A_893 : i32 to vector<16xi32>
        %parallel_loop3A_895 = arith.addi %broadcast_in_dim3A_866, %parallel_loop3A_894 : vector<16xi32>
        %parallel_loop3A_896 = arith.constant 0 : i32
        %parallel_loop3A_897 = arith.index_cast %parallel_loop3A_896 : i32 to index
        %parallel_loop3A_898 = arith.index_cast %parallel_loop3A_884 : i32 to index
        %parallel_loop3A_899 = arith.constant 0 : index
        %parallel_loop3A_900 = tpu.vector_load %arg15[%parallel_loop3A_897, %parallel_loop3A_898, %parallel_loop3A_899] {strides = array<i32>} : memref<2x128x128xf32, #tpu.memory_space<vmem>>, vector<16xf32>,
        %parallel_loop3A_901 = arith.constant 0 : i32
        %parallel_loop3A_902 = arith.index_cast %parallel_loop3A_901 : i32 to index
        %parallel_loop3A_903 = arith.index_cast %parallel_loop3A_884 : i32 to index
        %parallel_loop3A_904 = arith.constant 64 : index
        %parallel_loop3A_905 = tpu.vector_load %arg15[%parallel_loop3A_902, %parallel_loop3A_903, %parallel_loop3A_904] {strides = array<i32>} : memref<2x128x128xf32, #tpu.memory_space<vmem>>, vector<16xf32>,
        %parallel_loop3A_906 = arith.constant 1 : i32
        %parallel_loop3A_907 = arith.index_cast %parallel_loop3A_906 : i32 to index
        %parallel_loop3A_908 = arith.index_cast %parallel_loop3A_884 : i32 to index
        %parallel_loop3A_909 = arith.constant 0 : index
        %parallel_loop3A_910 = tpu.vector_load %arg15[%parallel_loop3A_907, %parallel_loop3A_908, %parallel_loop3A_909] {strides = array<i32>} : memref<2x128x128xf32, #tpu.memory_space<vmem>>, vector<16xf32>,
        %parallel_loop3A_911 = arith.constant 1 : i32
        %parallel_loop3A_912 = arith.index_cast %parallel_loop3A_911 : i32 to index
        %parallel_loop3A_913 = arith.index_cast %parallel_loop3A_884 : i32 to index
        %parallel_loop3A_914 = arith.constant 64 : index
        %parallel_loop3A_915 = tpu.vector_load %arg15[%parallel_loop3A_912, %parallel_loop3A_913, %parallel_loop3A_914] {strides = array<i32>} : memref<2x128x128xf32, #tpu.memory_space<vmem>>, vector<16xf32>,
        %parallel_loop3A_916 = arith.subf %parallel_loop3A_910, %parallel_loop3A_900 : vector<16xf32>
        %parallel_loop3A_917 = arith.mulf %parallel_loop3A_887, %parallel_loop3A_916 : vector<16xf32>
        %parallel_loop3A_918 = arith.addf %parallel_loop3A_900, %parallel_loop3A_917 : vector<16xf32>
        %parallel_loop3A_919 = arith.subf %parallel_loop3A_915, %parallel_loop3A_905 : vector<16xf32>
        %parallel_loop3A_920 = arith.mulf %parallel_loop3A_887, %parallel_loop3A_919 : vector<16xf32>
        %parallel_loop3A_921 = arith.addf %parallel_loop3A_905, %parallel_loop3A_920 : vector<16xf32>
        %parallel_loop3A_922 = arith.subf %parallel_loop3A_921, %parallel_loop3A_918 : vector<16xf32>
        %parallel_loop3A_923 = arith.mulf %parallel_loop3A_891, %parallel_loop3A_922 : vector<16xf32>
        %parallel_loop3A_924 = arith.addf %parallel_loop3A_918, %parallel_loop3A_923 : vector<16xf32>
        %parallel_loop3A_925 = arith.constant 0 : i32
        %parallel_loop3A_926 = vector.broadcast %parallel_loop3A_925 : i32 to vector<16xi32>
        %parallel_loop3A_927 = arith.addi %iota3A_864, %parallel_loop3A_926 : vector<16xi32>
        %parallel_loop3A_928 = arith.constant 0 : i32
        %parallel_loop3A_929 = arith.constant 0 : i32
        %parallel_loop3A_930 = tpu.memref_slice %arg17[%parallel_loop3A_870, %parallel_loop3A_928, %parallel_loop3A_929] : memref<2x64x256xf32, #tpu.memory_space<vmem>> -> memref<1x64x256xf32, #tpu.memory_space<vmem>>
        %parallel_loop3A_931 = tpu.memref_squeeze %parallel_loop3A_930 : memref<1x64x256xf32, #tpu.memory_space<vmem>> -> memref<64x256xf32, #tpu.memory_space<vmem>>
        tpu.vector_store_idx %parallel_loop3A_931[%parallel_loop3A_927, %parallel_loop3A_895], %parallel_loop3A_924 : memref<64x256xf32, #tpu.memory_space<vmem>>[vector<16xi32>, vector<16xi32>], vector<16xf32>,
        %parallel_loop3A_932 = arith.constant 0 : i32
        %parallel_loop3A_933 = arith.index_cast %parallel_loop3A_932 : i32 to index
        %parallel_loop3A_934 = arith.index_cast %parallel_loop3A_884 : i32 to index
        %parallel_loop3A_935 = arith.constant 16 : index
        %parallel_loop3A_936 = tpu.vector_load %arg15[%parallel_loop3A_933, %parallel_loop3A_934, %parallel_loop3A_935] {strides = array<i32>} : memref<2x128x128xf32, #tpu.memory_space<vmem>>, vector<16xf32>,
        %parallel_loop3A_937 = arith.constant 0 : i32
        %parallel_loop3A_938 = arith.index_cast %parallel_loop3A_937 : i32 to index
        %parallel_loop3A_939 = arith.index_cast %parallel_loop3A_884 : i32 to index
        %parallel_loop3A_940 = arith.constant 80 : index
        %parallel_loop3A_941 = tpu.vector_load %arg15[%parallel_loop3A_938, %parallel_loop3A_939, %parallel_loop3A_940] {strides = array<i32>} : memref<2x128x128xf32, #tpu.memory_space<vmem>>, vector<16xf32>,
        %parallel_loop3A_942 = arith.constant 1 : i32
        %parallel_loop3A_943 = arith.index_cast %parallel_loop3A_942 : i32 to index
        %parallel_loop3A_944 = arith.index_cast %parallel_loop3A_884 : i32 to index
        %parallel_loop3A_945 = arith.constant 16 : index
        %parallel_loop3A_946 = tpu.vector_load %arg15[%parallel_loop3A_943, %parallel_loop3A_944, %parallel_loop3A_945] {strides = array<i32>} : memref<2x128x128xf32, #tpu.memory_space<vmem>>, vector<16xf32>,
        %parallel_loop3A_947 = arith.constant 1 : i32
        %parallel_loop3A_948 = arith.index_cast %parallel_loop3A_947 : i32 to index
        %parallel_loop3A_949 = arith.index_cast %parallel_loop3A_884 : i32 to index
        %parallel_loop3A_950 = arith.constant 80 : index
        %parallel_loop3A_951 = tpu.vector_load %arg15[%parallel_loop3A_948, %parallel_loop3A_949, %parallel_loop3A_950] {strides = array<i32>} : memref<2x128x128xf32, #tpu.memory_space<vmem>>, vector<16xf32>,
        %parallel_loop3A_952 = arith.subf %parallel_loop3A_946, %parallel_loop3A_936 : vector<16xf32>
        %parallel_loop3A_953 = arith.mulf %parallel_loop3A_887, %parallel_loop3A_952 : vector<16xf32>
        %parallel_loop3A_954 = arith.addf %parallel_loop3A_936, %parallel_loop3A_953 : vector<16xf32>
        %parallel_loop3A_955 = arith.subf %parallel_loop3A_951, %parallel_loop3A_941 : vector<16xf32>
        %parallel_loop3A_956 = arith.mulf %parallel_loop3A_887, %parallel_loop3A_955 : vector<16xf32>
        %parallel_loop3A_957 = arith.addf %parallel_loop3A_941, %parallel_loop3A_956 : vector<16xf32>
        %parallel_loop3A_958 = arith.subf %parallel_loop3A_957, %parallel_loop3A_954 : vector<16xf32>
        %parallel_loop3A_959 = arith.mulf %parallel_loop3A_891, %parallel_loop3A_958 : vector<16xf32>
        %parallel_loop3A_960 = arith.addf %parallel_loop3A_954, %parallel_loop3A_959 : vector<16xf32>
        %parallel_loop3A_961 = arith.constant 16 : i32
        %parallel_loop3A_962 = vector.broadcast %parallel_loop3A_961 : i32 to vector<16xi32>
        %parallel_loop3A_963 = arith.addi %iota3A_864, %parallel_loop3A_962 : vector<16xi32>
        %parallel_loop3A_964 = arith.constant 0 : i32
        %parallel_loop3A_965 = arith.constant 0 : i32
        %parallel_loop3A_966 = tpu.memref_slice %arg17[%parallel_loop3A_870, %parallel_loop3A_964, %parallel_loop3A_965] : memref<2x64x256xf32, #tpu.memory_space<vmem>> -> memref<1x64x256xf32, #tpu.memory_space<vmem>>
        %parallel_loop3A_967 = tpu.memref_squeeze %parallel_loop3A_966 : memref<1x64x256xf32, #tpu.memory_space<vmem>> -> memref<64x256xf32, #tpu.memory_space<vmem>>
        tpu.vector_store_idx %parallel_loop3A_967[%parallel_loop3A_963, %parallel_loop3A_895], %parallel_loop3A_960 : memref<64x256xf32, #tpu.memory_space<vmem>>[vector<16xi32>, vector<16xi32>], vector<16xf32>,
        %parallel_loop3A_968 = arith.constant 0 : i32
        %parallel_loop3A_969 = arith.index_cast %parallel_loop3A_968 : i32 to index
        %parallel_loop3A_970 = arith.index_cast %parallel_loop3A_884 : i32 to index
        %parallel_loop3A_971 = arith.constant 32 : index
        %parallel_loop3A_972 = tpu.vector_load %arg15[%parallel_loop3A_969, %parallel_loop3A_970, %parallel_loop3A_971] {strides = array<i32>} : memref<2x128x128xf32, #tpu.memory_space<vmem>>, vector<16xf32>,
        %parallel_loop3A_973 = arith.constant 0 : i32
        %parallel_loop3A_974 = arith.index_cast %parallel_loop3A_973 : i32 to index
        %parallel_loop3A_975 = arith.index_cast %parallel_loop3A_884 : i32 to index
        %parallel_loop3A_976 = arith.constant 96 : index
        %parallel_loop3A_977 = tpu.vector_load %arg15[%parallel_loop3A_974, %parallel_loop3A_975, %parallel_loop3A_976] {strides = array<i32>} : memref<2x128x128xf32, #tpu.memory_space<vmem>>, vector<16xf32>,
        %parallel_loop3A_978 = arith.constant 1 : i32
        %parallel_loop3A_979 = arith.index_cast %parallel_loop3A_978 : i32 to index
        %parallel_loop3A_980 = arith.index_cast %parallel_loop3A_884 : i32 to index
        %parallel_loop3A_981 = arith.constant 32 : index
        %parallel_loop3A_982 = tpu.vector_load %arg15[%parallel_loop3A_979, %parallel_loop3A_980, %parallel_loop3A_981] {strides = array<i32>} : memref<2x128x128xf32, #tpu.memory_space<vmem>>, vector<16xf32>,
        %parallel_loop3A_983 = arith.constant 1 : i32
        %parallel_loop3A_984 = arith.index_cast %parallel_loop3A_983 : i32 to index
        %parallel_loop3A_985 = arith.index_cast %parallel_loop3A_884 : i32 to index
        %parallel_loop3A_986 = arith.constant 96 : index
        %parallel_loop3A_987 = tpu.vector_load %arg15[%parallel_loop3A_984, %parallel_loop3A_985, %parallel_loop3A_986] {strides = array<i32>} : memref<2x128x128xf32, #tpu.memory_space<vmem>>, vector<16xf32>,
        %parallel_loop3A_988 = arith.subf %parallel_loop3A_982, %parallel_loop3A_972 : vector<16xf32>
        %parallel_loop3A_989 = arith.mulf %parallel_loop3A_887, %parallel_loop3A_988 : vector<16xf32>
        %parallel_loop3A_990 = arith.addf %parallel_loop3A_972, %parallel_loop3A_989 : vector<16xf32>
        %parallel_loop3A_991 = arith.subf %parallel_loop3A_987, %parallel_loop3A_977 : vector<16xf32>
        %parallel_loop3A_992 = arith.mulf %parallel_loop3A_887, %parallel_loop3A_991 : vector<16xf32>
        %parallel_loop3A_993 = arith.addf %parallel_loop3A_977, %parallel_loop3A_992 : vector<16xf32>
        %parallel_loop3A_994 = arith.subf %parallel_loop3A_993, %parallel_loop3A_990 : vector<16xf32>
        %parallel_loop3A_995 = arith.mulf %parallel_loop3A_891, %parallel_loop3A_994 : vector<16xf32>
        %parallel_loop3A_996 = arith.addf %parallel_loop3A_990, %parallel_loop3A_995 : vector<16xf32>
        %parallel_loop3A_997 = arith.constant 32 : i32
        %parallel_loop3A_998 = vector.broadcast %parallel_loop3A_997 : i32 to vector<16xi32>
        %parallel_loop3A_999 = arith.addi %iota3A_864, %parallel_loop3A_998 : vector<16xi32>
        %parallel_loop3A_1000 = arith.constant 0 : i32
        %parallel_loop3A_1001 = arith.constant 0 : i32
        %parallel_loop3A_1002 = tpu.memref_slice %arg17[%parallel_loop3A_870, %parallel_loop3A_1000, %parallel_loop3A_1001] : memref<2x64x256xf32, #tpu.memory_space<vmem>> -> memref<1x64x256xf32, #tpu.memory_space<vmem>>
        %parallel_loop3A_1003 = tpu.memref_squeeze %parallel_loop3A_1002 : memref<1x64x256xf32, #tpu.memory_space<vmem>> -> memref<64x256xf32, #tpu.memory_space<vmem>>
        tpu.vector_store_idx %parallel_loop3A_1003[%parallel_loop3A_999, %parallel_loop3A_895], %parallel_loop3A_996 : memref<64x256xf32, #tpu.memory_space<vmem>>[vector<16xi32>, vector<16xi32>], vector<16xf32>,
        %parallel_loop3A_1004 = arith.constant 0 : i32
        %parallel_loop3A_1005 = arith.index_cast %parallel_loop3A_1004 : i32 to index
        %parallel_loop3A_1006 = arith.index_cast %parallel_loop3A_884 : i32 to index
        %parallel_loop3A_1007 = arith.constant 48 : index
        %parallel_loop3A_1008 = tpu.vector_load %arg15[%parallel_loop3A_1005, %parallel_loop3A_1006, %parallel_loop3A_1007] {strides = array<i32>} : memref<2x128x128xf32, #tpu.memory_space<vmem>>, vector<16xf32>,
        %parallel_loop3A_1009 = arith.constant 0 : i32
        %parallel_loop3A_1010 = arith.index_cast %parallel_loop3A_1009 : i32 to index
        %parallel_loop3A_1011 = arith.index_cast %parallel_loop3A_884 : i32 to index
        %parallel_loop3A_1012 = arith.constant 112 : index
        %parallel_loop3A_1013 = tpu.vector_load %arg15[%parallel_loop3A_1010, %parallel_loop3A_1011, %parallel_loop3A_1012] {strides = array<i32>} : memref<2x128x128xf32, #tpu.memory_space<vmem>>, vector<16xf32>,
        %parallel_loop3A_1014 = arith.constant 1 : i32
        %parallel_loop3A_1015 = arith.index_cast %parallel_loop3A_1014 : i32 to index
        %parallel_loop3A_1016 = arith.index_cast %parallel_loop3A_884 : i32 to index
        %parallel_loop3A_1017 = arith.constant 48 : index
        %parallel_loop3A_1018 = tpu.vector_load %arg15[%parallel_loop3A_1015, %parallel_loop3A_1016, %parallel_loop3A_1017] {strides = array<i32>} : memref<2x128x128xf32, #tpu.memory_space<vmem>>, vector<16xf32>,
        %parallel_loop3A_1019 = arith.constant 1 : i32
        %parallel_loop3A_1020 = arith.index_cast %parallel_loop3A_1019 : i32 to index
        %parallel_loop3A_1021 = arith.index_cast %parallel_loop3A_884 : i32 to index
        %parallel_loop3A_1022 = arith.constant 112 : index
        %parallel_loop3A_1023 = tpu.vector_load %arg15[%parallel_loop3A_1020, %parallel_loop3A_1021, %parallel_loop3A_1022] {strides = array<i32>} : memref<2x128x128xf32, #tpu.memory_space<vmem>>, vector<16xf32>,
        %parallel_loop3A_1024 = arith.subf %parallel_loop3A_1018, %parallel_loop3A_1008 : vector<16xf32>
        %parallel_loop3A_1025 = arith.mulf %parallel_loop3A_887, %parallel_loop3A_1024 : vector<16xf32>
        %parallel_loop3A_1026 = arith.addf %parallel_loop3A_1008, %parallel_loop3A_1025 : vector<16xf32>
        %parallel_loop3A_1027 = arith.subf %parallel_loop3A_1023, %parallel_loop3A_1013 : vector<16xf32>
        %parallel_loop3A_1028 = arith.mulf %parallel_loop3A_887, %parallel_loop3A_1027 : vector<16xf32>
        %parallel_loop3A_1029 = arith.addf %parallel_loop3A_1013, %parallel_loop3A_1028 : vector<16xf32>
        %parallel_loop3A_1030 = arith.subf %parallel_loop3A_1029, %parallel_loop3A_1026 : vector<16xf32>
        %parallel_loop3A_1031 = arith.mulf %parallel_loop3A_891, %parallel_loop3A_1030 : vector<16xf32>
        %parallel_loop3A_1032 = arith.addf %parallel_loop3A_1026, %parallel_loop3A_1031 : vector<16xf32>
        %parallel_loop3A_1033 = arith.constant 48 : i32
        %parallel_loop3A_1034 = vector.broadcast %parallel_loop3A_1033 : i32 to vector<16xi32>
        %parallel_loop3A_1035 = arith.addi %iota3A_864, %parallel_loop3A_1034 : vector<16xi32>
        %parallel_loop3A_1036 = arith.constant 0 : i32
        %parallel_loop3A_1037 = arith.constant 0 : i32
        %parallel_loop3A_1038 = tpu.memref_slice %arg17[%parallel_loop3A_870, %parallel_loop3A_1036, %parallel_loop3A_1037] : memref<2x64x256xf32, #tpu.memory_space<vmem>> -> memref<1x64x256xf32, #tpu.memory_space<vmem>>
        %parallel_loop3A_1039 = tpu.memref_squeeze %parallel_loop3A_1038 : memref<1x64x256xf32, #tpu.memory_space<vmem>> -> memref<64x256xf32, #tpu.memory_space<vmem>>
        tpu.vector_store_idx %parallel_loop3A_1039[%parallel_loop3A_1035, %parallel_loop3A_895], %parallel_loop3A_1032 : memref<64x256xf32, #tpu.memory_space<vmem>>[vector<16xi32>, vector<16xi32>], vector<16xf32>,
      } {sc.loop_unroll_factor = 4 : i64, sc.parallel_access}
      %dma_start3A_871 = arith.constant 1 : i32
      %dma_start3A_872 = arith.constant 0 : i32
      %dma_start3A_873 = arith.constant 0 : i32
      %dma_start3A_874 = tpu.memref_slice %arg17[%dma_start3A_871, %dma_start3A_872, %dma_start3A_873] : memref<2x64x256xf32, #tpu.memory_space<vmem>> -> memref<1x64x256xf32, #tpu.memory_space<vmem>>
      %dma_start3A_875 = tpu.memref_squeeze %dma_start3A_874 : memref<1x64x256xf32, #tpu.memory_space<vmem>> -> memref<64x256xf32, #tpu.memory_space<vmem>>
      %dma_start3A_876 = arith.constant 0 : i32
      %dma_start3A_877 = tpu.memref_slice %arg4[%dma_start3A_876, %add3A_574] : memref<64x524288xf32, #tpu.memory_space<hbm>> -> memref<64x256xf32, #tpu.memory_space<hbm>>
      %dma_start3A_878 = arith.constant 0 : i32
      %dma_start3A_879 = tpu.memref_slice %arg4[%dma_start3A_878, %add3A_574] : memref<64x524288xf32, #tpu.memory_space<hbm>> -> memref<64x256xf32, #tpu.memory_space<hbm>>
      %dma_start3A_880 = arith.constant 0 : i32
      %dma_start3A_881 = arith.constant 0 : i32
      %dma_start3A_882 = tpu.memref_slice %arg17[%dma_start3A_871, %dma_start3A_880, %dma_start3A_881] : memref<2x64x256xf32, #tpu.memory_space<vmem>> -> memref<1x64x256xf32, #tpu.memory_space<vmem>>
      %dma_start3A_883 = tpu.memref_squeeze %dma_start3A_882 : memref<1x64x256xf32, #tpu.memory_space<vmem>> -> memref<64x256xf32, #tpu.memory_space<vmem>>
      tpu.enqueue_dma source(%dma_start3A_883 : memref<64x256xf32, #tpu.memory_space<vmem>>) target(%dma_start3A_879 : memref<64x256xf32, #tpu.memory_space<hbm>>) target_semaphore(%arg19 : memref<!tpu.dma_semaphore, #tpu.memory_space<semaphore_mem>>)
    }
    %scan3A_225 = arith.constant 32 : i32
    %mul3A_226 = arith.constant 16384 : i32
    %mul3A_227 = arith.muli %add3A, %mul3A_226 : i32
    %dma_wait3A = arith.constant 0 : i32
    %dma_wait3A_228 = arith.constant 0 : i32
    %dma_wait3A_229 = arith.constant 0 : i32
    %dma_wait3A_230 = tpu.memref_slice %arg17[%dma_wait3A, %dma_wait3A_228, %dma_wait3A_229] : memref<2x64x256xf32, #tpu.memory_space<vmem>> -> memref<1x64x256xf32, #tpu.memory_space<vmem>>
    %dma_wait3A_231 = tpu.memref_squeeze %dma_wait3A_230 : memref<1x64x256xf32, #tpu.memory_space<vmem>> -> memref<64x256xf32, #tpu.memory_space<vmem>>
    %dma_wait3A_232 = arith.constant 0 : i32
    %dma_wait3A_233 = tpu.memref_slice %arg4[%dma_wait3A_232, %mul3A_227] : memref<64x524288xf32, #tpu.memory_space<hbm>> -> memref<64x256xf32, #tpu.memory_space<hbm>>
    %dma_wait3A_234 = arith.constant 0 : i32
    %dma_wait3A_235 = tpu.memref_slice %arg4[%dma_wait3A_234, %mul3A_227] : memref<64x524288xf32, #tpu.memory_space<hbm>> -> memref<64x256xf32, #tpu.memory_space<hbm>>
    %dma_wait3A_236 = arith.constant 0 : i32
    %dma_wait3A_237 = arith.constant 0 : i32
    %dma_wait3A_238 = tpu.memref_slice %arg17[%dma_wait3A, %dma_wait3A_236, %dma_wait3A_237] : memref<2x64x256xf32, #tpu.memory_space<vmem>> -> memref<1x64x256xf32, #tpu.memory_space<vmem>>
    %dma_wait3A_239 = tpu.memref_squeeze %dma_wait3A_238 : memref<1x64x256xf32, #tpu.memory_space<vmem>> -> memref<64x256xf32, #tpu.memory_space<vmem>>
    tpu.wait_dma2 semaphore(%arg18 : memref<!tpu.dma_semaphore, #tpu.memory_space<semaphore_mem>>) src(%dma_wait3A_239 : memref<64x256xf32, #tpu.memory_space<vmem>>) dst(%dma_wait3A_235 : memref<64x256xf32, #tpu.memory_space<hbm>>)
    %dma_wait3A_240 = arith.constant 1 : i32
    %dma_wait3A_241 = arith.constant 0 : i32
    %dma_wait3A_242 = arith.constant 0 : i32
    %dma_wait3A_243 = tpu.memref_slice %arg17[%dma_wait3A_240, %dma_wait3A_241, %dma_wait3A_242] : memref<2x64x256xf32, #tpu.memory_space<vmem>> -> memref<1x64x256xf32, #tpu.memory_space<vmem>>
    %dma_wait3A_244 = tpu.memref_squeeze %dma_wait3A_243 : memref<1x64x256xf32, #tpu.memory_space<vmem>> -> memref<64x256xf32, #tpu.memory_space<vmem>>
    %dma_wait3A_245 = arith.constant 0 : i32
    %dma_wait3A_246 = tpu.memref_slice %arg4[%dma_wait3A_245, %mul3A_227] : memref<64x524288xf32, #tpu.memory_space<hbm>> -> memref<64x256xf32, #tpu.memory_space<hbm>>
    %dma_wait3A_247 = arith.constant 0 : i32
    %dma_wait3A_248 = tpu.memref_slice %arg4[%dma_wait3A_247, %mul3A_227] : memref<64x524288xf32, #tpu.memory_space<hbm>> -> memref<64x256xf32, #tpu.memory_space<hbm>>
    %dma_wait3A_249 = arith.constant 0 : i32
    %dma_wait3A_250 = arith.constant 0 : i32
    %dma_wait3A_251 = tpu.memref_slice %arg17[%dma_wait3A_240, %dma_wait3A_249, %dma_wait3A_250] : memref<2x64x256xf32, #tpu.memory_space<vmem>> -> memref<1x64x256xf32, #tpu.memory_space<vmem>>
    %dma_wait3A_252 = tpu.memref_squeeze %dma_wait3A_251 : memref<1x64x256xf32, #tpu.memory_space<vmem>> -> memref<64x256xf32, #tpu.memory_space<vmem>>
    tpu.wait_dma2 semaphore(%arg19 : memref<!tpu.dma_semaphore, #tpu.memory_space<semaphore_mem>>) src(%dma_wait3A_252 : memref<64x256xf32, #tpu.memory_space<vmem>>) dst(%dma_wait3A_248 : memref<64x256xf32, #tpu.memory_space<hbm>>)
    return
  }
}

</mosaic_0001>

<sc_bundles>
// kernel: kernel.4.cloned.1.call-start
scs
__scs_entry_jumppad:
0x0: {  	(pc) =	sbr.rel $0x88, $3  }
0x1: {  	(tag) =	ssettag $0x0;
	lr =	simm.s32 $0x1  }
0x2: {  	[smem:$0x3F9F] =	sst lr;
	_ =	strace $0xD0000000  }
0x3: {  	_ = 	snop  }
0x4: {  	_ = 	snop  }
0x5: {  	_ = 	snop  }
0x6: {  	_ = 	snop  }
0x7: {  	_ = 	snop  }
__scs_overlays_trampoline_lowered:
0x8: {  	[smem:$0x3FAE] =	sst s0  }
0x9: {  	[smem:$0x3FAF] =	sst s1  }
0xa: {  	[smem:$0x3FB0] =	sst s2  }
0xb: {  	[smem:$0x3FB1] =	sst s3  }
0xc: {  	[smem:$0x3FB2] =	sst s4  }
0xd: {  	[smem:$0x3FB3] =	sst s5  }
0xe: {  	[smem:$0x3FB4] =	sst s6  }
0xf: {  	[smem:$0x3FB5] =	sst s7  }
0x10: {  	[smem:$0x3FB6] =	sst s8  }
0x11: {  	[smem:$0x3FB7] =	sst s9;
	s0 =	simm.s32 @!p0 $0x0  }
0x12: {  	s1 =	sld [smem:$0x3F9D];
	s0 =	simm.s32 @p0 $0x1  }
0x13: {  	[smem:$0x3FB8] =	sst s0;
	s0 =	simm.s32 @!p1 $0x0  }
0x14: {  	s2 =	sld [smem:$0x3F9C];
	s0 =	simm.s32 @p1 $0x1  }
0x15: {  	[smem:$0x3FB9] =	sst s0;
	s0 =	simm.s32 @!p2 $0x0  }
0x16: {  	s3 =	sld [smem:$0x3FDB];
	s0 =	simm.s32 @p2 $0x1  }
0x17: {  	s4 =	simm.s32 $0x1BF5;
	[smem:$0x3FBB] =	sst s0  }
0x18: {  	s0 =	sld [smem:$0x3F9E];
	_ =	swait.ge [sflag:s4], $0x0  }
0x19: {  	s7 =	sld [smem:$0x3F9F]  }
0x1a: {  	s8 =	sadd.s32 $0xFFFFE003, lr  }
0x1b: {  	s9 =	sadd.s32 $0xFFFFFEF7, lr;
	s5 =	simm.s32 $0xFFFFFFFF;
	p2 =	slt.u32 s8, $0xFFFFF086  }
0x1c: {  	p1 =	slt.u32 s9, $0xF7A;
	s5 =	simm.s32 @!p2 $0x0  }
0x1d: {  	s5 =	simm.s32 @p1 $0x1;
	p0 =	seq.s32 s7, s2  }
0x1e: {  	s7 =	smul.u32 @!p0 $0xF7A, s2;
	p2 =	seq.s32 @!p0 s5, $0x0  }
0x1f: {  	s9 =	smul.u32 $0xF7A, s1;
	s8 =	simm.s32 @!p0 $0x1BF5;
	p2 =	por !p2, p0  }
0x20: {  	[sflag:s8] =	ssyncset.s32 @!p0 $0xFFFFF086;
	s6 =	sadd.s32 @!p0 s3, s7;
	s7 =	simm.s32 @!p0 $0x108  }
0x21: {  	s3 =	sadd.s32 s3, s9;
	s6 =	sadd.s32 @!p0 $0x88, s6;
	s7 =	simm.s32 @p2 $0x1082  }
0x22: {  	[simem:s7], [sflag:s8] =	dma.local @!p0 [hbm:s6], $0xF7A  }
0x23: {  	s9 =	sor.u32 $0xD0000000, s2;
	s6 =	simm.s32 $0x108;
	_ =	swait.ge @!p0 [sflag:s8], $0x0  }
0x24: {  	s3 =	sadd.s32 $0x88, s3;
	s6 =	simm.s32 @!p1 $0x1082;
	[sflag:s4] =	ssyncset.s32 $0xFFFFF086  }
0x25: {  	[simem:s6], [sflag:s4] =	dma.local [hbm:s3], $0xF7A  }
0x26: {  	[smem:$0x3F9F] =	sst s1;
	(tag) =	ssettag s2;
	_ =	strace s9  }
0x27: {  	s1 =	sld [smem:$0x3FAF]  }
0x28: {  	s2 =	sld [smem:$0x3FB0]  }
0x29: {  	s4 =	sld [smem:$0x3FB2]  }
0x2a: {  	p0 =	seq.s32 s5, $0x0;
	s5 =	sld [smem:$0x3FB3]  }
0x2b: {  	s6 =	sld [smem:$0x3FB4]  }
0x2c: {  	s7 =	sld [smem:$0x3FB5]  }
0x2d: {  	s3 =	simm.s32 $0x108;
	s8 =	sld [smem:$0x3FB6]  }
0x2e: {  	s3 =	simm.s32 @!p0 $0x1082;
	s9 =	sld [smem:$0x3FB7]  }
0x2f: {  	lr =	sadd.s32 s0, s3;
	s0 =	sld [smem:$0x3FAE]  }
0x30: {  	s3 =	sld [smem:$0x3FB1]  }
0x31: {  	[smem:$0x3FBA] =	sst s10  }
0x32: {  	s10 =	sld [smem:$0x3FB8];
	_ =	sdelay $0x3  }
0x33: {  	p0 =	seq.s32 s10, $0x1;
	s10 =	sld [smem:$0x3FBA];
	_ =	sdelay $0x3  }
0x34: {  	[smem:$0x3FBA] =	sst s10  }
0x35: {  	s10 =	sld [smem:$0x3FB9];
	_ =	sdelay $0x3  }
0x36: {  	p1 =	seq.s32 s10, $0x1;
	s10 =	sld [smem:$0x3FBA];
	_ =	sdelay $0x3  }
0x37: {  	[smem:$0x3FBA] =	sst s10  }
0x38: {  	s10 =	sld [smem:$0x3FBB]  }
0x39: {  	_ = 	snop;
	(pc) =	sbr.ind lr, $3  }
0x3a: {  	_ = 	snop  }
0x3b: {  	_ = 	snop  }
0x3c: {  	p2 =	seq.s32 s10, $0x1;
	s10 =	sld [smem:$0x3FBA]  }
0x3d: {  	_ =	shalt  }
0x3e: {  	_ =	shalt  }
0x3f: {  	_ =	shalt  }
0x40: {  	_ =	shalt  }
0x41: {  	_ =	shalt  }
0x42: {  	_ =	shalt  }
0x43: {  	_ =	shalt  }
0x44: {  	_ =	shalt  }
0x45: {  	_ =	shalt  }
0x46: {  	_ =	shalt  }
0x47: {  	_ =	shalt  }
0x48: {  	_ =	shalt  }
0x49: {  	_ =	shalt  }
0x4a: {  	_ =	shalt  }
0x4b: {  	_ =	shalt  }
0x4c: {  	_ =	shalt  }
0x4d: {  	_ =	shalt  }
0x4e: {  	_ =	shalt  }
0x4f: {  	_ =	shalt  }
0x50: {  	_ =	shalt  }
0x51: {  	_ =	shalt  }
0x52: {  	_ =	shalt  }
0x53: {  	_ =	shalt  }
0x54: {  	_ =	shalt  }
0x55: {  	_ =	shalt  }
0x56: {  	_ =	shalt  }
0x57: {  	_ =	shalt  }
0x58: {  	_ =	shalt  }
0x59: {  	_ =	shalt  }
0x5a: {  	_ =	shalt  }
0x5b: {  	_ =	shalt  }
0x5c: {  	_ =	shalt  }
0x5d: {  	_ =	shalt  }
0x5e: {  	_ =	shalt  }
0x5f: {  	_ =	shalt  }
0x60: {  	_ =	shalt  }
0x61: {  	_ =	shalt  }
0x62: {  	_ =	shalt  }
0x63: {  	_ =	shalt  }
0x64: {  	_ =	shalt  }
0x65: {  	_ =	shalt  }
0x66: {  	_ =	shalt  }
0x67: {  	_ =	shalt  }
0x68: {  	_ =	shalt  }
0x69: {  	_ =	shalt  }
0x6a: {  	_ =	shalt  }
0x6b: {  	_ =	shalt  }
0x6c: {  	_ =	shalt  }
0x6d: {  	_ =	shalt  }
0x6e: {  	_ =	shalt  }
0x6f: {  	_ =	shalt  }
0x70: {  	_ =	shalt  }
0x71: {  	_ =	shalt  }
0x72: {  	_ =	shalt  }
0x73: {  	_ =	shalt  }
0x74: {  	_ =	shalt  }
0x75: {  	_ =	shalt  }
0x76: {  	_ =	shalt  }
0x77: {  	_ =	shalt  }
0x78: {  	_ =	shalt  }
0x79: {  	_ =	shalt  }
0x7a: {  	_ =	shalt  }
0x7b: {  	_ =	shalt  }
0x7c: {  	_ =	shalt  }
0x7d: {  	_ =	shalt  }
0x7e: {  	_ =	shalt  }
0x7f: {  	_ =	shalt  }
0x80: {  	_ =	shalt  }
0x81: {  	_ =	shalt  }
0x82: {  	_ =	shalt  }
0x83: {  	_ =	shalt  }
0x84: {  	_ =	shalt  }
0x85: {  	_ =	shalt  }
0x86: {  	_ =	shalt  }
0x87: {  	_ =	shalt  }
.Lfunc_end0:
.L_simem_size_0:
called_computation_lowered:
.L_overlay_start_0:
0x88: {  	s2 =	sld [smem:$0x3FD9]  }
0x89: {  	s3 =	sld [smem:$0x3FFE];
	_ =	sdelay $0x1  }
0x8a: {  	s1 =	srdreg.scid  }
0x8b: {  	s0 =	sand.u32 $0x1, s1  }
0x8c: {  	s16 =	sshll.u32 s0, $0xA;
	s2 =	sadd.s32 s3, s2  }
0x8d: {  	s2 =	sadd.s32 s2, s16  }
0x8e: {  	[smem:$0x3FC6] =	sst s2  }
0x8f: {  	_ = 	snop  }
0x90: {  	(tm) =	ssettm $0x1  }
0x91: {  	s17 =	sld [smem:$0x3FFB];
	_ =	sdelay $0x3  }
0x92: {  	_ =	strace s17  }
0x93: {  	s2 =	sld [smem:$0x3FFC];
	_ =	sdelay $0x3  }
0x94: {  	_ =	strace s2  }
0x95: {  	s2 =	sld [smem:$0x3FFD];
	_ =	sdelay $0x3  }
0x96: {  	_ =	strace s2  }
0x97: {  	_ =	strace $0x8FFFFFFF  }
0x98: {  	s18 =	sld [smem:$0x3FDB];
	_ =	sdelay $0x1  }
0x99: {  	s19 =	simm.s32 $_scs_section_size  }
0x9a: {  	s4 =	simm.s32 $_size__tile_overlayer_lowered;
	s5 =	simm.s32 $_tile_overlayer_lowered  }
0x9b: {  	s22 =	simm.s32 $0x1BFF;
	s21 =	sshll.u32 s5, $0x1;
	s2 =	sadd.s32 s19, s18  }
0x9c: {  	s6 =	simm.s32 $0x0;
	s20 =	sshll.u32 s4, $0x1;
	s4 =	sadd.s32 s21, s2  }
0x9d: {  	[timem:s6], [sflag:s22] =	dma.local [hbm:s4], s20  }
0x9e: {  	_ =	swait.ge [sflag:s22], s20  }
0x9f: {  	s3 =	ssub.s32 $0x0, s20;
	[sflag:s22] =	ssyncset.done $0x0  }
0xa0: {  	[sflag:s22] =	ssyncadd.s32 s3;
	_ =	sdelay $0x1  }
0xa1: {  	s23 =	simm.s32 $0x1B8B  }
0xa2: {  	_ =	swait.ge [sflag:s23], $0x1  }
0xa3: {  	[sflag:s23] =	ssyncset.done $0x0  }
0xa4: {  	s25 =	simm.s32 $0x1B8E;
	s24 =	sld [smem:$0x3FFE];
	[sflag:s23] =	ssyncadd.s32 $0xFFFFFFFF  }
0xa5: {  	s26 =	simm.s32 $execute0_lowered;
	[smem:$0x3FD2] =	sst s25  }
0xa6: {  	s4 =	sshll.u32 s26, $0x1;
	_ =	strace $0x80000046;
	[dreg:$0x1] =	wrdreg $0xFFFFFFFF  }
0xa7: {  	s28 =	simm.s32 $_size_execute0_lowered;
	s2 =	sadd.s32 s2, s4;
	[dreg:$0x0] =	wrdreg $0x0  }
0xa8: {  	s4 =	sshll.u32 s28, $0x1;
	[dreg:$0x2] =	wrdreg s2  }
0xa9: {  	[dreg:$0x3] =	wrdreg s4  }
0xaa: {  	[dreg:$0x4] =	wrdreg $0xC0  }
0xab: {  	_ =	task [dreg:s6], $0x5FFFF  }
0xac: {  	[dreg:$0x1] =	wrdreg $0xFFFFFFFF  }
0xad: {  	[dreg:$0x0] =	wrdreg $0x60  }
0xae: {  	[dreg:$0x2] =	wrdreg s24  }
0xaf: {  	[dreg:$0x3] =	wrdreg $0x9  }
0xb0: {  	_ =	task.clear_ibuf [dreg:s6], $0x4FFFF;
	_ =	strace $0x90000046  }
0xb1: {  	s29 =	simm.s32 $0x9;
	_ =	strace $0x80000048  }
0xb2: {  	_ =	swait.ge [sflag:s29], $0x1  }
0xb3: {  	[sflag:s29] =	ssyncadd.s32 $0xFFFFFFFF  }
0xb4: {  	_ =	strace $0x90000048  }
0xb5: {  	_ =	sfence  }
0xb6: {  	s30 =	sld [smem:$0x0];
	_ =	sdelay $0x2  }
0xb7: {  	s31 =	sshll.u32 s1, $0xD;
	s1 =	sshrl.u32 s1, $0x2  }
0xb8: {  	s3 =	sand.u32 $0x4000, s31;
	s1 =	sadd.s32 s1, s30  }
0xb9: {  	s0 =	sor.u32 s3, s0;
	s1 =	sshll.u32 s1, $0x11  }
0xba: {  	s0 =	sor.u32 s1, s0  }
0xbb: {  	s0 =	sadd.s32 $0x8F2B, s0  }
0xbc: {  	[sflag:s0] =	ssyncadd.remote.s32 $0x1  }
0xbd: {  	_ =	sfence.sel $0xFFFF  }
0xbe: {  	[dreg:$0x0] =	wrdreg $0xFFFFFFFF;
	(pc) =	sbr.abs _section_cstart, $3  }
0xbf: {  	[dreg:$0x1] =	wrdreg $0xFFFFFFFF  }
0xc0: {  	_ =	task.clear_ibuf [dreg:s6], $0x2FFFF;
	_ =	strace $0x9FFFFFFF  }
0xc1: {  	(tm) =	ssettm $0x7FFFFFFF  }
tec
execute0_lowered:
.L_overlay_start_1:
0x0: {  	(tag) =	ssettag $0x1  }
0x1: {  	s0 =	rddreg [dreg:$0x0];
	s2 =	simm.s32 $0x0;
	s1 =	srdreg.scid  }
0x2: {  	s4 =	stileid.u32;
	s13 =	simm.s32 $0x8400;
	s14 =	simm.s32 $0x1  }
0x3: {  	s15 =	simm.s32 $0x4400;
	s16 =	simm.s32 $0x3;
	s17 =	simm.s32 $0x2  }
0x4: {  	s18 =	simm.s32 $0xC800;
	s19 =	simm.s32 $0x0;
	[smem:$0x7FF] =	sst s2  }
0x5: {  	s1 =	sand.u32 $0x1, s1;
	s3 =	sadd.s32 $0x800, s0;
	s5 =	sshll.u32 s4, $0x10  }
0x6: {  	s4 =	sadd.s32 $0x1000800, s0;
	s6 =	sshll.u32 s1, $0xF;
	s1 =	ssub.s32 $0x2, s1  }
0x7: {  	_ =	strace $0x80000047;
	s11 =	sor.u32 s6, s5;
	s30 =	sshrl.u32 s1, $0x1  }
0x8: {  	s5 =	sadd.s32 $0x1000, s0;
	s8 =	sshll.u32 s11, $0x4;
	s31 =	ssub.s32 s1, s30  }
0x9: {  	s9 =	sor.u32 $0x100, s11;
	s11 =	sor.u32 $0x80, s11;
	s6 =	sadd.s32 s3, s8  }
0xa: {  	s7 =	sadd.s32 s8, s5;
	s8 =	sadd.s32 s4, s8;
	s10 =	smax.u32 s31, $0x1  }
.LBB2_1:
0xb: {  	[tilespmem:s2], [sflag:$0x1] =	stream.linear.gather [hbm4b:s6+s2], $0x4000, $0x38;
	[tilespmem:$0x10800] =	vst v63  }
0xc: {  	s0 =	simm.s32 $0x4000;
	s20 =	simm.s32 $0x0  }
0xd: {  	[tilespmem:s0], [sflag:$0x1] =	stream.linear.gather [hbm4b:s7+s2], $0x400, $0x38;
	[tilespmem:$0x10800] =	vst v63  }
.LBB2_2:
0xe: {  	s22 =	sshll.u32 s20, $0x8  }
0xf: {  	s0 =	sor.u32 s11, s22  }
0x10: {  	s21 =	sshll.u32 s0, $0x4  }
0x11: {  	p0 =	sgt.u32 s0, $0xFFF7F;
	s1 =	sadd.s32 s3, s21  }
0x12: {  	[tilespmem:s13], [sflag:$0x2] =	stream.linear.gather [hbm4b:s1+s2], $0x4000, $0x38;
	[tilespmem:$0x10800] =	vst v63  }
0x13: {  	s0 =	sadd.s32 @!p0 s21, s5;
	s12 =	simm.s32 @!p0 $0xC400;
	s1 =	simm.s32 @!p0 $0x0  }
0x14: {  	[tilespmem:s12], [sflag:$0x2] =	stream.linear.gather @!p0 [hbm4b:s0+s1], $0x400, $0x38;
	[tilespmem:$0x10800] =	vst v63  }
0x15: {  	_ =	swait.ge [sflag:s14], $0x4000  }
0x16: {  	[sflag:s14] =	ssyncset.done $0x0  }
0x17: {  	[sflag:s14] =	ssyncadd.s32 $0xFFFFC000  }
0x18: {  	_ =	swait.ge [sflag:s14], $0x400  }
0x19: {  	[sflag:s14] =	ssyncset.done $0x0  }
0x1a: {  	s28 =	simm.s32 $0xA0;
	[sflag:s14] =	ssyncadd.s32 $0xFFFFFC00  }
0x1b: {  	v0 =	vld [tilespmem:s28+$0xFFFFFF60];
	_ =	sdelay $0x3  }
0x1c: {  	s25 =	simm.s32 $0x4480  }
0x1d: {  	[tilespmem:s25+$0xFFFFFF80] =	vst v0  }
0x1e: {  	v0 =	vld [tilespmem:s28+$0xFFFFFF70];
	_ =	sdelay $0x4  }
0x1f: {  	[tilespmem:s25+$0xFFFFFF90] =	vst v0  }
0x20: {  	v0 =	vld [tilespmem:s28+$0xFFFFFF80];
	_ =	sdelay $0x2  }
0x21: {  	s24 =	simm.s32 $0x1A0  }
0x22: {  	v1 =	vld [tilespmem:s24+$0xFFFFFF60]  }
0x23: {  	[tilespmem:s25+$0xFFFFFFA0] =	vst v0  }
0x24: {  	v0 =	vld [tilespmem:s28+$0xFFFFFF90];
	_ =	sdelay $0x1  }
0x25: {  	s23 =	simm.s32 $0x4580  }
0x26: {  	[tilespmem:s23+$0xFFFFFF80] =	vst v1  }
0x27: {  	v1 =	vld [tilespmem:s24+$0xFFFFFF70]  }
0x28: {  	[tilespmem:s25+$0xFFFFFFB0] =	vst v0  }
0x29: {  	v0 =	vld [tilespmem:s28+$0xFFFFFFE0];
	_ =	sdelay $0x2  }
0x2a: {  	[tilespmem:s23+$0xFFFFFF90] =	vst v1  }
0x2b: {  	v1 =	vld [tilespmem:s24+$0xFFFFFF80]  }
0x2c: {  	[tilespmem:s25+$0x0] =	vst v0  }
0x2d: {  	v2 =	vld [tilespmem:s28+$0xFFFFFFF0]  }
0x2e: {  	s29 =	simm.s32 $0x2A0  }
0x2f: {  	v3 =	vld [tilespmem:s29+$0xFFFFFF60]  }
0x30: {  	[tilespmem:s23+$0xFFFFFFA0] =	vst v1  }
0x31: {  	v1 =	vld [tilespmem:s24+$0xFFFFFF90]  }
0x32: {  	[tilespmem:s25+$0x10] =	vst v2  }
0x33: {  	s26 =	simm.s32 $0x4680;
	v2 =	vld [tilespmem:s28+$0x0]  }
0x34: {  	[tilespmem:s26+$0xFFFFFF80] =	vst v3  }
0x35: {  	v3 =	vld [tilespmem:s29+$0xFFFFFF70]  }
0x36: {  	[tilespmem:s23+$0xFFFFFFB0] =	vst v1  }
0x37: {  	s30 =	simm.s32 $0x3A0;
	v1 =	vld [tilespmem:s24+$0xFFFFFFE0]  }
0x38: {  	v5 =	vld [tilespmem:s30+$0xFFFFFF60];
	[tilespmem:s25+$0x20] =	vst v2  }
0x39: {  	[tilespmem:s25+$0xFFFFFFC0] =	vst v0;
	v0 =	vld [tilespmem:s28+$0x10]  }
0x3a: {  	[tilespmem:s26+$0xFFFFFF90] =	vst v3;
	v2 =	vld [tilespmem:s28+$0xFFFFFFF0]  }
0x3b: {  	v3 =	vld [tilespmem:s29+$0xFFFFFF80]  }
0x3c: {  	s0 =	simm.s32 $0x4780;
	[tilespmem:s23+$0x0] =	vst v1  }
0x3d: {  	[tilespmem:s0+$0xFFFFFF80] =	vst v5;
	v4 =	vld [tilespmem:s24+$0xFFFFFFF0]  }
0x3e: {  	[tilespmem:s25+$0x30] =	vst v0  }
0x3f: {  	[tilespmem:s25+$0xFFFFFFD0] =	vst v2;
	v0 =	vld [tilespmem:s28+$0x60]  }
0x40: {  	[tilespmem:s26+$0xFFFFFFA0] =	vst v3;
	v2 =	vld [tilespmem:s28+$0x0]  }
0x41: {  	[tilespmem:s23+$0xFFFFFFC0] =	vst v1;
	v1 =	vld [tilespmem:s29+$0xFFFFFF90]  }
0x42: {  	v5 =	vld [tilespmem:s30+$0xFFFFFF70];
	[tilespmem:s23+$0x10] =	vst v4  }
0x43: {  	v4 =	vld [tilespmem:s24+$0x0]  }
0x44: {  	v3 =	vld [tilespmem:s24+$0xFFFFFFF0];
	[tilespmem:s25+$0x40] =	vst v0  }
0x45: {  	[tilespmem:s25+$0xFFFFFFE0] =	vst v2;
	v6 =	vld [tilespmem:s28+$0x70]  }
0x46: {  	[tilespmem:s26+$0xFFFFFFB0] =	vst v1;
	v1 =	vld [tilespmem:s28+$0x10]  }
0x47: {  	[tilespmem:s0+$0xFFFFFF90] =	vst v5;
	v7 =	vld [tilespmem:s29+$0xFFFFFFE0]  }
0x48: {  	[tilespmem:s23+$0x20] =	vst v4  }
0x49: {  	[tilespmem:s23+$0xFFFFFFD0] =	vst v3;
	v2 =	vld [tilespmem:s24+$0x10]  }
0x4a: {  	v4 =	vld [tilespmem:s30+$0xFFFFFF80];
	[tilespmem:s25+$0x50] =	vst v6  }
0x4b: {  	[tilespmem:s25+$0xFFFFFFF0] =	vst v1;
	v1 =	vld [tilespmem:s28+$0x80]  }
0x4c: {  	[tilespmem:s26+$0x0] =	vst v7;
	v0 =	vld [tilespmem:s24+$0x0]  }
0x4d: {  	s31 =	simm.s32 $0x4780;
	s1 =	simm.s32 $0x6;
	s12 =	simm.s32 $0x4A0;
	[tilespmem:s26+$0xFFFFFFC0] =	vst v7;
	v3 =	vld [tilespmem:s29+$0xFFFFFFF0]  }
.LBB2_3:
0x4e: {  	v5 =	vld [tilespmem:s12+$0xFFFFFF60];
	[tilespmem:s23+$0x30] =	vst v2  }
0x4f: {  	s1 =	sadd.s32 $0x2, s1;
	[tilespmem:s0+$0xFFFFFFA0] =	vst v4;
	v2 =	vld [tilespmem:s24+$0x60]  }
0x50: {  	p1 =	slt.u32 s1, $0x7E;
	v4 =	vld [tilespmem:s30+$0xFFFFFF90];
	[tilespmem:s25+$0x60] =	vst v1  }
0x51: {  	[tilespmem:s23+$0xFFFFFFE0] =	vst v0;
	v0 =	vld [tilespmem:s28+$0x90];
	s28 =	smov.u32 s24;
	s24 =	smov.u32 s29;
	s29 =	smov.u32 s30  }
0x52: {  	s0 =	sadd.s32 $0x100, s0;
	s30 =	smov.u32 s12;
	v1 =	vld [tilespmem:s24+$0xFFFFFFF0];
	[tilespmem:s26+$0x10] =	vst v3  }
0x53: {  	[tilespmem:s0+$0xFFFFFF80] =	vst v5;
	v3 =	vld [tilespmem:s24+$0x0]  }
0x54: {  	v5 =	vld [tilespmem:s12+$0xFFFFFF70];
	[tilespmem:s23+$0x40] =	vst v2  }
0x55: {  	[tilespmem:s31+$0xFFFFFFB0] =	vst v4;
	v6 =	vld [tilespmem:s28+$0x70]  }
0x56: {  	v7 =	vld [tilespmem:s28+$0x10];
	[tilespmem:s25+$0x70] =	vst v0;
	s25 =	smov.u32 s23;
	s23 =	smov.u32 s26;
	s26 =	smov.u32 s31  }
0x57: {  	s31 =	smov.u32 s0;
	v8 =	vld [tilespmem:s29+$0xFFFFFFE0];
	[tilespmem:s23+$0xFFFFFFD0] =	vst v1  }
0x58: {  	v0 =	vld [tilespmem:s24+$0x0];
	[tilespmem:s23+$0x20] =	vst v3  }
.Ltmp0:
0x59: {  	[tilespmem:s0+$0xFFFFFF90] =	vst v5;
	v2 =	vld [tilespmem:s24+$0x10];
	(pc) =	sbr.rel @p1 .LBB2_3-.Ltmp0, $4  }
0x5a: {  	v4 =	vld [tilespmem:s12+$0xFFFFFF80];
	[tilespmem:s25+$0x50] =	vst v6  }
0x5b: {  	[tilespmem:s25+$0xFFFFFFF0] =	vst v7;
	v1 =	vld [tilespmem:s28+$0x80]  }
0x5c: {  	[tilespmem:s26+$0x0] =	vst v8  }
0x5d: {  	s12 =	sadd.s32 $0x100, s12;
	[tilespmem:s26+$0xFFFFFFC0] =	vst v8;
	v3 =	vld [tilespmem:s29+$0xFFFFFFF0]  }
0x5e: {  	_ = 	snop  }
0x5f: {  	[tilespmem:s0+$0xFFFFFFA0] =	vst v4  }
0x60: {  	v4 =	vld [tilespmem:s30+$0xFFFFFF90];
	_ =	sdelay $0x4  }
0x61: {  	[tilespmem:s31+$0xFFFFFFB0] =	vst v4  }
0x62: {  	v4 =	vld [tilespmem:s30+$0xFFFFFFE0];
	_ =	sdelay $0x4  }
0x63: {  	[tilespmem:s31+$0x0] =	vst v4  }
0x64: {  	v5 =	vld [tilespmem:s30+$0xFFFFFFF0];
	_ =	sdelay $0x2  }
0x65: {  	[tilespmem:s26+$0x10] =	vst v3  }
0x66: {  	v3 =	vld [tilespmem:s29+$0x0]  }
0x67: {  	[tilespmem:s31+$0x10] =	vst v5  }
0x68: {  	v5 =	vld [tilespmem:s30+$0x0];
	_ =	sdelay $0x2  }
0x69: {  	[tilespmem:s26+$0x20] =	vst v3  }
0x6a: {  	v3 =	vld [tilespmem:s29+$0x10]  }
0x6b: {  	[tilespmem:s31+$0x20] =	vst v5  }
0x6c: {  	v5 =	vld [tilespmem:s30+$0x10]  }
0x6d: {  	[tilespmem:s23+$0x30] =	vst v2  }
0x6e: {  	v2 =	vld [tilespmem:s24+$0x60]  }
0x6f: {  	[tilespmem:s26+$0x30] =	vst v3  }
0x70: {  	v3 =	vld [tilespmem:s29+$0x60]  }
0x71: {  	[tilespmem:s31+$0x30] =	vst v5  }
0x72: {  	[tilespmem:s25+$0x60] =	vst v1;
	v5 =	vld [tilespmem:s30+$0x60]  }
0x73: {  	[tilespmem:s23+$0x40] =	vst v2;
	v2 =	vld [tilespmem:s29+$0xFFFFFFF0]  }
0x74: {  	v1 =	vld [tilespmem:s24+$0x70];
	[tilespmem:s31+$0xFFFFFFC0] =	vst v4  }
0x75: {  	v4 =	vld [tilespmem:s30+$0xFFFFFFF0];
	[tilespmem:s26+$0x40] =	vst v3  }
0x76: {  	[tilespmem:s23+$0xFFFFFFE0] =	vst v0;
	v3 =	vld [tilespmem:s29+$0x70]  }
0x77: {  	[tilespmem:s31+$0x40] =	vst v5  }
0x78: {  	[tilespmem:s26+$0xFFFFFFD0] =	vst v2;
	v0 =	vld [tilespmem:s30+$0x70]  }
0x79: {  	[tilespmem:s23+$0x50] =	vst v1;
	v2 =	vld [tilespmem:s29+$0x0]  }
0x7a: {  	v1 =	vld [tilespmem:s24+$0x80];
	[tilespmem:s31+$0xFFFFFFD0] =	vst v4  }
0x7b: {  	v4 =	vld [tilespmem:s30+$0x0];
	[tilespmem:s26+$0x50] =	vst v3  }
0x7c: {  	v3 =	vld [tilespmem:s29+$0x80]  }
0x7d: {  	v5 =	vld [tilespmem:s28+$0x90];
	[tilespmem:s31+$0x50] =	vst v0  }
0x7e: {  	[tilespmem:s26+$0xFFFFFFE0] =	vst v2;
	v0 =	vld [tilespmem:s30+$0x80]  }
0x7f: {  	[tilespmem:s23+$0x60] =	vst v1;
	v2 =	vld [tilespmem:s29+$0x10]  }
0x80: {  	v1 =	vld [tilespmem:s24+$0x90];
	[tilespmem:s31+$0xFFFFFFE0] =	vst v4  }
0x81: {  	v4 =	vld [tilespmem:s30+$0x10];
	[tilespmem:s26+$0x60] =	vst v3  }
0x82: {  	v3 =	vld [tilespmem:s29+$0x90];
	[tilespmem:s25+$0x70] =	vst v5  }
0x83: {  	v5 =	vld [tilespmem:s24+$0x10];
	[tilespmem:s31+$0x60] =	vst v0  }
0x84: {  	[tilespmem:s26+$0xFFFFFFF0] =	vst v2;
	v0 =	vld [tilespmem:s30+$0x90]  }
0x85: {  	[tilespmem:s23+$0x70] =	vst v1  }
0x86: {  	[tilespmem:s31+$0xFFFFFFF0] =	vst v4  }
0x87: {  	[tilespmem:s26+$0x70] =	vst v3  }
0x88: {  	s26 =	sshll.u32 s20, $0xC;
	[tilespmem:s23+$0xFFFFFFF0] =	vst v5  }
0x89: {  	p1 =	seq.s32 s20, $0x7F;
	s0 =	sadd.s32 s26, s8;
	[tilespmem:s31+$0x70] =	vst v0  }
0x8a: {  	[hbm4b:s0+s2] =	stream.linear.scatter [tilespmem:s15], [sflag:$0x3], $0x4000, $0x38;
	[tilespmem:$0x10800] =	vst v63  }
0x8b: {  	s0 =	sadd.s32 @!p1 s22, s9;
	_ =	swait.ge [sflag:s16], $0x4000  }
0x8c: {  	s22 =	simm.s32 @!p1 $0x0;
	s1 =	sshll.u32 @!p1 s0, $0x4;
	[sflag:s16] =	ssyncset.done $0x0  }
0x8d: {  	p2 =	sgt.u32 @!p1 s0, $0xFFFFF;
	s12 =	sadd.s32 @!p1 s3, s1;
	[sflag:s16] =	ssyncadd.s32 $0xFFFFC000  }
0x8e: {  	[tilespmem:s22], [sflag:$0x1] =	stream.linear.gather @!p1 [hbm4b:s12+s22], $0x4000, $0x38;
	[tilespmem:$0x10800] =	vst v63  }
0x8f: {  	p1 =	por p2, p1  }
0x90: {  	s0 =	sadd.s32 @!p1 s1, s5;
	s1 =	simm.s32 @!p1 $0x0;
	s12 =	simm.s32 @!p1 $0x4000  }
0x91: {  	[tilespmem:s12], [sflag:$0x1] =	stream.linear.gather @!p1 [hbm4b:s0+s1], $0x400, $0x38;
	[tilespmem:$0x10800] =	vst v63  }
0x92: {  	_ =	swait.ge [sflag:s17], $0x4000  }
0x93: {  	[sflag:s17] =	ssyncset.done $0x0  }
0x94: {  	s0 =	simm.s32 @!p0 $0x2;
	[sflag:s17] =	ssyncadd.s32 $0xFFFFC000  }
0x95: {  	_ =	swait.ge @!p0 [sflag:s0], $0x400  }
0x96: {  	[sflag:s0] =	ssyncset.done @!p0 $0x0  }
0x97: {  	s25 =	simm.s32 $0x84A0;
	[sflag:s0] =	ssyncadd.s32 @!p0 $0xFFFFFC00  }
0x98: {  	v0 =	vld [tilespmem:s25+$0xFFFFFF60];
	_ =	sdelay $0x3  }
0x99: {  	s24 =	simm.s32 $0xC880  }
0x9a: {  	[tilespmem:s24+$0xFFFFFF80] =	vst v0  }
0x9b: {  	v0 =	vld [tilespmem:s25+$0xFFFFFF70];
	_ =	sdelay $0x4  }
0x9c: {  	[tilespmem:s24+$0xFFFFFF90] =	vst v0  }
0x9d: {  	v0 =	vld [tilespmem:s25+$0xFFFFFF80];
	_ =	sdelay $0x2  }
0x9e: {  	s23 =	simm.s32 $0x85A0  }
0x9f: {  	v1 =	vld [tilespmem:s23+$0xFFFFFF60]  }
0xa0: {  	[tilespmem:s24+$0xFFFFFFA0] =	vst v0  }
0xa1: {  	v0 =	vld [tilespmem:s25+$0xFFFFFF90];
	_ =	sdelay $0x1  }
0xa2: {  	s22 =	simm.s32 $0xC980  }
0xa3: {  	[tilespmem:s22+$0xFFFFFF80] =	vst v1  }
0xa4: {  	v1 =	vld [tilespmem:s23+$0xFFFFFF70]  }
0xa5: {  	[tilespmem:s24+$0xFFFFFFB0] =	vst v0  }
0xa6: {  	v0 =	vld [tilespmem:s25+$0xFFFFFFE0];
	_ =	sdelay $0x2  }
0xa7: {  	[tilespmem:s22+$0xFFFFFF90] =	vst v1  }
0xa8: {  	v1 =	vld [tilespmem:s23+$0xFFFFFF80]  }
0xa9: {  	[tilespmem:s24+$0x0] =	vst v0  }
0xaa: {  	v2 =	vld [tilespmem:s25+$0xFFFFFFF0]  }
0xab: {  	s28 =	simm.s32 $0x86A0  }
0xac: {  	v3 =	vld [tilespmem:s28+$0xFFFFFF60]  }
0xad: {  	[tilespmem:s22+$0xFFFFFFA0] =	vst v1  }
0xae: {  	v1 =	vld [tilespmem:s23+$0xFFFFFF90]  }
0xaf: {  	[tilespmem:s24+$0x10] =	vst v2  }
0xb0: {  	s26 =	simm.s32 $0xCA80;
	v2 =	vld [tilespmem:s25+$0x0]  }
0xb1: {  	[tilespmem:s26+$0xFFFFFF80] =	vst v3  }
0xb2: {  	v3 =	vld [tilespmem:s28+$0xFFFFFF70]  }
0xb3: {  	[tilespmem:s22+$0xFFFFFFB0] =	vst v1  }
0xb4: {  	s29 =	simm.s32 $0x87A0;
	v1 =	vld [tilespmem:s23+$0xFFFFFFE0]  }
0xb5: {  	v5 =	vld [tilespmem:s29+$0xFFFFFF60];
	[tilespmem:s24+$0x20] =	vst v2  }
0xb6: {  	[tilespmem:s24+$0xFFFFFFC0] =	vst v0;
	v0 =	vld [tilespmem:s25+$0x10]  }
0xb7: {  	[tilespmem:s26+$0xFFFFFF90] =	vst v3;
	v2 =	vld [tilespmem:s25+$0xFFFFFFF0]  }
0xb8: {  	v3 =	vld [tilespmem:s28+$0xFFFFFF80]  }
0xb9: {  	s0 =	simm.s32 $0xCB80;
	[tilespmem:s22+$0x0] =	vst v1  }
0xba: {  	[tilespmem:s0+$0xFFFFFF80] =	vst v5;
	v4 =	vld [tilespmem:s23+$0xFFFFFFF0]  }
0xbb: {  	[tilespmem:s24+$0x30] =	vst v0  }
0xbc: {  	[tilespmem:s24+$0xFFFFFFD0] =	vst v2;
	v0 =	vld [tilespmem:s25+$0x60]  }
0xbd: {  	[tilespmem:s26+$0xFFFFFFA0] =	vst v3;
	v2 =	vld [tilespmem:s25+$0x0]  }
0xbe: {  	[tilespmem:s22+$0xFFFFFFC0] =	vst v1;
	v1 =	vld [tilespmem:s28+$0xFFFFFF90]  }
0xbf: {  	v5 =	vld [tilespmem:s29+$0xFFFFFF70];
	[tilespmem:s22+$0x10] =	vst v4  }
0xc0: {  	v4 =	vld [tilespmem:s23+$0x0]  }
0xc1: {  	v3 =	vld [tilespmem:s23+$0xFFFFFFF0];
	[tilespmem:s24+$0x40] =	vst v0  }
0xc2: {  	[tilespmem:s24+$0xFFFFFFE0] =	vst v2;
	v6 =	vld [tilespmem:s25+$0x70]  }
0xc3: {  	[tilespmem:s26+$0xFFFFFFB0] =	vst v1;
	v1 =	vld [tilespmem:s25+$0x10]  }
0xc4: {  	[tilespmem:s0+$0xFFFFFF90] =	vst v5;
	v7 =	vld [tilespmem:s28+$0xFFFFFFE0]  }
0xc5: {  	[tilespmem:s22+$0x20] =	vst v4  }
0xc6: {  	[tilespmem:s22+$0xFFFFFFD0] =	vst v3;
	v2 =	vld [tilespmem:s23+$0x10]  }
0xc7: {  	v4 =	vld [tilespmem:s29+$0xFFFFFF80];
	[tilespmem:s24+$0x50] =	vst v6  }
0xc8: {  	[tilespmem:s24+$0xFFFFFFF0] =	vst v1;
	v1 =	vld [tilespmem:s25+$0x80]  }
0xc9: {  	[tilespmem:s26+$0x0] =	vst v7;
	v0 =	vld [tilespmem:s23+$0x0]  }
0xca: {  	s30 =	simm.s32 $0xCB80;
	s1 =	simm.s32 $0x6;
	s12 =	simm.s32 $0x88A0;
	[tilespmem:s26+$0xFFFFFFC0] =	vst v7;
	v3 =	vld [tilespmem:s28+$0xFFFFFFF0]  }
.LBB2_5:
0xcb: {  	v5 =	vld [tilespmem:s12+$0xFFFFFF60];
	[tilespmem:s22+$0x30] =	vst v2  }
0xcc: {  	s1 =	sadd.s32 $0x2, s1;
	[tilespmem:s0+$0xFFFFFFA0] =	vst v4;
	v2 =	vld [tilespmem:s23+$0x60]  }
0xcd: {  	p0 =	slt.u32 s1, $0x7E;
	v4 =	vld [tilespmem:s29+$0xFFFFFF90];
	[tilespmem:s24+$0x60] =	vst v1  }
0xce: {  	[tilespmem:s22+$0xFFFFFFE0] =	vst v0;
	v0 =	vld [tilespmem:s25+$0x90];
	s25 =	smov.u32 s23;
	s23 =	smov.u32 s28;
	s28 =	smov.u32 s29  }
0xcf: {  	s0 =	sadd.s32 $0x100, s0;
	s29 =	smov.u32 s12;
	v1 =	vld [tilespmem:s23+$0xFFFFFFF0];
	[tilespmem:s26+$0x10] =	vst v3  }
0xd0: {  	[tilespmem:s0+$0xFFFFFF80] =	vst v5;
	v3 =	vld [tilespmem:s23+$0x0]  }
0xd1: {  	v5 =	vld [tilespmem:s12+$0xFFFFFF70];
	[tilespmem:s22+$0x40] =	vst v2  }
0xd2: {  	[tilespmem:s30+$0xFFFFFFB0] =	vst v4;
	v6 =	vld [tilespmem:s25+$0x70]  }
0xd3: {  	v7 =	vld [tilespmem:s25+$0x10];
	[tilespmem:s24+$0x70] =	vst v0;
	s24 =	smov.u32 s22;
	s22 =	smov.u32 s26;
	s26 =	smov.u32 s30  }
0xd4: {  	s30 =	smov.u32 s0;
	v8 =	vld [tilespmem:s28+$0xFFFFFFE0];
	[tilespmem:s22+$0xFFFFFFD0] =	vst v1  }
0xd5: {  	v0 =	vld [tilespmem:s23+$0x0];
	[tilespmem:s22+$0x20] =	vst v3  }
.Ltmp1:
0xd6: {  	[tilespmem:s0+$0xFFFFFF90] =	vst v5;
	v2 =	vld [tilespmem:s23+$0x10];
	(pc) =	sbr.rel @p0 .LBB2_5-.Ltmp1, $4  }
0xd7: {  	v4 =	vld [tilespmem:s12+$0xFFFFFF80];
	[tilespmem:s24+$0x50] =	vst v6  }
0xd8: {  	[tilespmem:s24+$0xFFFFFFF0] =	vst v7;
	v1 =	vld [tilespmem:s25+$0x80]  }
0xd9: {  	[tilespmem:s26+$0x0] =	vst v8  }
0xda: {  	s12 =	sadd.s32 $0x100, s12;
	[tilespmem:s26+$0xFFFFFFC0] =	vst v8;
	v3 =	vld [tilespmem:s28+$0xFFFFFFF0]  }
0xdb: {  	_ = 	snop  }
0xdc: {  	[tilespmem:s0+$0xFFFFFFA0] =	vst v4  }
0xdd: {  	v4 =	vld [tilespmem:s29+$0xFFFFFF90];
	_ =	sdelay $0x4  }
0xde: {  	[tilespmem:s30+$0xFFFFFFB0] =	vst v4  }
0xdf: {  	v4 =	vld [tilespmem:s29+$0xFFFFFFE0];
	_ =	sdelay $0x4  }
0xe0: {  	[tilespmem:s30+$0x0] =	vst v4  }
0xe1: {  	v5 =	vld [tilespmem:s29+$0xFFFFFFF0];
	_ =	sdelay $0x3  }
0xe2: {  	[tilespmem:s26+$0x10] =	vst v3  }
0xe3: {  	v3 =	vld [tilespmem:s28+$0x0];
	[tilespmem:s30+$0x10] =	vst v5  }
0xe4: {  	v5 =	vld [tilespmem:s29+$0x0];
	_ =	sdelay $0x3  }
0xe5: {  	[tilespmem:s26+$0x20] =	vst v3  }
0xe6: {  	v3 =	vld [tilespmem:s28+$0x10];
	[tilespmem:s30+$0x20] =	vst v5  }
0xe7: {  	v5 =	vld [tilespmem:s29+$0x10];
	_ =	sdelay $0x1  }
0xe8: {  	[tilespmem:s22+$0x30] =	vst v2  }
0xe9: {  	v2 =	vld [tilespmem:s23+$0x60]  }
0xea: {  	[tilespmem:s26+$0x30] =	vst v3  }
0xeb: {  	v3 =	vld [tilespmem:s28+$0x60];
	[tilespmem:s30+$0x30] =	vst v5  }
0xec: {  	v5 =	vld [tilespmem:s29+$0x60]  }
0xed: {  	[tilespmem:s22+$0xFFFFFFE0] =	vst v0  }
0xee: {  	v50 =	vld [tilespmem:s28+$0xFFFFFFF0];
	[tilespmem:s22+$0x40] =	vst v2  }
0xef: {  	v49 =	vld [tilespmem:s23+$0x70];
	[tilespmem:s30+$0xFFFFFFC0] =	vst v4  }
0xf0: {  	v4 =	vld [tilespmem:s29+$0xFFFFFFF0];
	[tilespmem:s26+$0x40] =	vst v3  }
0xf1: {  	v3 =	vld [tilespmem:s28+$0x70];
	[tilespmem:s30+$0x40] =	vst v5  }
0xf2: {  	[tilespmem:s24+$0x60] =	vst v1;
	v51 =	vld [tilespmem:s29+$0x70]  }
0xf3: {  	v58 =	vld [tilespmem:s23+$0x10];
	[tilespmem:s26+$0xFFFFFFD0] =	vst v50  }
0xf4: {  	v54 =	vld [tilespmem:s28+$0x0];
	[tilespmem:s22+$0x50] =	vst v49  }
0xf5: {  	v53 =	vld [tilespmem:s23+$0x80];
	[tilespmem:s30+$0xFFFFFFD0] =	vst v4  }
0xf6: {  	v56 =	vld [tilespmem:s29+$0x0];
	[tilespmem:s26+$0x50] =	vst v3  }
0xf7: {  	v55 =	vld [tilespmem:s28+$0x80];
	[tilespmem:s30+$0x50] =	vst v51  }
0xf8: {  	[tilespmem:s22+$0xFFFFFFF0] =	vst v58;
	v57 =	vld [tilespmem:s29+$0x80]  }
0xf9: {  	v52 =	vld [tilespmem:s25+$0x90];
	[tilespmem:s26+$0xFFFFFFE0] =	vst v54  }
0xfa: {  	v60 =	vld [tilespmem:s28+$0x10];
	[tilespmem:s22+$0x60] =	vst v53  }
0xfb: {  	v59 =	vld [tilespmem:s23+$0x90];
	[tilespmem:s30+$0xFFFFFFE0] =	vst v56  }
0xfc: {  	v62 =	vld [tilespmem:s29+$0x10];
	[tilespmem:s26+$0x60] =	vst v55  }
0xfd: {  	v61 =	vld [tilespmem:s28+$0x90];
	[tilespmem:s30+$0x60] =	vst v57  }
0xfe: {  	[tilespmem:s24+$0x70] =	vst v52;
	v63 =	vld [tilespmem:s29+$0x90]  }
0xff: {  	[tilespmem:s26+$0xFFFFFFF0] =	vst v60  }
0x100: {  	[tilespmem:s22+$0x70] =	vst v59  }
0x101: {  	s20 =	sadd.s32 $0x1, s20;
	[tilespmem:s30+$0xFFFFFFF0] =	vst v62  }
0x102: {  	p0 =	sne.s32 s20, $0x80;
	[tilespmem:s26+$0x70] =	vst v61  }
.Ltmp2:
0x103: {  	s31 =	sadd.s32 s4, s21;
	[tilespmem:s30+$0x70] =	vst v63;
	(pc) =	sbr.rel @p0 .LBB2_2-.Ltmp2, $4  }
0x104: {  	[hbm4b:s31+s2] =	stream.linear.scatter [tilespmem:s18], [sflag:$0x3], $0x4000, $0x38;
	[tilespmem:$0x10800] =	vst v63  }
0x105: {  	_ =	swait.ge [sflag:s16], $0x4000  }
0x106: {  	[sflag:s16] =	ssyncset.done $0x0  }
0x107: {  	[sflag:s16] =	ssyncadd.s32 $0xFFFFC000  }
0x108: {  	s19 =	sadd.s32 $0x1, s19  }
0x109: {  	p0 =	sne.s32 s19, s10  }
.Ltmp3:
0x10a: {  	_ = 	snop;
	(pc) =	sbr.rel @p0 .LBB2_1-.Ltmp3, $1  }
0x10b: {  	_ =	sdelay $0x3  }
0x10c: {  	_ =	sfence.sel $0x180000  }
0x10d: {  	[bflag:$0x0] =	sbarrier.arrive $0xFFFF  }
0x10e: {  	_ =	strace $0x90000047  }
0x10f: {  	s0 =	stileid.u32;
	[bflag:$0x2] =	sbarrier.arrive $0xFFFF  }
0x110: {  	p0 =	sne.s32 s0, $0x0;
	s0 =	rddreg [dreg:$0x1]  }
0x111: {  	s0 =	sadd.s32 @!p0 $0x100000, s0  }
0x112: {  	[sflag:s0] =	ssyncadd.tile.s32 @!p0 $0x1;
	_ =	shalt  }
.Lfunc_end2:
_tile_overlayer_lowered:
.L_overlay_start_2:
0x113: {  	(tag) =	ssettag $0x2  }
0x114: {  	s0 =	rddreg [dreg:$0x0];
	s2 =	stileid.u32  }
0x115: {  	s1 =	rddreg [dreg:$0x1];
	p0 =	sne.s32 s2, $0x0  }
0x116: {  	s3 =	rddreg [dreg:$0x2];
	[bflag:$0x3] =	sbarrier.arrive $0xFFFF;
	s2 =	simm.s32 @!p0 $0x1C03  }
0x117: {  	[timem:s3], [sflag:s2] =	dma.local @!p0 [hbm:s0], s1  }
0x118: {  	s0 =	simm.s32 @!p0 $0x3  }
0x119: {  	_ =	swait.ge @!p0 [sflag:s0], s1  }
0x11a: {  	s1 =	ssub.s32 @!p0 $0x0, s1;
	[sflag:s0] =	ssyncset.done @!p0 $0x0  }
0x11b: {  	[sflag:s0] =	ssyncadd.s32 @!p0 s1  }
0x11c: {  	[bflag:$0x3] =	sbarrier.arrive $0xFFFF  }
0x11d: {  	_ =	shalt  }

// kernel: kernel.7.cloned.1.call-start
scs
__scs_entry_jumppad:
0x0: {  	(pc) =	sbr.rel $0x88, $3  }
0x1: {  	(tag) =	ssettag $0x0;
	lr =	simm.s32 $0x1  }
0x2: {  	[smem:$0x3F9F] =	sst lr;
	_ =	strace $0xD0000000  }
0x3: {  	_ = 	snop  }
0x4: {  	_ = 	snop  }
0x5: {  	_ = 	snop  }
0x6: {  	_ = 	snop  }
0x7: {  	_ = 	snop  }
__scs_overlays_trampoline_lowered:
0x8: {  	[smem:$0x3FAE] =	sst s0  }
0x9: {  	[smem:$0x3FAF] =	sst s1  }
0xa: {  	[smem:$0x3FB0] =	sst s2  }
0xb: {  	[smem:$0x3FB1] =	sst s3  }
0xc: {  	[smem:$0x3FB2] =	sst s4  }
0xd: {  	[smem:$0x3FB3] =	sst s5  }
0xe: {  	[smem:$0x3FB4] =	sst s6  }
0xf: {  	[smem:$0x3FB5] =	sst s7  }
0x10: {  	[smem:$0x3FB6] =	sst s8  }
0x11: {  	[smem:$0x3FB7] =	sst s9;
	s0 =	simm.s32 @!p0 $0x0  }
0x12: {  	s1 =	sld [smem:$0x3F9D];
	s0 =	simm.s32 @p0 $0x1  }
0x13: {  	[smem:$0x3FB8] =	sst s0;
	s0 =	simm.s32 @!p1 $0x0  }
0x14: {  	s2 =	sld [smem:$0x3F9C];
	s0 =	simm.s32 @p1 $0x1  }
0x15: {  	[smem:$0x3FB9] =	sst s0;
	s0 =	simm.s32 @!p2 $0x0  }
0x16: {  	s3 =	sld [smem:$0x3FDB];
	s0 =	simm.s32 @p2 $0x1  }
0x17: {  	s4 =	simm.s32 $0x1BF5;
	[smem:$0x3FBB] =	sst s0  }
0x18: {  	s0 =	sld [smem:$0x3F9E];
	_ =	swait.ge [sflag:s4], $0x0  }
0x19: {  	s7 =	sld [smem:$0x3F9F]  }
0x1a: {  	s8 =	sadd.s32 $0xFFFFE003, lr  }
0x1b: {  	s9 =	sadd.s32 $0xFFFFFEF7, lr;
	s5 =	simm.s32 $0xFFFFFFFF;
	p2 =	slt.u32 s8, $0xFFFFF086  }
0x1c: {  	p1 =	slt.u32 s9, $0xF7A;
	s5 =	simm.s32 @!p2 $0x0  }
0x1d: {  	s5 =	simm.s32 @p1 $0x1;
	p0 =	seq.s32 s7, s2  }
0x1e: {  	s7 =	smul.u32 @!p0 $0xF7A, s2;
	p2 =	seq.s32 @!p0 s5, $0x0  }
0x1f: {  	s9 =	smul.u32 $0xF7A, s1;
	s8 =	simm.s32 @!p0 $0x1BF5;
	p2 =	por !p2, p0  }
0x20: {  	[sflag:s8] =	ssyncset.s32 @!p0 $0xFFFFF086;
	s6 =	sadd.s32 @!p0 s3, s7;
	s7 =	simm.s32 @!p0 $0x108  }
0x21: {  	s3 =	sadd.s32 s3, s9;
	s6 =	sadd.s32 @!p0 $0x88, s6;
	s7 =	simm.s32 @p2 $0x1082  }
0x22: {  	[simem:s7], [sflag:s8] =	dma.local @!p0 [hbm:s6], $0xF7A  }
0x23: {  	s9 =	sor.u32 $0xD0000000, s2;
	s6 =	simm.s32 $0x108;
	_ =	swait.ge @!p0 [sflag:s8], $0x0  }
0x24: {  	s3 =	sadd.s32 $0x88, s3;
	s6 =	simm.s32 @!p1 $0x1082;
	[sflag:s4] =	ssyncset.s32 $0xFFFFF086  }
0x25: {  	[simem:s6], [sflag:s4] =	dma.local [hbm:s3], $0xF7A  }
0x26: {  	[smem:$0x3F9F] =	sst s1;
	(tag) =	ssettag s2;
	_ =	strace s9  }
0x27: {  	s1 =	sld [smem:$0x3FAF]  }
0x28: {  	s2 =	sld [smem:$0x3FB0]  }
0x29: {  	s4 =	sld [smem:$0x3FB2]  }
0x2a: {  	p0 =	seq.s32 s5, $0x0;
	s5 =	sld [smem:$0x3FB3]  }
0x2b: {  	s6 =	sld [smem:$0x3FB4]  }
0x2c: {  	s7 =	sld [smem:$0x3FB5]  }
0x2d: {  	s3 =	simm.s32 $0x108;
	s8 =	sld [smem:$0x3FB6]  }
0x2e: {  	s3 =	simm.s32 @!p0 $0x1082;
	s9 =	sld [smem:$0x3FB7]  }
0x2f: {  	lr =	sadd.s32 s0, s3;
	s0 =	sld [smem:$0x3FAE]  }
0x30: {  	s3 =	sld [smem:$0x3FB1]  }
0x31: {  	[smem:$0x3FBA] =	sst s10  }
0x32: {  	s10 =	sld [smem:$0x3FB8];
	_ =	sdelay $0x3  }
0x33: {  	p0 =	seq.s32 s10, $0x1;
	s10 =	sld [smem:$0x3FBA];
	_ =	sdelay $0x3  }
0x34: {  	[smem:$0x3FBA] =	sst s10  }
0x35: {  	s10 =	sld [smem:$0x3FB9];
	_ =	sdelay $0x3  }
0x36: {  	p1 =	seq.s32 s10, $0x1;
	s10 =	sld [smem:$0x3FBA];
	_ =	sdelay $0x3  }
0x37: {  	[smem:$0x3FBA] =	sst s10  }
0x38: {  	s10 =	sld [smem:$0x3FBB]  }
0x39: {  	_ = 	snop;
	(pc) =	sbr.ind lr, $3  }
0x3a: {  	_ = 	snop  }
0x3b: {  	_ = 	snop  }
0x3c: {  	p2 =	seq.s32 s10, $0x1;
	s10 =	sld [smem:$0x3FBA]  }
0x3d: {  	_ =	shalt  }
0x3e: {  	_ =	shalt  }
0x3f: {  	_ =	shalt  }
0x40: {  	_ =	shalt  }
0x41: {  	_ =	shalt  }
0x42: {  	_ =	shalt  }
0x43: {  	_ =	shalt  }
0x44: {  	_ =	shalt  }
0x45: {  	_ =	shalt  }
0x46: {  	_ =	shalt  }
0x47: {  	_ =	shalt  }
0x48: {  	_ =	shalt  }
0x49: {  	_ =	shalt  }
0x4a: {  	_ =	shalt  }
0x4b: {  	_ =	shalt  }
0x4c: {  	_ =	shalt  }
0x4d: {  	_ =	shalt  }
0x4e: {  	_ =	shalt  }
0x4f: {  	_ =	shalt  }
0x50: {  	_ =	shalt  }
0x51: {  	_ =	shalt  }
0x52: {  	_ =	shalt  }
0x53: {  	_ =	shalt  }
0x54: {  	_ =	shalt  }
0x55: {  	_ =	shalt  }
0x56: {  	_ =	shalt  }
0x57: {  	_ =	shalt  }
0x58: {  	_ =	shalt  }
0x59: {  	_ =	shalt  }
0x5a: {  	_ =	shalt  }
0x5b: {  	_ =	shalt  }
0x5c: {  	_ =	shalt  }
0x5d: {  	_ =	shalt  }
0x5e: {  	_ =	shalt  }
0x5f: {  	_ =	shalt  }
0x60: {  	_ =	shalt  }
0x61: {  	_ =	shalt  }
0x62: {  	_ =	shalt  }
0x63: {  	_ =	shalt  }
0x64: {  	_ =	shalt  }
0x65: {  	_ =	shalt  }
0x66: {  	_ =	shalt  }
0x67: {  	_ =	shalt  }
0x68: {  	_ =	shalt  }
0x69: {  	_ =	shalt  }
0x6a: {  	_ =	shalt  }
0x6b: {  	_ =	shalt  }
0x6c: {  	_ =	shalt  }
0x6d: {  	_ =	shalt  }
0x6e: {  	_ =	shalt  }
0x6f: {  	_ =	shalt  }
0x70: {  	_ =	shalt  }
0x71: {  	_ =	shalt  }
0x72: {  	_ =	shalt  }
0x73: {  	_ =	shalt  }
0x74: {  	_ =	shalt  }
0x75: {  	_ =	shalt  }
0x76: {  	_ =	shalt  }
0x77: {  	_ =	shalt  }
0x78: {  	_ =	shalt  }
0x79: {  	_ =	shalt  }
0x7a: {  	_ =	shalt  }
0x7b: {  	_ =	shalt  }
0x7c: {  	_ =	shalt  }
0x7d: {  	_ =	shalt  }
0x7e: {  	_ =	shalt  }
0x7f: {  	_ =	shalt  }
0x80: {  	_ =	shalt  }
0x81: {  	_ =	shalt  }
0x82: {  	_ =	shalt  }
0x83: {  	_ =	shalt  }
0x84: {  	_ =	shalt  }
0x85: {  	_ =	shalt  }
0x86: {  	_ =	shalt  }
0x87: {  	_ =	shalt  }
.Lfunc_end0:
.L_simem_size_0:
called_computation.1_lowered:
.L_overlay_start_0:
0x88: {  	s2 =	sld [smem:$0x3FD9]  }
0x89: {  	s3 =	sld [smem:$0x3FFE];
	_ =	sdelay $0x1  }
0x8a: {  	s1 =	srdreg.scid  }
0x8b: {  	s0 =	sand.u32 $0x1, s1  }
0x8c: {  	s17 =	sshll.u32 s0, $0xA;
	s2 =	sadd.s32 s3, s2  }
0x8d: {  	s2 =	sadd.s32 s2, s17  }
0x8e: {  	[smem:$0x3FC6] =	sst s2  }
0x8f: {  	_ = 	snop  }
0x90: {  	s2 =	sld [smem:$0x3FC9]  }
0x91: {  	s18 =	sld [smem:$0x3FD0];
	(tm) =	ssettm $0x1  }
0x92: {  	s4 =	sld [smem:$0x3FFB];
	_ =	sdelay $0x3  }
0x93: {  	_ =	strace s4  }
0x94: {  	s4 =	sld [smem:$0x3FFC];
	_ =	sdelay $0x3  }
0x95: {  	_ =	strace s4  }
0x96: {  	s4 =	sld [smem:$0x3FFD];
	_ =	sdelay $0x3  }
0x97: {  	_ =	strace s4  }
0x98: {  	_ =	strace $0x8FFFFFFF  }
0x99: {  	s19 =	sld [smem:$0x3FDB];
	_ =	sdelay $0x1  }
0x9a: {  	s5 =	simm.s32 $_scs_section_size  }
0x9b: {  	s6 =	simm.s32 $_size__tile_overlayer_lowered;
	s7 =	simm.s32 $_tile_overlayer_lowered  }
0x9c: {  	s22 =	simm.s32 $0x1BFF;
	s21 =	sshll.u32 s7, $0x1;
	s4 =	sadd.s32 s5, s19  }
0x9d: {  	s8 =	simm.s32 $0x0;
	s20 =	sshll.u32 s6, $0x1;
	s6 =	sadd.s32 s21, s4  }
0x9e: {  	[timem:s8], [sflag:s22] =	dma.local [hbm:s6], s20  }
0x9f: {  	_ =	swait.ge [sflag:s22], s20  }
0xa0: {  	s5 =	ssub.s32 $0x0, s20;
	[sflag:s22] =	ssyncset.done $0x0  }
0xa1: {  	[sflag:s22] =	ssyncadd.s32 s5;
	_ =	sdelay $0x1  }
0xa2: {  	s23 =	simm.s32 $0x1B8B  }
0xa3: {  	_ =	swait.ge [sflag:s23], $0x1  }
0xa4: {  	[sflag:s23] =	ssyncset.done $0x0  }
0xa5: {  	s25 =	simm.s32 $0x1B8E;
	s24 =	sld [smem:$0x3FFE];
	[sflag:s23] =	ssyncadd.s32 $0xFFFFFFFF  }
0xa6: {  	s26 =	simm.s32 $execute0_lowered;
	[smem:$0x3FD2] =	sst s25  }
0xa7: {  	s6 =	sshll.u32 s26, $0x1;
	_ =	strace $0x80000049;
	[dreg:$0x1] =	wrdreg $0xFFFFFFFF  }
0xa8: {  	s28 =	simm.s32 $_size_execute0_lowered;
	s4 =	sadd.s32 s4, s6;
	[dreg:$0x0] =	wrdreg $0x0  }
0xa9: {  	s6 =	sshll.u32 s28, $0x1;
	[dreg:$0x2] =	wrdreg s4  }
0xaa: {  	[dreg:$0x3] =	wrdreg s6  }
0xab: {  	[dreg:$0x4] =	wrdreg $0xC0  }
0xac: {  	_ =	task [dreg:s8], $0x5FFFF  }
0xad: {  	[dreg:$0x1] =	wrdreg $0xFFFFFFFF  }
0xae: {  	[dreg:$0x0] =	wrdreg $0x60  }
0xaf: {  	[dreg:$0x2] =	wrdreg s2  }
0xb0: {  	[dreg:$0x3] =	wrdreg s24  }
0xb1: {  	[dreg:$0x4] =	wrdreg s18  }
0xb2: {  	[dreg:$0x5] =	wrdreg $0x9  }
0xb3: {  	_ =	task.clear_ibuf [dreg:s8], $0x6FFFF;
	_ =	strace $0x90000049  }
0xb4: {  	s29 =	simm.s32 $0x9;
	_ =	strace $0x8000004B  }
0xb5: {  	_ =	swait.ge [sflag:s29], $0x1  }
0xb6: {  	[sflag:s29] =	ssyncadd.s32 $0xFFFFFFFF  }
0xb7: {  	_ =	strace $0x9000004B  }
0xb8: {  	_ =	sfence  }
0xb9: {  	s30 =	sld [smem:$0x0];
	_ =	sdelay $0x2  }
0xba: {  	s31 =	sshll.u32 s1, $0xD;
	s1 =	sshrl.u32 s1, $0x2  }
0xbb: {  	s3 =	sand.u32 $0x4000, s31;
	s1 =	sadd.s32 s1, s30  }
0xbc: {  	s0 =	sor.u32 s3, s0;
	s1 =	sshll.u32 s1, $0x11  }
0xbd: {  	s0 =	sor.u32 s1, s0  }
0xbe: {  	s0 =	sadd.s32 $0x8F2B, s0  }
0xbf: {  	[sflag:s0] =	ssyncadd.remote.s32 $0x1  }
0xc0: {  	_ =	sfence.sel $0xFFFF  }
0xc1: {  	[dreg:$0x0] =	wrdreg $0xFFFFFFFF;
	(pc) =	sbr.abs _section_cstart, $3  }
0xc2: {  	[dreg:$0x1] =	wrdreg $0xFFFFFFFF  }
0xc3: {  	_ =	task.clear_ibuf [dreg:s8], $0x2FFFF;
	_ =	strace $0x9FFFFFFF  }
0xc4: {  	(tm) =	ssettm $0x7FFFFFFF  }
0xc5: {  	_ =	shalt  }
tec
execute0_lowered:
.L_overlay_start_1:
0x0: {  	(tag) =	ssettag $0x1  }
0x1: {  	v0 =	vimm.s32 $0xB80;
	vm14 =	vcmask $0x300  }
0x2: {  	v1 =	vimm.s32 $0x1B80;
	vm13 =	vcmask $0x704;
	vm12 =	vcmask $0xB08  }
0x3: {  	vm11 =	vcmask $0xF0C;
	vm10 =	vcmask $0x1310;
	vm9 =	vcmask $0x1714  }
0x4: {  	vm8 =	vcmask $0x1B18;
	vm7 =	vcmask $0x1F1C;
	vm6 =	vcmask $0x2320  }
0x5: {  	vm5 =	vcmask $0x2724;
	vm4 =	vcmask $0x2B28;
	vm3 =	vcmask $0x2F2C  }
0x6: {  	vm2 =	vcmask $0x3330;
	vm1 =	vcmask $0x3734;
	vm0 =	vcmask $0x3B38  }
0x7: {  	v2 =	vimm.s32 $0x2B80;
	v3 =	vimm.s32 $0x3B80;
	v4 =	vimm.s32 $0xF80  }
0x8: {  	v5 =	vimm.s32 $0x1F80;
	v6 =	vimm.s32 $0x2F80;
	v7 =	vimm.s32 $0x3F80  }
0x9: {  	v0 =	vsel vm14, $0x0, v0;
	v1 =	vsel vm14, $0x1000, v1;
	v2 =	vsel vm14, $0x2000, v2  }
0xa: {  	v3 =	vsel vm14, $0x3000, v3;
	v4 =	vsel vm14, $0x400, v4;
	v5 =	vsel vm14, $0x1400, v5  }
0xb: {  	v6 =	vsel vm14, $0x2400, v6;
	v7 =	vsel vm14, $0x3400, v7;
	v0 =	vsel vm13, $0x80, v0  }
0xc: {  	v1 =	vsel vm13, $0x1080, v1;
	v2 =	vsel vm13, $0x2080, v2;
	v3 =	vsel vm13, $0x3080, v3  }
0xd: {  	v4 =	vsel vm13, $0x480, v4;
	v5 =	vsel vm13, $0x1480, v5;
	v6 =	vsel vm13, $0x2480, v6  }
0xe: {  	v7 =	vsel vm13, $0x3480, v7;
	v0 =	vsel vm12, $0x100, v0;
	v1 =	vsel vm12, $0x1100, v1  }
0xf: {  	v2 =	vsel vm12, $0x2100, v2;
	v3 =	vsel vm12, $0x3100, v3;
	v4 =	vsel vm12, $0x500, v4  }
0x10: {  	v5 =	vsel vm12, $0x1500, v5;
	v6 =	vsel vm12, $0x2500, v6;
	v7 =	vsel vm12, $0x3500, v7  }
0x11: {  	v0 =	vsel vm11, $0x180, v0;
	v1 =	vsel vm11, $0x1180, v1;
	v2 =	vsel vm11, $0x2180, v2  }
0x12: {  	v3 =	vsel vm11, $0x3180, v3;
	v4 =	vsel vm11, $0x580, v4;
	v5 =	vsel vm11, $0x1580, v5  }
0x13: {  	v6 =	vsel vm11, $0x2580, v6;
	v7 =	vsel vm11, $0x3580, v7;
	v0 =	vsel vm10, $0x200, v0  }
0x14: {  	v1 =	vsel vm10, $0x1200, v1;
	v2 =	vsel vm10, $0x2200, v2;
	v3 =	vsel vm10, $0x3200, v3  }
0x15: {  	v4 =	vsel vm10, $0x600, v4;
	v5 =	vsel vm10, $0x1600, v5;
	v6 =	vsel vm10, $0x2600, v6  }
0x16: {  	v7 =	vsel vm10, $0x3600, v7;
	v0 =	vsel vm9, $0x280, v0;
	v1 =	vsel vm9, $0x1280, v1  }
0x17: {  	v2 =	vsel vm9, $0x2280, v2;
	v3 =	vsel vm9, $0x3280, v3;
	v4 =	vsel vm9, $0x680, v4  }
0x18: {  	v5 =	vsel vm9, $0x1680, v5;
	v6 =	vsel vm9, $0x2680, v6;
	v7 =	vsel vm9, $0x3680, v7  }
0x19: {  	v0 =	vsel vm8, $0x300, v0;
	v1 =	vsel vm8, $0x1300, v1;
	v2 =	vsel vm8, $0x2300, v2  }
0x1a: {  	v3 =	vsel vm8, $0x3300, v3;
	v4 =	vsel vm8, $0x700, v4;
	v5 =	vsel vm8, $0x1700, v5  }
0x1b: {  	v6 =	vsel vm8, $0x2700, v6;
	v7 =	vsel vm8, $0x3700, v7;
	v0 =	vsel vm7, $0x380, v0  }
0x1c: {  	v1 =	vsel vm7, $0x1380, v1;
	v2 =	vsel vm7, $0x2380, v2;
	v3 =	vsel vm7, $0x3380, v3  }
0x1d: {  	v4 =	vsel vm7, $0x780, v4;
	v5 =	vsel vm7, $0x1780, v5;
	v6 =	vsel vm7, $0x2780, v6  }
0x1e: {  	v7 =	vsel vm7, $0x3780, v7;
	v0 =	vsel vm6, $0x800, v0;
	v1 =	vsel vm6, $0x1800, v1  }
0x1f: {  	v2 =	vsel vm6, $0x2800, v2;
	v3 =	vsel vm6, $0x3800, v3;
	v4 =	vsel vm6, $0xC00, v4  }
0x20: {  	v5 =	vsel vm6, $0x1C00, v5;
	v6 =	vsel vm6, $0x2C00, v6;
	v7 =	vsel vm6, $0x3C00, v7  }
0x21: {  	v0 =	vsel vm5, $0x880, v0;
	v1 =	vsel vm5, $0x1880, v1;
	v2 =	vsel vm5, $0x2880, v2  }
0x22: {  	s0 =	rddreg [dreg:$0x0];
	v3 =	vsel vm5, $0x3880, v3;
	v4 =	vsel vm5, $0xC80, v4;
	v5 =	vsel vm5, $0x1C80, v5  }
0x23: {  	s1 =	rddreg [dreg:$0x1];
	v6 =	vsel vm5, $0x2C80, v6;
	v7 =	vsel vm5, $0x3C80, v7;
	v0 =	vsel vm4, $0x900, v0  }
0x24: {  	s3 =	rddreg [dreg:$0x2];
	s2 =	simm.s32 $0x0;
	s4 =	srdreg.scid;
	v1 =	vsel vm4, $0x1900, v1;
	v2 =	vsel vm4, $0x2900, v2;
	v3 =	vsel vm4, $0x3900, v3  }
0x25: {  	s5 =	stileid.u32;
	s13 =	simm.s32 $0x5;
	s14 =	simm.s32 $0x80;
	v4 =	vsel vm4, $0xD00, v4;
	v5 =	vsel vm4, $0x1D00, v5;
	v6 =	vsel vm4, $0x2D00, v6  }
0x26: {  	s28 =	simm.s32 $0x10600;
	s29 =	simm.s32 $0x2;
	s30 =	simm.s32 $0x8500;
	v7 =	vsel vm4, $0x3D00, v7;
	v0 =	vsel vm3, $0x980, v0;
	v1 =	vsel vm3, $0x1980, v1  }
0x27: {  	[smem:$0x7FF] =	sst s2;
	s4 =	sand.u32 $0x1, s4;
	s5 =	sshll.u32 s5, $0xF;
	v2 =	vsel vm3, $0x2980, v2;
	v3 =	vsel vm3, $0x3980, v3;
	v4 =	vsel vm3, $0xD80, v4  }
0x28: {  	s6 =	ssub.s32 $0x2, s4;
	s4 =	sshll.u32 s4, $0xE;
	_ =	strace $0x8000004A;
	v5 =	vsel vm3, $0x1D80, v5;
	v6 =	vsel vm3, $0x2D80, v6;
	v7 =	vsel vm3, $0x3D80, v7  }
0x29: {  	s7 =	sshrl.u32 s6, $0x1;
	s8 =	sor.u32 s4, s5;
	s5 =	sadd.s32 $0x1000800, s1;
	v0 =	vsel vm2, $0xA00, v0;
	v1 =	vsel vm2, $0x1A00, v1;
	v2 =	vsel vm2, $0x2A00, v2  }
0x2a: {  	s23 =	ssub.s32 s6, s7;
	s4 =	sshrl.u32 s8, $0x2;
	s7 =	sadd.s32 $0x10, s0;
	v3 =	vsel vm2, $0x3A00, v3;
	v4 =	vsel vm2, $0xE00, v4;
	v5 =	vsel vm2, $0x1E00, v5  }
0x2b: {  	s25 =	sshrl.u32 s8, $0x7;
	s10 =	sadd.s32 s3, s8;
	s24 =	sadd.s32 s0, s4;
	v6 =	vsel vm2, $0x2E00, v6;
	v7 =	vsel vm2, $0x3E00, v7;
	v0 =	vsel vm1, $0xA80, v0  }
0x2c: {  	s3 =	simm.s32 $0x14600;
	s4 =	sadd.s32 s4, s7;
	[dreg:$0x4] =	wrdreg s24;
	v1 =	vsel vm1, $0x1A80, v1;
	v2 =	vsel vm1, $0x2A80, v2;
	v3 =	vsel vm1, $0x3A80, v3  }
0x2d: {  	s31 =	smov.u32 s25;
	s26 =	sor.u32 $0x4, s25;
	[dreg:$0x5] =	wrdreg s4;
	v4 =	vsel vm1, $0xE80, v4;
	v5 =	vsel vm1, $0x1E80, v5;
	v6 =	vsel vm1, $0x2E80, v6  }
0x2e: {  	s1 =	smax.u32 s23, $0x1;
	s23 =	simm.s32 $0x8300;
	[dreg:$0x6] =	wrdreg s26;
	v7 =	vsel vm1, $0x3E80, v7;
	v0 =	vsel vm0, $0xB00, v0;
	v1 =	vsel vm0, $0x1B00, v1  }
0x2f: {  	s25 =	simm.s32 $0x1;
	s24 =	smov.u32 s8;
	[dreg:$0x7] =	wrdreg s1;
	v2 =	vsel vm0, $0x2B00, v2;
	v3 =	vsel vm0, $0x3B00, v3;
	v4 =	vsel vm0, $0xF00, v4  }
0x30: {  	s26 =	simm.s32 $0x200;
	s1 =	simm.s32 $0x400000;
	s8 =	simm.s32 $0x0;
	v5 =	vsel vm0, $0x1F00, v5;
	v6 =	vsel vm0, $0x2F00, v6;
	v7 =	vsel vm0, $0x3F00, v7  }
.LBB2_1:
0x31: {  	[dreg:$0x8] =	wrdreg s8  }
0x32: {  	s4 =	rddreg [dreg:$0x4]  }
0x33: {  	[tilespmem:s2], [sflag:$0x5] =	stream.linear.gather [hbm4b:s4+s2], $0x80, $0x38;
	[tilespmem:$0x18600] =	vst v63  }
0x34: {  	_ =	swait.ge [sflag:s13], $0x80  }
0x35: {  	[sflag:s13] =	ssyncset.done $0x0  }
0x36: {  	s19 =	rddreg [dreg:$0x5];
	[sflag:s13] =	ssyncadd.s32 $0xFFFFFF80  }
0x37: {  	[tilespmem:s14], [sflag:$0x5] =	stream.linear.gather [hbm4b:s19+s2], $0x80, $0x38;
	[tilespmem:$0x18600] =	vst v63  }
0x38: {  	_ =	swait.ge [sflag:s13], $0x80  }
0x39: {  	[sflag:s13] =	ssyncset.done $0x0  }
0x3a: {  	[sflag:s13] =	ssyncadd.s32 $0xFFFFFF80  }
0x3b: {  	v8 =	vld [tilespmem:$0x0]  }
0x3c: {  	v9 =	vld [tilespmem:$0x80]  }
0x3d: {  	v10 =	vld [tilespmem:$0x10]  }
0x3e: {  	v12 =	vld [tilespmem:$0x90]  }
0x3f: {  	v18 =	vld [tilespmem:$0xA0];
	_ =	sdelay $0x1  }
0x40: {  	v11 =	vtrunc.f32 v8  }
0x41: {  	v13 =	vtrunc.f32 v9;
	v17 =	vtrunc.f32 v10  }
0x42: {  	v61 =	vtrunc.f32 v12;
	v11 =	vcvt.f32.s32 v11  }
0x43: {  	v25 =	vtrunc.f32 v18;
	v13 =	vcvt.f32.s32 v13  }
0x44: {  	v60 =	vcvt.f32.s32 v17;
	v14 =	vcvt.s32.f32 v11;
	v11 =	vshll.u32 v11, $0xA  }
0x45: {  	v15 =	vld [tilespmem:$0x20];
	v62 =	vcvt.f32.s32 v61;
	v26 =	vcvt.f32.s32 v25;
	v11 =	vadd.s32 v13, v11  }
0x46: {  	v21 =	vld [tilespmem:$0x30];
	v16 =	vcvt.s32.f32 v13;
	v13 =	vshll.u32 v60, $0xA;
	[tilespmem:$0x100] =	vst v11;
	v11 =	vadd.s32 $0x400, v11  }
0x47: {  	v19 =	vld [tilespmem:$0xB0];
	v63 =	vcvt.s32.f32 v60;
	v8 =	vsub.f32 v8, v14;
	v23 =	vadd.s32 v62, v13;
	[tilespmem:$0x180] =	vst v11  }
0x48: {  	v28 =	vld [tilespmem:$0x40];
	v9 =	vsub.f32 v9, v16;
	[tilespmem:$0x110] =	vst v23  }
0x49: {  	v31 =	vld [tilespmem:$0xC0];
	v29 =	vcvt.s32.f32 v26;
	v10 =	vsub.f32 v10, v63;
	[tilespmem:$0x200] =	vst v8  }
0x4a: {  	v22 =	vtrunc.f32 v15;
	v8 =	vcvt.s32.f32 v62;
	[tilespmem:$0x280] =	vst v9  }
0x4b: {  	v24 =	vcvt.f32.s32 v22;
	v9 =	vadd.s32 $0x400, v23;
	[tilespmem:$0x210] =	vst v10;
	v10 =	vsub.f32 v18, v29  }
0x4c: {  	v30 =	vtrunc.f32 v21;
	v33 =	vtrunc.f32 v19;
	[tilespmem:$0x190] =	vst v9;
	v8 =	vsub.f32 v12, v8  }
0x4d: {  	v36 =	vtrunc.f32 v28;
	v27 =	vcvt.s32.f32 v24;
	v13 =	vshll.u32 v24, $0xA;
	[tilespmem:$0x2A0] =	vst v10  }
0x4e: {  	v34 =	vld [tilespmem:$0x50];
	v40 =	vtrunc.f32 v31;
	v32 =	vcvt.f32.s32 v30;
	[tilespmem:$0x290] =	vst v8;
	v8 =	vadd.s32 v26, v13  }
0x4f: {  	v37 =	vld [tilespmem:$0xD0];
	v9 =	vsub.f32 v15, v27;
	v13 =	vcvt.f32.s32 v33;
	[tilespmem:$0x120] =	vst v8;
	v8 =	vadd.s32 $0x400, v8  }
0x50: {  	v41 =	vld [tilespmem:$0x60];
	v39 =	vcvt.f32.s32 v36;
	v11 =	vshll.u32 v32, $0xA;
	[tilespmem:$0x1A0] =	vst v8;
	v8 =	vcvt.s32.f32 v32  }
0x51: {  	v47 =	vld [tilespmem:$0xE0];
	[tilespmem:$0x220] =	vst v9;
	v35 =	vcvt.s32.f32 v13;
	v38 =	vadd.s32 v13, v11;
	v13 =	vcvt.f32.s32 v40  }
0x52: {  	v11 =	vshll.u32 v39, $0xA;
	[tilespmem:$0x130] =	vst v38;
	v10 =	vadd.s32 $0x400, v38  }
0x53: {  	v42 =	vcvt.s32.f32 v39;
	v8 =	vsub.f32 v21, v8;
	[tilespmem:$0x1B0] =	vst v10;
	v44 =	vadd.s32 v13, v11  }
0x54: {  	v43 =	vtrunc.f32 v34;
	v46 =	vtrunc.f32 v37;
	v9 =	vsub.f32 v19, v35;
	[tilespmem:$0x140] =	vst v44  }
0x55: {  	v55 =	vld [tilespmem:$0xF0];
	v45 =	vcvt.f32.s32 v43;
	v48 =	vcvt.f32.s32 v46;
	v10 =	vsub.f32 v28, v42;
	[tilespmem:$0x230] =	vst v8  }
0x56: {  	v50 =	vtrunc.f32 v41;
	v56 =	vtrunc.f32 v47;
	[tilespmem:$0x2B0] =	vst v9  }
0x57: {  	v51 =	vshll.u32 v45, $0xA;
	v54 =	vcvt.s32.f32 v48;
	v9 =	vadd.s32 $0x400, v44;
	[tilespmem:$0x240] =	vst v10  }
0x58: {  	v52 =	vcvt.f32.s32 v50;
	v58 =	vcvt.f32.s32 v56;
	v10 =	vadd.s32 v48, v51;
	[tilespmem:$0x1C0] =	vst v9  }
0x59: {  	v53 =	vld [tilespmem:$0x70];
	v8 =	vcvt.s32.f32 v13;
	[tilespmem:$0x150] =	vst v10;
	v10 =	vadd.s32 $0x400, v10;
	v9 =	vsub.f32 v37, v54  }
0x5a: {  	v61 =	vtrunc.f32 v55;
	v11 =	vshll.u32 v52, $0xA;
	[tilespmem:$0x1D0] =	vst v10  }
0x5b: {  	v49 =	vcvt.s32.f32 v45;
	v8 =	vsub.f32 v31, v8;
	v10 =	vadd.s32 v58, v11;
	[tilespmem:$0x2D0] =	vst v9  }
0x5c: {  	v59 =	vcvt.s32.f32 v58;
	v62 =	vcvt.f32.s32 v61;
	[tilespmem:$0x160] =	vst v10  }
0x5d: {  	v57 =	vcvt.s32.f32 v52;
	v10 =	vadd.s32 $0x400, v10;
	[tilespmem:$0x2C0] =	vst v8;
	v8 =	vsub.f32 v34, v49  }
0x5e: {  	v60 =	vtrunc.f32 v53;
	v9 =	vsub.f32 v47, v59;
	[tilespmem:$0x1E0] =	vst v10;
	v10 =	vcvt.s32.f32 v62  }
0x5f: {  	v11 =	vcvt.f32.s32 v60;
	[tilespmem:$0x250] =	vst v8;
	v8 =	vsub.f32 v41, v57  }
0x60: {  	[tilespmem:$0x2E0] =	vst v9;
	v10 =	vsub.f32 v55, v10  }
0x61: {  	[tilespmem:$0x260] =	vst v8;
	v8 =	vcvt.s32.f32 v11;
	v11 =	vshll.u32 v11, $0xA  }
0x62: {  	[tilespmem:$0x2F0] =	vst v10;
	v63 =	vadd.s32 v62, v11  }
0x63: {  	v8 =	vsub.f32 v53, v8;
	[tilespmem:$0x170] =	vst v63;
	v9 =	vadd.s32 $0x400, v63  }
0x64: {  	[tilespmem:$0x1F0] =	vst v9  }
0x65: {  	s20 =	simm.s32 $0x100;
	s6 =	simm.s32 $0x300;
	[tilespmem:$0x270] =	vst v8  }
0x66: {  	[tilespmem:s6], [sflag:$0x1] =	stream.indirect.gather [hbm4b:s5+s14], $0x80, s20, s14, $0xb8;
	[tilespmem:$0x18600] =	vst v63  }
0x67: {  	s21 =	simm.s32 $0x180;
	s22 =	simm.s32 $0x4300;
	s6 =	simm.s32 $0x0  }
0x68: {  	[tilespmem:s22], [sflag:$0x1] =	stream.indirect.gather [hbm4b:s5+s14], $0x80, s21, s14, $0xb8;
	[tilespmem:$0x18600] =	vst v63  }
.LBB2_2:
0x69: {  	s11 =	sshll.u32 s6, $0x9  }
0x6a: {  	s4 =	sor.u32 s11, s24  }
0x6b: {  	s15 =	sshrl.u32 s4, $0x2  }
0x6c: {  	s4 =	sor.u32 $0x20, s15  }
0x6d: {  	s8 =	sadd.s32 s0, s4  }
0x6e: {  	[tilespmem:s23], [sflag:$0x5] =	stream.linear.gather [hbm4b:s8+s2], $0x80, $0x38;
	[tilespmem:$0x18600] =	vst v63  }
0x6f: {  	_ =	swait.ge [sflag:s13], $0x80  }
0x70: {  	[sflag:s13] =	ssyncset.done $0x0  }
0x71: {  	s19 =	simm.s32 $0x8380;
	s4 =	sadd.s32 s4, s7;
	[sflag:s13] =	ssyncadd.s32 $0xFFFFFF80  }
0x72: {  	[tilespmem:s19], [sflag:$0x5] =	stream.linear.gather [hbm4b:s4+s2], $0x80, $0x38;
	[tilespmem:$0x18600] =	vst v63  }
0x73: {  	_ =	swait.ge [sflag:s13], $0x80  }
0x74: {  	[sflag:s13] =	ssyncset.done $0x0  }
0x75: {  	[sflag:s13] =	ssyncadd.s32 $0xFFFFFF80  }
0x76: {  	v8 =	vld [tilespmem:$0x8300]  }
0x77: {  	v9 =	vld [tilespmem:$0x8380];
	_ =	sdelay $0x1  }
0x78: {  	v10 =	vld [tilespmem:$0x8310];
	_ =	sdelay $0x1  }
0x79: {  	v12 =	vld [tilespmem:$0x8390]  }
0x7a: {  	v11 =	vtrunc.f32 v8;
	v13 =	vtrunc.f32 v9  }
0x7b: {  	v15 =	vld [tilespmem:$0x8320];
	v11 =	vcvt.f32.s32 v11;
	v13 =	vcvt.f32.s32 v13  }
0x7c: {  	v17 =	vtrunc.f32 v10  }
0x7d: {  	v18 =	vld [tilespmem:$0x83A0];
	v14 =	vcvt.s32.f32 v11;
	v16 =	vcvt.s32.f32 v13;
	v11 =	vshll.u32 v11, $0xA  }
0x7e: {  	v11 =	vadd.s32 v13, v11;
	v13 =	vcvt.f32.s32 v17;
	v17 =	vtrunc.f32 v12  }
0x7f: {  	v8 =	vsub.f32 v8, v14;
	[tilespmem:$0x8400] =	vst v11;
	v11 =	vadd.s32 $0x400, v11;
	v14 =	vcvt.f32.s32 v17  }
0x80: {  	v9 =	vsub.f32 v9, v16;
	v16 =	vld [tilespmem:$0x8330];
	v17 =	vtrunc.f32 v15;
	[tilespmem:$0x8480] =	vst v11  }
0x81: {  	v19 =	vld [tilespmem:$0x83B0];
	v11 =	vcvt.s32.f32 v13;
	v13 =	vshll.u32 v13, $0xA;
	[tilespmem:$0x8500] =	vst v8;
	v8 =	vcvt.s32.f32 v14  }
0x82: {  	[tilespmem:$0x8580] =	vst v9;
	v9 =	vadd.s32 v14, v13;
	v13 =	vcvt.f32.s32 v17;
	v14 =	vtrunc.f32 v18  }
0x83: {  	v10 =	vsub.f32 v10, v11;
	[tilespmem:$0x8410] =	vst v9;
	v9 =	vadd.s32 $0x400, v9;
	v11 =	vcvt.f32.s32 v14  }
0x84: {  	v8 =	vsub.f32 v12, v8;
	[tilespmem:$0x8490] =	vst v9;
	v9 =	vcvt.s32.f32 v13;
	v12 =	vld [tilespmem:$0x8340]  }
0x85: {  	v17 =	vld [tilespmem:$0x83C0];
	v13 =	vshll.u32 v13, $0xA;
	[tilespmem:$0x8510] =	vst v10;
	v10 =	vcvt.s32.f32 v11;
	v14 =	vtrunc.f32 v16  }
0x86: {  	[tilespmem:$0x8590] =	vst v8;
	v8 =	vadd.s32 v11, v13;
	v11 =	vcvt.f32.s32 v14;
	v13 =	vtrunc.f32 v19  }
0x87: {  	v9 =	vsub.f32 v15, v9;
	v14 =	vld [tilespmem:$0x8350];
	[tilespmem:$0x8420] =	vst v8;
	v8 =	vadd.s32 $0x400, v8;
	v13 =	vcvt.f32.s32 v13  }
0x88: {  	v10 =	vsub.f32 v18, v10;
	[tilespmem:$0x84A0] =	vst v8;
	v8 =	vcvt.s32.f32 v11  }
0x89: {  	v18 =	vld [tilespmem:$0x83D0];
	[tilespmem:$0x8520] =	vst v9;
	v11 =	vshll.u32 v11, $0xA;
	v9 =	vcvt.s32.f32 v13;
	v15 =	vtrunc.f32 v12  }
0x8a: {  	[tilespmem:$0x85A0] =	vst v10;
	v10 =	vadd.s32 v13, v11;
	v13 =	vtrunc.f32 v17;
	v11 =	vcvt.f32.s32 v15  }
0x8b: {  	v8 =	vsub.f32 v16, v8;
	[tilespmem:$0x8430] =	vst v10;
	v10 =	vadd.s32 $0x400, v10;
	v13 =	vcvt.f32.s32 v13;
	v15 =	vld [tilespmem:$0x8360]  }
0x8c: {  	v9 =	vsub.f32 v19, v9;
	[tilespmem:$0x84B0] =	vst v10;
	v16 =	vtrunc.f32 v14  }
0x8d: {  	v10 =	vcvt.s32.f32 v11;
	[tilespmem:$0x8530] =	vst v8;
	v8 =	vcvt.s32.f32 v13;
	v11 =	vshll.u32 v11, $0xA  }
0x8e: {  	[tilespmem:$0x85B0] =	vst v9;
	v9 =	vadd.s32 v13, v11;
	v11 =	vcvt.f32.s32 v16;
	v13 =	vtrunc.f32 v18;
	v16 =	vld [tilespmem:$0x83E0]  }
0x8f: {  	v10 =	vsub.f32 v12, v10;
	[tilespmem:$0x8440] =	vst v9;
	v9 =	vadd.s32 $0x400, v9;
	v12 =	vcvt.f32.s32 v13  }
0x90: {  	v8 =	vsub.f32 v17, v8;
	[tilespmem:$0x84C0] =	vst v9;
	v9 =	vcvt.s32.f32 v11;
	v13 =	vtrunc.f32 v15  }
0x91: {  	[tilespmem:$0x8540] =	vst v10;
	v10 =	vshll.u32 v11, $0xA;
	v11 =	vcvt.f32.s32 v13;
	v13 =	vld [tilespmem:$0x8370]  }
0x92: {  	[tilespmem:$0x85C0] =	vst v8;
	v8 =	vsub.f32 v14, v9;
	v9 =	vcvt.s32.f32 v12;
	v10 =	vadd.s32 v12, v10;
	v12 =	vld [tilespmem:$0x83F0]  }
0x93: {  	[tilespmem:$0x8450] =	vst v10;
	v10 =	vadd.s32 $0x400, v10;
	v14 =	vtrunc.f32 v16;
	v17 =	vcvt.s32.f32 v11  }
0x94: {  	v9 =	vsub.f32 v18, v9;
	[tilespmem:$0x84D0] =	vst v10;
	v10 =	vcvt.f32.s32 v14  }
0x95: {  	v11 =	vshll.u32 v11, $0xA;
	[tilespmem:$0x8550] =	vst v8;
	v8 =	vsub.f32 v15, v17  }
0x96: {  	[tilespmem:$0x85D0] =	vst v9;
	v9 =	vcvt.s32.f32 v10;
	v10 =	vadd.s32 v10, v11;
	v11 =	vtrunc.f32 v13  }
0x97: {  	[tilespmem:$0x8460] =	vst v10;
	v10 =	vadd.s32 $0x400, v10;
	v11 =	vcvt.f32.s32 v11;
	v14 =	vtrunc.f32 v12  }
0x98: {  	v9 =	vsub.f32 v16, v9;
	[tilespmem:$0x84E0] =	vst v10;
	v10 =	vcvt.f32.s32 v14  }
0x99: {  	[tilespmem:$0x8560] =	vst v8;
	v8 =	vcvt.s32.f32 v11;
	v11 =	vshll.u32 v11, $0xA  }
0x9a: {  	[tilespmem:$0x85E0] =	vst v9;
	v9 =	vcvt.s32.f32 v10;
	v10 =	vadd.s32 v10, v11  }
0x9b: {  	v8 =	vsub.f32 v13, v8;
	[tilespmem:$0x8470] =	vst v10;
	v10 =	vadd.s32 $0x400, v10  }
0x9c: {  	v9 =	vsub.f32 v12, v9;
	[tilespmem:$0x84F0] =	vst v10  }
0x9d: {  	[tilespmem:$0x8570] =	vst v8  }
0x9e: {  	s20 =	simm.s32 $0x8400;
	s21 =	simm.s32 $0x8600;
	p0 =	seq.s32 s6, $0x0;
	[tilespmem:$0x85F0] =	vst v9  }
0x9f: {  	[tilespmem:s21], [sflag:$0x2] =	stream.indirect.gather [hbm4b:s5+s14], $0x80, s20, s14, $0xb8;
	[tilespmem:$0x18600] =	vst v63  }
0xa0: {  	s22 =	simm.s32 $0x8480;
	s23 =	simm.s32 $0xC600;
	s4 =	simm.s32 @!p0 $0x3  }
0xa1: {  	[tilespmem:s23], [sflag:$0x2] =	stream.indirect.gather [hbm4b:s5+s14], $0x80, s22, s14, $0xb8;
	[tilespmem:$0x18600] =	vst v63  }
0xa2: {  	_ =	swait.ge @!p0 [sflag:s4], $0x4000  }
0xa3: {  	[sflag:s4] =	ssyncset.done @!p0 $0x0  }
0xa4: {  	[sflag:s4] =	ssyncadd.s32 @!p0 $0xFFFFC000  }
0xa5: {  	s9 =	simm.s32 $0x0;
	_ =	swait.ge [sflag:s25], $0x4000  }
0xa6: {  	s16 =	simm.s32 $0x1;
	v9 =	vmov s9;
	[sflag:s25] =	ssyncset.done $0x0  }
0xa7: {  	v11 =	vmov s16;
	[sflag:s25] =	ssyncadd.s32 $0xFFFFC000  }
0xa8: {  	_ =	swait.ge [sflag:s25], $0x4000  }
0xa9: {  	[sflag:s25] =	ssyncset.done $0x0  }
0xaa: {  	[sflag:s25] =	ssyncadd.s32 $0xFFFFC000  }
0xab: {  	s22 =	simm.s32 $0x3;
	v8 =	vld.idx.msk [tilespmem:v9+s26+$0x0], $0xffff  }
0xac: {  	s18 =	simm.s32 $0x44F0;
	v12 =	vmov s22;
	v10 =	vld.idx.msk [tilespmem:v11+s26+$0x0], $0xffff  }
0xad: {  	v13 =	vld [tilespmem:s18+$0xFFFFBF90]  }
0xae: {  	v14 =	vld [tilespmem:s18+$0xFFFFBFD0]  }
0xaf: {  	v15 =	vld [tilespmem:s18+$0xFFFFFF90]  }
0xb0: {  	v16 =	vld [tilespmem:s18+$0xFFFFFFD0]  }
0xb1: {  	v17 =	vld.idx.msk [tilespmem:v12+s26+$0x0], $0xffff  }
0xb2: {  	v18 =	vld [tilespmem:s18+$0xFFFFBE10]  }
0xb3: {  	v12 =	vor.u32 $0x80, v12;
	v19 =	vld [tilespmem:s18+$0xFFFFBE50]  }
0xb4: {  	v20 =	vld [tilespmem:s18+$0xFFFFFE10]  }
0xb5: {  	v22 =	vld [tilespmem:s18+$0xFFFFFE50]  }
0xb6: {  	v23 =	vld [tilespmem:s18+$0xFFFFBE90];
	v15 =	vsub.f32 v15, v13;
	v16 =	vsub.f32 v16, v14  }
0xb7: {  	v24 =	vld [tilespmem:s18+$0xFFFFFE90]  }
0xb8: {  	v21 =	vld.idx.msk [tilespmem:v12+s26+$0x0], $0xffff;
	v12 =	vmul.f32 v15, v17;
	v15 =	vmul.f32 v16, v17  }
0xb9: {  	v25 =	vld [tilespmem:s18+$0xFFFFBF10]  }
0xba: {  	v9 =	vor.u32 $0x80, v9;
	v16 =	vld [tilespmem:s18+$0xFFFFBED0];
	v12 =	vadd.f32 v12, v13;
	v13 =	vadd.f32 v15, v14  }
0xbb: {  	s17 =	simm.s32 $0x2;
	v11 =	vor.u32 $0x80, v11;
	v14 =	vld [tilespmem:s18+$0xFFFFFED0]  }
0xbc: {  	v26 =	vld [tilespmem:s18+$0xFFFFBF50];
	v15 =	vmov s17;
	v13 =	vsub.f32 v13, v12  }
0xbd: {  	v27 =	vor.u32 s22, v0;
	v28 =	vld [tilespmem:s18+$0xFFFFFF10];
	v20 =	vsub.f32 v20, v18  }
0xbe: {  	v29 =	vld [tilespmem:s18+$0xFFFFFF50];
	v22 =	vsub.f32 v22, v19;
	v13 =	vmul.f32 v13, v21  }
0xbf: {  	v24 =	vsub.f32 v24, v23;
	v9 =	vld.idx.msk [tilespmem:v9+s26+$0x0], $0xffff;
	v20 =	vmul.f32 v20, v8  }
0xc0: {  	v11 =	vld.idx.msk [tilespmem:v11+s26+$0x0], $0xffff;
	v22 =	vmul.f32 v22, v8;
	v14 =	vsub.f32 v14, v16;
	v12 =	vadd.f32 v13, v12  }
0xc1: {  	v18 =	vadd.f32 v20, v18;
	v20 =	vmul.f32 v24, v10;
	v13 =	vld.idx.msk [tilespmem:v15+s26+$0x0], $0xffff  }
0xc2: {  	v19 =	vadd.f32 v22, v19;
	v15 =	vor.u32 $0x80, v15;
	v14 =	vmul.f32 v14, v10;
	[tilespmem:v27+s28+$0x0] =	vst.idx.msk $0xffff, v12  }
0xc3: {  	v20 =	vadd.f32 v20, v23;
	v12 =	vsub.f32 v28, v25;
	v22 =	vld [tilespmem:s18+$0xFFFFBFA0]  }
0xc4: {  	v14 =	vadd.f32 v14, v16;
	v16 =	vsub.f32 v29, v26;
	v23 =	vld [tilespmem:s18+$0xFFFFBFE0]  }
0xc5: {  	v24 =	vor.u32 s9, v0;
	v19 =	vsub.f32 v19, v18;
	v27 =	vld [tilespmem:s18+$0xFFFFFFA0]  }
0xc6: {  	v29 =	vld [tilespmem:s18+$0xFFFFFFE0];
	v28 =	vmul.f32 v12, v13;
	v14 =	vsub.f32 v14, v20;
	v16 =	vmul.f32 v16, v13  }
0xc7: {  	v19 =	vmul.f32 v19, v9;
	v12 =	vld.idx.msk [tilespmem:v15+s26+$0x0], $0xffff;
	v15 =	vor.u32 s16, v0  }
0xc8: {  	v25 =	vadd.f32 v28, v25;
	v14 =	vmul.f32 v14, v11;
	v16 =	vadd.f32 v16, v26  }
0xc9: {  	v18 =	vadd.f32 v19, v18  }
0xca: {  	v14 =	vadd.f32 v14, v20;
	v16 =	vsub.f32 v16, v25  }
0xcb: {  	[tilespmem:v24+s28+$0x0] =	vst.idx.msk $0xffff, v18;
	v19 =	vsub.f32 v27, v22;
	v20 =	vsub.f32 v29, v23  }
0xcc: {  	v18 =	vor.u32 s17, v0;
	v24 =	vld [tilespmem:s18+$0xFFFFBE20];
	[tilespmem:v15+s28+$0x0] =	vst.idx.msk $0xffff, v14;
	v14 =	vmul.f32 v16, v12  }
0xcd: {  	v28 =	vld [tilespmem:s18+$0xFFFFBE60];
	v16 =	vmul.f32 v19, v17;
	v19 =	vmul.f32 v20, v17  }
0xce: {  	v15 =	vld [tilespmem:s18+$0xFFFFBEA0];
	v14 =	vadd.f32 v14, v25  }
0xcf: {  	v20 =	vld [tilespmem:s18+$0xFFFFBEE0];
	v16 =	vadd.f32 v16, v22;
	v19 =	vadd.f32 v19, v23  }
0xd0: {  	v25 =	vld [tilespmem:s18+$0xFFFFFEA0]  }
0xd1: {  	v22 =	vld [tilespmem:s18+$0xFFFFFEE0];
	[tilespmem:v18+s28+$0x0] =	vst.idx.msk $0xffff, v14;
	v18 =	vsub.f32 v19, v16  }
0xd2: {  	v23 =	vor.u32 s22, v1;
	v14 =	vld [tilespmem:s18+$0xFFFFBF20]  }
0xd3: {  	v19 =	vld [tilespmem:s18+$0xFFFFBF60];
	v18 =	vmul.f32 v18, v21  }
0xd4: {  	v26 =	vld [tilespmem:s18+$0xFFFFFF20]  }
0xd5: {  	v27 =	vld [tilespmem:s18+$0xFFFFFF60];
	v25 =	vsub.f32 v25, v15;
	v16 =	vadd.f32 v18, v16  }
0xd6: {  	v18 =	vsub.f32 v22, v20;
	v22 =	vld [tilespmem:s18+$0xFFFFFE20]  }
0xd7: {  	v29 =	vld [tilespmem:s18+$0xFFFFFE60];
	v25 =	vmul.f32 v25, v10;
	[tilespmem:v23+s28+$0x0] =	vst.idx.msk $0xffff, v16  }
0xd8: {  	v23 =	vld [tilespmem:s18+$0xFFFFBFB0]  }
0xd9: {  	v16 =	vmul.f32 v18, v10;
	v18 =	vadd.f32 v25, v15;
	v25 =	vld [tilespmem:s18+$0xFFFFBFF0]  }
0xda: {  	s4 =	simm.s32 $0x4;
	v26 =	vsub.f32 v26, v14;
	v27 =	vsub.f32 v27, v19;
	v31 =	vld [tilespmem:s18+$0xFFFFFFF0]  }
0xdb: {  	v15 =	vmov s4;
	v16 =	vadd.f32 v16, v20;
	v20 =	vld [tilespmem:s18+$0xFFFFFFB0];
	v22 =	vsub.f32 v22, v24  }
0xdc: {  	v30 =	vor.u32 s16, v1;
	v32 =	vor.u32 $0x80, v15;
	v26 =	vmul.f32 v26, v13  }
0xdd: {  	s8 =	simm.s32 $0x5;
	v29 =	vsub.f32 v29, v28;
	v27 =	vmul.f32 v27, v13;
	v22 =	vmul.f32 v22, v8  }
0xde: {  	v33 =	vmov s8;
	s19 =	simm.s32 $0x6;
	v16 =	vsub.f32 v16, v18;
	v26 =	vadd.f32 v26, v14  }
0xdf: {  	v34 =	vmov s19;
	v14 =	vadd.f32 v27, v19;
	v19 =	vadd.f32 v22, v24  }
0xe0: {  	v16 =	vmul.f32 v16, v11;
	v15 =	vld.idx.msk [tilespmem:v15+s26+$0x0], $0xffff;
	v20 =	vsub.f32 v20, v23;
	v22 =	vsub.f32 v31, v25  }
0xe1: {  	s21 =	simm.s32 $0x46F0;
	v27 =	vsub.f32 v14, v26;
	v24 =	vmul.f32 v29, v8;
	v14 =	vld.idx.msk [tilespmem:v32+s26+$0x0], $0xffff  }
0xe2: {  	v32 =	vld [tilespmem:s21+$0xFFFFFF90];
	v29 =	vadd.f32 v16, v18;
	v20 =	vmul.f32 v20, v17;
	v22 =	vmul.f32 v22, v17  }
0xe3: {  	v31 =	vor.u32 s17, v1;
	v18 =	vld.idx.msk [tilespmem:v33+s26+$0x0], $0xffff;
	v27 =	vmul.f32 v27, v12;
	v24 =	vadd.f32 v24, v28  }
0xe4: {  	v16 =	vld.idx.msk [tilespmem:v34+s26+$0x0], $0xffff;
	[tilespmem:v30+s28+$0x0] =	vst.idx.msk $0xffff, v29;
	v20 =	vadd.f32 v20, v23;
	v22 =	vadd.f32 v22, v25  }
0xe5: {  	v28 =	vld [tilespmem:s18+$0xFFFFBEB0];
	v23 =	vsub.f32 v24, v19  }
0xe6: {  	v24 =	vadd.f32 v27, v26;
	v25 =	vld [tilespmem:s18+$0xFFFFBEF0];
	v26 =	vor.u32 s9, v1;
	v22 =	vsub.f32 v22, v20  }
0xe7: {  	v29 =	vor.u32 s22, v2;
	v27 =	vld [tilespmem:s18+$0xFFFFFEB0];
	v23 =	vmul.f32 v23, v9  }
0xe8: {  	[tilespmem:v31+s28+$0x0] =	vst.idx.msk $0xffff, v24;
	v24 =	vld [tilespmem:s18+$0xFFFFFEF0];
	v22 =	vmul.f32 v22, v21  }
0xe9: {  	v30 =	vld [tilespmem:s18+$0xFFFFBF30];
	v19 =	vadd.f32 v23, v19  }
0xea: {  	v31 =	vld [tilespmem:s18+$0xFFFFFF30];
	v20 =	vadd.f32 v22, v20  }
0xeb: {  	v23 =	vld [tilespmem:s18+$0xFFFFBF70];
	[tilespmem:v26+s28+$0x0] =	vst.idx.msk $0xffff, v19  }
0xec: {  	v19 =	vld [tilespmem:s18+$0xFFFFFF70];
	v22 =	vsub.f32 v27, v28;
	[tilespmem:v29+s28+$0x0] =	vst.idx.msk $0xffff, v20  }
0xed: {  	v20 =	vsub.f32 v24, v25;
	v24 =	vld [tilespmem:s18+$0xFFFFBFC0]  }
0xee: {  	v22 =	vmul.f32 v22, v10;
	v27 =	vld [tilespmem:s18+$0xFFFFC000]  }
0xef: {  	v57 =	vld [tilespmem:s18+$0xFFFFFFC0]  }
0xf0: {  	v58 =	vld [tilespmem:s18+$0x0];
	v20 =	vmul.f32 v20, v10;
	v22 =	vadd.f32 v22, v28;
	v28 =	vsub.f32 v31, v30  }
0xf1: {  	v26 =	vld [tilespmem:s18+$0xFFFFBE30];
	v31 =	vor.u32 $0x80, v34;
	v19 =	vsub.f32 v19, v23  }
0xf2: {  	v35 =	vld [tilespmem:s18+$0xFFFFBE70];
	v29 =	vor.u32 $0x80, v33;
	v20 =	vadd.f32 v20, v25;
	v25 =	vmul.f32 v28, v13  }
0xf3: {  	v28 =	vld [tilespmem:s18+$0xFFFFFE30];
	v19 =	vmul.f32 v19, v13  }
0xf4: {  	v36 =	vld [tilespmem:s18+$0xFFFFFE70];
	v25 =	vadd.f32 v25, v30;
	v30 =	vsub.f32 v57, v24  }
0xf5: {  	v37 =	vor.u32 s16, v2;
	s20 =	simm.s32 $0x7;
	v33 =	vld [tilespmem:s21+$0xFFFFFFD0];
	v60 =	vsub.f32 v58, v27;
	v23 =	vadd.f32 v19, v23  }
0xf6: {  	v59 =	vsub.f32 v20, v22;
	v19 =	vld.idx.msk [tilespmem:v31+s26+$0x0], $0xffff;
	v31 =	vmov s20;
	v61 =	vmul.f32 v30, v17  }
0xf7: {  	v39 =	vor.u32 s17, v2;
	v20 =	vld.idx.msk [tilespmem:v29+s26+$0x0], $0xffff;
	v17 =	vmul.f32 v60, v17;
	v38 =	vsub.f32 v23, v25  }
0xf8: {  	v29 =	vld [tilespmem:s21+$0xFFFFBF90];
	v34 =	vmul.f32 v59, v11;
	v28 =	vsub.f32 v28, v26;
	v23 =	vadd.f32 v61, v24  }
0xf9: {  	v30 =	vld [tilespmem:s21+$0xFFFFBFD0];
	v24 =	vsub.f32 v36, v35;
	v63 =	vadd.f32 v17, v27;
	v62 =	vmul.f32 v38, v12  }
0xfa: {  	v22 =	vadd.f32 v34, v22;
	v27 =	vld [tilespmem:s21+$0xFFFFBE10];
	v34 =	vor.u32 $0x80, v31;
	v28 =	vmul.f32 v28, v8  }
0xfb: {  	v17 =	vld.idx.msk [tilespmem:v31+s26+$0x0], $0xffff;
	v24 =	vmul.f32 v24, v8;
	v38 =	vsub.f32 v63, v23;
	v36 =	vadd.f32 v62, v25  }
0xfc: {  	[tilespmem:v37+s28+$0x0] =	vst.idx.msk $0xffff, v22;
	v22 =	vor.u32 s22, v3;
	v31 =	vld [tilespmem:s21+$0xFFFFFE10];
	v25 =	vadd.f32 v28, v26  }
0xfd: {  	s12 =	sshll.u32 s6, $0x2;
	s22 =	simm.s32 $0x8;
	v28 =	vld [tilespmem:s21+$0xFFFFBE50];
	v26 =	vadd.f32 v24, v35;
	v24 =	vmul.f32 v38, v21;
	[tilespmem:v39+s28+$0x0] =	vst.idx.msk $0xffff, v36  }
.LBB2_3:
0xfe: {  	p1 =	slt.u32 s22, $0x7C;
	v35 =	vld [tilespmem:s21+$0xFFFFFE50];
	v32 =	vsub.f32 v32, v29;
	v33 =	vsub.f32 v33, v30  }
0xff: {  	v26 =	vsub.f32 v26, v25;
	v36 =	vld [tilespmem:s21+$0xFFFFBE90];
	v23 =	vadd.f32 v24, v23  }
0x100: {  	v21 =	vld.idx.msk [tilespmem:v34+s26+$0x0], $0xffff;
	v24 =	vmul.f32 v32, v17;
	v32 =	vmul.f32 v33, v17  }
0x101: {  	v26 =	vmul.f32 v26, v9;
	v34 =	vor.u32 s9, v2;
	v33 =	vld [tilespmem:s21+$0xFFFFBED0];
	[tilespmem:v22+s28+$0x0] =	vst.idx.msk $0xffff, v23  }
0x102: {  	v22 =	vld [tilespmem:s21+$0xFFFFFE90];
	v23 =	vadd.f32 v24, v29;
	v24 =	vadd.f32 v32, v30  }
0x103: {  	v29 =	vsub.f32 v31, v27;
	v30 =	vsub.f32 v35, v28;
	v31 =	vld [tilespmem:s21+$0xFFFFFED0]  }
0x104: {  	v25 =	vadd.f32 v26, v25;
	v32 =	vld [tilespmem:s21+$0xFFFFBF10];
	v24 =	vsub.f32 v24, v23  }
0x105: {  	v35 =	vor.u32 s20, v0;
	v26 =	vmul.f32 v29, v15;
	v29 =	vmul.f32 v30, v15;
	v30 =	vld [tilespmem:s21+$0xFFFFBF50]  }
0x106: {  	v37 =	vld [tilespmem:s21+$0xFFFFFF10];
	v24 =	vmul.f32 v24, v21;
	[tilespmem:v34+s28+$0x0] =	vst.idx.msk $0xffff, v25  }
0x107: {  	v25 =	vadd.f32 v26, v27;
	v22 =	vsub.f32 v22, v36;
	v26 =	vld [tilespmem:s21+$0xFFFFFF50]  }
0x108: {  	v27 =	vsub.f32 v31, v33;
	v23 =	vadd.f32 v24, v23;
	v24 =	vld [tilespmem:s18+$0xFFFFBEC0]  }
0x109: {  	v28 =	vadd.f32 v29, v28;
	v22 =	vmul.f32 v22, v18;
	v29 =	vld [tilespmem:s18+$0xFFFFBF00]  }
0x10a: {  	v27 =	vmul.f32 v27, v18;
	[tilespmem:v35+s28+$0x0] =	vst.idx.msk $0xffff, v23;
	v23 =	vld [tilespmem:s18+$0xFFFFFEC0]  }
0x10b: {  	v22 =	vadd.f32 v22, v36;
	v31 =	vsub.f32 v37, v32;
	v34 =	vld [tilespmem:s21+$0xFFFFBFA0]  }
0x10c: {  	v27 =	vadd.f32 v27, v33;
	v26 =	vsub.f32 v26, v30;
	v33 =	vld [tilespmem:s21+$0xFFFFBFE0]  }
0x10d: {  	v28 =	vsub.f32 v28, v25;
	v35 =	vor.u32 s4, v0;
	v31 =	vmul.f32 v31, v16;
	v36 =	vld [tilespmem:s21+$0xFFFFFFA0]  }
0x10e: {  	v37 =	vor.u32 s8, v0;
	v27 =	vsub.f32 v27, v22;
	v26 =	vmul.f32 v26, v16;
	v38 =	vld [tilespmem:s21+$0xFFFFFFE0]  }
0x10f: {  	v28 =	vmul.f32 v28, v14;
	v31 =	vadd.f32 v31, v32;
	v32 =	vld [tilespmem:s18+$0xFFFFFF00];
	v23 =	vsub.f32 v23, v24  }
0x110: {  	v27 =	vmul.f32 v27, v20;
	v26 =	vadd.f32 v26, v30;
	v30 =	vld [tilespmem:s18+$0xFFFFBF40]  }
0x111: {  	v25 =	vadd.f32 v28, v25;
	v23 =	vmul.f32 v23, v10;
	v28 =	vld [tilespmem:s18+$0xFFFFBF80]  }
0x112: {  	v22 =	vadd.f32 v27, v22;
	v26 =	vsub.f32 v26, v31;
	v27 =	vld [tilespmem:s18+$0xFFFFFF40]  }
0x113: {  	[tilespmem:v35+s28+$0x0] =	vst.idx.msk $0xffff, v25;
	v25 =	vor.u32 s19, v0;
	v35 =	vsub.f32 v36, v34;
	v36 =	vsub.f32 v38, v33;
	v38 =	vld [tilespmem:s18+$0xFFFFFF80]  }
0x114: {  	v39 =	vld [tilespmem:s21+$0xFFFFBE20];
	[tilespmem:v37+s28+$0x0] =	vst.idx.msk $0xffff, v22;
	v22 =	vmul.f32 v26, v19;
	v26 =	vsub.f32 v32, v29  }
0x115: {  	v23 =	vadd.f32 v23, v24;
	v32 =	vld [tilespmem:s21+$0xFFFFBEA0];
	v35 =	vmul.f32 v35, v17;
	v36 =	vmul.f32 v36, v17  }
0x116: {  	v24 =	vld [tilespmem:s21+$0xFFFFBEE0];
	v22 =	vadd.f32 v22, v31;
	v26 =	vmul.f32 v26, v10;
	v10 =	vmov v18  }
0x117: {  	v18 =	vld [tilespmem:s21+$0xFFFFFEA0];
	v31 =	vadd.f32 v35, v34;
	v33 =	vadd.f32 v36, v33  }
0x118: {  	v34 =	vld [tilespmem:s21+$0xFFFFFEE0];
	[tilespmem:v25+s28+$0x0] =	vst.idx.msk $0xffff, v22;
	v22 =	vsub.f32 v27, v30;
	v25 =	vsub.f32 v38, v28  }
0x119: {  	v26 =	vadd.f32 v26, v29;
	v27 =	vld [tilespmem:s21+$0xFFFFBF20];
	v33 =	vsub.f32 v33, v31  }
0x11a: {  	v35 =	vor.u32 s20, v1;
	v29 =	vld [tilespmem:s21+$0xFFFFBF60];
	v22 =	vmul.f32 v22, v13;
	v25 =	vmul.f32 v25, v13;
	v13 =	vmovc v16  }
0x11b: {  	v26 =	vsub.f32 v26, v23;
	v16 =	vld [tilespmem:s21+$0xFFFFFF20];
	v33 =	vmul.f32 v33, v21  }
0x11c: {  	v37 =	vor.u32 s16, v3;
	s16 =	smov.u32 s8;
	v18 =	vsub.f32 v18, v32;
	v36 =	vld [tilespmem:s21+$0xFFFFFF60];
	v22 =	vadd.f32 v22, v30  }
0x11d: {  	v26 =	vmul.f32 v26, v11;
	v11 =	vmovc v20;
	v30 =	vld [tilespmem:s21+$0xFFFFBE60];
	v34 =	vsub.f32 v34, v24;
	v31 =	vadd.f32 v33, v31  }
0x11e: {  	v20 =	vmov s22;
	v25 =	vadd.f32 v25, v28;
	v33 =	vld [tilespmem:s21+$0xFFFFFE20];
	v18 =	vmul.f32 v18, v10  }
0x11f: {  	v23 =	vadd.f32 v26, v23;
	v26 =	vor.u32 s17, v3;
	s17 =	smov.u32 s19;
	v28 =	vld [tilespmem:s21+$0xFFFFFE60];
	v34 =	vmul.f32 v34, v10;
	[tilespmem:v35+s28+$0x0] =	vst.idx.msk $0xffff, v31  }
0x120: {  	v31 =	vor.u32 s16, v1;
	v18 =	vadd.f32 v18, v32;
	v16 =	vsub.f32 v16, v27;
	v32 =	vld [tilespmem:s21+$0xFFFFBFB0]  }
0x121: {  	s8 =	sadd.s32 $0x1, s22;
	v35 =	vor.u32 $0x80, v20;
	v24 =	vadd.f32 v34, v24;
	v34 =	vsub.f32 v36, v29;
	v36 =	vld [tilespmem:s21+$0xFFFFBFF0];
	[tilespmem:v37+s28+$0x0] =	vst.idx.msk $0xffff, v23  }
0x122: {  	v25 =	vsub.f32 v25, v22;
	v23 =	vmov s8;
	v16 =	vmul.f32 v16, v13;
	v37 =	vld [tilespmem:s21+$0xFFFFFFB0]  }
0x123: {  	v33 =	vsub.f32 v33, v39;
	v24 =	vsub.f32 v24, v18;
	v34 =	vmul.f32 v34, v13;
	v38 =	vld [tilespmem:s21+$0xFFFFFFF0]  }
0x124: {  	v28 =	vsub.f32 v28, v30;
	v27 =	vadd.f32 v16, v27;
	v40 =	vld [tilespmem:s18+$0xFFFFBE40];
	v16 =	vmul.f32 v25, v12;
	v12 =	vmovc v19  }
0x125: {  	s19 =	sadd.s32 $0x2, s22;
	v19 =	vmul.f32 v33, v15;
	v24 =	vmul.f32 v24, v11;
	v25 =	vadd.f32 v34, v29;
	v29 =	vld [tilespmem:s18+$0xFFFFBE80]  }
0x126: {  	v33 =	vmov s19;
	v28 =	vmul.f32 v28, v15;
	v34 =	vld [tilespmem:s18+$0xFFFFFE40];
	v16 =	vadd.f32 v16, v22  }
0x127: {  	v19 =	vadd.f32 v19, v39;
	v22 =	vsub.f32 v25, v27;
	v25 =	vor.u32 s17, v1;
	v39 =	vld [tilespmem:s18+$0xFFFFFE80];
	s18 =	smov.u32 s21  }
0x128: {  	v37 =	vsub.f32 v37, v32;
	v20 =	vld.idx.msk [tilespmem:v20+s26+$0x0], $0xffff;
	v38 =	vsub.f32 v38, v36;
	[tilespmem:v26+s28+$0x0] =	vst.idx.msk $0xffff, v16  }
0x129: {  	v24 =	vadd.f32 v24, v18;
	v28 =	vadd.f32 v28, v30;
	v26 =	vld.idx.msk [tilespmem:v35+s26+$0x0], $0xffff;
	v22 =	vmul.f32 v22, v12  }
0x12a: {  	v30 =	vmul.f32 v37, v17;
	v18 =	vld.idx.msk [tilespmem:v23+s26+$0x0], $0xffff;
	v35 =	vmul.f32 v38, v17  }
0x12b: {  	v28 =	vsub.f32 v28, v19;
	v16 =	vld.idx.msk [tilespmem:v33+s26+$0x0], $0xffff;
	[tilespmem:v31+s28+$0x0] =	vst.idx.msk $0xffff, v24;
	v22 =	vadd.f32 v22, v27  }
0x12c: {  	v24 =	vor.u32 s4, v1;
	v30 =	vadd.f32 v30, v32;
	v27 =	vld [tilespmem:s21+$0xFFFFBEB0];
	v31 =	vadd.f32 v35, v36  }
0x12d: {  	v28 =	vmul.f32 v28, v14;
	v32 =	vld [tilespmem:s21+$0xFFFFBEF0];
	[tilespmem:v25+s28+$0x0] =	vst.idx.msk $0xffff, v22;
	v22 =	vsub.f32 v34, v40  }
0x12e: {  	v34 =	vsub.f32 v39, v29;
	v25 =	vld [tilespmem:s21+$0xFFFFFEB0];
	v31 =	vsub.f32 v31, v30  }
0x12f: {  	v35 =	vor.u32 s20, v2;
	v19 =	vadd.f32 v28, v19;
	v28 =	vld [tilespmem:s21+$0xFFFFFEF0];
	v22 =	vmul.f32 v22, v8  }
0x130: {  	v34 =	vmul.f32 v34, v8;
	v8 =	vmovc v15;
	v15 =	vmov v20;
	v36 =	vld [tilespmem:s21+$0xFFFFBF30];
	v31 =	vmul.f32 v31, v21  }
0x131: {  	[tilespmem:v24+s28+$0x0] =	vst.idx.msk $0xffff, v19;
	v19 =	vld [tilespmem:s21+$0xFFFFBF70];
	v20 =	vadd.f32 v22, v40  }
0x132: {  	v29 =	vadd.f32 v34, v29;
	v22 =	vld [tilespmem:s21+$0xFFFFFF30];
	v24 =	vadd.f32 v31, v30  }
0x133: {  	v25 =	vsub.f32 v25, v27;
	v30 =	vld [tilespmem:s21+$0xFFFFFF70]  }
0x134: {  	v31 =	vld [tilespmem:s21+$0xFFFFBE30];
	v28 =	vsub.f32 v28, v32;
	[tilespmem:v35+s28+$0x0] =	vst.idx.msk $0xffff, v24;
	v24 =	vsub.f32 v29, v20  }
0x135: {  	v25 =	vmul.f32 v25, v10;
	v34 =	vld [tilespmem:s21+$0xFFFFBFC0]  }
0x136: {  	v29 =	vor.u32 s9, v3;
	s9 =	smov.u32 s4;
	s4 =	smov.u32 s22;
	v28 =	vmul.f32 v28, v10;
	v35 =	vld [tilespmem:s21+$0xFFFFC000];
	v24 =	vmul.f32 v24, v9;
	v9 =	vmovc v14;
	v14 =	vmovc v26  }
0x137: {  	v23 =	vor.u32 $0x80, v23;
	v25 =	vadd.f32 v25, v27;
	v22 =	vsub.f32 v22, v36;
	v26 =	vld [tilespmem:s21+$0xFFFFFFC0]  }
0x138: {  	v27 =	vor.u32 $0x80, v33;
	v28 =	vadd.f32 v28, v32;
	v30 =	vsub.f32 v30, v19;
	v32 =	vld [tilespmem:s21+$0x0]  }
0x139: {  	v20 =	vadd.f32 v24, v20;
	v37 =	vld [tilespmem:s21+$0xFFFFBE70];
	v22 =	vmul.f32 v22, v13  }
0x13a: {  	v24 =	vld [tilespmem:s21+$0xFFFFFE30];
	v28 =	vsub.f32 v28, v25;
	v30 =	vmul.f32 v30, v13  }
0x13b: {  	v38 =	vor.u32 s16, v2;
	v33 =	vld [tilespmem:s21+$0xFFFFFE70];
	v22 =	vadd.f32 v22, v36;
	[tilespmem:v29+s28+$0x0] =	vst.idx.msk $0xffff, v20  }
0x13c: {  	s23 =	sadd.s32 $0x3, s22;
	v20 =	vld.idx.msk [tilespmem:v23+s26+$0x0], $0xffff;
	v23 =	vmul.f32 v28, v11;
	v28 =	vadd.f32 v30, v19  }
0x13d: {  	v36 =	vmov s23;
	s21 =	sadd.s32 $0x200, s21;
	v26 =	vsub.f32 v26, v34;
	v19 =	vld.idx.msk [tilespmem:v27+s26+$0x0], $0xffff;
	v27 =	vsub.f32 v32, v35  }
0x13e: {  	v39 =	vor.u32 s17, v2;
	v29 =	vld [tilespmem:s21+$0xFFFFBF90];
	v23 =	vadd.f32 v23, v25;
	v25 =	vsub.f32 v28, v22  }
0x13f: {  	v26 =	vmul.f32 v26, v17;
	v30 =	vld [tilespmem:s21+$0xFFFFBFD0];
	v24 =	vsub.f32 v24, v31;
	v17 =	vmul.f32 v27, v17  }
0x140: {  	v32 =	vld [tilespmem:s21+$0xFFFFFF90];
	v27 =	vsub.f32 v33, v37;
	[tilespmem:v38+s28+$0x0] =	vst.idx.msk $0xffff, v23;
	v25 =	vmul.f32 v25, v12  }
.Ltmp0:
0x141: {  	v23 =	vadd.f32 v26, v34;
	v33 =	vld [tilespmem:s21+$0xFFFFFFD0];
	v24 =	vmul.f32 v24, v8;
	v26 =	vadd.f32 v17, v35;
	(pc) =	sbr.rel @p1 .LBB2_3-.Ltmp0, $4  }
0x142: {  	v17 =	vld.idx.msk [tilespmem:v36+s26+$0x0], $0xffff;
	v35 =	vmul.f32 v27, v8;
	v22 =	vadd.f32 v25, v22  }
0x143: {  	v34 =	vor.u32 $0x80, v36;
	v27 =	vld [tilespmem:s21+$0xFFFFBE10];
	v25 =	vadd.f32 v24, v31;
	v24 =	vsub.f32 v26, v23  }
0x144: {  	v28 =	vld [tilespmem:s21+$0xFFFFBE50];
	v26 =	vadd.f32 v35, v37;
	[tilespmem:v39+s28+$0x0] =	vst.idx.msk $0xffff, v22;
	v22 =	vor.u32 s20, v3;
	s20 =	smov.u32 s23  }
0x145: {  	s22 =	sadd.s32 $0x4, s22;
	v31 =	vld [tilespmem:s21+$0xFFFFFE10];
	v24 =	vmul.f32 v24, v21  }
0x146: {  	v35 =	vld [tilespmem:s21+$0xFFFFBE90]  }
0x147: {  	v48 =	vld [tilespmem:s21+$0xFFFFBED0]  }
0x148: {  	v36 =	vld [tilespmem:s21+$0xFFFFFE90]  }
0x149: {  	v38 =	vld [tilespmem:s21+$0xFFFFFED0]  }
0x14a: {  	v21 =	vsub.f32 v32, v29;
	v47 =	vsub.f32 v33, v30;
	v49 =	vld [tilespmem:s21+$0xFFFFBF10]  }
0x14b: {  	v50 =	vld [tilespmem:s21+$0xFFFFBF50]  }
0x14c: {  	v51 =	vld [tilespmem:s21+$0xFFFFFF10];
	v37 =	vmul.f32 v21, v17;
	v32 =	vmul.f32 v47, v17  }
0x14d: {  	v21 =	vld.idx.msk [tilespmem:v34+s26+$0x0], $0xffff  }
0x14e: {  	v39 =	vld [tilespmem:s21+$0xFFFFFF50];
	v29 =	vadd.f32 v37, v29;
	v30 =	vadd.f32 v32, v30  }
0x14f: {  	v38 =	vsub.f32 v38, v48  }
0x150: {  	v36 =	vsub.f32 v36, v35;
	v30 =	vsub.f32 v30, v29  }
0x151: {  	v40 =	vor.u32 s20, v0;
	v38 =	vmul.f32 v38, v18  }
0x152: {  	v41 =	vld [tilespmem:s21+$0xFFFFFE50];
	v52 =	vsub.f32 v51, v49;
	v36 =	vmul.f32 v36, v18;
	v30 =	vmul.f32 v30, v21  }
0x153: {  	v53 =	vsub.f32 v39, v50;
	v33 =	vadd.f32 v38, v48  }
0x154: {  	v29 =	vadd.f32 v30, v29;
	v30 =	vadd.f32 v36, v35  }
0x155: {  	v36 =	vmul.f32 v53, v16  }
0x156: {  	v33 =	vsub.f32 v33, v30;
	[tilespmem:v40+s28+$0x0] =	vst.idx.msk $0xffff, v29;
	v29 =	vmul.f32 v52, v16  }
0x157: {  	v54 =	vor.u32 s8, v0;
	v31 =	vsub.f32 v31, v27;
	v55 =	vsub.f32 v41, v28  }
0x158: {  	v58 =	vadd.f32 v36, v50;
	v33 =	vmul.f32 v33, v20;
	v29 =	vadd.f32 v29, v49  }
0x159: {  	v31 =	vmul.f32 v31, v15;
	v56 =	vld [tilespmem:s21+$0xFFFFBFA0]  }
0x15a: {  	v60 =	vmul.f32 v55, v15;
	v57 =	vld [tilespmem:s21+$0xFFFFBFE0];
	v30 =	vadd.f32 v33, v30;
	v32 =	vsub.f32 v58, v29  }
0x15b: {  	v62 =	vor.u32 s19, v0;
	v27 =	vadd.f32 v31, v27;
	v59 =	vld [tilespmem:s21+$0xFFFFFFA0]  }
0x15c: {  	v28 =	vadd.f32 v60, v28;
	v61 =	vld [tilespmem:s21+$0xFFFFFFE0];
	[tilespmem:v54+s28+$0x0] =	vst.idx.msk $0xffff, v30;
	v30 =	vmul.f32 v32, v19  }
0x15d: {  	v31 =	vld [tilespmem:s21+$0xFFFFBEA0]  }
0x15e: {  	v28 =	vsub.f32 v28, v27;
	v63 =	vld [tilespmem:s21+$0xFFFFBEE0];
	v29 =	vadd.f32 v30, v29  }
0x15f: {  	v35 =	vld [tilespmem:s21+$0xFFFFFEE0]  }
0x160: {  	v28 =	vmul.f32 v28, v14;
	v30 =	vld [tilespmem:s21+$0xFFFFFEA0];
	[tilespmem:v62+s28+$0x0] =	vst.idx.msk $0xffff, v29  }
0x161: {  	v47 =	vor.u32 s4, v0;
	v45 =	vsub.f32 v59, v56;
	v46 =	vsub.f32 v61, v57;
	v49 =	vld [tilespmem:s21+$0xFFFFBF20]  }
0x162: {  	v27 =	vadd.f32 v28, v27;
	v28 =	vld [tilespmem:s21+$0xFFFFBF60]  }
0x163: {  	v26 =	vsub.f32 v26, v25;
	v48 =	vmul.f32 v46, v17;
	v29 =	vmul.f32 v45, v17;
	v37 =	vld [tilespmem:s21+$0xFFFFFF20]  }
0x164: {  	v50 =	vld [tilespmem:s21+$0xFFFFFF60]  }
0x165: {  	v44 =	vld [tilespmem:s18+$0xFFFFBF40];
	v26 =	vmul.f32 v26, v9;
	v33 =	vadd.f32 v48, v57;
	v29 =	vadd.f32 v29, v56  }
0x166: {  	v39 =	vld [tilespmem:s18+$0xFFFFBF00];
	[tilespmem:v47+s28+$0x0] =	vst.idx.msk $0xffff, v27;
	v46 =	vor.u32 s9, v2;
	v35 =	vsub.f32 v35, v63;
	v30 =	vsub.f32 v30, v31  }
0x167: {  	v25 =	vadd.f32 v26, v25;
	v27 =	vld [tilespmem:s21+$0xFFFFBE20];
	v33 =	vsub.f32 v33, v29  }
0x168: {  	v51 =	vor.u32 s20, v1;
	v52 =	vld [tilespmem:s21+$0xFFFFFE20];
	v35 =	vmul.f32 v35, v18;
	v30 =	vmul.f32 v30, v18  }
0x169: {  	v42 =	vld [tilespmem:s21+$0xFFFFBE60];
	v33 =	vmul.f32 v33, v21;
	v54 =	vsub.f32 v37, v49;
	v55 =	vsub.f32 v50, v28  }
0x16a: {  	v53 =	vld [tilespmem:s21+$0xFFFFFE60];
	v30 =	vadd.f32 v30, v31;
	v31 =	vadd.f32 v35, v63  }
0x16b: {  	v36 =	vld [tilespmem:s18+$0xFFFFBEC0];
	[tilespmem:v46+s28+$0x0] =	vst.idx.msk $0xffff, v25;
	v29 =	vadd.f32 v33, v29  }
0x16c: {  	v56 =	vld [tilespmem:s18+$0xFFFFFEC0];
	v35 =	vmul.f32 v54, v16;
	v37 =	vmul.f32 v55, v16;
	v31 =	vsub.f32 v31, v30  }
0x16d: {  	v43 =	vor.u32 s8, v1;
	v25 =	vld [tilespmem:s18+$0xFFFFFF80];
	[tilespmem:v51+s28+$0x0] =	vst.idx.msk $0xffff, v29  }
0x16e: {  	v46 =	vld [tilespmem:s18+$0xFFFFBE40];
	v34 =	vadd.f32 v35, v49;
	v28 =	vadd.f32 v37, v28;
	v31 =	vmul.f32 v31, v20  }
0x16f: {  	v32 =	vsub.f32 v53, v42;
	v29 =	vsub.f32 v52, v27;
	v40 =	vld [tilespmem:s21+$0xFFFFBFB0]  }
0x170: {  	v57 =	vld [tilespmem:s21+$0xFFFFBFF0];
	v28 =	vsub.f32 v28, v34;
	v30 =	vadd.f32 v31, v30  }
0x171: {  	v59 =	vor.u32 s19, v1;
	v32 =	vmul.f32 v32, v15;
	v58 =	vld [tilespmem:s21+$0xFFFFFFF0];
	v29 =	vmul.f32 v29, v15  }
0x172: {  	v31 =	vld [tilespmem:s21+$0xFFFFFFB0];
	v28 =	vmul.f32 v28, v19;
	[tilespmem:v43+s28+$0x0] =	vst.idx.msk $0xffff, v30  }
0x173: {  	v27 =	vadd.f32 v29, v27;
	v29 =	vadd.f32 v32, v42;
	v30 =	vld [tilespmem:s21+$0xFFFFBEB0]  }
0x174: {  	v60 =	vld [tilespmem:s21+$0xFFFFBEF0];
	v28 =	vadd.f32 v28, v34  }
0x175: {  	v61 =	vld [tilespmem:s21+$0xFFFFFEB0];
	v29 =	vsub.f32 v29, v27  }
0x176: {  	v45 =	vor.u32 s4, v1;
	v62 =	vld [tilespmem:s21+$0xFFFFFEF0];
	[tilespmem:v59+s28+$0x0] =	vst.idx.msk $0xffff, v28  }
0x177: {  	v31 =	vsub.f32 v31, v40;
	v28 =	vsub.f32 v58, v57;
	v29 =	vmul.f32 v29, v14;
	v63 =	vld [tilespmem:s21+$0xFFFFBF30]  }
0x178: {  	v41 =	vld [tilespmem:s21+$0xFFFFBF70]  }
0x179: {  	v48 =	vld [tilespmem:s21+$0xFFFFFF70];
	v31 =	vmul.f32 v31, v17;
	v28 =	vmul.f32 v28, v17;
	v27 =	vadd.f32 v29, v27  }
0x17a: {  	v38 =	vsub.f32 v56, v36;
	v29 =	vld [tilespmem:s21+$0xFFFFFF30];
	v34 =	vsub.f32 v61, v30  }
0x17b: {  	v33 =	vld [tilespmem:s18+$0xFFFFFF00];
	v31 =	vadd.f32 v31, v40;
	v28 =	vadd.f32 v28, v57;
	[tilespmem:v45+s28+$0x0] =	vst.idx.msk $0xffff, v27  }
0x17c: {  	v42 =	vsub.f32 v62, v60;
	v26 =	vld [tilespmem:s21+$0xFFFFBE30]  }
0x17d: {  	v38 =	vmul.f32 v38, v10;
	v27 =	vmul.f32 v34, v18;
	v51 =	vld [tilespmem:s21+$0xFFFFFE30];
	v28 =	vsub.f32 v28, v31  }
0x17e: {  	v52 =	vor.u32 s20, v2;
	v50 =	vmul.f32 v42, v18;
	v45 =	vld [tilespmem:s21+$0xFFFFFE70];
	v40 =	vsub.f32 v48, v41  }
0x17f: {  	v27 =	vadd.f32 v27, v30;
	v30 =	vld [tilespmem:s21+$0xFFFFBE70];
	v29 =	vsub.f32 v29, v63;
	v28 =	vmul.f32 v28, v21  }
0x180: {  	v54 =	vld [tilespmem:s18+$0xFFFFBE80];
	v36 =	vadd.f32 v38, v36;
	v32 =	vadd.f32 v50, v60  }
0x181: {  	v55 =	vld [tilespmem:s18+$0xFFFFFE40];
	v29 =	vmul.f32 v29, v16;
	v28 =	vadd.f32 v28, v31;
	v31 =	vmul.f32 v40, v16  }
0x182: {  	v49 =	vld [tilespmem:s18+$0xFFFFFF40];
	v32 =	vsub.f32 v32, v27;
	v34 =	vsub.f32 v51, v26  }
0x183: {  	v53 =	vor.u32 s8, v2;
	v43 =	vld [tilespmem:s18+$0xFFFFBF80];
	v29 =	vadd.f32 v29, v63;
	v31 =	vadd.f32 v31, v41  }
0x184: {  	v32 =	vmul.f32 v32, v20;
	[tilespmem:v52+s28+$0x0] =	vst.idx.msk $0xffff, v28;
	v28 =	vld [tilespmem:s18+$0xFFFFFE80];
	v56 =	vsub.f32 v45, v30  }
0x185: {  	v33 =	vsub.f32 v33, v39;
	v57 =	vor.u32 s19, v2;
	v42 =	vld [tilespmem:s21+$0xFFFFBFC0];
	v31 =	vsub.f32 v31, v29  }
0x186: {  	v34 =	vmul.f32 v34, v15;
	v27 =	vadd.f32 v32, v27;
	v58 =	vld [tilespmem:s21+$0xFFFFFFC0];
	v32 =	vmul.f32 v56, v15  }
0x187: {  	v10 =	vmul.f32 v33, v10;
	v59 =	vsub.f32 v49, v44;
	v60 =	vld [tilespmem:s21+$0x0];
	v31 =	vmul.f32 v31, v19  }
0x188: {  	v26 =	vadd.f32 v34, v26;
	[tilespmem:v53+s28+$0x0] =	vst.idx.msk $0xffff, v27;
	v27 =	vld [tilespmem:s21+$0xFFFFC000];
	v30 =	vadd.f32 v32, v30  }
0x189: {  	v10 =	vadd.f32 v10, v39;
	v61 =	vld [tilespmem:s21+$0xFFFFBF00];
	v29 =	vadd.f32 v31, v29  }
0x18a: {  	v25 =	vsub.f32 v25, v43;
	v33 =	vmul.f32 v59, v13;
	v63 =	vld [tilespmem:s21+$0xFFFFFEC0];
	v30 =	vsub.f32 v30, v26  }
0x18b: {  	v62 =	vsub.f32 v55, v46;
	v28 =	vsub.f32 v28, v54;
	v31 =	vld [tilespmem:s21+$0xFFFFBEC0];
	[tilespmem:v57+s28+$0x0] =	vst.idx.msk $0xffff, v29;
	v29 =	vor.u32 s4, v2  }
0x18c: {  	v10 =	vsub.f32 v10, v36;
	v13 =	vmul.f32 v25, v13;
	v25 =	vmul.f32 v30, v14;
	v30 =	vld [tilespmem:s21+$0xFFFFFF00]  }
0x18d: {  	v33 =	vadd.f32 v33, v44;
	v38 =	vmul.f32 v62, v8;
	v8 =	vmul.f32 v28, v8;
	v28 =	vld [tilespmem:s21+$0xFFFFBF40]  }
0x18e: {  	v10 =	vmul.f32 v10, v11;
	v11 =	vadd.f32 v13, v43;
	v41 =	vld [tilespmem:s21+$0xFFFFFF40];
	v13 =	vadd.f32 v25, v26  }
0x18f: {  	v8 =	vadd.f32 v8, v54;
	v25 =	vld [tilespmem:s21+$0xFFFFBF80];
	v26 =	vadd.f32 v38, v46  }
0x190: {  	v23 =	vadd.f32 v24, v23;
	v10 =	vadd.f32 v10, v36;
	[tilespmem:v29+s28+$0x0] =	vst.idx.msk $0xffff, v13;
	v13 =	vld [tilespmem:s21+$0xFFFFFF80]  }
0x191: {  	v11 =	vsub.f32 v11, v33;
	v8 =	vsub.f32 v8, v26;
	v24 =	vld [tilespmem:s21+$0xFFFFBE40]  }
0x192: {  	v32 =	vsub.f32 v60, v27;
	v29 =	vsub.f32 v58, v42;
	v43 =	vld [tilespmem:s21+$0xFFFFBE80]  }
0x193: {  	v11 =	vmul.f32 v11, v12;
	v8 =	vmul.f32 v8, v9;
	v9 =	vsub.f32 v63, v31;
	v12 =	vld [tilespmem:s21+$0xFFFFFE40]  }
0x194: {  	v30 =	vsub.f32 v30, v61;
	v44 =	vld [tilespmem:s21+$0xFFFFFE80];
	v29 =	vmul.f32 v29, v17;
	v17 =	vmul.f32 v32, v17  }
0x195: {  	v11 =	vadd.f32 v11, v33;
	v8 =	vadd.f32 v8, v26;
	v9 =	vmul.f32 v9, v18  }
0x196: {  	v18 =	vmul.f32 v30, v18;
	v26 =	vadd.f32 v29, v42;
	v17 =	vadd.f32 v17, v27  }
0x197: {  	v27 =	vsub.f32 v41, v28;
	v9 =	vadd.f32 v9, v31  }
0x198: {  	v30 =	vor.u32 s17, v3;
	v13 =	vsub.f32 v13, v25;
	v18 =	vadd.f32 v18, v61  }
0x199: {  	v29 =	vor.u32 s16, v3;
	v12 =	vsub.f32 v12, v24;
	v31 =	vsub.f32 v44, v43  }
0x19a: {  	v17 =	vsub.f32 v17, v26;
	v27 =	vmul.f32 v27, v16;
	v13 =	vmul.f32 v13, v16  }
0x19b: {  	v16 =	vsub.f32 v18, v9;
	v12 =	vmul.f32 v12, v15;
	v15 =	vmul.f32 v31, v15  }
0x19c: {  	v18 =	vor.u32 s9, v3;
	v27 =	vadd.f32 v27, v28;
	v13 =	vadd.f32 v13, v25  }
0x19d: {  	v25 =	vor.u32 s20, v3;
	v12 =	vadd.f32 v12, v24;
	v15 =	vadd.f32 v15, v43  }
0x19e: {  	[tilespmem:v22+s28+$0x0] =	vst.idx.msk $0xffff, v23;
	v17 =	vmul.f32 v17, v21;
	v21 =	vor.u32 s8, v3;
	v13 =	vsub.f32 v13, v27  }
0x19f: {  	[tilespmem:v29+s28+$0x0] =	vst.idx.msk $0xffff, v10;
	v10 =	vmul.f32 v16, v20;
	v16 =	vor.u32 s19, v3;
	v15 =	vsub.f32 v15, v12  }
0x1a0: {  	[tilespmem:v30+s28+$0x0] =	vst.idx.msk $0xffff, v11;
	v11 =	vadd.f32 v17, v26;
	v17 =	vor.u32 s4, v3;
	v13 =	vmul.f32 v13, v19  }
0x1a1: {  	[tilespmem:v18+s28+$0x0] =	vst.idx.msk $0xffff, v8;
	v8 =	vadd.f32 v10, v9;
	v9 =	vmul.f32 v15, v14  }
0x1a2: {  	s9 =	sor.u32 $0x2, s12;
	[tilespmem:v25+s28+$0x0] =	vst.idx.msk $0xffff, v11;
	v10 =	vadd.f32 v13, v27  }
0x1a3: {  	s23 =	sor.u32 s31, s9;
	[tilespmem:v21+s28+$0x0] =	vst.idx.msk $0xffff, v8;
	v8 =	vadd.f32 v9, v12  }
0x1a4: {  	s4 =	sshll.u32 s23, $0x5;
	[tilespmem:v16+s28+$0x0] =	vst.idx.msk $0xffff, v10  }
0x1a5: {  	s18 =	simm.s32 $0x0;
	s17 =	sadd.s32 s0, s4;
	[tilespmem:v17+s28+$0x0] =	vst.idx.msk $0xffff, v8  }
0x1a6: {  	[tilespmem:s18], [sflag:$0x5] =	stream.linear.gather [hbm4b:s17+s18], $0x80, $0x38;
	[tilespmem:$0x18600] =	vst v63  }
0x1a7: {  	_ =	swait.ge [sflag:s13], $0x80  }
0x1a8: {  	[sflag:s13] =	ssyncset.done $0x0  }
0x1a9: {  	s8 =	sadd.s32 s4, s7;
	[sflag:s13] =	ssyncadd.s32 $0xFFFFFF80  }
0x1aa: {  	[tilespmem:s14], [sflag:$0x5] =	stream.linear.gather [hbm4b:s8+s18], $0x80, $0x38;
	[tilespmem:$0x18600] =	vst v63  }
0x1ab: {  	_ =	swait.ge [sflag:s13], $0x80  }
0x1ac: {  	[sflag:s13] =	ssyncset.done $0x0  }
0x1ad: {  	[sflag:s13] =	ssyncadd.s32 $0xFFFFFF80  }
0x1ae: {  	v8 =	vld [tilespmem:$0x0]  }
0x1af: {  	v9 =	vld [tilespmem:$0x80];
	_ =	sdelay $0x1  }
0x1b0: {  	v10 =	vld [tilespmem:$0x10];
	_ =	sdelay $0x1  }
0x1b1: {  	v12 =	vld [tilespmem:$0x90]  }
0x1b2: {  	v11 =	vtrunc.f32 v8;
	v13 =	vtrunc.f32 v9  }
0x1b3: {  	v15 =	vld [tilespmem:$0x20];
	v11 =	vcvt.f32.s32 v11;
	v13 =	vcvt.f32.s32 v13  }
0x1b4: {  	v17 =	vtrunc.f32 v10  }
0x1b5: {  	v18 =	vld [tilespmem:$0xA0];
	v14 =	vcvt.s32.f32 v11;
	v16 =	vcvt.s32.f32 v13;
	v11 =	vshll.u32 v11, $0xA  }
0x1b6: {  	v11 =	vadd.s32 v13, v11;
	v13 =	vcvt.f32.s32 v17;
	v17 =	vtrunc.f32 v12  }
0x1b7: {  	v8 =	vsub.f32 v8, v14;
	[tilespmem:$0x100] =	vst v11;
	v11 =	vadd.s32 $0x400, v11;
	v14 =	vcvt.f32.s32 v17  }
0x1b8: {  	v9 =	vsub.f32 v9, v16;
	v16 =	vld [tilespmem:$0x30];
	v17 =	vtrunc.f32 v15;
	[tilespmem:$0x180] =	vst v11  }
0x1b9: {  	v19 =	vld [tilespmem:$0xB0];
	v11 =	vcvt.s32.f32 v13;
	v13 =	vshll.u32 v13, $0xA;
	[tilespmem:$0x200] =	vst v8;
	v8 =	vcvt.s32.f32 v14  }
0x1ba: {  	[tilespmem:$0x280] =	vst v9;
	v9 =	vadd.s32 v14, v13;
	v13 =	vcvt.f32.s32 v17;
	v14 =	vtrunc.f32 v18  }
0x1bb: {  	v10 =	vsub.f32 v10, v11;
	[tilespmem:$0x110] =	vst v9;
	v9 =	vadd.s32 $0x400, v9;
	v11 =	vcvt.f32.s32 v14  }
0x1bc: {  	v8 =	vsub.f32 v12, v8;
	[tilespmem:$0x190] =	vst v9;
	v9 =	vcvt.s32.f32 v13;
	v12 =	vld [tilespmem:$0x40]  }
0x1bd: {  	v17 =	vld [tilespmem:$0xC0];
	v13 =	vshll.u32 v13, $0xA;
	[tilespmem:$0x210] =	vst v10;
	v10 =	vcvt.s32.f32 v11;
	v14 =	vtrunc.f32 v16  }
0x1be: {  	[tilespmem:$0x290] =	vst v8;
	v8 =	vadd.s32 v11, v13;
	v11 =	vcvt.f32.s32 v14;
	v13 =	vtrunc.f32 v19  }
0x1bf: {  	v9 =	vsub.f32 v15, v9;
	v14 =	vld [tilespmem:$0x50];
	[tilespmem:$0x120] =	vst v8;
	v8 =	vadd.s32 $0x400, v8;
	v13 =	vcvt.f32.s32 v13  }
0x1c0: {  	v10 =	vsub.f32 v18, v10;
	[tilespmem:$0x1A0] =	vst v8;
	v8 =	vcvt.s32.f32 v11  }
0x1c1: {  	v18 =	vld [tilespmem:$0xD0];
	[tilespmem:$0x220] =	vst v9;
	v11 =	vshll.u32 v11, $0xA;
	v9 =	vcvt.s32.f32 v13;
	v15 =	vtrunc.f32 v12  }
0x1c2: {  	[tilespmem:$0x2A0] =	vst v10;
	v10 =	vadd.s32 v13, v11;
	v13 =	vtrunc.f32 v17;
	v11 =	vcvt.f32.s32 v15  }
0x1c3: {  	v8 =	vsub.f32 v16, v8;
	[tilespmem:$0x130] =	vst v10;
	v10 =	vadd.s32 $0x400, v10;
	v13 =	vcvt.f32.s32 v13;
	v15 =	vld [tilespmem:$0x60]  }
0x1c4: {  	v9 =	vsub.f32 v19, v9;
	[tilespmem:$0x1B0] =	vst v10;
	v16 =	vtrunc.f32 v14  }
0x1c5: {  	v10 =	vcvt.s32.f32 v11;
	[tilespmem:$0x230] =	vst v8;
	v8 =	vcvt.s32.f32 v13;
	v11 =	vshll.u32 v11, $0xA  }
0x1c6: {  	[tilespmem:$0x2B0] =	vst v9;
	v9 =	vadd.s32 v13, v11;
	v11 =	vcvt.f32.s32 v16;
	v13 =	vtrunc.f32 v18;
	v16 =	vld [tilespmem:$0xE0]  }
0x1c7: {  	v10 =	vsub.f32 v12, v10;
	[tilespmem:$0x140] =	vst v9;
	v9 =	vadd.s32 $0x400, v9;
	v12 =	vcvt.f32.s32 v13  }
0x1c8: {  	v8 =	vsub.f32 v17, v8;
	[tilespmem:$0x1C0] =	vst v9;
	v9 =	vcvt.s32.f32 v11;
	v13 =	vtrunc.f32 v15  }
0x1c9: {  	[tilespmem:$0x240] =	vst v10;
	v10 =	vshll.u32 v11, $0xA;
	v11 =	vcvt.f32.s32 v13;
	v13 =	vld [tilespmem:$0x70]  }
0x1ca: {  	[tilespmem:$0x2C0] =	vst v8;
	v8 =	vsub.f32 v14, v9;
	v9 =	vcvt.s32.f32 v12;
	v10 =	vadd.s32 v12, v10;
	v12 =	vld [tilespmem:$0xF0]  }
0x1cb: {  	[tilespmem:$0x150] =	vst v10;
	v10 =	vadd.s32 $0x400, v10;
	v14 =	vtrunc.f32 v16;
	v17 =	vcvt.s32.f32 v11  }
0x1cc: {  	v9 =	vsub.f32 v18, v9;
	[tilespmem:$0x1D0] =	vst v10;
	v10 =	vcvt.f32.s32 v14  }
0x1cd: {  	v11 =	vshll.u32 v11, $0xA;
	[tilespmem:$0x250] =	vst v8;
	v8 =	vsub.f32 v15, v17  }
0x1ce: {  	[tilespmem:$0x2D0] =	vst v9;
	v9 =	vcvt.s32.f32 v10;
	v10 =	vadd.s32 v10, v11;
	v11 =	vtrunc.f32 v13  }
0x1cf: {  	[tilespmem:$0x160] =	vst v10;
	v10 =	vadd.s32 $0x400, v10;
	v11 =	vcvt.f32.s32 v11;
	v14 =	vtrunc.f32 v12  }
0x1d0: {  	v9 =	vsub.f32 v16, v9;
	[tilespmem:$0x1E0] =	vst v10;
	v10 =	vcvt.f32.s32 v14  }
0x1d1: {  	[tilespmem:$0x260] =	vst v8;
	v8 =	vcvt.s32.f32 v11;
	v11 =	vshll.u32 v11, $0xA  }
0x1d2: {  	[tilespmem:$0x2E0] =	vst v9;
	v9 =	vcvt.s32.f32 v10;
	v10 =	vadd.s32 v10, v11  }
0x1d3: {  	v8 =	vsub.f32 v13, v8;
	[tilespmem:$0x170] =	vst v10;
	v10 =	vadd.s32 $0x400, v10  }
0x1d4: {  	v9 =	vsub.f32 v12, v9;
	[tilespmem:$0x1F0] =	vst v10  }
0x1d5: {  	[tilespmem:$0x270] =	vst v8  }
0x1d6: {  	s19 =	simm.s32 $0x100;
	s20 =	simm.s32 $0x300;
	[tilespmem:$0x2F0] =	vst v9  }
0x1d7: {  	[tilespmem:s20], [sflag:$0x1] =	stream.indirect.gather [hbm4b:s5+s14], $0x80, s19, s14, $0xb8;
	[tilespmem:$0x18600] =	vst v63  }
0x1d8: {  	s22 =	simm.s32 $0x4300;
	s21 =	simm.s32 $0x180  }
0x1d9: {  	[tilespmem:s22], [sflag:$0x1] =	stream.indirect.gather [hbm4b:s5+s14], $0x80, s21, s14, $0xb8;
	[tilespmem:$0x18600] =	vst v63  }
0x1da: {  	_ =	swait.ge [sflag:s29], $0x4000  }
0x1db: {  	s23 =	simm.s32 $0x1;
	v9 =	vmov s18;
	[sflag:s29] =	ssyncset.done $0x0  }
0x1dc: {  	v11 =	vmov s23;
	[sflag:s29] =	ssyncadd.s32 $0xFFFFC000  }
0x1dd: {  	_ =	swait.ge [sflag:s29], $0x4000  }
0x1de: {  	[sflag:s29] =	ssyncset.done $0x0  }
0x1df: {  	[sflag:s29] =	ssyncadd.s32 $0xFFFFC000  }
0x1e0: {  	s8 =	simm.s32 $0x3;
	v8 =	vld.idx.msk [tilespmem:v9+s30+$0x0], $0xffff  }
0x1e1: {  	s16 =	simm.s32 $0xC7F0;
	v12 =	vmov s8;
	v10 =	vld.idx.msk [tilespmem:v11+s30+$0x0], $0xffff  }
0x1e2: {  	v13 =	vld [tilespmem:s16+$0xFFFFBF90]  }
0x1e3: {  	v14 =	vld [tilespmem:s16+$0xFFFFBFD0]  }
0x1e4: {  	v15 =	vld [tilespmem:s16+$0xFFFFFF90]  }
0x1e5: {  	v16 =	vld [tilespmem:s16+$0xFFFFFFD0]  }
0x1e6: {  	v20 =	vld.idx.msk [tilespmem:v12+s30+$0x0], $0xffff  }
0x1e7: {  	v17 =	vld [tilespmem:s16+$0xFFFFBE10];
	v12 =	vor.u32 $0x80, v12  }
0x1e8: {  	v19 =	vld [tilespmem:s16+$0xFFFFFE10]  }
0x1e9: {  	v18 =	vld [tilespmem:s16+$0xFFFFBE50]  }
0x1ea: {  	v22 =	vld [tilespmem:s16+$0xFFFFBE90];
	v15 =	vsub.f32 v15, v13;
	v16 =	vsub.f32 v16, v14  }
0x1eb: {  	v24 =	vld [tilespmem:s16+$0xFFFFFE90]  }
0x1ec: {  	s17 =	simm.s32 $0x83;
	v25 =	vld.idx.msk [tilespmem:v12+s30+$0x0], $0xffff;
	v12 =	vmul.f32 v15, v20;
	v15 =	vmul.f32 v16, v20  }
0x1ed: {  	v23 =	vmov s17;
	v21 =	vld [tilespmem:s16+$0xFFFFFE50];
	v19 =	vsub.f32 v19, v17  }
0x1ee: {  	s18 =	simm.s32 $0x2;
	v16 =	vld [tilespmem:s16+$0xFFFFBED0];
	v13 =	vadd.f32 v12, v13;
	v12 =	vadd.f32 v15, v14;
	v14 =	vand.u32 $0x7F, v23  }
0x1ef: {  	v19 =	vmul.f32 v19, v8;
	v15 =	vmov s18;
	v23 =	vld [tilespmem:s16+$0xFFFFFED0];
	v26 =	vbroadcast v14, $0x0  }
0x1f0: {  	v27 =	vor.u32 $0x80, v11;
	v28 =	vld [tilespmem:s16+$0xFFFFBF10];
	v14 =	vor.u32 $0x80, v9;
	v11 =	vsub.f32 v12, v13  }
0x1f1: {  	v31 =	vld [tilespmem:s16+$0xFFFFFF10];
	v17 =	vadd.f32 v19, v17;
	v19 =	vsub.f32 v24, v22;
	v29 =	vor.u32 v4, v26  }
0x1f2: {  	v24 =	vld [tilespmem:s16+$0xFFFFFF50];
	v12 =	vsub.f32 v21, v18;
	v11 =	vmul.f32 v11, v25  }
0x1f3: {  	v30 =	vor.u32 $0x80, v15;
	v9 =	vand.u32 $0x7C, v9;
	v21 =	vld [tilespmem:s16+$0xFFFFBF50];
	v19 =	vmul.f32 v19, v10  }
0x1f4: {  	v45 =	vmul.f32 v12, v8;
	v12 =	vld.idx.msk [tilespmem:v15+s30+$0x0], $0xffff;
	v15 =	vsub.f32 v23, v16;
	v23 =	vadd.f32 v11, v13  }
0x1f5: {  	v9 =	vbroadcast v9, $0x0;
	v11 =	vld.idx.msk [tilespmem:v14+s30+$0x0], $0xffff  }
0x1f6: {  	s19 =	simm.s32 $0x81;
	v19 =	vadd.f32 v19, v22;
	v13 =	vld.idx.msk [tilespmem:v27+s30+$0x0], $0xffff;
	v15 =	vmul.f32 v15, v10;
	[tilespmem:v29+s28+$0x0] =	vst.idx.msk $0xffff, v23  }
0x1f7: {  	v22 =	vsub.f32 v31, v28;
	v14 =	vmov s19;
	v18 =	vadd.f32 v45, v18;
	v23 =	vld [tilespmem:s16+$0xFFFFBFA0]  }
0x1f8: {  	v14 =	vand.u32 $0x7D, v14;
	v24 =	vsub.f32 v24, v21;
	v16 =	vadd.f32 v15, v16;
	v29 =	vld [tilespmem:s16+$0xFFFFBFE0]  }
0x1f9: {  	v46 =	vor.u32 v4, v9;
	v18 =	vsub.f32 v18, v17;
	v15 =	vbroadcast v14, $0x0;
	v31 =	vld [tilespmem:s16+$0xFFFFFFA0]  }
0x1fa: {  	s20 =	simm.s32 $0x82;
	v47 =	vld [tilespmem:s16+$0xFFFFFFE0];
	v22 =	vmul.f32 v22, v12;
	v24 =	vmul.f32 v24, v12;
	v16 =	vsub.f32 v16, v19  }
0x1fb: {  	v27 =	vmov s20;
	v14 =	vld.idx.msk [tilespmem:v30+s30+$0x0], $0xffff;
	v30 =	vor.u32 v4, v15;
	v18 =	vmul.f32 v18, v11  }
0x1fc: {  	v22 =	vadd.f32 v22, v28;
	v21 =	vadd.f32 v24, v21;
	v28 =	vmul.f32 v16, v13  }
0x1fd: {  	v27 =	vand.u32 $0x7E, v27;
	v17 =	vadd.f32 v18, v17  }
0x1fe: {  	v16 =	vbroadcast v27, $0x0;
	v18 =	vadd.f32 v28, v19;
	v19 =	vsub.f32 v21, v22  }
0x1ff: {  	v24 =	vsub.f32 v47, v29;
	[tilespmem:v46+s28+$0x0] =	vst.idx.msk $0xffff, v17;
	v17 =	vsub.f32 v31, v23  }
0x200: {  	v21 =	vor.u32 v4, v16;
	v27 =	vld [tilespmem:s16+$0xFFFFBE20];
	[tilespmem:v30+s28+$0x0] =	vst.idx.msk $0xffff, v18;
	v18 =	vmul.f32 v19, v14  }
0x201: {  	v24 =	vmul.f32 v24, v20;
	v32 =	vld [tilespmem:s16+$0xFFFFBE60];
	v17 =	vmul.f32 v17, v20  }
0x202: {  	v48 =	vld [tilespmem:s16+$0xFFFFFE20];
	v18 =	vadd.f32 v18, v22  }
0x203: {  	v19 =	vld [tilespmem:s16+$0xFFFFBEA0];
	v17 =	vadd.f32 v17, v23;
	v23 =	vadd.f32 v24, v29  }
0x204: {  	v22 =	vld [tilespmem:s16+$0xFFFFFEA0]  }
0x205: {  	v28 =	vld [tilespmem:s16+$0xFFFFBEE0];
	[tilespmem:v21+s28+$0x0] =	vst.idx.msk $0xffff, v18;
	v21 =	vsub.f32 v23, v17  }
0x206: {  	v24 =	vld [tilespmem:s16+$0xFFFFFEE0];
	v29 =	vor.u32 v5, v26  }
0x207: {  	v18 =	vld [tilespmem:s16+$0xFFFFBF20];
	v21 =	vmul.f32 v21, v25  }
0x208: {  	v23 =	vld [tilespmem:s16+$0xFFFFBF60]  }
0x209: {  	v30 =	vld [tilespmem:s16+$0xFFFFFF20];
	v22 =	vsub.f32 v22, v19;
	v17 =	vadd.f32 v21, v17  }
0x20a: {  	v31 =	vld [tilespmem:s16+$0xFFFFFF60]  }
0x20b: {  	v49 =	vld [tilespmem:s16+$0xFFFFFE60];
	v21 =	vsub.f32 v24, v28;
	v22 =	vmul.f32 v22, v10;
	[tilespmem:v29+s28+$0x0] =	vst.idx.msk $0xffff, v17  }
0x20c: {  	v29 =	vld [tilespmem:s16+$0xFFFFBFB0]  }
0x20d: {  	s21 =	simm.s32 $0x5;
	v17 =	vmul.f32 v21, v10;
	v19 =	vadd.f32 v22, v19;
	v22 =	vld [tilespmem:s16+$0xFFFFBFF0]  }
0x20e: {  	s8 =	simm.s32 $0x4;
	v51 =	vmov s21;
	v33 =	vsub.f32 v48, v27;
	v21 =	vsub.f32 v30, v18;
	v50 =	vld [tilespmem:s16+$0xFFFFFFF0]  }
0x20f: {  	s22 =	simm.s32 $0x6;
	v24 =	vmov s8;
	v31 =	vsub.f32 v31, v23;
	v17 =	vadd.f32 v17, v28;
	v28 =	vld [tilespmem:s16+$0xFFFFFFB0]  }
0x210: {  	v52 =	vmov s22;
	v30 =	vor.u32 $0x80, v24;
	v21 =	vmul.f32 v21, v12  }
0x211: {  	v33 =	vmul.f32 v33, v8;
	v31 =	vmul.f32 v31, v12;
	v17 =	vsub.f32 v17, v19  }
0x212: {  	v54 =	vor.u32 v5, v15;
	v34 =	vsub.f32 v49, v32;
	v53 =	vadd.f32 v21, v18  }
0x213: {  	v21 =	vmul.f32 v17, v13;
	v17 =	vadd.f32 v31, v23;
	v23 =	vadd.f32 v33, v27  }
0x214: {  	v27 =	vsub.f32 v28, v29;
	v28 =	vsub.f32 v50, v22  }
0x215: {  	v31 =	vmul.f32 v34, v8;
	v55 =	vsub.f32 v17, v53;
	v17 =	vld.idx.msk [tilespmem:v30+s30+$0x0], $0xffff;
	v30 =	vadd.f32 v21, v19  }
0x216: {  	v56 =	vor.u32 v5, v16;
	v21 =	vld.idx.msk [tilespmem:v51+s30+$0x0], $0xffff;
	v27 =	vmul.f32 v27, v20;
	v28 =	vmul.f32 v28, v20  }
0x217: {  	v31 =	vadd.f32 v31, v32;
	v19 =	vld.idx.msk [tilespmem:v52+s30+$0x0], $0xffff;
	v57 =	vmul.f32 v55, v14;
	[tilespmem:v54+s28+$0x0] =	vst.idx.msk $0xffff, v30  }
0x218: {  	v30 =	vld [tilespmem:s16+$0xFFFFBEB0];
	v27 =	vadd.f32 v27, v29;
	v22 =	vadd.f32 v28, v22  }
0x219: {  	v28 =	vsub.f32 v31, v23;
	v31 =	vld [tilespmem:s16+$0xFFFFBEF0];
	v29 =	vadd.f32 v57, v53  }
0x21a: {  	v58 =	vor.u32 v5, v9;
	v59 =	vld [tilespmem:s16+$0xFFFFFEB0]  }
0x21b: {  	v22 =	vsub.f32 v22, v27;
	v28 =	vmul.f32 v28, v11;
	[tilespmem:v56+s28+$0x0] =	vst.idx.msk $0xffff, v29;
	v29 =	vld [tilespmem:s16+$0xFFFFFEF0]  }
0x21c: {  	v60 =	vor.u32 v6, v26;
	v61 =	vld [tilespmem:s16+$0xFFFFBF30]  }
0x21d: {  	v22 =	vmul.f32 v22, v25;
	v23 =	vadd.f32 v28, v23;
	v28 =	vld [tilespmem:s16+$0xFFFFBF70]  }
0x21e: {  	v62 =	vld [tilespmem:s16+$0xFFFFFF30]  }
0x21f: {  	v22 =	vadd.f32 v22, v27;
	[tilespmem:v58+s28+$0x0] =	vst.idx.msk $0xffff, v23;
	v23 =	vld [tilespmem:s16+$0xFFFFFF70]  }
0x220: {  	v32 =	vld [tilespmem:s16+$0xFFFFBE30]  }
0x221: {  	v37 =	vor.u32 $0x80, v52;
	v52 =	vld [tilespmem:s16+$0xFFFFFE30];
	[tilespmem:v60+s28+$0x0] =	vst.idx.msk $0xffff, v22  }
0x222: {  	v22 =	vsub.f32 v59, v30;
	v27 =	vsub.f32 v29, v31;
	v29 =	vld [tilespmem:s16+$0xFFFFBFC0]  }
0x223: {  	v63 =	vld [tilespmem:s16+$0xFFFFC000]  }
0x224: {  	v49 =	vld [tilespmem:s16+$0xFFFFFFC0];
	v38 =	vsub.f32 v62, v61;
	v22 =	vmul.f32 v22, v10;
	v27 =	vmul.f32 v27, v10  }
0x225: {  	v48 =	vor.u32 $0x80, v51;
	v50 =	vld [tilespmem:s16+$0x0];
	v23 =	vsub.f32 v23, v28  }
0x226: {  	v54 =	vld [tilespmem:s16+$0xFFFFFE70];
	v51 =	vadd.f32 v22, v30;
	v22 =	vadd.f32 v27, v31;
	v27 =	vmul.f32 v38, v12  }
0x227: {  	s4 =	simm.s32 $0xC9F0;
	s23 =	simm.s32 $0x7;
	v31 =	vld [tilespmem:s16+$0xFFFFBE70];
	v30 =	vmul.f32 v23, v12  }
0x228: {  	v36 =	vld [tilespmem:s4+$0xFFFFFF90];
	v55 =	vmov s23;
	v35 =	vadd.f32 v27, v61  }
0x229: {  	v18 =	vld.idx.msk [tilespmem:v24+s30+$0x0], $0xffff;
	v58 =	vor.u32 v6, v15;
	v56 =	vsub.f32 v49, v29;
	v27 =	vadd.f32 v30, v28  }
0x22a: {  	v60 =	vor.u32 v6, v16;
	v23 =	vld.idx.msk [tilespmem:v48+s30+$0x0], $0xffff;
	v53 =	vsub.f32 v22, v51;
	v57 =	vsub.f32 v50, v63  }
0x22b: {  	v22 =	vld.idx.msk [tilespmem:v37+s30+$0x0], $0xffff;
	v61 =	vsub.f32 v52, v32;
	v59 =	vsub.f32 v27, v35;
	v27 =	vmul.f32 v56, v20  }
0x22c: {  	v37 =	vld [tilespmem:s4+$0xFFFFFFD0];
	v41 =	vmul.f32 v53, v13;
	v20 =	vmul.f32 v57, v20;
	v62 =	vsub.f32 v54, v31  }
0x22d: {  	v28 =	vld [tilespmem:s4+$0xFFFFBF90];
	v34 =	vmul.f32 v61, v8;
	v27 =	vadd.f32 v27, v29;
	v29 =	vmul.f32 v59, v14  }
0x22e: {  	v30 =	vld [tilespmem:s4+$0xFFFFBFD0];
	v40 =	vadd.f32 v41, v51;
	v33 =	vadd.f32 v20, v63;
	v38 =	vmul.f32 v62, v8  }
0x22f: {  	v32 =	vadd.f32 v34, v32;
	v34 =	vld [tilespmem:s4+$0xFFFFBE50];
	v29 =	vadd.f32 v29, v35  }
0x230: {  	v20 =	vld.idx.msk [tilespmem:v55+s30+$0x0], $0xffff;
	v63 =	vsub.f32 v33, v27;
	v33 =	vadd.f32 v38, v31;
	v38 =	vor.u32 $0x80, v55  }
0x231: {  	v26 =	vor.u32 v7, v26;
	[tilespmem:v58+s28+$0x0] =	vst.idx.msk $0xffff, v40;
	v35 =	vld [tilespmem:s4+$0xFFFFBE10]  }
0x232: {  	s17 =	simm.s32 $0x8;
	v31 =	vld [tilespmem:s4+$0xFFFFFE10];
	[tilespmem:v60+s28+$0x0] =	vst.idx.msk $0xffff, v29;
	v29 =	vmul.f32 v63, v25  }
.LBB2_5:
0x233: {  	p1 =	slt.u32 s17, $0x7C;
	v39 =	vld [tilespmem:s4+$0xFFFFFE50];
	v36 =	vsub.f32 v36, v28;
	v37 =	vsub.f32 v37, v30  }
0x234: {  	v33 =	vsub.f32 v33, v32;
	v40 =	vld [tilespmem:s4+$0xFFFFBE90];
	v27 =	vadd.f32 v29, v27  }
0x235: {  	s18 =	sadd.s32 $0x83, s8;
	v25 =	vld.idx.msk [tilespmem:v38+s30+$0x0], $0xffff;
	v29 =	vmul.f32 v36, v20;
	v36 =	vmul.f32 v37, v20  }
0x236: {  	v41 =	vor.u32 v6, v9;
	v38 =	vmov s18;
	v33 =	vmul.f32 v33, v11;
	v37 =	vld [tilespmem:s4+$0xFFFFBED0];
	[tilespmem:v26+s28+$0x0] =	vst.idx.msk $0xffff, v27  }
0x237: {  	v26 =	vand.u32 $0x7F, v38;
	v27 =	vld [tilespmem:s4+$0xFFFFFE90];
	v28 =	vadd.f32 v29, v28;
	v29 =	vadd.f32 v36, v30  }
0x238: {  	v30 =	vsub.f32 v31, v35;
	v26 =	vbroadcast v26, $0x0;
	v31 =	vsub.f32 v39, v34;
	v36 =	vld [tilespmem:s4+$0xFFFFFED0]  }
0x239: {  	v32 =	vadd.f32 v33, v32;
	v38 =	vld [tilespmem:s4+$0xFFFFBF10];
	v29 =	vsub.f32 v29, v28  }
0x23a: {  	v30 =	vmul.f32 v30, v18;
	v39 =	vor.u32 v4, v26;
	v31 =	vmul.f32 v31, v18;
	v33 =	vld [tilespmem:s4+$0xFFFFBF50]  }
0x23b: {  	v42 =	vld [tilespmem:s4+$0xFFFFFF10];
	v29 =	vmul.f32 v29, v25;
	[tilespmem:v41+s28+$0x0] =	vst.idx.msk $0xffff, v32  }
0x23c: {  	v24 =	vand.u32 $0x7C, v24;
	s18 =	sadd.s32 $0x81, s8;
	v30 =	vadd.f32 v30, v35;
	v27 =	vsub.f32 v27, v40;
	v32 =	vld [tilespmem:s4+$0xFFFFFF50]  }
0x23d: {  	v35 =	vmov s18;
	s18 =	sadd.s32 $0x82, s8;
	s8 =	smov.u32 s17;
	v36 =	vsub.f32 v36, v37;
	v28 =	vadd.f32 v29, v28;
	v29 =	vld [tilespmem:s16+$0xFFFFBEC0]  }
0x23e: {  	v31 =	vadd.f32 v31, v34;
	v41 =	vmov s18;
	v34 =	vmul.f32 v27, v21;
	v43 =	vld [tilespmem:s16+$0xFFFFBF00]  }
0x23f: {  	v35 =	vand.u32 $0x7D, v35;
	v27 =	vbroadcast v24, $0x0;
	v24 =	vmul.f32 v36, v21;
	[tilespmem:v39+s28+$0x0] =	vst.idx.msk $0xffff, v28;
	v28 =	vld [tilespmem:s16+$0xFFFFFEC0]  }
0x240: {  	v39 =	vand.u32 $0x7E, v41;
	v34 =	vadd.f32 v34, v40;
	v36 =	vsub.f32 v42, v38;
	v40 =	vld [tilespmem:s4+$0xFFFFBFA0]  }
0x241: {  	v35 =	vbroadcast v35, $0x0;
	v24 =	vadd.f32 v24, v37;
	v32 =	vsub.f32 v32, v33;
	v37 =	vld [tilespmem:s4+$0xFFFFBFE0]  }
0x242: {  	v31 =	vsub.f32 v31, v30;
	v41 =	vor.u32 v4, v27;
	v36 =	vmul.f32 v36, v19;
	v42 =	vld [tilespmem:s4+$0xFFFFFFA0]  }
0x243: {  	v44 =	vor.u32 v4, v35;
	v24 =	vsub.f32 v24, v34;
	v32 =	vmul.f32 v32, v19;
	v45 =	vld [tilespmem:s4+$0xFFFFFFE0]  }
0x244: {  	v31 =	vmul.f32 v31, v17;
	v36 =	vadd.f32 v36, v38;
	v38 =	vld [tilespmem:s16+$0xFFFFFF00];
	v28 =	vsub.f32 v28, v29  }
0x245: {  	v24 =	vmul.f32 v24, v23;
	v32 =	vadd.f32 v32, v33;
	v33 =	vbroadcast v39, $0x0;
	v39 =	vld [tilespmem:s16+$0xFFFFBF40]  }
0x246: {  	v30 =	vadd.f32 v31, v30;
	v28 =	vmul.f32 v28, v10;
	v31 =	vld [tilespmem:s16+$0xFFFFBF80]  }
0x247: {  	v24 =	vadd.f32 v24, v34;
	v32 =	vsub.f32 v32, v36;
	v34 =	vor.u32 v4, v33;
	v46 =	vld [tilespmem:s16+$0xFFFFFF40]  }
0x248: {  	[tilespmem:v41+s28+$0x0] =	vst.idx.msk $0xffff, v30;
	v30 =	vsub.f32 v42, v40;
	v41 =	vsub.f32 v45, v37;
	v42 =	vld [tilespmem:s16+$0xFFFFFF80]  }
0x249: {  	v45 =	vld [tilespmem:s4+$0xFFFFBE20];
	[tilespmem:v44+s28+$0x0] =	vst.idx.msk $0xffff, v24;
	v24 =	vmul.f32 v32, v22;
	v32 =	vsub.f32 v38, v43  }
0x24a: {  	v28 =	vadd.f32 v28, v29;
	v38 =	vld [tilespmem:s4+$0xFFFFBEA0];
	v30 =	vmul.f32 v30, v20;
	v41 =	vmul.f32 v41, v20  }
0x24b: {  	v29 =	vld [tilespmem:s4+$0xFFFFBEE0];
	v24 =	vadd.f32 v24, v36;
	v32 =	vmul.f32 v32, v10;
	v10 =	vmov v21  }
0x24c: {  	v21 =	vld [tilespmem:s4+$0xFFFFFEA0];
	v30 =	vadd.f32 v30, v40;
	v36 =	vadd.f32 v41, v37  }
0x24d: {  	v37 =	vld [tilespmem:s4+$0xFFFFFEE0];
	[tilespmem:v34+s28+$0x0] =	vst.idx.msk $0xffff, v24;
	v24 =	vsub.f32 v46, v39;
	v34 =	vsub.f32 v42, v31  }
0x24e: {  	v32 =	vadd.f32 v32, v43;
	v40 =	vld [tilespmem:s4+$0xFFFFBF20];
	v36 =	vsub.f32 v36, v30  }
0x24f: {  	v42 =	vor.u32 v5, v26;
	v41 =	vld [tilespmem:s4+$0xFFFFBF60];
	v24 =	vmul.f32 v24, v12;
	v34 =	vmul.f32 v34, v12;
	v12 =	vmovc v19  }
0x250: {  	v32 =	vsub.f32 v32, v28;
	v19 =	vld [tilespmem:s4+$0xFFFFFF20];
	v36 =	vmul.f32 v36, v25  }
0x251: {  	v44 =	vor.u32 v7, v15;
	v15 =	vmovc v35;
	v21 =	vsub.f32 v21, v38;
	v43 =	vld [tilespmem:s4+$0xFFFFFF60];
	v39 =	vadd.f32 v24, v39  }
0x252: {  	v32 =	vmul.f32 v32, v13;
	v13 =	vmovc v23;
	v35 =	vld [tilespmem:s4+$0xFFFFBE60];
	v37 =	vsub.f32 v37, v29;
	v30 =	vadd.f32 v36, v30  }
0x253: {  	v24 =	vmov s17;
	v31 =	vadd.f32 v34, v31;
	v23 =	vld [tilespmem:s4+$0xFFFFFE20];
	v21 =	vmul.f32 v21, v10  }
0x254: {  	s18 =	sadd.s32 $0x1, s17;
	v34 =	vor.u32 $0x80, v24;
	v28 =	vadd.f32 v32, v28;
	v36 =	vld [tilespmem:s4+$0xFFFFFE60];
	v37 =	vmul.f32 v37, v10;
	[tilespmem:v42+s28+$0x0] =	vst.idx.msk $0xffff, v30  }
0x255: {  	v30 =	vmov s18;
	s18 =	sadd.s32 $0x2, s17;
	v21 =	vadd.f32 v21, v38;
	v19 =	vsub.f32 v19, v40;
	v32 =	vld [tilespmem:s4+$0xFFFFBFB0]  }
0x256: {  	v38 =	vmov s18;
	v29 =	vadd.f32 v37, v29;
	v37 =	vsub.f32 v43, v41;
	v42 =	vld [tilespmem:s4+$0xFFFFBFF0];
	[tilespmem:v44+s28+$0x0] =	vst.idx.msk $0xffff, v28  }
0x257: {  	v31 =	vsub.f32 v31, v39;
	v43 =	vor.u32 v7, v16;
	v16 =	vmovc v33;
	v19 =	vmul.f32 v19, v12;
	v28 =	vld [tilespmem:s4+$0xFFFFFFB0]  }
0x258: {  	v23 =	vsub.f32 v23, v45;
	v29 =	vsub.f32 v29, v21;
	v33 =	vmul.f32 v37, v12;
	v37 =	vld [tilespmem:s4+$0xFFFFFFF0]  }
0x259: {  	v36 =	vsub.f32 v36, v35;
	v40 =	vadd.f32 v19, v40;
	v44 =	vld [tilespmem:s16+$0xFFFFBE40];
	v19 =	vmul.f32 v31, v14;
	v14 =	vmovc v22  }
0x25a: {  	v22 =	vmul.f32 v23, v18;
	v23 =	vmul.f32 v29, v13;
	v29 =	vadd.f32 v33, v41;
	v31 =	vld [tilespmem:s16+$0xFFFFBE80]  }
0x25b: {  	v33 =	vmul.f32 v36, v18;
	v36 =	vor.u32 v5, v15;
	v41 =	vld [tilespmem:s16+$0xFFFFFE40];
	v19 =	vadd.f32 v19, v39  }
0x25c: {  	v39 =	vor.u32 v5, v16;
	v22 =	vadd.f32 v22, v45;
	v29 =	vsub.f32 v29, v40;
	v45 =	vld [tilespmem:s16+$0xFFFFFE80];
	s16 =	smov.u32 s4  }
0x25d: {  	v28 =	vsub.f32 v28, v32;
	v46 =	vld.idx.msk [tilespmem:v24+s30+$0x0], $0xffff;
	v37 =	vsub.f32 v37, v42;
	[tilespmem:v43+s28+$0x0] =	vst.idx.msk $0xffff, v19  }
0x25e: {  	v23 =	vadd.f32 v23, v21;
	v33 =	vadd.f32 v33, v35;
	v34 =	vld.idx.msk [tilespmem:v34+s30+$0x0], $0xffff;
	v29 =	vmul.f32 v29, v14  }
0x25f: {  	v28 =	vmul.f32 v28, v20;
	v21 =	vld.idx.msk [tilespmem:v30+s30+$0x0], $0xffff;
	v35 =	vmul.f32 v37, v20  }
0x260: {  	v33 =	vsub.f32 v33, v22;
	v19 =	vld.idx.msk [tilespmem:v38+s30+$0x0], $0xffff;
	[tilespmem:v36+s28+$0x0] =	vst.idx.msk $0xffff, v23;
	v23 =	vadd.f32 v29, v40  }
0x261: {  	v29 =	vor.u32 v5, v27;
	v28 =	vadd.f32 v28, v32;
	v36 =	vld [tilespmem:s4+$0xFFFFBEB0];
	v32 =	vadd.f32 v35, v42  }
0x262: {  	v33 =	vmul.f32 v33, v17;
	v35 =	vld [tilespmem:s4+$0xFFFFBEF0];
	[tilespmem:v39+s28+$0x0] =	vst.idx.msk $0xffff, v23;
	v23 =	vsub.f32 v41, v44  }
0x263: {  	v39 =	vsub.f32 v45, v31;
	v37 =	vld [tilespmem:s4+$0xFFFFFEB0];
	v32 =	vsub.f32 v32, v28  }
0x264: {  	v40 =	vor.u32 v6, v26;
	v22 =	vadd.f32 v33, v22;
	v33 =	vld [tilespmem:s4+$0xFFFFFEF0];
	v23 =	vmul.f32 v23, v8  }
0x265: {  	v39 =	vmul.f32 v39, v8;
	v8 =	vmovc v18;
	v18 =	vmov v46;
	v41 =	vld [tilespmem:s4+$0xFFFFBF30];
	v32 =	vmul.f32 v32, v25  }
0x266: {  	[tilespmem:v29+s28+$0x0] =	vst.idx.msk $0xffff, v22;
	v22 =	vld [tilespmem:s4+$0xFFFFBF70];
	v23 =	vadd.f32 v23, v44  }
0x267: {  	v31 =	vadd.f32 v39, v31;
	v29 =	vld [tilespmem:s4+$0xFFFFFF30];
	v28 =	vadd.f32 v32, v28  }
0x268: {  	v32 =	vsub.f32 v37, v36;
	v37 =	vld [tilespmem:s4+$0xFFFFFF70]  }
0x269: {  	v39 =	vld [tilespmem:s4+$0xFFFFBE30];
	v33 =	vsub.f32 v33, v35;
	[tilespmem:v40+s28+$0x0] =	vst.idx.msk $0xffff, v28;
	v28 =	vsub.f32 v31, v23  }
0x26a: {  	v31 =	vmul.f32 v32, v10;
	v32 =	vld [tilespmem:s4+$0xFFFFBFC0]  }
0x26b: {  	v42 =	vor.u32 v7, v9;
	v9 =	vmovc v27;
	v33 =	vmul.f32 v33, v10;
	v40 =	vld [tilespmem:s4+$0xFFFFC000];
	v28 =	vmul.f32 v28, v11  }
0x26c: {  	v27 =	vor.u32 $0x80, v30;
	v11 =	vmovc v17;
	v17 =	vmovc v34;
	v30 =	vadd.f32 v31, v36;
	v29 =	vsub.f32 v29, v41;
	v31 =	vld [tilespmem:s4+$0xFFFFFFC0]  }
0x26d: {  	v34 =	vor.u32 $0x80, v38;
	v33 =	vadd.f32 v33, v35;
	v35 =	vsub.f32 v37, v22;
	v36 =	vld [tilespmem:s4+$0x0]  }
0x26e: {  	v23 =	vadd.f32 v28, v23;
	v43 =	vld [tilespmem:s4+$0xFFFFBE70];
	v29 =	vmul.f32 v29, v12  }
0x26f: {  	v37 =	vld [tilespmem:s4+$0xFFFFFE30];
	v28 =	vsub.f32 v33, v30;
	v33 =	vmul.f32 v35, v12  }
0x270: {  	v38 =	vor.u32 v6, v15;
	v35 =	vld [tilespmem:s4+$0xFFFFFE70];
	v29 =	vadd.f32 v29, v41;
	[tilespmem:v42+s28+$0x0] =	vst.idx.msk $0xffff, v23  }
0x271: {  	s18 =	sadd.s32 $0x3, s17;
	v23 =	vld.idx.msk [tilespmem:v27+s30+$0x0], $0xffff;
	v27 =	vmul.f32 v28, v13;
	v33 =	vadd.f32 v33, v22  }
0x272: {  	s4 =	sadd.s32 $0x200, s4;
	v31 =	vsub.f32 v31, v32;
	v22 =	vld.idx.msk [tilespmem:v34+s30+$0x0], $0xffff;
	v34 =	vmov s18;
	v36 =	vsub.f32 v36, v40  }
0x273: {  	v41 =	vor.u32 v6, v16;
	v28 =	vld [tilespmem:s4+$0xFFFFBF90];
	v27 =	vadd.f32 v27, v30;
	v33 =	vsub.f32 v33, v29  }
0x274: {  	v31 =	vmul.f32 v31, v20;
	v30 =	vld [tilespmem:s4+$0xFFFFBFD0];
	v42 =	vsub.f32 v37, v39;
	v20 =	vmul.f32 v36, v20  }
0x275: {  	v36 =	vld [tilespmem:s4+$0xFFFFFF90];
	v35 =	vsub.f32 v35, v43;
	[tilespmem:v38+s28+$0x0] =	vst.idx.msk $0xffff, v27;
	v33 =	vmul.f32 v33, v14  }
.Ltmp1:
0x276: {  	v27 =	vadd.f32 v31, v32;
	v37 =	vld [tilespmem:s4+$0xFFFFFFD0];
	v42 =	vmul.f32 v42, v8;
	v31 =	vadd.f32 v20, v40;
	(pc) =	sbr.rel @p1 .LBB2_5-.Ltmp1, $4  }
0x277: {  	v20 =	vld.idx.msk [tilespmem:v34+s30+$0x0], $0xffff;
	v40 =	vmul.f32 v35, v8;
	v29 =	vadd.f32 v33, v29  }
0x278: {  	v38 =	vor.u32 $0x80, v34;
	v35 =	vld [tilespmem:s4+$0xFFFFBE10];
	v32 =	vadd.f32 v42, v39;
	v39 =	vsub.f32 v31, v27  }
0x279: {  	v26 =	vor.u32 v7, v26;
	v34 =	vld [tilespmem:s4+$0xFFFFBE50];
	v33 =	vadd.f32 v40, v43;
	[tilespmem:v41+s28+$0x0] =	vst.idx.msk $0xffff, v29  }
0x27a: {  	s17 =	sadd.s32 $0x4, s17;
	v31 =	vld [tilespmem:s4+$0xFFFFFE10];
	v29 =	vmul.f32 v39, v25  }
0x27b: {  	_ =	sdelay $0x2  }
0x27c: {  	v39 =	vld [tilespmem:s4+$0xFFFFBE90]  }
0x27d: {  	v25 =	vld.idx.msk [tilespmem:v38+s30+$0x0], $0xffff  }
0x27e: {  	v57 =	vld [tilespmem:s4+$0xFFFFBED0]  }
0x27f: {  	v40 =	vld [tilespmem:s4+$0xFFFFFE90]  }
0x280: {  	v41 =	vld [tilespmem:s4+$0xFFFFFED0]  }
0x281: {  	v36 =	vsub.f32 v36, v28;
	v37 =	vsub.f32 v37, v30;
	v42 =	vld [tilespmem:s4+$0xFFFFBF10]  }
0x282: {  	v43 =	vld [tilespmem:s4+$0xFFFFBF50]  }
0x283: {  	v58 =	vld [tilespmem:s4+$0xFFFFFF10];
	v36 =	vmul.f32 v36, v20;
	v37 =	vmul.f32 v37, v20  }
0x284: {  	s17 =	sadd.s32 $0x83, s8;
	v59 =	vld [tilespmem:s4+$0xFFFFFF50]  }
0x285: {  	v44 =	vmov s17;
	v36 =	vadd.f32 v36, v28;
	v30 =	vadd.f32 v37, v30  }
0x286: {  	s22 =	sadd.s32 $0x81, s8;
	v28 =	vand.u32 $0x7F, v44;
	v40 =	vsub.f32 v40, v39;
	v41 =	vsub.f32 v41, v57  }
0x287: {  	v46 =	vmov s22;
	v28 =	vbroadcast v28, $0x0;
	v30 =	vsub.f32 v30, v36  }
0x288: {  	v37 =	vsub.f32 v58, v42;
	v40 =	vmul.f32 v40, v21;
	v41 =	vmul.f32 v41, v21  }
0x289: {  	v61 =	vsub.f32 v59, v43;
	v45 =	vor.u32 v4, v28;
	v30 =	vmul.f32 v30, v25  }
0x28a: {  	v60 =	vld [tilespmem:s4+$0xFFFFFE50];
	v46 =	vand.u32 $0x7D, v46;
	v39 =	vadd.f32 v40, v39;
	v38 =	vadd.f32 v41, v57  }
0x28b: {  	v37 =	vmul.f32 v37, v19;
	v36 =	vadd.f32 v30, v36;
	v30 =	vbroadcast v46, $0x0  }
0x28c: {  	s23 =	sadd.s32 $0x82, s8;
	v41 =	vmul.f32 v61, v19;
	v38 =	vsub.f32 v38, v39  }
0x28d: {  	v62 =	vmov s23;
	v37 =	vadd.f32 v37, v42;
	v48 =	vor.u32 v4, v30  }
0x28e: {  	v63 =	vand.u32 $0x7E, v62;
	v41 =	vadd.f32 v41, v43;
	[tilespmem:v45+s28+$0x0] =	vst.idx.msk $0xffff, v36;
	v38 =	vmul.f32 v38, v23  }
0x28f: {  	v49 =	vsub.f32 v31, v35;
	v31 =	vbroadcast v63, $0x0;
	v40 =	vsub.f32 v60, v34;
	v45 =	vld [tilespmem:s4+$0xFFFFBFA0]  }
0x290: {  	v50 =	vld [tilespmem:s4+$0xFFFFBFE0];
	v55 =	vsub.f32 v41, v37;
	v38 =	vadd.f32 v38, v39  }
0x291: {  	v56 =	vmul.f32 v49, v18;
	v58 =	vor.u32 v4, v31;
	v54 =	vld [tilespmem:s4+$0xFFFFFFA0]  }
0x292: {  	v40 =	vmul.f32 v40, v18;
	v57 =	vld [tilespmem:s4+$0xFFFFFFE0];
	v59 =	vmul.f32 v55, v22;
	[tilespmem:v48+s28+$0x0] =	vst.idx.msk $0xffff, v38  }
0x293: {  	v60 =	vadd.f32 v56, v35;
	v62 =	vld [tilespmem:s4+$0xFFFFBEA0]  }
0x294: {  	v24 =	vand.u32 $0x7C, v24;
	v61 =	vadd.f32 v40, v34;
	v37 =	vadd.f32 v59, v37;
	v63 =	vld [tilespmem:s4+$0xFFFFBEE0]  }
0x295: {  	v24 =	vbroadcast v24, $0x0;
	v51 =	vld [tilespmem:s4+$0xFFFFFEA0]  }
0x296: {  	v34 =	vsub.f32 v61, v60;
	v44 =	vld [tilespmem:s4+$0xFFFFFEE0];
	[tilespmem:v58+s28+$0x0] =	vst.idx.msk $0xffff, v37  }
0x297: {  	v52 =	vor.u32 v4, v24;
	v36 =	vsub.f32 v54, v45;
	v42 =	vsub.f32 v57, v50;
	v37 =	vld [tilespmem:s4+$0xFFFFBF20]  }
0x298: {  	v34 =	vmul.f32 v34, v17;
	v46 =	vld [tilespmem:s4+$0xFFFFBF60]  }
0x299: {  	v36 =	vmul.f32 v36, v20;
	v42 =	vmul.f32 v42, v20;
	v54 =	vld [tilespmem:s4+$0xFFFFFF20]  }
0x29a: {  	v34 =	vadd.f32 v34, v60;
	v55 =	vld [tilespmem:s4+$0xFFFFFF60]  }
0x29b: {  	v47 =	vld [tilespmem:s16+$0xFFFFBEC0];
	v53 =	vadd.f32 v36, v45;
	v42 =	vadd.f32 v42, v50  }
0x29c: {  	v43 =	vld [tilespmem:s16+$0xFFFFFEC0];
	[tilespmem:v52+s28+$0x0] =	vst.idx.msk $0xffff, v34;
	v38 =	vsub.f32 v51, v62;
	v56 =	vsub.f32 v44, v63  }
0x29d: {  	v41 =	vld [tilespmem:s4+$0xFFFFBE20]  }
0x29e: {  	v48 =	vld [tilespmem:s4+$0xFFFFBE60];
	v42 =	vsub.f32 v42, v53;
	v38 =	vmul.f32 v38, v21;
	v34 =	vmul.f32 v56, v21  }
0x29f: {  	v57 =	vor.u32 v5, v28;
	v49 =	vld [tilespmem:s4+$0xFFFFFE20];
	v36 =	vsub.f32 v54, v37;
	v59 =	vsub.f32 v55, v46  }
0x2a0: {  	v58 =	vld [tilespmem:s4+$0xFFFFFE60];
	v42 =	vmul.f32 v42, v25;
	v38 =	vadd.f32 v38, v62;
	v34 =	vadd.f32 v34, v63  }
0x2a1: {  	v45 =	vld [tilespmem:s16+$0xFFFFBF00];
	v36 =	vmul.f32 v36, v19  }
0x2a2: {  	v50 =	vld [tilespmem:s16+$0xFFFFBF40];
	v40 =	vmul.f32 v59, v19;
	v35 =	vadd.f32 v42, v53;
	v34 =	vsub.f32 v34, v38  }
0x2a3: {  	v60 =	vor.u32 v5, v30;
	v44 =	vld [tilespmem:s16+$0xFFFFBF80];
	v36 =	vadd.f32 v36, v37  }
0x2a4: {  	v42 =	vld [tilespmem:s16+$0xFFFFFF00];
	v61 =	vadd.f32 v40, v46;
	[tilespmem:v57+s28+$0x0] =	vst.idx.msk $0xffff, v35;
	v34 =	vmul.f32 v34, v23  }
0x2a5: {  	v62 =	vsub.f32 v49, v41;
	v39 =	vsub.f32 v58, v48;
	v40 =	vld [tilespmem:s4+$0xFFFFBFB0]  }
0x2a6: {  	v49 =	vld [tilespmem:s4+$0xFFFFBFF0];
	v37 =	vsub.f32 v61, v36;
	v34 =	vadd.f32 v34, v38  }
0x2a7: {  	v51 =	vor.u32 v5, v31;
	v46 =	vmul.f32 v62, v18;
	v39 =	vmul.f32 v39, v18;
	v63 =	vld [tilespmem:s4+$0xFFFFFFB0]  }
0x2a8: {  	v52 =	vld [tilespmem:s4+$0xFFFFFFF0];
	v37 =	vmul.f32 v37, v22;
	[tilespmem:v60+s28+$0x0] =	vst.idx.msk $0xffff, v34  }
0x2a9: {  	v56 =	vadd.f32 v46, v41;
	v57 =	vadd.f32 v39, v48;
	v39 =	vld [tilespmem:s4+$0xFFFFBEB0]  }
0x2aa: {  	v33 =	vsub.f32 v33, v32;
	v36 =	vadd.f32 v37, v36;
	v37 =	vld [tilespmem:s4+$0xFFFFBEF0]  }
0x2ab: {  	v61 =	vor.u32 v6, v9;
	v35 =	vsub.f32 v57, v56;
	v58 =	vld [tilespmem:s4+$0xFFFFFEB0]  }
0x2ac: {  	v33 =	vmul.f32 v33, v11;
	v59 =	vor.u32 v5, v24;
	v60 =	vld [tilespmem:s4+$0xFFFFFEF0];
	[tilespmem:v51+s28+$0x0] =	vst.idx.msk $0xffff, v36  }
0x2ad: {  	v35 =	vmul.f32 v35, v17;
	v38 =	vsub.f32 v63, v40;
	v62 =	vsub.f32 v52, v49;
	v52 =	vld [tilespmem:s4+$0xFFFFBF30]  }
0x2ae: {  	v63 =	vadd.f32 v33, v32;
	v53 =	vld [tilespmem:s4+$0xFFFFBF70]  }
0x2af: {  	v34 =	vadd.f32 v35, v56;
	v38 =	vmul.f32 v38, v20;
	v54 =	vmul.f32 v62, v20;
	v55 =	vld [tilespmem:s4+$0xFFFFFF30]  }
0x2b0: {  	v43 =	vsub.f32 v43, v47;
	v42 =	vsub.f32 v42, v45;
	v56 =	vld [tilespmem:s4+$0xFFFFFF70];
	[tilespmem:v61+s28+$0x0] =	vst.idx.msk $0xffff, v63  }
0x2b1: {  	v63 =	vld [tilespmem:s16+$0xFFFFFF80];
	[tilespmem:v59+s28+$0x0] =	vst.idx.msk $0xffff, v34;
	v38 =	vadd.f32 v38, v40;
	v33 =	vadd.f32 v54, v49  }
0x2b2: {  	v32 =	vld [tilespmem:s4+$0xFFFFBE30];
	v57 =	vsub.f32 v58, v39;
	v36 =	vsub.f32 v60, v37  }
0x2b3: {  	v59 =	vor.u32 v6, v28;
	v58 =	vmul.f32 v43, v10;
	v60 =	vld [tilespmem:s4+$0xFFFFFE30];
	v33 =	vsub.f32 v33, v38  }
0x2b4: {  	v62 =	vld [tilespmem:s4+$0xFFFFFE70];
	v34 =	vmul.f32 v57, v21;
	v36 =	vmul.f32 v36, v21;
	v35 =	vsub.f32 v55, v52  }
0x2b5: {  	v43 =	vld [tilespmem:s4+$0xFFFFBE70];
	v61 =	vsub.f32 v56, v53;
	v41 =	vadd.f32 v58, v47;
	v33 =	vmul.f32 v33, v25  }
0x2b6: {  	v49 =	vld [tilespmem:s16+$0xFFFFFF40];
	v34 =	vadd.f32 v34, v39;
	v36 =	vadd.f32 v36, v37  }
0x2b7: {  	v47 =	vld [tilespmem:s16+$0xFFFFBE40];
	v35 =	vmul.f32 v35, v19;
	v56 =	vmul.f32 v61, v19;
	v33 =	vadd.f32 v33, v38  }
0x2b8: {  	v10 =	vmul.f32 v42, v10;
	v57 =	vld [tilespmem:s16+$0xFFFFFE40];
	v48 =	vsub.f32 v60, v32;
	v36 =	vsub.f32 v36, v34  }
0x2b9: {  	v58 =	vor.u32 v6, v30;
	v39 =	vld [tilespmem:s16+$0xFFFFBE80];
	v35 =	vadd.f32 v35, v52;
	v38 =	vadd.f32 v56, v53  }
0x2ba: {  	v40 =	vsub.f32 v62, v43;
	[tilespmem:v59+s28+$0x0] =	vst.idx.msk $0xffff, v33;
	v59 =	vld [tilespmem:s16+$0xFFFFFE80];
	v36 =	vmul.f32 v36, v23  }
0x2bb: {  	v10 =	vadd.f32 v10, v45;
	v42 =	vld [tilespmem:s4+$0xFFFFBFC0];
	v38 =	vsub.f32 v38, v35  }
0x2bc: {  	v60 =	vmul.f32 v48, v18;
	v40 =	vmul.f32 v40, v18;
	v48 =	vld [tilespmem:s4+$0xFFFFC000];
	v34 =	vadd.f32 v36, v34  }
0x2bd: {  	v61 =	vor.u32 v6, v31;
	v62 =	vsub.f32 v63, v44;
	v46 =	vld [tilespmem:s4+$0xFFFFFFC0];
	v38 =	vmul.f32 v38, v22  }
0x2be: {  	v32 =	vadd.f32 v60, v32;
	v63 =	vadd.f32 v40, v43;
	v40 =	vld [tilespmem:s4+$0x0];
	[tilespmem:v58+s28+$0x0] =	vst.idx.msk $0xffff, v34  }
0x2bf: {  	v49 =	vsub.f32 v49, v50;
	v35 =	vadd.f32 v38, v35;
	v38 =	vld [tilespmem:s4+$0xFFFFBEC0]  }
0x2c0: {  	v55 =	vor.u32 v6, v24;
	v37 =	vsub.f32 v63, v32;
	v54 =	vld [tilespmem:s4+$0xFFFFBF00]  }
0x2c1: {  	v10 =	vsub.f32 v10, v41;
	v52 =	vmul.f32 v49, v12;
	v53 =	vsub.f32 v57, v47;
	v56 =	vld [tilespmem:s4+$0xFFFFFEC0]  }
0x2c2: {  	v12 =	vmul.f32 v62, v12;
	v57 =	vmul.f32 v37, v17;
	v58 =	vld [tilespmem:s4+$0xFFFFFF00];
	[tilespmem:v61+s28+$0x0] =	vst.idx.msk $0xffff, v35  }
0x2c3: {  	v15 =	vor.u32 v7, v15;
	v43 =	vadd.f32 v52, v50;
	v33 =	vsub.f32 v59, v39;
	v59 =	vld [tilespmem:s4+$0xFFFFBF40]  }
0x2c4: {  	v10 =	vmul.f32 v10, v13;
	v12 =	vadd.f32 v12, v44;
	v13 =	vadd.f32 v57, v32;
	v60 =	vld [tilespmem:s4+$0xFFFFBF80]  }
0x2c5: {  	v16 =	vor.u32 v7, v16;
	v27 =	vadd.f32 v29, v27;
	v45 =	vmul.f32 v53, v8;
	v62 =	vld [tilespmem:s4+$0xFFFFFF40]  }
0x2c6: {  	v12 =	vsub.f32 v12, v43;
	v8 =	vmul.f32 v33, v8;
	[tilespmem:v55+s28+$0x0] =	vst.idx.msk $0xffff, v13;
	v13 =	vld [tilespmem:s4+$0xFFFFFF80]  }
0x2c7: {  	[tilespmem:v26+s28+$0x0] =	vst.idx.msk $0xffff, v27;
	v63 =	vsub.f32 v46, v42;
	v40 =	vsub.f32 v40, v48;
	v29 =	vld [tilespmem:s4+$0xFFFFBE40]  }
0x2c8: {  	v12 =	vmul.f32 v12, v14;
	v61 =	vadd.f32 v45, v47;
	v8 =	vadd.f32 v8, v39;
	v44 =	vld [tilespmem:s4+$0xFFFFBE80]  }
0x2c9: {  	v10 =	vadd.f32 v10, v41;
	v35 =	vmul.f32 v63, v20;
	v20 =	vmul.f32 v40, v20;
	v14 =	vld [tilespmem:s4+$0xFFFFFE40]  }
0x2ca: {  	v9 =	vor.u32 v7, v9;
	v12 =	vadd.f32 v12, v43;
	v8 =	vsub.f32 v8, v61;
	v46 =	vld [tilespmem:s4+$0xFFFFFE80]  }
0x2cb: {  	[tilespmem:v15+s28+$0x0] =	vst.idx.msk $0xffff, v10;
	v47 =	vadd.f32 v35, v42;
	v20 =	vadd.f32 v20, v48  }
0x2cc: {  	v45 =	vsub.f32 v58, v54;
	v8 =	vmul.f32 v8, v11;
	v11 =	vsub.f32 v56, v38  }
0x2cd: {  	[tilespmem:v16+s28+$0x0] =	vst.idx.msk $0xffff, v12;
	v26 =	vsub.f32 v62, v59;
	v15 =	vsub.f32 v20, v47  }
0x2ce: {  	v11 =	vmul.f32 v11, v21;
	v21 =	vmul.f32 v45, v21;
	v10 =	vsub.f32 v13, v60  }
0x2cf: {  	v16 =	vmul.f32 v26, v19;
	v12 =	vsub.f32 v14, v29;
	v14 =	vsub.f32 v46, v44  }
0x2d0: {  	v11 =	vadd.f32 v11, v38;
	v13 =	vadd.f32 v21, v54;
	v10 =	vmul.f32 v10, v19  }
0x2d1: {  	v16 =	vadd.f32 v16, v59;
	v12 =	vmul.f32 v12, v18;
	v14 =	vmul.f32 v14, v18  }
0x2d2: {  	v20 =	vor.u32 v7, v31;
	v13 =	vsub.f32 v13, v11;
	v10 =	vadd.f32 v10, v60  }
0x2d3: {  	v18 =	vor.u32 v7, v28;
	v12 =	vadd.f32 v12, v29;
	v14 =	vadd.f32 v14, v44  }
0x2d4: {  	v15 =	vmul.f32 v15, v25;
	v19 =	vor.u32 v7, v30;
	v10 =	vsub.f32 v10, v16  }
0x2d5: {  	v8 =	vadd.f32 v8, v61;
	v13 =	vmul.f32 v13, v23;
	v14 =	vsub.f32 v14, v12  }
0x2d6: {  	v15 =	vadd.f32 v15, v47;
	v21 =	vor.u32 v7, v24;
	v10 =	vmul.f32 v10, v22  }
0x2d7: {  	[tilespmem:v9+s28+$0x0] =	vst.idx.msk $0xffff, v8;
	v8 =	vadd.f32 v13, v11;
	v9 =	vmul.f32 v14, v17  }
0x2d8: {  	[tilespmem:v18+s28+$0x0] =	vst.idx.msk $0xffff, v15;
	v10 =	vadd.f32 v10, v16  }
0x2d9: {  	[tilespmem:v19+s28+$0x0] =	vst.idx.msk $0xffff, v8;
	v8 =	vadd.f32 v9, v12  }
0x2da: {  	[tilespmem:v20+s28+$0x0] =	vst.idx.msk $0xffff, v10  }
0x2db: {  	s8 =	sadd.s32 s11, s10;
	s11 =	simm.s32 $0x800;
	s16 =	sor.u32 $0x60, s15;
	[tilespmem:v21+s28+$0x0] =	vst.idx.msk $0xffff, v8  }
0x2dc: {  	[hbm4b:s8+s11] =	stream.strided.scatter [tilespmem:s28], [sflag:$0x3], $0x4000, s1, s11, $0x38;
	[tilespmem:$0x18600] =	vst v63  }
0x2dd: {  	s23 =	simm.s32 $0x8300;
	s17 =	sadd.s32 s0, s16  }
0x2de: {  	[tilespmem:s23], [sflag:$0x5] =	stream.linear.gather [hbm4b:s17+s2], $0x80, $0x38;
	[tilespmem:$0x18600] =	vst v63  }
0x2df: {  	_ =	swait.ge [sflag:s13], $0x80  }
0x2e0: {  	[sflag:s13] =	ssyncset.done $0x0  }
0x2e1: {  	s18 =	simm.s32 $0x8380;
	s4 =	sadd.s32 s16, s7;
	[sflag:s13] =	ssyncadd.s32 $0xFFFFFF80  }
0x2e2: {  	[tilespmem:s18], [sflag:$0x5] =	stream.linear.gather [hbm4b:s4+s2], $0x80, $0x38;
	[tilespmem:$0x18600] =	vst v63  }
0x2e3: {  	_ =	swait.ge [sflag:s13], $0x80  }
0x2e4: {  	[sflag:s13] =	ssyncset.done $0x0  }
0x2e5: {  	[sflag:s13] =	ssyncadd.s32 $0xFFFFFF80  }
0x2e6: {  	v8 =	vld [tilespmem:$0x8300]  }
0x2e7: {  	v9 =	vld [tilespmem:$0x8380];
	_ =	sdelay $0x1  }
0x2e8: {  	v10 =	vld [tilespmem:$0x8310];
	_ =	sdelay $0x1  }
0x2e9: {  	v12 =	vld [tilespmem:$0x8390]  }
0x2ea: {  	v11 =	vtrunc.f32 v8;
	v13 =	vtrunc.f32 v9  }
0x2eb: {  	v15 =	vld [tilespmem:$0x8320];
	v11 =	vcvt.f32.s32 v11;
	v13 =	vcvt.f32.s32 v13  }
0x2ec: {  	v17 =	vtrunc.f32 v10  }
0x2ed: {  	v18 =	vld [tilespmem:$0x83A0];
	v14 =	vcvt.s32.f32 v11;
	v16 =	vcvt.s32.f32 v13;
	v11 =	vshll.u32 v11, $0xA  }
0x2ee: {  	v11 =	vadd.s32 v13, v11;
	v13 =	vcvt.f32.s32 v17;
	v17 =	vtrunc.f32 v12  }
0x2ef: {  	v8 =	vsub.f32 v8, v14;
	[tilespmem:$0x8400] =	vst v11;
	v11 =	vadd.s32 $0x400, v11;
	v14 =	vcvt.f32.s32 v17  }
0x2f0: {  	v9 =	vsub.f32 v9, v16;
	v16 =	vld [tilespmem:$0x8330];
	v17 =	vtrunc.f32 v15;
	[tilespmem:$0x8480] =	vst v11  }
0x2f1: {  	v19 =	vld [tilespmem:$0x83B0];
	v11 =	vcvt.s32.f32 v13;
	v13 =	vshll.u32 v13, $0xA;
	[tilespmem:$0x8500] =	vst v8;
	v8 =	vcvt.s32.f32 v14  }
0x2f2: {  	[tilespmem:$0x8580] =	vst v9;
	v9 =	vadd.s32 v14, v13;
	v13 =	vcvt.f32.s32 v17;
	v14 =	vtrunc.f32 v18  }
0x2f3: {  	v10 =	vsub.f32 v10, v11;
	[tilespmem:$0x8410] =	vst v9;
	v9 =	vadd.s32 $0x400, v9;
	v11 =	vcvt.f32.s32 v14  }
0x2f4: {  	v8 =	vsub.f32 v12, v8;
	[tilespmem:$0x8490] =	vst v9;
	v9 =	vcvt.s32.f32 v13;
	v12 =	vld [tilespmem:$0x8340]  }
0x2f5: {  	v17 =	vld [tilespmem:$0x83C0];
	v13 =	vshll.u32 v13, $0xA;
	[tilespmem:$0x8510] =	vst v10;
	v10 =	vcvt.s32.f32 v11;
	v14 =	vtrunc.f32 v16  }
0x2f6: {  	[tilespmem:$0x8590] =	vst v8;
	v8 =	vadd.s32 v11, v13;
	v11 =	vcvt.f32.s32 v14;
	v13 =	vtrunc.f32 v19  }
0x2f7: {  	v9 =	vsub.f32 v15, v9;
	v14 =	vld [tilespmem:$0x8350];
	[tilespmem:$0x8420] =	vst v8;
	v8 =	vadd.s32 $0x400, v8;
	v13 =	vcvt.f32.s32 v13  }
0x2f8: {  	v10 =	vsub.f32 v18, v10;
	[tilespmem:$0x84A0] =	vst v8;
	v8 =	vcvt.s32.f32 v11  }
0x2f9: {  	v18 =	vld [tilespmem:$0x83D0];
	[tilespmem:$0x8520] =	vst v9;
	v11 =	vshll.u32 v11, $0xA;
	v9 =	vcvt.s32.f32 v13;
	v15 =	vtrunc.f32 v12  }
0x2fa: {  	[tilespmem:$0x85A0] =	vst v10;
	v10 =	vadd.s32 v13, v11;
	v13 =	vtrunc.f32 v17;
	v11 =	vcvt.f32.s32 v15  }
0x2fb: {  	v8 =	vsub.f32 v16, v8;
	[tilespmem:$0x8430] =	vst v10;
	v10 =	vadd.s32 $0x400, v10;
	v13 =	vcvt.f32.s32 v13;
	v15 =	vld [tilespmem:$0x8360]  }
0x2fc: {  	v9 =	vsub.f32 v19, v9;
	[tilespmem:$0x84B0] =	vst v10;
	v16 =	vtrunc.f32 v14  }
0x2fd: {  	v10 =	vcvt.s32.f32 v11;
	[tilespmem:$0x8530] =	vst v8;
	v8 =	vcvt.s32.f32 v13;
	v11 =	vshll.u32 v11, $0xA  }
0x2fe: {  	[tilespmem:$0x85B0] =	vst v9;
	v9 =	vadd.s32 v13, v11;
	v11 =	vcvt.f32.s32 v16;
	v13 =	vtrunc.f32 v18;
	v16 =	vld [tilespmem:$0x83E0]  }
0x2ff: {  	v10 =	vsub.f32 v12, v10;
	[tilespmem:$0x8440] =	vst v9;
	v9 =	vadd.s32 $0x400, v9;
	v12 =	vcvt.f32.s32 v13  }
0x300: {  	v8 =	vsub.f32 v17, v8;
	[tilespmem:$0x84C0] =	vst v9;
	v9 =	vcvt.s32.f32 v11;
	v13 =	vtrunc.f32 v15  }
0x301: {  	[tilespmem:$0x8540] =	vst v10;
	v10 =	vshll.u32 v11, $0xA;
	v11 =	vcvt.f32.s32 v13;
	v13 =	vld [tilespmem:$0x8370]  }
0x302: {  	[tilespmem:$0x85C0] =	vst v8;
	v8 =	vsub.f32 v14, v9;
	v9 =	vcvt.s32.f32 v12;
	v10 =	vadd.s32 v12, v10;
	v12 =	vld [tilespmem:$0x83F0]  }
0x303: {  	[tilespmem:$0x8450] =	vst v10;
	v10 =	vadd.s32 $0x400, v10;
	v14 =	vtrunc.f32 v16;
	v17 =	vcvt.s32.f32 v11  }
0x304: {  	v9 =	vsub.f32 v18, v9;
	[tilespmem:$0x84D0] =	vst v10;
	v10 =	vcvt.f32.s32 v14  }
0x305: {  	v11 =	vshll.u32 v11, $0xA;
	[tilespmem:$0x8550] =	vst v8;
	v8 =	vsub.f32 v15, v17  }
0x306: {  	[tilespmem:$0x85D0] =	vst v9;
	v9 =	vcvt.s32.f32 v10;
	v10 =	vadd.s32 v10, v11;
	v11 =	vtrunc.f32 v13  }
0x307: {  	[tilespmem:$0x8460] =	vst v10;
	v10 =	vadd.s32 $0x400, v10;
	v11 =	vcvt.f32.s32 v11;
	v14 =	vtrunc.f32 v12  }
0x308: {  	v9 =	vsub.f32 v16, v9;
	[tilespmem:$0x84E0] =	vst v10;
	v10 =	vcvt.f32.s32 v14  }
0x309: {  	[tilespmem:$0x8560] =	vst v8;
	v8 =	vcvt.s32.f32 v11;
	v11 =	vshll.u32 v11, $0xA  }
0x30a: {  	[tilespmem:$0x85E0] =	vst v9;
	v9 =	vcvt.s32.f32 v10;
	v10 =	vadd.s32 v10, v11  }
0x30b: {  	v8 =	vsub.f32 v13, v8;
	[tilespmem:$0x8470] =	vst v10;
	v10 =	vadd.s32 $0x400, v10  }
0x30c: {  	v9 =	vsub.f32 v12, v9;
	[tilespmem:$0x84F0] =	vst v10  }
0x30d: {  	[tilespmem:$0x8570] =	vst v8  }
0x30e: {  	s19 =	simm.s32 $0x8400;
	s20 =	simm.s32 $0x8600;
	[tilespmem:$0x85F0] =	vst v9  }
0x30f: {  	[tilespmem:s20], [sflag:$0x2] =	stream.indirect.gather [hbm4b:s5+s14], $0x80, s19, s14, $0xb8;
	[tilespmem:$0x18600] =	vst v63  }
0x310: {  	s21 =	simm.s32 $0x8480;
	s22 =	simm.s32 $0xC600;
	s4 =	simm.s32 @!p0 $0x4  }
0x311: {  	[tilespmem:s22], [sflag:$0x2] =	stream.indirect.gather [hbm4b:s5+s14], $0x80, s21, s14, $0xb8;
	[tilespmem:$0x18600] =	vst v63  }
0x312: {  	_ =	swait.ge @!p0 [sflag:s4], $0x4000  }
0x313: {  	[sflag:s4] =	ssyncset.done @!p0 $0x0  }
0x314: {  	[sflag:s4] =	ssyncadd.s32 @!p0 $0xFFFFC000  }
0x315: {  	s11 =	simm.s32 $0x0;
	_ =	swait.ge [sflag:s25], $0x4000  }
0x316: {  	s15 =	simm.s32 $0x1;
	v9 =	vmov s11;
	[sflag:s25] =	ssyncset.done $0x0  }
0x317: {  	v11 =	vmov s15;
	[sflag:s25] =	ssyncadd.s32 $0xFFFFC000  }
0x318: {  	_ =	swait.ge [sflag:s25], $0x4000  }
0x319: {  	[sflag:s25] =	ssyncset.done $0x0  }
0x31a: {  	[sflag:s25] =	ssyncadd.s32 $0xFFFFC000  }
0x31b: {  	s21 =	simm.s32 $0x3;
	v8 =	vld.idx.msk [tilespmem:v9+s26+$0x0], $0xffff  }
0x31c: {  	s17 =	simm.s32 $0x44F0;
	v12 =	vmov s21;
	v10 =	vld.idx.msk [tilespmem:v11+s26+$0x0], $0xffff  }
0x31d: {  	v13 =	vld [tilespmem:s17+$0xFFFFBF90]  }
0x31e: {  	v14 =	vld [tilespmem:s17+$0xFFFFBFD0]  }
0x31f: {  	v15 =	vld [tilespmem:s17+$0xFFFFFF90]  }
0x320: {  	v16 =	vld [tilespmem:s17+$0xFFFFFFD0]  }
0x321: {  	v17 =	vld.idx.msk [tilespmem:v12+s26+$0x0], $0xffff  }
0x322: {  	v18 =	vld [tilespmem:s17+$0xFFFFBE10]  }
0x323: {  	v12 =	vor.u32 $0x80, v12;
	v19 =	vld [tilespmem:s17+$0xFFFFBE50]  }
0x324: {  	v20 =	vld [tilespmem:s17+$0xFFFFFE10]  }
0x325: {  	v22 =	vld [tilespmem:s17+$0xFFFFFE50]  }
0x326: {  	v23 =	vld [tilespmem:s17+$0xFFFFBE90];
	v15 =	vsub.f32 v15, v13;
	v16 =	vsub.f32 v16, v14  }
0x327: {  	v24 =	vld [tilespmem:s17+$0xFFFFFE90]  }
0x328: {  	v21 =	vld.idx.msk [tilespmem:v12+s26+$0x0], $0xffff;
	v12 =	vmul.f32 v15, v17;
	v15 =	vmul.f32 v16, v17  }
0x329: {  	v25 =	vld [tilespmem:s17+$0xFFFFBF10]  }
0x32a: {  	v9 =	vor.u32 $0x80, v9;
	v16 =	vld [tilespmem:s17+$0xFFFFBED0];
	v12 =	vadd.f32 v12, v13;
	v13 =	vadd.f32 v15, v14  }
0x32b: {  	s16 =	simm.s32 $0x2;
	v11 =	vor.u32 $0x80, v11;
	v14 =	vld [tilespmem:s17+$0xFFFFFED0]  }
0x32c: {  	v26 =	vld [tilespmem:s17+$0xFFFFBF50];
	v15 =	vmov s16;
	v13 =	vsub.f32 v13, v12  }
0x32d: {  	v27 =	vor.u32 s21, v0;
	v28 =	vld [tilespmem:s17+$0xFFFFFF10];
	v20 =	vsub.f32 v20, v18  }
0x32e: {  	v29 =	vld [tilespmem:s17+$0xFFFFFF50];
	v22 =	vsub.f32 v22, v19;
	v13 =	vmul.f32 v13, v21  }
0x32f: {  	v24 =	vsub.f32 v24, v23;
	v9 =	vld.idx.msk [tilespmem:v9+s26+$0x0], $0xffff;
	v20 =	vmul.f32 v20, v8  }
0x330: {  	v11 =	vld.idx.msk [tilespmem:v11+s26+$0x0], $0xffff;
	v22 =	vmul.f32 v22, v8;
	v14 =	vsub.f32 v14, v16;
	v12 =	vadd.f32 v13, v12  }
0x331: {  	v18 =	vadd.f32 v20, v18;
	v20 =	vmul.f32 v24, v10;
	v13 =	vld.idx.msk [tilespmem:v15+s26+$0x0], $0xffff  }
0x332: {  	v19 =	vadd.f32 v22, v19;
	v15 =	vor.u32 $0x80, v15;
	v14 =	vmul.f32 v14, v10;
	[tilespmem:v27+s3+$0x0] =	vst.idx.msk $0xffff, v12  }
0x333: {  	v20 =	vadd.f32 v20, v23;
	v12 =	vsub.f32 v28, v25;
	v22 =	vld [tilespmem:s17+$0xFFFFBFA0]  }
0x334: {  	v14 =	vadd.f32 v14, v16;
	v16 =	vsub.f32 v29, v26;
	v23 =	vld [tilespmem:s17+$0xFFFFBFE0]  }
0x335: {  	v24 =	vor.u32 s11, v0;
	v19 =	vsub.f32 v19, v18;
	v27 =	vld [tilespmem:s17+$0xFFFFFFA0]  }
0x336: {  	v29 =	vld [tilespmem:s17+$0xFFFFFFE0];
	v28 =	vmul.f32 v12, v13;
	v14 =	vsub.f32 v14, v20;
	v16 =	vmul.f32 v16, v13  }
0x337: {  	v19 =	vmul.f32 v19, v9;
	v12 =	vld.idx.msk [tilespmem:v15+s26+$0x0], $0xffff;
	v15 =	vor.u32 s15, v0  }
0x338: {  	v25 =	vadd.f32 v28, v25;
	v14 =	vmul.f32 v14, v11;
	v16 =	vadd.f32 v16, v26  }
0x339: {  	v18 =	vadd.f32 v19, v18  }
0x33a: {  	v14 =	vadd.f32 v14, v20;
	v16 =	vsub.f32 v16, v25  }
0x33b: {  	[tilespmem:v24+s3+$0x0] =	vst.idx.msk $0xffff, v18;
	v19 =	vsub.f32 v27, v22;
	v20 =	vsub.f32 v29, v23  }
0x33c: {  	v18 =	vor.u32 s16, v0;
	v24 =	vld [tilespmem:s17+$0xFFFFBE20];
	[tilespmem:v15+s3+$0x0] =	vst.idx.msk $0xffff, v14;
	v14 =	vmul.f32 v16, v12  }
0x33d: {  	v28 =	vld [tilespmem:s17+$0xFFFFBE60];
	v16 =	vmul.f32 v19, v17;
	v19 =	vmul.f32 v20, v17  }
0x33e: {  	v15 =	vld [tilespmem:s17+$0xFFFFBEA0];
	v14 =	vadd.f32 v14, v25  }
0x33f: {  	v20 =	vld [tilespmem:s17+$0xFFFFBEE0];
	v16 =	vadd.f32 v16, v22;
	v19 =	vadd.f32 v19, v23  }
0x340: {  	v25 =	vld [tilespmem:s17+$0xFFFFFEA0]  }
0x341: {  	v22 =	vld [tilespmem:s17+$0xFFFFFEE0];
	[tilespmem:v18+s3+$0x0] =	vst.idx.msk $0xffff, v14;
	v18 =	vsub.f32 v19, v16  }
0x342: {  	v23 =	vor.u32 s21, v1;
	v14 =	vld [tilespmem:s17+$0xFFFFBF20]  }
0x343: {  	v19 =	vld [tilespmem:s17+$0xFFFFBF60];
	v18 =	vmul.f32 v18, v21  }
0x344: {  	v26 =	vld [tilespmem:s17+$0xFFFFFF20]  }
0x345: {  	v27 =	vld [tilespmem:s17+$0xFFFFFF60];
	v25 =	vsub.f32 v25, v15;
	v16 =	vadd.f32 v18, v16  }
0x346: {  	v18 =	vsub.f32 v22, v20;
	v22 =	vld [tilespmem:s17+$0xFFFFFE20]  }
0x347: {  	v29 =	vld [tilespmem:s17+$0xFFFFFE60];
	v25 =	vmul.f32 v25, v10;
	[tilespmem:v23+s3+$0x0] =	vst.idx.msk $0xffff, v16  }
0x348: {  	v23 =	vld [tilespmem:s17+$0xFFFFBFB0]  }
0x349: {  	v16 =	vmul.f32 v18, v10;
	v18 =	vadd.f32 v25, v15;
	v25 =	vld [tilespmem:s17+$0xFFFFBFF0]  }
0x34a: {  	s4 =	simm.s32 $0x4;
	v26 =	vsub.f32 v26, v14;
	v27 =	vsub.f32 v27, v19;
	v31 =	vld [tilespmem:s17+$0xFFFFFFF0]  }
0x34b: {  	v15 =	vmov s4;
	v16 =	vadd.f32 v16, v20;
	v20 =	vld [tilespmem:s17+$0xFFFFFFB0];
	v22 =	vsub.f32 v22, v24  }
0x34c: {  	v30 =	vor.u32 s15, v1;
	v48 =	vor.u32 $0x80, v15;
	v26 =	vmul.f32 v26, v13  }
0x34d: {  	s8 =	simm.s32 $0x5;
	v27 =	vmul.f32 v27, v13;
	v16 =	vsub.f32 v16, v18;
	v22 =	vmul.f32 v22, v8  }
0x34e: {  	v49 =	vmov s8;
	v29 =	vsub.f32 v29, v28;
	v26 =	vadd.f32 v26, v14  }
0x34f: {  	s20 =	simm.s32 $0x46F0;
	v14 =	vadd.f32 v27, v19;
	v16 =	vmul.f32 v16, v11;
	v19 =	vadd.f32 v22, v24  }
0x350: {  	v33 =	vld [tilespmem:s20+$0xFFFFFFD0];
	v20 =	vsub.f32 v20, v23;
	v22 =	vsub.f32 v31, v25  }
0x351: {  	v15 =	vld.idx.msk [tilespmem:v15+s26+$0x0], $0xffff;
	v27 =	vsub.f32 v14, v26;
	v24 =	vmul.f32 v29, v8;
	v29 =	vadd.f32 v16, v18  }
0x352: {  	v14 =	vld.idx.msk [tilespmem:v48+s26+$0x0], $0xffff;
	v31 =	vor.u32 s16, v1;
	v20 =	vmul.f32 v20, v17;
	v22 =	vmul.f32 v22, v17  }
0x353: {  	v18 =	vld.idx.msk [tilespmem:v49+s26+$0x0], $0xffff;
	v27 =	vmul.f32 v27, v12;
	v24 =	vadd.f32 v24, v28;
	[tilespmem:v30+s3+$0x0] =	vst.idx.msk $0xffff, v29  }
0x354: {  	v28 =	vld [tilespmem:s17+$0xFFFFBEB0];
	v20 =	vadd.f32 v20, v23;
	v22 =	vadd.f32 v22, v25  }
0x355: {  	v23 =	vsub.f32 v24, v19;
	v24 =	vadd.f32 v27, v26;
	v25 =	vld [tilespmem:s17+$0xFFFFBEF0]  }
0x356: {  	v26 =	vor.u32 s11, v1;
	v27 =	vld [tilespmem:s17+$0xFFFFFEB0];
	v22 =	vsub.f32 v22, v20  }
0x357: {  	v29 =	vor.u32 s21, v2;
	v23 =	vmul.f32 v23, v9;
	[tilespmem:v31+s3+$0x0] =	vst.idx.msk $0xffff, v24;
	v24 =	vld [tilespmem:s17+$0xFFFFFEF0]  }
0x358: {  	v30 =	vld [tilespmem:s17+$0xFFFFBF30];
	v22 =	vmul.f32 v22, v21  }
0x359: {  	v31 =	vld [tilespmem:s17+$0xFFFFFF30];
	v19 =	vadd.f32 v23, v19  }
0x35a: {  	v23 =	vld [tilespmem:s17+$0xFFFFBF70];
	v20 =	vadd.f32 v22, v20  }
0x35b: {  	[tilespmem:v26+s3+$0x0] =	vst.idx.msk $0xffff, v19;
	v19 =	vld [tilespmem:s17+$0xFFFFFF70]  }
0x35c: {  	v22 =	vld [tilespmem:s17+$0xFFFFBE30];
	[tilespmem:v29+s3+$0x0] =	vst.idx.msk $0xffff, v20  }
0x35d: {  	v24 =	vsub.f32 v24, v25;
	v20 =	vsub.f32 v27, v28;
	v26 =	vld [tilespmem:s17+$0xFFFFBFC0]  }
0x35e: {  	s18 =	simm.s32 $0x6;
	v27 =	vld [tilespmem:s17+$0xFFFFC000]  }
0x35f: {  	v50 =	vmov s18;
	v24 =	vmul.f32 v24, v10;
	v51 =	vld [tilespmem:s17+$0xFFFFFFC0];
	v20 =	vmul.f32 v20, v10  }
0x360: {  	v29 =	vor.u32 $0x80, v49;
	v31 =	vsub.f32 v31, v30;
	v53 =	vld [tilespmem:s17+$0x0];
	v19 =	vsub.f32 v19, v23  }
0x361: {  	v55 =	vld [tilespmem:s17+$0xFFFFFE70];
	v28 =	vadd.f32 v20, v28;
	v20 =	vadd.f32 v24, v25  }
0x362: {  	v24 =	vld [tilespmem:s17+$0xFFFFBE70];
	v25 =	vmul.f32 v31, v13  }
0x363: {  	v52 =	vor.u32 $0x80, v50;
	v31 =	vld [tilespmem:s17+$0xFFFFFE30];
	v19 =	vmul.f32 v19, v13;
	v54 =	vsub.f32 v20, v28  }
0x364: {  	s19 =	simm.s32 $0x7;
	v16 =	vld.idx.msk [tilespmem:v50+s26+$0x0], $0xffff;
	v25 =	vadd.f32 v25, v30;
	v32 =	vsub.f32 v51, v26  }
0x365: {  	v56 =	vmov s19;
	v20 =	vld.idx.msk [tilespmem:v29+s26+$0x0], $0xffff;
	v57 =	vsub.f32 v53, v27;
	v23 =	vadd.f32 v19, v23  }
0x366: {  	v58 =	vor.u32 s15, v2;
	v60 =	vor.u32 s16, v2;
	v29 =	vld [tilespmem:s20+$0xFFFFBF90]  }
0x367: {  	v30 =	vld [tilespmem:s20+$0xFFFFBFD0];
	v59 =	vmul.f32 v32, v17;
	v17 =	vmul.f32 v57, v17;
	v23 =	vsub.f32 v23, v25  }
0x368: {  	v19 =	vld.idx.msk [tilespmem:v52+s26+$0x0], $0xffff;
	v35 =	vmul.f32 v54, v11;
	v31 =	vsub.f32 v31, v22;
	v36 =	vsub.f32 v55, v24  }
0x369: {  	v32 =	vld [tilespmem:s20+$0xFFFFFF90];
	v61 =	vmul.f32 v23, v12;
	v23 =	vadd.f32 v59, v26;
	v26 =	vadd.f32 v17, v27  }
0x36a: {  	v34 =	vor.u32 $0x80, v56;
	v28 =	vadd.f32 v35, v28;
	v31 =	vmul.f32 v31, v8;
	v17 =	vld.idx.msk [tilespmem:v56+s26+$0x0], $0xffff  }
0x36b: {  	v62 =	vmul.f32 v36, v8;
	v27 =	vld [tilespmem:s20+$0xFFFFBE10];
	v63 =	vadd.f32 v61, v25;
	v38 =	vsub.f32 v26, v23  }
0x36c: {  	[tilespmem:v58+s3+$0x0] =	vst.idx.msk $0xffff, v28;
	v28 =	vld [tilespmem:s20+$0xFFFFBE50];
	v25 =	vadd.f32 v31, v22;
	v22 =	vor.u32 s21, v3  }
0x36d: {  	v26 =	vadd.f32 v62, v24;
	v31 =	vld [tilespmem:s20+$0xFFFFFE10];
	s21 =	simm.s32 $0x8;
	[tilespmem:v60+s3+$0x0] =	vst.idx.msk $0xffff, v63;
	v24 =	vmul.f32 v38, v21  }
.LBB2_7:
0x36e: {  	p0 =	slt.u32 s21, $0x7C;
	v35 =	vld [tilespmem:s20+$0xFFFFFE50];
	v32 =	vsub.f32 v32, v29;
	v33 =	vsub.f32 v33, v30  }
0x36f: {  	v26 =	vsub.f32 v26, v25;
	v36 =	vld [tilespmem:s20+$0xFFFFBE90];
	v23 =	vadd.f32 v24, v23  }
0x370: {  	v21 =	vld.idx.msk [tilespmem:v34+s26+$0x0], $0xffff;
	v24 =	vmul.f32 v32, v17;
	v32 =	vmul.f32 v33, v17  }
0x371: {  	v26 =	vmul.f32 v26, v9;
	v34 =	vor.u32 s11, v2;
	v33 =	vld [tilespmem:s20+$0xFFFFBED0];
	[tilespmem:v22+s3+$0x0] =	vst.idx.msk $0xffff, v23  }
0x372: {  	v22 =	vld [tilespmem:s20+$0xFFFFFE90];
	v23 =	vadd.f32 v24, v29;
	v24 =	vadd.f32 v32, v30  }
0x373: {  	v29 =	vsub.f32 v31, v27;
	v30 =	vsub.f32 v35, v28;
	v31 =	vld [tilespmem:s20+$0xFFFFFED0]  }
0x374: {  	v25 =	vadd.f32 v26, v25;
	v32 =	vld [tilespmem:s20+$0xFFFFBF10];
	v24 =	vsub.f32 v24, v23  }
0x375: {  	v35 =	vor.u32 s19, v0;
	v26 =	vmul.f32 v29, v15;
	v29 =	vmul.f32 v30, v15;
	v30 =	vld [tilespmem:s20+$0xFFFFBF50]  }
0x376: {  	v37 =	vld [tilespmem:s20+$0xFFFFFF10];
	v24 =	vmul.f32 v24, v21;
	[tilespmem:v34+s3+$0x0] =	vst.idx.msk $0xffff, v25  }
0x377: {  	v25 =	vadd.f32 v26, v27;
	v22 =	vsub.f32 v22, v36;
	v26 =	vld [tilespmem:s20+$0xFFFFFF50]  }
0x378: {  	v27 =	vsub.f32 v31, v33;
	v23 =	vadd.f32 v24, v23;
	v24 =	vld [tilespmem:s17+$0xFFFFBEC0]  }
0x379: {  	v28 =	vadd.f32 v29, v28;
	v22 =	vmul.f32 v22, v18;
	v29 =	vld [tilespmem:s17+$0xFFFFBF00]  }
0x37a: {  	v27 =	vmul.f32 v27, v18;
	[tilespmem:v35+s3+$0x0] =	vst.idx.msk $0xffff, v23;
	v23 =	vld [tilespmem:s17+$0xFFFFFEC0]  }
0x37b: {  	v22 =	vadd.f32 v22, v36;
	v31 =	vsub.f32 v37, v32;
	v34 =	vld [tilespmem:s20+$0xFFFFBFA0]  }
0x37c: {  	v27 =	vadd.f32 v27, v33;
	v26 =	vsub.f32 v26, v30;
	v33 =	vld [tilespmem:s20+$0xFFFFBFE0]  }
0x37d: {  	v28 =	vsub.f32 v28, v25;
	v35 =	vor.u32 s4, v0;
	v31 =	vmul.f32 v31, v16;
	v36 =	vld [tilespmem:s20+$0xFFFFFFA0]  }
0x37e: {  	v37 =	vor.u32 s8, v0;
	v27 =	vsub.f32 v27, v22;
	v26 =	vmul.f32 v26, v16;
	v38 =	vld [tilespmem:s20+$0xFFFFFFE0]  }
0x37f: {  	v28 =	vmul.f32 v28, v14;
	v31 =	vadd.f32 v31, v32;
	v32 =	vld [tilespmem:s17+$0xFFFFFF00];
	v23 =	vsub.f32 v23, v24  }
0x380: {  	v27 =	vmul.f32 v27, v20;
	v26 =	vadd.f32 v26, v30;
	v30 =	vld [tilespmem:s17+$0xFFFFBF40]  }
0x381: {  	v25 =	vadd.f32 v28, v25;
	v23 =	vmul.f32 v23, v10;
	v28 =	vld [tilespmem:s17+$0xFFFFBF80]  }
0x382: {  	v22 =	vadd.f32 v27, v22;
	v26 =	vsub.f32 v26, v31;
	v27 =	vld [tilespmem:s17+$0xFFFFFF40]  }
0x383: {  	[tilespmem:v35+s3+$0x0] =	vst.idx.msk $0xffff, v25;
	v25 =	vor.u32 s18, v0;
	v35 =	vsub.f32 v36, v34;
	v36 =	vsub.f32 v38, v33;
	v38 =	vld [tilespmem:s17+$0xFFFFFF80]  }
0x384: {  	v39 =	vld [tilespmem:s20+$0xFFFFBE20];
	[tilespmem:v37+s3+$0x0] =	vst.idx.msk $0xffff, v22;
	v22 =	vmul.f32 v26, v19;
	v26 =	vsub.f32 v32, v29  }
0x385: {  	v23 =	vadd.f32 v23, v24;
	v32 =	vld [tilespmem:s20+$0xFFFFBEA0];
	v35 =	vmul.f32 v35, v17;
	v36 =	vmul.f32 v36, v17  }
0x386: {  	v24 =	vld [tilespmem:s20+$0xFFFFBEE0];
	v22 =	vadd.f32 v22, v31;
	v26 =	vmul.f32 v26, v10;
	v10 =	vmov v18  }
0x387: {  	v18 =	vld [tilespmem:s20+$0xFFFFFEA0];
	v31 =	vadd.f32 v35, v34;
	v33 =	vadd.f32 v36, v33  }
0x388: {  	v34 =	vld [tilespmem:s20+$0xFFFFFEE0];
	[tilespmem:v25+s3+$0x0] =	vst.idx.msk $0xffff, v22;
	v22 =	vsub.f32 v27, v30;
	v25 =	vsub.f32 v38, v28  }
0x389: {  	v26 =	vadd.f32 v26, v29;
	v27 =	vld [tilespmem:s20+$0xFFFFBF20];
	v33 =	vsub.f32 v33, v31  }
0x38a: {  	v35 =	vor.u32 s19, v1;
	v29 =	vld [tilespmem:s20+$0xFFFFBF60];
	v22 =	vmul.f32 v22, v13;
	v25 =	vmul.f32 v25, v13;
	v13 =	vmovc v16  }
0x38b: {  	v26 =	vsub.f32 v26, v23;
	v16 =	vld [tilespmem:s20+$0xFFFFFF20];
	v33 =	vmul.f32 v33, v21  }
0x38c: {  	v37 =	vor.u32 s15, v3;
	s15 =	smov.u32 s8;
	v18 =	vsub.f32 v18, v32;
	v36 =	vld [tilespmem:s20+$0xFFFFFF60];
	v22 =	vadd.f32 v22, v30  }
0x38d: {  	v26 =	vmul.f32 v26, v11;
	v11 =	vmovc v20;
	v30 =	vld [tilespmem:s20+$0xFFFFBE60];
	v34 =	vsub.f32 v34, v24;
	v31 =	vadd.f32 v33, v31  }
0x38e: {  	v20 =	vmov s21;
	v25 =	vadd.f32 v25, v28;
	v33 =	vld [tilespmem:s20+$0xFFFFFE20];
	v18 =	vmul.f32 v18, v10  }
0x38f: {  	v23 =	vadd.f32 v26, v23;
	v26 =	vor.u32 s16, v3;
	s16 =	smov.u32 s18;
	v28 =	vld [tilespmem:s20+$0xFFFFFE60];
	v34 =	vmul.f32 v34, v10;
	[tilespmem:v35+s3+$0x0] =	vst.idx.msk $0xffff, v31  }
0x390: {  	v31 =	vor.u32 s15, v1;
	v18 =	vadd.f32 v18, v32;
	v16 =	vsub.f32 v16, v27;
	v32 =	vld [tilespmem:s20+$0xFFFFBFB0]  }
0x391: {  	s8 =	sadd.s32 $0x1, s21;
	v35 =	vor.u32 $0x80, v20;
	v24 =	vadd.f32 v34, v24;
	v34 =	vsub.f32 v36, v29;
	v36 =	vld [tilespmem:s20+$0xFFFFBFF0];
	[tilespmem:v37+s3+$0x0] =	vst.idx.msk $0xffff, v23  }
0x392: {  	v25 =	vsub.f32 v25, v22;
	v23 =	vmov s8;
	v16 =	vmul.f32 v16, v13;
	v37 =	vld [tilespmem:s20+$0xFFFFFFB0]  }
0x393: {  	v33 =	vsub.f32 v33, v39;
	v24 =	vsub.f32 v24, v18;
	v34 =	vmul.f32 v34, v13;
	v38 =	vld [tilespmem:s20+$0xFFFFFFF0]  }
0x394: {  	v28 =	vsub.f32 v28, v30;
	v27 =	vadd.f32 v16, v27;
	v40 =	vld [tilespmem:s17+$0xFFFFBE40];
	v16 =	vmul.f32 v25, v12;
	v12 =	vmovc v19  }
0x395: {  	s18 =	sadd.s32 $0x2, s21;
	v19 =	vmul.f32 v33, v15;
	v24 =	vmul.f32 v24, v11;
	v25 =	vadd.f32 v34, v29;
	v29 =	vld [tilespmem:s17+$0xFFFFBE80]  }
0x396: {  	v33 =	vmov s18;
	v28 =	vmul.f32 v28, v15;
	v34 =	vld [tilespmem:s17+$0xFFFFFE40];
	v16 =	vadd.f32 v16, v22  }
0x397: {  	v19 =	vadd.f32 v19, v39;
	v22 =	vsub.f32 v25, v27;
	v25 =	vor.u32 s16, v1;
	v39 =	vld [tilespmem:s17+$0xFFFFFE80];
	s17 =	smov.u32 s20  }
0x398: {  	v37 =	vsub.f32 v37, v32;
	v20 =	vld.idx.msk [tilespmem:v20+s26+$0x0], $0xffff;
	v38 =	vsub.f32 v38, v36;
	[tilespmem:v26+s3+$0x0] =	vst.idx.msk $0xffff, v16  }
0x399: {  	v24 =	vadd.f32 v24, v18;
	v28 =	vadd.f32 v28, v30;
	v26 =	vld.idx.msk [tilespmem:v35+s26+$0x0], $0xffff;
	v22 =	vmul.f32 v22, v12  }
0x39a: {  	v30 =	vmul.f32 v37, v17;
	v18 =	vld.idx.msk [tilespmem:v23+s26+$0x0], $0xffff;
	v35 =	vmul.f32 v38, v17  }
0x39b: {  	v28 =	vsub.f32 v28, v19;
	v16 =	vld.idx.msk [tilespmem:v33+s26+$0x0], $0xffff;
	[tilespmem:v31+s3+$0x0] =	vst.idx.msk $0xffff, v24;
	v22 =	vadd.f32 v22, v27  }
0x39c: {  	v24 =	vor.u32 s4, v1;
	v30 =	vadd.f32 v30, v32;
	v27 =	vld [tilespmem:s20+$0xFFFFBEB0];
	v31 =	vadd.f32 v35, v36  }
0x39d: {  	v28 =	vmul.f32 v28, v14;
	v32 =	vld [tilespmem:s20+$0xFFFFBEF0];
	[tilespmem:v25+s3+$0x0] =	vst.idx.msk $0xffff, v22;
	v22 =	vsub.f32 v34, v40  }
0x39e: {  	v34 =	vsub.f32 v39, v29;
	v25 =	vld [tilespmem:s20+$0xFFFFFEB0];
	v31 =	vsub.f32 v31, v30  }
0x39f: {  	v35 =	vor.u32 s19, v2;
	v19 =	vadd.f32 v28, v19;
	v28 =	vld [tilespmem:s20+$0xFFFFFEF0];
	v22 =	vmul.f32 v22, v8  }
0x3a0: {  	v34 =	vmul.f32 v34, v8;
	v8 =	vmovc v15;
	v15 =	vmov v20;
	v36 =	vld [tilespmem:s20+$0xFFFFBF30];
	v31 =	vmul.f32 v31, v21  }
0x3a1: {  	[tilespmem:v24+s3+$0x0] =	vst.idx.msk $0xffff, v19;
	v19 =	vld [tilespmem:s20+$0xFFFFBF70];
	v20 =	vadd.f32 v22, v40  }
0x3a2: {  	v29 =	vadd.f32 v34, v29;
	v22 =	vld [tilespmem:s20+$0xFFFFFF30];
	v24 =	vadd.f32 v31, v30  }
0x3a3: {  	v25 =	vsub.f32 v25, v27;
	v30 =	vld [tilespmem:s20+$0xFFFFFF70]  }
0x3a4: {  	v31 =	vld [tilespmem:s20+$0xFFFFBE30];
	v28 =	vsub.f32 v28, v32;
	[tilespmem:v35+s3+$0x0] =	vst.idx.msk $0xffff, v24;
	v24 =	vsub.f32 v29, v20  }
0x3a5: {  	v25 =	vmul.f32 v25, v10;
	v34 =	vld [tilespmem:s20+$0xFFFFBFC0]  }
0x3a6: {  	v29 =	vor.u32 s11, v3;
	s11 =	smov.u32 s4;
	s4 =	smov.u32 s21;
	v28 =	vmul.f32 v28, v10;
	v35 =	vld [tilespmem:s20+$0xFFFFC000];
	v24 =	vmul.f32 v24, v9;
	v9 =	vmovc v14;
	v14 =	vmovc v26  }
0x3a7: {  	v23 =	vor.u32 $0x80, v23;
	v25 =	vadd.f32 v25, v27;
	v22 =	vsub.f32 v22, v36;
	v26 =	vld [tilespmem:s20+$0xFFFFFFC0]  }
0x3a8: {  	v27 =	vor.u32 $0x80, v33;
	v28 =	vadd.f32 v28, v32;
	v30 =	vsub.f32 v30, v19;
	v32 =	vld [tilespmem:s20+$0x0]  }
0x3a9: {  	v20 =	vadd.f32 v24, v20;
	v37 =	vld [tilespmem:s20+$0xFFFFBE70];
	v22 =	vmul.f32 v22, v13  }
0x3aa: {  	v24 =	vld [tilespmem:s20+$0xFFFFFE30];
	v28 =	vsub.f32 v28, v25;
	v30 =	vmul.f32 v30, v13  }
0x3ab: {  	v38 =	vor.u32 s15, v2;
	v33 =	vld [tilespmem:s20+$0xFFFFFE70];
	v22 =	vadd.f32 v22, v36;
	[tilespmem:v29+s3+$0x0] =	vst.idx.msk $0xffff, v20  }
0x3ac: {  	s22 =	sadd.s32 $0x3, s21;
	v20 =	vld.idx.msk [tilespmem:v23+s26+$0x0], $0xffff;
	v23 =	vmul.f32 v28, v11;
	v28 =	vadd.f32 v30, v19  }
0x3ad: {  	v36 =	vmov s22;
	s20 =	sadd.s32 $0x200, s20;
	v26 =	vsub.f32 v26, v34;
	v19 =	vld.idx.msk [tilespmem:v27+s26+$0x0], $0xffff;
	v27 =	vsub.f32 v32, v35  }
0x3ae: {  	v39 =	vor.u32 s16, v2;
	v29 =	vld [tilespmem:s20+$0xFFFFBF90];
	v23 =	vadd.f32 v23, v25;
	v25 =	vsub.f32 v28, v22  }
0x3af: {  	v26 =	vmul.f32 v26, v17;
	v30 =	vld [tilespmem:s20+$0xFFFFBFD0];
	v24 =	vsub.f32 v24, v31;
	v17 =	vmul.f32 v27, v17  }
0x3b0: {  	v32 =	vld [tilespmem:s20+$0xFFFFFF90];
	v27 =	vsub.f32 v33, v37;
	[tilespmem:v38+s3+$0x0] =	vst.idx.msk $0xffff, v23;
	v25 =	vmul.f32 v25, v12  }
.Ltmp2:
0x3b1: {  	v23 =	vadd.f32 v26, v34;
	v33 =	vld [tilespmem:s20+$0xFFFFFFD0];
	v24 =	vmul.f32 v24, v8;
	v26 =	vadd.f32 v17, v35;
	(pc) =	sbr.rel @p0 .LBB2_7-.Ltmp2, $4  }
0x3b2: {  	v17 =	vld.idx.msk [tilespmem:v36+s26+$0x0], $0xffff;
	v35 =	vmul.f32 v27, v8;
	v22 =	vadd.f32 v25, v22  }
0x3b3: {  	v34 =	vor.u32 $0x80, v36;
	v27 =	vld [tilespmem:s20+$0xFFFFBE10];
	v25 =	vadd.f32 v24, v31;
	v24 =	vsub.f32 v26, v23  }
0x3b4: {  	v28 =	vld [tilespmem:s20+$0xFFFFBE50];
	v26 =	vadd.f32 v35, v37;
	[tilespmem:v39+s3+$0x0] =	vst.idx.msk $0xffff, v22;
	v22 =	vor.u32 s19, v3;
	s19 =	smov.u32 s22  }
0x3b5: {  	s21 =	sadd.s32 $0x4, s21;
	v31 =	vld [tilespmem:s20+$0xFFFFFE10];
	v24 =	vmul.f32 v24, v21  }
0x3b6: {  	v35 =	vld [tilespmem:s20+$0xFFFFBE90]  }
0x3b7: {  	v50 =	vld [tilespmem:s20+$0xFFFFBED0]  }
0x3b8: {  	v36 =	vld [tilespmem:s20+$0xFFFFFE90]  }
0x3b9: {  	v38 =	vld [tilespmem:s20+$0xFFFFFED0]  }
0x3ba: {  	v53 =	vld [tilespmem:s20+$0xFFFFBF10]  }
0x3bb: {  	v21 =	vsub.f32 v32, v29;
	v49 =	vsub.f32 v33, v30;
	v54 =	vld [tilespmem:s20+$0xFFFFBF50]  }
0x3bc: {  	v55 =	vld [tilespmem:s20+$0xFFFFFF10]  }
0x3bd: {  	v39 =	vld [tilespmem:s20+$0xFFFFFF50];
	v37 =	vmul.f32 v21, v17;
	v32 =	vmul.f32 v49, v17  }
0x3be: {  	v21 =	vld.idx.msk [tilespmem:v34+s26+$0x0], $0xffff  }
0x3bf: {  	v51 =	vadd.f32 v37, v29;
	v52 =	vadd.f32 v32, v30  }
0x3c0: {  	v36 =	vsub.f32 v36, v35;
	v38 =	vsub.f32 v38, v50  }
0x3c1: {  	v30 =	vsub.f32 v52, v51  }
0x3c2: {  	v40 =	vor.u32 s19, v0;
	v41 =	vld [tilespmem:s20+$0xFFFFFE50];
	v36 =	vmul.f32 v36, v18;
	v38 =	vmul.f32 v38, v18  }
0x3c3: {  	v57 =	vsub.f32 v55, v53;
	v58 =	vsub.f32 v39, v54;
	v30 =	vmul.f32 v30, v21  }
0x3c4: {  	v56 =	vadd.f32 v36, v35;
	v33 =	vadd.f32 v38, v50  }
0x3c5: {  	v29 =	vadd.f32 v30, v51  }
0x3c6: {  	v59 =	vmul.f32 v57, v16;
	v36 =	vmul.f32 v58, v16;
	v33 =	vsub.f32 v33, v56  }
0x3c7: {  	v60 =	vor.u32 s8, v0;
	v31 =	vsub.f32 v31, v27;
	v61 =	vsub.f32 v41, v28;
	[tilespmem:v40+s3+$0x0] =	vst.idx.msk $0xffff, v29  }
0x3c8: {  	v43 =	vadd.f32 v36, v54;
	v29 =	vadd.f32 v59, v53;
	v62 =	vld [tilespmem:s20+$0xFFFFBFA0];
	v33 =	vmul.f32 v33, v20  }
0x3c9: {  	v31 =	vmul.f32 v31, v15;
	v45 =	vmul.f32 v61, v15;
	v63 =	vld [tilespmem:s20+$0xFFFFBFE0]  }
0x3ca: {  	v44 =	vld [tilespmem:s20+$0xFFFFFFA0];
	v32 =	vsub.f32 v43, v29;
	v30 =	vadd.f32 v33, v56  }
0x3cb: {  	v47 =	vor.u32 s18, v0;
	v48 =	vadd.f32 v31, v27;
	v49 =	vadd.f32 v45, v28;
	v46 =	vld [tilespmem:s20+$0xFFFFFFE0]  }
0x3cc: {  	v39 =	vld [tilespmem:s17+$0xFFFFBF00];
	v50 =	vmul.f32 v32, v19;
	[tilespmem:v60+s3+$0x0] =	vst.idx.msk $0xffff, v30  }
0x3cd: {  	v28 =	vsub.f32 v49, v48;
	v51 =	vld [tilespmem:s20+$0xFFFFBEA0]  }
0x3ce: {  	v52 =	vld [tilespmem:s20+$0xFFFFBEE0];
	v29 =	vadd.f32 v50, v29  }
0x3cf: {  	v28 =	vmul.f32 v28, v14;
	v56 =	vor.u32 s4, v0;
	v53 =	vld [tilespmem:s20+$0xFFFFFEA0]  }
0x3d0: {  	v54 =	vsub.f32 v44, v62;
	v55 =	vsub.f32 v46, v63;
	v35 =	vld [tilespmem:s20+$0xFFFFFEE0];
	[tilespmem:v47+s3+$0x0] =	vst.idx.msk $0xffff, v29  }
0x3d1: {  	v59 =	vld [tilespmem:s20+$0xFFFFBF20]  }
0x3d2: {  	v27 =	vadd.f32 v28, v48;
	v57 =	vmul.f32 v54, v17;
	v58 =	vmul.f32 v55, v17;
	v60 =	vld [tilespmem:s20+$0xFFFFBF60]  }
0x3d3: {  	v37 =	vld [tilespmem:s20+$0xFFFFFF20]  }
0x3d4: {  	[tilespmem:v56+s3+$0x0] =	vst.idx.msk $0xffff, v27;
	v61 =	vld [tilespmem:s20+$0xFFFFFF60];
	v29 =	vadd.f32 v57, v62;
	v33 =	vadd.f32 v58, v63  }
0x3d5: {  	v27 =	vld [tilespmem:s20+$0xFFFFBE20];
	v30 =	vsub.f32 v53, v51;
	v35 =	vsub.f32 v35, v52  }
0x3d6: {  	v42 =	vld [tilespmem:s20+$0xFFFFBE60]  }
0x3d7: {  	v49 =	vld [tilespmem:s20+$0xFFFFFE60];
	v33 =	vsub.f32 v33, v29;
	v30 =	vmul.f32 v30, v18;
	v35 =	vmul.f32 v35, v18  }
0x3d8: {  	v62 =	vor.u32 s19, v1;
	v63 =	vld [tilespmem:s20+$0xFFFFFE20]  }
0x3d9: {  	v38 =	vld [tilespmem:s17+$0xFFFFFEC0];
	v33 =	vmul.f32 v33, v21;
	v30 =	vadd.f32 v30, v51;
	v48 =	vadd.f32 v35, v52  }
0x3da: {  	v36 =	vld [tilespmem:s17+$0xFFFFBEC0];
	v50 =	vsub.f32 v37, v59;
	v51 =	vsub.f32 v61, v60  }
0x3db: {  	v43 =	vor.u32 s8, v1;
	v44 =	vld [tilespmem:s17+$0xFFFFBF40];
	v29 =	vadd.f32 v33, v29;
	v31 =	vsub.f32 v48, v30  }
0x3dc: {  	v32 =	vsub.f32 v49, v42;
	v49 =	vld [tilespmem:s17+$0xFFFFFF40];
	v35 =	vmul.f32 v50, v16;
	v37 =	vmul.f32 v51, v16  }
0x3dd: {  	v52 =	vsub.f32 v63, v27;
	v33 =	vld [tilespmem:s17+$0xFFFFFF00];
	[tilespmem:v62+s3+$0x0] =	vst.idx.msk $0xffff, v29;
	v31 =	vmul.f32 v31, v20  }
0x3de: {  	v34 =	vadd.f32 v35, v59;
	v40 =	vld [tilespmem:s20+$0xFFFFBFB0];
	v28 =	vadd.f32 v37, v60  }
0x3df: {  	v26 =	vsub.f32 v26, v25;
	v46 =	vor.u32 s11, v2;
	v53 =	vld [tilespmem:s20+$0xFFFFBFF0];
	v30 =	vadd.f32 v31, v30  }
0x3e0: {  	v32 =	vmul.f32 v32, v15;
	v29 =	vmul.f32 v52, v15;
	v54 =	vld [tilespmem:s20+$0xFFFFFFB0];
	v28 =	vsub.f32 v28, v34  }
0x3e1: {  	v26 =	vmul.f32 v26, v9;
	v56 =	vor.u32 s18, v1;
	v55 =	vld [tilespmem:s20+$0xFFFFFFF0];
	[tilespmem:v43+s3+$0x0] =	vst.idx.msk $0xffff, v30  }
0x3e2: {  	v57 =	vadd.f32 v32, v42;
	v27 =	vadd.f32 v29, v27;
	v28 =	vmul.f32 v28, v19;
	v30 =	vld [tilespmem:s20+$0xFFFFBEB0]  }
0x3e3: {  	v51 =	vadd.f32 v26, v25;
	v58 =	vld [tilespmem:s20+$0xFFFFBEF0]  }
0x3e4: {  	v29 =	vsub.f32 v57, v27;
	v59 =	vld [tilespmem:s20+$0xFFFFFEB0];
	v28 =	vadd.f32 v28, v34  }
0x3e5: {  	v45 =	vor.u32 s4, v1;
	[tilespmem:v46+s3+$0x0] =	vst.idx.msk $0xffff, v51;
	v60 =	vld [tilespmem:s20+$0xFFFFFEF0]  }
0x3e6: {  	v46 =	vld [tilespmem:s17+$0xFFFFBE40];
	v29 =	vmul.f32 v29, v14;
	[tilespmem:v56+s3+$0x0] =	vst.idx.msk $0xffff, v28  }
0x3e7: {  	v31 =	vsub.f32 v54, v40;
	v61 =	vsub.f32 v55, v53;
	v62 =	vld [tilespmem:s20+$0xFFFFBF30]  }
0x3e8: {  	v27 =	vadd.f32 v29, v27;
	v41 =	vld [tilespmem:s20+$0xFFFFBF70]  }
0x3e9: {  	v31 =	vmul.f32 v31, v17;
	v28 =	vmul.f32 v61, v17;
	v63 =	vld [tilespmem:s20+$0xFFFFFF30];
	v34 =	vsub.f32 v59, v30  }
0x3ea: {  	v23 =	vadd.f32 v24, v23;
	v48 =	vld [tilespmem:s20+$0xFFFFFF70];
	[tilespmem:v45+s3+$0x0] =	vst.idx.msk $0xffff, v27;
	v42 =	vsub.f32 v60, v58  }
0x3eb: {  	v31 =	vadd.f32 v31, v40;
	v28 =	vadd.f32 v28, v53;
	v52 =	vld [tilespmem:s20+$0xFFFFBE30];
	v50 =	vmul.f32 v34, v18  }
0x3ec: {  	v38 =	vsub.f32 v38, v36;
	v33 =	vsub.f32 v33, v39;
	v54 =	vld [tilespmem:s20+$0xFFFFBE70];
	v53 =	vmul.f32 v42, v18  }
0x3ed: {  	v55 =	vld [tilespmem:s20+$0xFFFFFE30];
	v28 =	vsub.f32 v28, v31;
	v27 =	vadd.f32 v50, v30  }
0x3ee: {  	v56 =	vor.u32 s19, v2;
	v45 =	vld [tilespmem:s20+$0xFFFFFE70];
	v29 =	vsub.f32 v63, v62;
	v32 =	vadd.f32 v53, v58  }
0x3ef: {  	v38 =	vmul.f32 v38, v10;
	v37 =	vld [tilespmem:s17+$0xFFFFBE80];
	v28 =	vmul.f32 v28, v21;
	v40 =	vsub.f32 v48, v41  }
0x3f0: {  	v57 =	vld [tilespmem:s17+$0xFFFFFF80];
	v47 =	vmul.f32 v33, v10;
	v29 =	vmul.f32 v29, v16;
	v32 =	vsub.f32 v32, v27  }
0x3f1: {  	v43 =	vld [tilespmem:s17+$0xFFFFBF80];
	v59 =	vor.u32 s8, v2;
	v28 =	vadd.f32 v28, v31;
	v58 =	vmul.f32 v40, v16  }
0x3f2: {  	v61 =	vld [tilespmem:s17+$0xFFFFFE80];
	v34 =	vsub.f32 v55, v52;
	v29 =	vadd.f32 v29, v62;
	v32 =	vmul.f32 v32, v20  }
0x3f3: {  	v60 =	vld [tilespmem:s17+$0xFFFFFE40];
	v31 =	vadd.f32 v58, v41;
	[tilespmem:v56+s3+$0x0] =	vst.idx.msk $0xffff, v28;
	v62 =	vsub.f32 v45, v54  }
0x3f4: {  	v36 =	vadd.f32 v38, v36;
	v10 =	vadd.f32 v47, v39;
	v34 =	vmul.f32 v34, v15;
	v42 =	vld [tilespmem:s20+$0xFFFFBFC0]  }
0x3f5: {  	v45 =	vld [tilespmem:s20+$0xFFFFFFC0];
	v27 =	vadd.f32 v32, v27;
	v31 =	vsub.f32 v31, v29;
	v32 =	vmul.f32 v62, v15  }
0x3f6: {  	v63 =	vor.u32 s18, v2;
	v48 =	vsub.f32 v49, v44;
	v26 =	vadd.f32 v34, v52;
	v49 =	vld [tilespmem:s20+$0x0]  }
0x3f7: {  	[tilespmem:v59+s3+$0x0] =	vst.idx.msk $0xffff, v27;
	v27 =	vld [tilespmem:s20+$0xFFFFC000];
	v31 =	vmul.f32 v31, v19;
	v30 =	vadd.f32 v32, v54  }
0x3f8: {  	v10 =	vsub.f32 v10, v36;
	v25 =	vsub.f32 v57, v43;
	v50 =	vld [tilespmem:s20+$0xFFFFBEC0]  }
0x3f9: {  	v51 =	vld [tilespmem:s20+$0xFFFFBF00];
	v29 =	vadd.f32 v31, v29;
	v30 =	vsub.f32 v30, v26  }
0x3fa: {  	v10 =	vmul.f32 v10, v11;
	v53 =	vor.u32 s4, v2;
	v28 =	vsub.f32 v61, v37;
	v54 =	vld [tilespmem:s20+$0xFFFFFEC0]  }
0x3fb: {  	v52 =	vsub.f32 v60, v46;
	v57 =	vld [tilespmem:s20+$0xFFFFFF00];
	[tilespmem:v63+s3+$0x0] =	vst.idx.msk $0xffff, v29;
	v56 =	vmul.f32 v30, v14  }
0x3fc: {  	v10 =	vadd.f32 v10, v36;
	v55 =	vmul.f32 v25, v13;
	v33 =	vmul.f32 v48, v13;
	v58 =	vld [tilespmem:s20+$0xFFFFBF40]  }
0x3fd: {  	v38 =	vmul.f32 v52, v8;
	v8 =	vmul.f32 v28, v8;
	v61 =	vld [tilespmem:s20+$0xFFFFBF80];
	v60 =	vadd.f32 v56, v26  }
0x3fe: {  	v33 =	vadd.f32 v33, v44;
	v59 =	vadd.f32 v55, v43;
	v63 =	vld [tilespmem:s20+$0xFFFFFF40]  }
0x3ff: {  	v62 =	vadd.f32 v38, v46;
	v8 =	vadd.f32 v8, v37;
	v36 =	vld [tilespmem:s20+$0xFFFFFF80];
	[tilespmem:v53+s3+$0x0] =	vst.idx.msk $0xffff, v60  }
0x400: {  	v11 =	vsub.f32 v59, v33;
	v40 =	vsub.f32 v45, v42;
	v38 =	vld [tilespmem:s20+$0xFFFFBE40]  }
0x401: {  	v8 =	vsub.f32 v8, v62;
	v32 =	vsub.f32 v49, v27;
	v41 =	vld [tilespmem:s20+$0xFFFFBE80]  }
0x402: {  	v11 =	vmul.f32 v11, v12;
	v29 =	vmul.f32 v40, v17;
	v43 =	vsub.f32 v54, v50;
	v44 =	vld [tilespmem:s20+$0xFFFFFE40]  }
0x403: {  	v8 =	vmul.f32 v8, v9;
	v30 =	vsub.f32 v57, v51;
	v45 =	vmul.f32 v32, v17;
	v46 =	vld [tilespmem:s20+$0xFFFFFE80]  }
0x404: {  	v11 =	vadd.f32 v11, v33;
	v47 =	vadd.f32 v29, v42;
	v9 =	vmul.f32 v43, v18  }
0x405: {  	v8 =	vadd.f32 v8, v62;
	v48 =	vmul.f32 v30, v18;
	v17 =	vadd.f32 v45, v27  }
0x406: {  	v9 =	vadd.f32 v9, v50;
	v49 =	vsub.f32 v63, v58  }
0x407: {  	v55 =	vor.u32 s11, v3;
	v13 =	vsub.f32 v36, v61;
	v18 =	vadd.f32 v48, v51  }
0x408: {  	v50 =	vor.u32 s15, v3;
	v12 =	vsub.f32 v44, v38;
	v52 =	vsub.f32 v46, v41  }
0x409: {  	v17 =	vsub.f32 v17, v47;
	v27 =	vmul.f32 v49, v16;
	v13 =	vmul.f32 v13, v16  }
0x40a: {  	v53 =	vsub.f32 v18, v9;
	v12 =	vmul.f32 v12, v15;
	v54 =	vmul.f32 v52, v15  }
0x40b: {  	v51 =	vor.u32 s16, v3;
	v27 =	vadd.f32 v27, v58;
	v13 =	vadd.f32 v13, v61  }
0x40c: {  	v56 =	vor.u32 s19, v3;
	v12 =	vadd.f32 v12, v38;
	v15 =	vadd.f32 v54, v41  }
0x40d: {  	[tilespmem:v22+s3+$0x0] =	vst.idx.msk $0xffff, v23;
	v57 =	vor.u32 s8, v3;
	v17 =	vmul.f32 v17, v21;
	v13 =	vsub.f32 v13, v27  }
0x40e: {  	v59 =	vor.u32 s18, v3;
	[tilespmem:v55+s3+$0x0] =	vst.idx.msk $0xffff, v8;
	v58 =	vmul.f32 v53, v20;
	v15 =	vsub.f32 v15, v12  }
0x40f: {  	p0 =	seq.s32 s6, $0x1F;
	v61 =	vor.u32 s4, v3;
	[tilespmem:v50+s3+$0x0] =	vst.idx.msk $0xffff, v10;
	v60 =	vadd.f32 v17, v47;
	v13 =	vmul.f32 v13, v19  }
.Ltmp3:
0x410: {  	[tilespmem:v51+s3+$0x0] =	vst.idx.msk $0xffff, v11;
	v8 =	vadd.f32 v58, v9;
	v62 =	vmul.f32 v15, v14;
	(pc) =	sbr.rel @p0 .LBB2_10-.Ltmp3, $4  }
0x411: {  	[tilespmem:v56+s3+$0x0] =	vst.idx.msk $0xffff, v60;
	v63 =	vadd.f32 v13, v27  }
0x412: {  	[tilespmem:v57+s3+$0x0] =	vst.idx.msk $0xffff, v8;
	v8 =	vadd.f32 v62, v12  }
0x413: {  	[tilespmem:v59+s3+$0x0] =	vst.idx.msk $0xffff, v63  }
0x414: {  	[tilespmem:v61+s3+$0x0] =	vst.idx.msk $0xffff, v8  }
0x415: {  	s4 =	rddreg [dreg:$0x6]  }
0x416: {  	s4 =	sadd.s32 s12, s4  }
0x417: {  	s4 =	sshll.u32 s4, $0x5  }
0x418: {  	s8 =	sadd.s32 s0, s4  }
0x419: {  	[tilespmem:s2], [sflag:$0x5] =	stream.linear.gather [hbm4b:s8+s2], $0x80, $0x38;
	[tilespmem:$0x18600] =	vst v63  }
0x41a: {  	_ =	swait.ge [sflag:s13], $0x80  }
0x41b: {  	[sflag:s13] =	ssyncset.done $0x0  }
0x41c: {  	s4 =	sadd.s32 s4, s7;
	[sflag:s13] =	ssyncadd.s32 $0xFFFFFF80  }
0x41d: {  	[tilespmem:s14], [sflag:$0x5] =	stream.linear.gather [hbm4b:s4+s2], $0x80, $0x38;
	[tilespmem:$0x18600] =	vst v63  }
0x41e: {  	_ =	swait.ge [sflag:s13], $0x80  }
0x41f: {  	[sflag:s13] =	ssyncset.done $0x0  }
0x420: {  	[sflag:s13] =	ssyncadd.s32 $0xFFFFFF80  }
0x421: {  	v8 =	vld [tilespmem:$0x0]  }
0x422: {  	v9 =	vld [tilespmem:$0x80]  }
0x423: {  	v10 =	vld [tilespmem:$0x10]  }
0x424: {  	v12 =	vld [tilespmem:$0x90]  }
0x425: {  	v18 =	vld [tilespmem:$0xA0];
	_ =	sdelay $0x1  }
0x426: {  	v11 =	vtrunc.f32 v8  }
0x427: {  	v13 =	vtrunc.f32 v9;
	v17 =	vtrunc.f32 v10  }
0x428: {  	v61 =	vtrunc.f32 v12;
	v11 =	vcvt.f32.s32 v11  }
0x429: {  	v25 =	vtrunc.f32 v18;
	v13 =	vcvt.f32.s32 v13  }
0x42a: {  	v60 =	vcvt.f32.s32 v17;
	v14 =	vcvt.s32.f32 v11;
	v11 =	vshll.u32 v11, $0xA  }
0x42b: {  	v15 =	vld [tilespmem:$0x20];
	v62 =	vcvt.f32.s32 v61;
	v26 =	vcvt.f32.s32 v25;
	v11 =	vadd.s32 v13, v11  }
0x42c: {  	v21 =	vld [tilespmem:$0x30];
	v16 =	vcvt.s32.f32 v13;
	v13 =	vshll.u32 v60, $0xA;
	[tilespmem:$0x100] =	vst v11;
	v11 =	vadd.s32 $0x400, v11  }
0x42d: {  	v19 =	vld [tilespmem:$0xB0];
	v63 =	vcvt.s32.f32 v60;
	v8 =	vsub.f32 v8, v14;
	v23 =	vadd.s32 v62, v13;
	[tilespmem:$0x180] =	vst v11  }
0x42e: {  	v28 =	vld [tilespmem:$0x40];
	v9 =	vsub.f32 v9, v16;
	[tilespmem:$0x110] =	vst v23  }
0x42f: {  	v31 =	vld [tilespmem:$0xC0];
	v29 =	vcvt.s32.f32 v26;
	v10 =	vsub.f32 v10, v63;
	[tilespmem:$0x200] =	vst v8  }
0x430: {  	v22 =	vtrunc.f32 v15;
	v8 =	vcvt.s32.f32 v62;
	[tilespmem:$0x280] =	vst v9  }
0x431: {  	v24 =	vcvt.f32.s32 v22;
	v9 =	vadd.s32 $0x400, v23;
	[tilespmem:$0x210] =	vst v10;
	v10 =	vsub.f32 v18, v29  }
0x432: {  	v30 =	vtrunc.f32 v21;
	v33 =	vtrunc.f32 v19;
	[tilespmem:$0x190] =	vst v9;
	v8 =	vsub.f32 v12, v8  }
0x433: {  	v36 =	vtrunc.f32 v28;
	v27 =	vcvt.s32.f32 v24;
	v13 =	vshll.u32 v24, $0xA;
	[tilespmem:$0x2A0] =	vst v10  }
0x434: {  	v34 =	vld [tilespmem:$0x50];
	v40 =	vtrunc.f32 v31;
	v32 =	vcvt.f32.s32 v30;
	[tilespmem:$0x290] =	vst v8;
	v8 =	vadd.s32 v26, v13  }
0x435: {  	v37 =	vld [tilespmem:$0xD0];
	v9 =	vsub.f32 v15, v27;
	v13 =	vcvt.f32.s32 v33;
	[tilespmem:$0x120] =	vst v8;
	v8 =	vadd.s32 $0x400, v8  }
0x436: {  	v41 =	vld [tilespmem:$0x60];
	v39 =	vcvt.f32.s32 v36;
	v11 =	vshll.u32 v32, $0xA;
	[tilespmem:$0x1A0] =	vst v8;
	v8 =	vcvt.s32.f32 v32  }
0x437: {  	v47 =	vld [tilespmem:$0xE0];
	[tilespmem:$0x220] =	vst v9;
	v35 =	vcvt.s32.f32 v13;
	v38 =	vadd.s32 v13, v11;
	v13 =	vcvt.f32.s32 v40  }
0x438: {  	v11 =	vshll.u32 v39, $0xA;
	[tilespmem:$0x130] =	vst v38;
	v10 =	vadd.s32 $0x400, v38  }
0x439: {  	v42 =	vcvt.s32.f32 v39;
	v8 =	vsub.f32 v21, v8;
	[tilespmem:$0x1B0] =	vst v10;
	v44 =	vadd.s32 v13, v11  }
0x43a: {  	v43 =	vtrunc.f32 v34;
	v46 =	vtrunc.f32 v37;
	v9 =	vsub.f32 v19, v35;
	[tilespmem:$0x140] =	vst v44  }
0x43b: {  	v55 =	vld [tilespmem:$0xF0];
	v45 =	vcvt.f32.s32 v43;
	v48 =	vcvt.f32.s32 v46;
	v10 =	vsub.f32 v28, v42;
	[tilespmem:$0x230] =	vst v8  }
0x43c: {  	v50 =	vtrunc.f32 v41;
	v56 =	vtrunc.f32 v47;
	[tilespmem:$0x2B0] =	vst v9  }
0x43d: {  	v51 =	vshll.u32 v45, $0xA;
	v54 =	vcvt.s32.f32 v48;
	v9 =	vadd.s32 $0x400, v44;
	[tilespmem:$0x240] =	vst v10  }
0x43e: {  	v52 =	vcvt.f32.s32 v50;
	v58 =	vcvt.f32.s32 v56;
	v10 =	vadd.s32 v48, v51;
	[tilespmem:$0x1C0] =	vst v9  }
0x43f: {  	v53 =	vld [tilespmem:$0x70];
	v8 =	vcvt.s32.f32 v13;
	[tilespmem:$0x150] =	vst v10;
	v10 =	vadd.s32 $0x400, v10;
	v9 =	vsub.f32 v37, v54  }
0x440: {  	v61 =	vtrunc.f32 v55;
	v11 =	vshll.u32 v52, $0xA;
	[tilespmem:$0x1D0] =	vst v10  }
0x441: {  	v49 =	vcvt.s32.f32 v45;
	v8 =	vsub.f32 v31, v8;
	v10 =	vadd.s32 v58, v11;
	[tilespmem:$0x2D0] =	vst v9  }
0x442: {  	v59 =	vcvt.s32.f32 v58;
	v62 =	vcvt.f32.s32 v61;
	[tilespmem:$0x160] =	vst v10  }
0x443: {  	v57 =	vcvt.s32.f32 v52;
	v10 =	vadd.s32 $0x400, v10;
	[tilespmem:$0x2C0] =	vst v8;
	v8 =	vsub.f32 v34, v49  }
0x444: {  	v60 =	vtrunc.f32 v53;
	v9 =	vsub.f32 v47, v59;
	[tilespmem:$0x1E0] =	vst v10;
	v10 =	vcvt.s32.f32 v62  }
0x445: {  	v11 =	vcvt.f32.s32 v60;
	[tilespmem:$0x250] =	vst v8;
	v8 =	vsub.f32 v41, v57  }
0x446: {  	[tilespmem:$0x2E0] =	vst v9;
	v10 =	vsub.f32 v55, v10  }
0x447: {  	[tilespmem:$0x260] =	vst v8;
	v8 =	vcvt.s32.f32 v11;
	v11 =	vshll.u32 v11, $0xA  }
0x448: {  	[tilespmem:$0x2F0] =	vst v10;
	v63 =	vadd.s32 v62, v11  }
0x449: {  	v8 =	vsub.f32 v53, v8;
	[tilespmem:$0x170] =	vst v63;
	v9 =	vadd.s32 $0x400, v63  }
0x44a: {  	[tilespmem:$0x1F0] =	vst v9  }
0x44b: {  	s19 =	simm.s32 $0x100;
	s20 =	simm.s32 $0x300;
	[tilespmem:$0x270] =	vst v8  }
0x44c: {  	[tilespmem:s20], [sflag:$0x1] =	stream.indirect.gather [hbm4b:s5+s14], $0x80, s19, s14, $0xb8;
	[tilespmem:$0x18600] =	vst v63  }
0x44d: {  	s21 =	simm.s32 $0x180;
	s22 =	simm.s32 $0x4300  }
0x44e: {  	[tilespmem:s22], [sflag:$0x1] =	stream.indirect.gather [hbm4b:s5+s14], $0x80, s21, s14, $0xb8;
	[tilespmem:$0x18600] =	vst v63  }
.LBB2_10:
0x44f: {  	_ =	swait.ge [sflag:s29], $0x4000;
	s4 =	simm.s32 $0x0  }
0x450: {  	s15 =	simm.s32 $0x1;
	[sflag:s29] =	ssyncset.done $0x0;
	v9 =	vmov s4  }
0x451: {  	v11 =	vmov s15;
	[sflag:s29] =	ssyncadd.s32 $0xFFFFC000  }
0x452: {  	_ =	swait.ge [sflag:s29], $0x4000  }
0x453: {  	[sflag:s29] =	ssyncset.done $0x0  }
0x454: {  	[sflag:s29] =	ssyncadd.s32 $0xFFFFC000  }
0x455: {  	s16 =	simm.s32 $0x3;
	v8 =	vld.idx.msk [tilespmem:v9+s30+$0x0], $0xffff  }
0x456: {  	s11 =	simm.s32 $0xC7F0;
	v12 =	vmov s16;
	v10 =	vld.idx.msk [tilespmem:v11+s30+$0x0], $0xffff  }
0x457: {  	v13 =	vld [tilespmem:s11+$0xFFFFBF90]  }
0x458: {  	v14 =	vld [tilespmem:s11+$0xFFFFBFD0]  }
0x459: {  	v15 =	vld [tilespmem:s11+$0xFFFFFF90]  }
0x45a: {  	v16 =	vld [tilespmem:s11+$0xFFFFFFD0]  }
0x45b: {  	v20 =	vld.idx.msk [tilespmem:v12+s30+$0x0], $0xffff  }
0x45c: {  	v17 =	vld [tilespmem:s11+$0xFFFFBE10];
	v12 =	vor.u32 $0x80, v12  }
0x45d: {  	v19 =	vld [tilespmem:s11+$0xFFFFFE10]  }
0x45e: {  	v18 =	vld [tilespmem:s11+$0xFFFFBE50]  }
0x45f: {  	v22 =	vld [tilespmem:s11+$0xFFFFBE90];
	v15 =	vsub.f32 v15, v13;
	v16 =	vsub.f32 v16, v14  }
0x460: {  	v24 =	vld [tilespmem:s11+$0xFFFFFE90]  }
0x461: {  	s17 =	simm.s32 $0x83;
	v25 =	vld.idx.msk [tilespmem:v12+s30+$0x0], $0xffff;
	v12 =	vmul.f32 v15, v20;
	v15 =	vmul.f32 v16, v20  }
0x462: {  	v23 =	vmov s17;
	v21 =	vld [tilespmem:s11+$0xFFFFFE50];
	v19 =	vsub.f32 v19, v17  }
0x463: {  	s18 =	simm.s32 $0x2;
	v16 =	vld [tilespmem:s11+$0xFFFFBED0];
	v13 =	vadd.f32 v12, v13;
	v12 =	vadd.f32 v15, v14;
	v14 =	vand.u32 $0x7F, v23  }
0x464: {  	v19 =	vmul.f32 v19, v8;
	v15 =	vmov s18;
	v23 =	vld [tilespmem:s11+$0xFFFFFED0];
	v26 =	vbroadcast v14, $0x0  }
0x465: {  	v27 =	vor.u32 $0x80, v11;
	v28 =	vld [tilespmem:s11+$0xFFFFBF10];
	v14 =	vor.u32 $0x80, v9;
	v11 =	vsub.f32 v12, v13  }
0x466: {  	v31 =	vld [tilespmem:s11+$0xFFFFFF10];
	v17 =	vadd.f32 v19, v17;
	v19 =	vsub.f32 v24, v22;
	v29 =	vor.u32 v4, v26  }
0x467: {  	v24 =	vld [tilespmem:s11+$0xFFFFFF50];
	v12 =	vsub.f32 v21, v18;
	v11 =	vmul.f32 v11, v25  }
0x468: {  	v30 =	vor.u32 $0x80, v15;
	v9 =	vand.u32 $0x7C, v9;
	v21 =	vld [tilespmem:s11+$0xFFFFBF50];
	v19 =	vmul.f32 v19, v10  }
0x469: {  	v32 =	vmul.f32 v12, v8;
	v12 =	vld.idx.msk [tilespmem:v15+s30+$0x0], $0xffff;
	v15 =	vsub.f32 v23, v16;
	v23 =	vadd.f32 v11, v13  }
0x46a: {  	v9 =	vbroadcast v9, $0x0;
	v11 =	vld.idx.msk [tilespmem:v14+s30+$0x0], $0xffff  }
0x46b: {  	s19 =	simm.s32 $0x81;
	v19 =	vadd.f32 v19, v22;
	v13 =	vld.idx.msk [tilespmem:v27+s30+$0x0], $0xffff;
	v15 =	vmul.f32 v15, v10;
	[tilespmem:v29+s3+$0x0] =	vst.idx.msk $0xffff, v23  }
0x46c: {  	v22 =	vsub.f32 v31, v28;
	v14 =	vmov s19;
	v18 =	vadd.f32 v32, v18;
	v23 =	vld [tilespmem:s11+$0xFFFFBFA0]  }
0x46d: {  	v14 =	vand.u32 $0x7D, v14;
	v24 =	vsub.f32 v24, v21;
	v16 =	vadd.f32 v15, v16;
	v29 =	vld [tilespmem:s11+$0xFFFFBFE0]  }
0x46e: {  	v42 =	vor.u32 v4, v9;
	v18 =	vsub.f32 v18, v17;
	v15 =	vbroadcast v14, $0x0;
	v31 =	vld [tilespmem:s11+$0xFFFFFFA0]  }
0x46f: {  	s20 =	simm.s32 $0x82;
	v33 =	vld [tilespmem:s11+$0xFFFFFFE0];
	v22 =	vmul.f32 v22, v12;
	v24 =	vmul.f32 v24, v12;
	v16 =	vsub.f32 v16, v19  }
0x470: {  	v27 =	vmov s20;
	v14 =	vld.idx.msk [tilespmem:v30+s30+$0x0], $0xffff;
	v30 =	vor.u32 v4, v15;
	v18 =	vmul.f32 v18, v11  }
0x471: {  	v22 =	vadd.f32 v22, v28;
	v21 =	vadd.f32 v24, v21;
	v28 =	vmul.f32 v16, v13  }
0x472: {  	v27 =	vand.u32 $0x7E, v27;
	v17 =	vadd.f32 v18, v17  }
0x473: {  	v16 =	vbroadcast v27, $0x0;
	v18 =	vadd.f32 v28, v19;
	v19 =	vsub.f32 v21, v22  }
0x474: {  	v24 =	vsub.f32 v33, v29;
	[tilespmem:v42+s3+$0x0] =	vst.idx.msk $0xffff, v17;
	v17 =	vsub.f32 v31, v23  }
0x475: {  	v21 =	vor.u32 v4, v16;
	v27 =	vld [tilespmem:s11+$0xFFFFBE20];
	[tilespmem:v30+s3+$0x0] =	vst.idx.msk $0xffff, v18;
	v18 =	vmul.f32 v19, v14  }
0x476: {  	v24 =	vmul.f32 v24, v20;
	v32 =	vld [tilespmem:s11+$0xFFFFBE60];
	v17 =	vmul.f32 v17, v20  }
0x477: {  	v43 =	vld [tilespmem:s11+$0xFFFFFE20];
	v18 =	vadd.f32 v18, v22  }
0x478: {  	v19 =	vld [tilespmem:s11+$0xFFFFBEA0];
	v17 =	vadd.f32 v17, v23;
	v23 =	vadd.f32 v24, v29  }
0x479: {  	v22 =	vld [tilespmem:s11+$0xFFFFFEA0]  }
0x47a: {  	v28 =	vld [tilespmem:s11+$0xFFFFBEE0];
	[tilespmem:v21+s3+$0x0] =	vst.idx.msk $0xffff, v18;
	v21 =	vsub.f32 v23, v17  }
0x47b: {  	v24 =	vld [tilespmem:s11+$0xFFFFFEE0];
	v29 =	vor.u32 v5, v26  }
0x47c: {  	v18 =	vld [tilespmem:s11+$0xFFFFBF20];
	v21 =	vmul.f32 v21, v25  }
0x47d: {  	v23 =	vld [tilespmem:s11+$0xFFFFBF60]  }
0x47e: {  	v30 =	vld [tilespmem:s11+$0xFFFFFF20];
	v22 =	vsub.f32 v22, v19;
	v17 =	vadd.f32 v21, v17  }
0x47f: {  	v31 =	vld [tilespmem:s11+$0xFFFFFF60]  }
0x480: {  	v34 =	vld [tilespmem:s11+$0xFFFFFE60];
	v21 =	vsub.f32 v24, v28;
	v22 =	vmul.f32 v22, v10;
	[tilespmem:v29+s3+$0x0] =	vst.idx.msk $0xffff, v17  }
0x481: {  	v29 =	vld [tilespmem:s11+$0xFFFFBFB0]  }
0x482: {  	v17 =	vmul.f32 v21, v10;
	v19 =	vadd.f32 v22, v19;
	v22 =	vld [tilespmem:s11+$0xFFFFBFF0]  }
0x483: {  	s8 =	simm.s32 $0x4;
	v33 =	vsub.f32 v43, v27;
	v21 =	vsub.f32 v30, v18;
	v35 =	vld [tilespmem:s11+$0xFFFFFFF0]  }
0x484: {  	s12 =	simm.s32 $0x6;
	v24 =	vmov s8;
	v31 =	vsub.f32 v31, v23;
	v17 =	vadd.f32 v17, v28;
	v28 =	vld [tilespmem:s11+$0xFFFFFFB0]  }
0x485: {  	v37 =	vmov s12;
	v30 =	vor.u32 $0x80, v24;
	v21 =	vmul.f32 v21, v12  }
0x486: {  	v33 =	vmul.f32 v33, v8;
	v31 =	vmul.f32 v31, v12;
	v17 =	vsub.f32 v17, v19  }
0x487: {  	v39 =	vor.u32 v5, v15;
	v34 =	vsub.f32 v34, v32;
	v38 =	vadd.f32 v21, v18  }
0x488: {  	v21 =	vmul.f32 v17, v13;
	v17 =	vadd.f32 v31, v23;
	v23 =	vadd.f32 v33, v27  }
0x489: {  	v27 =	vsub.f32 v28, v29;
	v28 =	vsub.f32 v35, v22  }
0x48a: {  	v31 =	vmul.f32 v34, v8;
	v44 =	vsub.f32 v17, v38;
	v17 =	vld.idx.msk [tilespmem:v30+s30+$0x0], $0xffff;
	v30 =	vadd.f32 v21, v19  }
0x48b: {  	v45 =	vor.u32 v5, v16;
	v18 =	vld.idx.msk [tilespmem:v24+s30+$0x0], $0xffff;
	v27 =	vmul.f32 v27, v20;
	v28 =	vmul.f32 v28, v20  }
0x48c: {  	v31 =	vadd.f32 v31, v32;
	v19 =	vld.idx.msk [tilespmem:v37+s30+$0x0], $0xffff;
	v46 =	vmul.f32 v44, v14;
	[tilespmem:v39+s3+$0x0] =	vst.idx.msk $0xffff, v30  }
0x48d: {  	v30 =	vld [tilespmem:s11+$0xFFFFBEB0];
	v27 =	vadd.f32 v27, v29;
	v22 =	vadd.f32 v28, v22  }
0x48e: {  	v28 =	vsub.f32 v31, v23;
	v31 =	vld [tilespmem:s11+$0xFFFFBEF0];
	v29 =	vadd.f32 v46, v38  }
0x48f: {  	v47 =	vor.u32 v5, v9;
	v48 =	vld [tilespmem:s11+$0xFFFFFEB0]  }
0x490: {  	v22 =	vsub.f32 v22, v27;
	v28 =	vmul.f32 v28, v11;
	[tilespmem:v45+s3+$0x0] =	vst.idx.msk $0xffff, v29;
	v29 =	vld [tilespmem:s11+$0xFFFFFEF0]  }
0x491: {  	v49 =	vor.u32 v6, v26;
	v50 =	vld [tilespmem:s11+$0xFFFFBF30]  }
0x492: {  	v22 =	vmul.f32 v22, v25;
	v23 =	vadd.f32 v28, v23;
	v28 =	vld [tilespmem:s11+$0xFFFFBF70]  }
0x493: {  	v51 =	vld [tilespmem:s11+$0xFFFFFF30]  }
0x494: {  	v22 =	vadd.f32 v22, v27;
	[tilespmem:v47+s3+$0x0] =	vst.idx.msk $0xffff, v23;
	v23 =	vld [tilespmem:s11+$0xFFFFFF70]  }
0x495: {  	v32 =	vld [tilespmem:s11+$0xFFFFBE30]  }
0x496: {  	v56 =	vld [tilespmem:s11+$0xFFFFFE30];
	[tilespmem:v49+s3+$0x0] =	vst.idx.msk $0xffff, v22  }
0x497: {  	s21 =	simm.s32 $0x5;
	v22 =	vsub.f32 v48, v30;
	v27 =	vsub.f32 v29, v31;
	v29 =	vld [tilespmem:s11+$0xFFFFBFC0]  }
0x498: {  	v36 =	vmov s21;
	v52 =	vld [tilespmem:s11+$0xFFFFC000]  }
0x499: {  	v54 =	vld [tilespmem:s11+$0xFFFFFFC0];
	v38 =	vsub.f32 v51, v50;
	v22 =	vmul.f32 v22, v10;
	v27 =	vmul.f32 v27, v10  }
0x49a: {  	v53 =	vor.u32 $0x80, v36;
	v37 =	vor.u32 $0x80, v37;
	v55 =	vld [tilespmem:s11+$0x0];
	v23 =	vsub.f32 v23, v28  }
0x49b: {  	v42 =	vld [tilespmem:s11+$0xFFFFFE70];
	v40 =	vadd.f32 v22, v30;
	v22 =	vadd.f32 v27, v31;
	v27 =	vmul.f32 v38, v12  }
0x49c: {  	v31 =	vld [tilespmem:s11+$0xFFFFBE70];
	v30 =	vmul.f32 v23, v12  }
0x49d: {  	s22 =	simm.s32 $0x7;
	s4 =	simm.s32 $0xC9F0;
	v59 =	vor.u32 v6, v15;
	v21 =	vld.idx.msk [tilespmem:v36+s30+$0x0], $0xffff;
	v35 =	vadd.f32 v27, v50  }
0x49e: {  	v43 =	vmov s22;
	v36 =	vld [tilespmem:s4+$0xFFFFFF90];
	v57 =	vsub.f32 v54, v29;
	v27 =	vadd.f32 v30, v28  }
0x49f: {  	v44 =	vor.u32 v6, v16;
	v61 =	vsub.f32 v56, v32;
	v23 =	vld.idx.msk [tilespmem:v53+s30+$0x0], $0xffff;
	v58 =	vsub.f32 v55, v52  }
0x4a0: {  	v41 =	vsub.f32 v22, v40;
	v22 =	vld.idx.msk [tilespmem:v37+s30+$0x0], $0xffff;
	v60 =	vsub.f32 v27, v35;
	v27 =	vmul.f32 v57, v20  }
0x4a1: {  	v37 =	vld [tilespmem:s4+$0xFFFFFFD0];
	v34 =	vmul.f32 v61, v8;
	v20 =	vmul.f32 v58, v20;
	v62 =	vsub.f32 v42, v31  }
0x4a2: {  	v28 =	vld [tilespmem:s4+$0xFFFFBF90];
	v41 =	vmul.f32 v41, v13;
	v27 =	vadd.f32 v27, v29;
	v29 =	vmul.f32 v60, v14  }
0x4a3: {  	v30 =	vld [tilespmem:s4+$0xFFFFBFD0];
	v32 =	vadd.f32 v34, v32;
	v33 =	vadd.f32 v20, v52;
	v38 =	vmul.f32 v62, v8  }
0x4a4: {  	v34 =	vld [tilespmem:s4+$0xFFFFBE50];
	v40 =	vadd.f32 v41, v40;
	v29 =	vadd.f32 v29, v35  }
0x4a5: {  	v20 =	vld.idx.msk [tilespmem:v43+s30+$0x0], $0xffff;
	v63 =	vsub.f32 v33, v27;
	v33 =	vadd.f32 v38, v31;
	v38 =	vor.u32 $0x80, v43  }
0x4a6: {  	v26 =	vor.u32 v7, v26;
	[tilespmem:v59+s3+$0x0] =	vst.idx.msk $0xffff, v40;
	v35 =	vld [tilespmem:s4+$0xFFFFBE10]  }
0x4a7: {  	s12 =	simm.s32 $0x8;
	v31 =	vld [tilespmem:s4+$0xFFFFFE10];
	[tilespmem:v44+s3+$0x0] =	vst.idx.msk $0xffff, v29;
	v29 =	vmul.f32 v63, v25  }
.LBB2_11:
0x4a8: {  	p0 =	slt.u32 s12, $0x7C;
	v39 =	vld [tilespmem:s4+$0xFFFFFE50];
	v36 =	vsub.f32 v36, v28;
	v37 =	vsub.f32 v37, v30  }
0x4a9: {  	v33 =	vsub.f32 v33, v32;
	v40 =	vld [tilespmem:s4+$0xFFFFBE90];
	v27 =	vadd.f32 v29, v27  }
0x4aa: {  	s15 =	sadd.s32 $0x83, s8;
	v25 =	vld.idx.msk [tilespmem:v38+s30+$0x0], $0xffff;
	v29 =	vmul.f32 v36, v20;
	v36 =	vmul.f32 v37, v20  }
0x4ab: {  	v41 =	vor.u32 v6, v9;
	v38 =	vmov s15;
	v33 =	vmul.f32 v33, v11;
	v37 =	vld [tilespmem:s4+$0xFFFFBED0];
	[tilespmem:v26+s3+$0x0] =	vst.idx.msk $0xffff, v27  }
0x4ac: {  	v26 =	vand.u32 $0x7F, v38;
	v27 =	vld [tilespmem:s4+$0xFFFFFE90];
	v28 =	vadd.f32 v29, v28;
	v29 =	vadd.f32 v36, v30  }
0x4ad: {  	v30 =	vsub.f32 v31, v35;
	v26 =	vbroadcast v26, $0x0;
	v31 =	vsub.f32 v39, v34;
	v36 =	vld [tilespmem:s4+$0xFFFFFED0]  }
0x4ae: {  	v32 =	vadd.f32 v33, v32;
	v38 =	vld [tilespmem:s4+$0xFFFFBF10];
	v29 =	vsub.f32 v29, v28  }
0x4af: {  	v30 =	vmul.f32 v30, v18;
	v39 =	vor.u32 v4, v26;
	v31 =	vmul.f32 v31, v18;
	v33 =	vld [tilespmem:s4+$0xFFFFBF50]  }
0x4b0: {  	v42 =	vld [tilespmem:s4+$0xFFFFFF10];
	v29 =	vmul.f32 v29, v25;
	[tilespmem:v41+s3+$0x0] =	vst.idx.msk $0xffff, v32  }
0x4b1: {  	v24 =	vand.u32 $0x7C, v24;
	s15 =	sadd.s32 $0x81, s8;
	v30 =	vadd.f32 v30, v35;
	v27 =	vsub.f32 v27, v40;
	v32 =	vld [tilespmem:s4+$0xFFFFFF50]  }
0x4b2: {  	v35 =	vmov s15;
	s15 =	sadd.s32 $0x82, s8;
	s8 =	smov.u32 s12;
	v36 =	vsub.f32 v36, v37;
	v28 =	vadd.f32 v29, v28;
	v29 =	vld [tilespmem:s11+$0xFFFFBEC0]  }
0x4b3: {  	v31 =	vadd.f32 v31, v34;
	v41 =	vmov s15;
	v34 =	vmul.f32 v27, v21;
	v43 =	vld [tilespmem:s11+$0xFFFFBF00]  }
0x4b4: {  	v35 =	vand.u32 $0x7D, v35;
	v27 =	vbroadcast v24, $0x0;
	v24 =	vmul.f32 v36, v21;
	[tilespmem:v39+s3+$0x0] =	vst.idx.msk $0xffff, v28;
	v28 =	vld [tilespmem:s11+$0xFFFFFEC0]  }
0x4b5: {  	v39 =	vand.u32 $0x7E, v41;
	v34 =	vadd.f32 v34, v40;
	v36 =	vsub.f32 v42, v38;
	v40 =	vld [tilespmem:s4+$0xFFFFBFA0]  }
0x4b6: {  	v35 =	vbroadcast v35, $0x0;
	v24 =	vadd.f32 v24, v37;
	v32 =	vsub.f32 v32, v33;
	v37 =	vld [tilespmem:s4+$0xFFFFBFE0]  }
0x4b7: {  	v31 =	vsub.f32 v31, v30;
	v41 =	vor.u32 v4, v27;
	v36 =	vmul.f32 v36, v19;
	v42 =	vld [tilespmem:s4+$0xFFFFFFA0]  }
0x4b8: {  	v44 =	vor.u32 v4, v35;
	v24 =	vsub.f32 v24, v34;
	v32 =	vmul.f32 v32, v19;
	v45 =	vld [tilespmem:s4+$0xFFFFFFE0]  }
0x4b9: {  	v31 =	vmul.f32 v31, v17;
	v36 =	vadd.f32 v36, v38;
	v38 =	vld [tilespmem:s11+$0xFFFFFF00];
	v28 =	vsub.f32 v28, v29  }
0x4ba: {  	v24 =	vmul.f32 v24, v23;
	v32 =	vadd.f32 v32, v33;
	v33 =	vbroadcast v39, $0x0;
	v39 =	vld [tilespmem:s11+$0xFFFFBF40]  }
0x4bb: {  	v30 =	vadd.f32 v31, v30;
	v28 =	vmul.f32 v28, v10;
	v31 =	vld [tilespmem:s11+$0xFFFFBF80]  }
0x4bc: {  	v24 =	vadd.f32 v24, v34;
	v32 =	vsub.f32 v32, v36;
	v34 =	vor.u32 v4, v33;
	v46 =	vld [tilespmem:s11+$0xFFFFFF40]  }
0x4bd: {  	[tilespmem:v41+s3+$0x0] =	vst.idx.msk $0xffff, v30;
	v30 =	vsub.f32 v42, v40;
	v41 =	vsub.f32 v45, v37;
	v42 =	vld [tilespmem:s11+$0xFFFFFF80]  }
0x4be: {  	v45 =	vld [tilespmem:s4+$0xFFFFBE20];
	[tilespmem:v44+s3+$0x0] =	vst.idx.msk $0xffff, v24;
	v24 =	vmul.f32 v32, v22;
	v32 =	vsub.f32 v38, v43  }
0x4bf: {  	v28 =	vadd.f32 v28, v29;
	v38 =	vld [tilespmem:s4+$0xFFFFBEA0];
	v30 =	vmul.f32 v30, v20;
	v41 =	vmul.f32 v41, v20  }
0x4c0: {  	v29 =	vld [tilespmem:s4+$0xFFFFBEE0];
	v24 =	vadd.f32 v24, v36;
	v32 =	vmul.f32 v32, v10;
	v10 =	vmov v21  }
0x4c1: {  	v21 =	vld [tilespmem:s4+$0xFFFFFEA0];
	v30 =	vadd.f32 v30, v40;
	v36 =	vadd.f32 v41, v37  }
0x4c2: {  	v37 =	vld [tilespmem:s4+$0xFFFFFEE0];
	[tilespmem:v34+s3+$0x0] =	vst.idx.msk $0xffff, v24;
	v24 =	vsub.f32 v46, v39;
	v34 =	vsub.f32 v42, v31  }
0x4c3: {  	v32 =	vadd.f32 v32, v43;
	v40 =	vld [tilespmem:s4+$0xFFFFBF20];
	v36 =	vsub.f32 v36, v30  }
0x4c4: {  	v42 =	vor.u32 v5, v26;
	v41 =	vld [tilespmem:s4+$0xFFFFBF60];
	v24 =	vmul.f32 v24, v12;
	v34 =	vmul.f32 v34, v12;
	v12 =	vmovc v19  }
0x4c5: {  	v32 =	vsub.f32 v32, v28;
	v19 =	vld [tilespmem:s4+$0xFFFFFF20];
	v36 =	vmul.f32 v36, v25  }
0x4c6: {  	v44 =	vor.u32 v7, v15;
	v15 =	vmovc v35;
	v21 =	vsub.f32 v21, v38;
	v43 =	vld [tilespmem:s4+$0xFFFFFF60];
	v39 =	vadd.f32 v24, v39  }
0x4c7: {  	v32 =	vmul.f32 v32, v13;
	v13 =	vmovc v23;
	v35 =	vld [tilespmem:s4+$0xFFFFBE60];
	v37 =	vsub.f32 v37, v29;
	v30 =	vadd.f32 v36, v30  }
0x4c8: {  	v24 =	vmov s12;
	v31 =	vadd.f32 v34, v31;
	v23 =	vld [tilespmem:s4+$0xFFFFFE20];
	v21 =	vmul.f32 v21, v10  }
0x4c9: {  	s15 =	sadd.s32 $0x1, s12;
	v34 =	vor.u32 $0x80, v24;
	v28 =	vadd.f32 v32, v28;
	v36 =	vld [tilespmem:s4+$0xFFFFFE60];
	v37 =	vmul.f32 v37, v10;
	[tilespmem:v42+s3+$0x0] =	vst.idx.msk $0xffff, v30  }
0x4ca: {  	v30 =	vmov s15;
	s15 =	sadd.s32 $0x2, s12;
	v21 =	vadd.f32 v21, v38;
	v19 =	vsub.f32 v19, v40;
	v32 =	vld [tilespmem:s4+$0xFFFFBFB0]  }
0x4cb: {  	v38 =	vmov s15;
	v29 =	vadd.f32 v37, v29;
	v37 =	vsub.f32 v43, v41;
	v42 =	vld [tilespmem:s4+$0xFFFFBFF0];
	[tilespmem:v44+s3+$0x0] =	vst.idx.msk $0xffff, v28  }
0x4cc: {  	v31 =	vsub.f32 v31, v39;
	v43 =	vor.u32 v7, v16;
	v16 =	vmovc v33;
	v19 =	vmul.f32 v19, v12;
	v28 =	vld [tilespmem:s4+$0xFFFFFFB0]  }
0x4cd: {  	v23 =	vsub.f32 v23, v45;
	v29 =	vsub.f32 v29, v21;
	v33 =	vmul.f32 v37, v12;
	v37 =	vld [tilespmem:s4+$0xFFFFFFF0]  }
0x4ce: {  	v36 =	vsub.f32 v36, v35;
	v40 =	vadd.f32 v19, v40;
	v44 =	vld [tilespmem:s11+$0xFFFFBE40];
	v19 =	vmul.f32 v31, v14;
	v14 =	vmovc v22  }
0x4cf: {  	v22 =	vmul.f32 v23, v18;
	v23 =	vmul.f32 v29, v13;
	v29 =	vadd.f32 v33, v41;
	v31 =	vld [tilespmem:s11+$0xFFFFBE80]  }
0x4d0: {  	v33 =	vmul.f32 v36, v18;
	v36 =	vor.u32 v5, v15;
	v41 =	vld [tilespmem:s11+$0xFFFFFE40];
	v19 =	vadd.f32 v19, v39  }
0x4d1: {  	v39 =	vor.u32 v5, v16;
	v22 =	vadd.f32 v22, v45;
	v29 =	vsub.f32 v29, v40;
	v45 =	vld [tilespmem:s11+$0xFFFFFE80];
	s11 =	smov.u32 s4  }
0x4d2: {  	v28 =	vsub.f32 v28, v32;
	v46 =	vld.idx.msk [tilespmem:v24+s30+$0x0], $0xffff;
	v37 =	vsub.f32 v37, v42;
	[tilespmem:v43+s3+$0x0] =	vst.idx.msk $0xffff, v19  }
0x4d3: {  	v23 =	vadd.f32 v23, v21;
	v33 =	vadd.f32 v33, v35;
	v34 =	vld.idx.msk [tilespmem:v34+s30+$0x0], $0xffff;
	v29 =	vmul.f32 v29, v14  }
0x4d4: {  	v28 =	vmul.f32 v28, v20;
	v21 =	vld.idx.msk [tilespmem:v30+s30+$0x0], $0xffff;
	v35 =	vmul.f32 v37, v20  }
0x4d5: {  	v33 =	vsub.f32 v33, v22;
	v19 =	vld.idx.msk [tilespmem:v38+s30+$0x0], $0xffff;
	[tilespmem:v36+s3+$0x0] =	vst.idx.msk $0xffff, v23;
	v23 =	vadd.f32 v29, v40  }
0x4d6: {  	v29 =	vor.u32 v5, v27;
	v28 =	vadd.f32 v28, v32;
	v36 =	vld [tilespmem:s4+$0xFFFFBEB0];
	v32 =	vadd.f32 v35, v42  }
0x4d7: {  	v33 =	vmul.f32 v33, v17;
	v35 =	vld [tilespmem:s4+$0xFFFFBEF0];
	[tilespmem:v39+s3+$0x0] =	vst.idx.msk $0xffff, v23;
	v23 =	vsub.f32 v41, v44  }
0x4d8: {  	v39 =	vsub.f32 v45, v31;
	v37 =	vld [tilespmem:s4+$0xFFFFFEB0];
	v32 =	vsub.f32 v32, v28  }
0x4d9: {  	v40 =	vor.u32 v6, v26;
	v22 =	vadd.f32 v33, v22;
	v33 =	vld [tilespmem:s4+$0xFFFFFEF0];
	v23 =	vmul.f32 v23, v8  }
0x4da: {  	v39 =	vmul.f32 v39, v8;
	v8 =	vmovc v18;
	v18 =	vmov v46;
	v41 =	vld [tilespmem:s4+$0xFFFFBF30];
	v32 =	vmul.f32 v32, v25  }
0x4db: {  	[tilespmem:v29+s3+$0x0] =	vst.idx.msk $0xffff, v22;
	v22 =	vld [tilespmem:s4+$0xFFFFBF70];
	v23 =	vadd.f32 v23, v44  }
0x4dc: {  	v31 =	vadd.f32 v39, v31;
	v29 =	vld [tilespmem:s4+$0xFFFFFF30];
	v28 =	vadd.f32 v32, v28  }
0x4dd: {  	v32 =	vsub.f32 v37, v36;
	v37 =	vld [tilespmem:s4+$0xFFFFFF70]  }
0x4de: {  	v39 =	vld [tilespmem:s4+$0xFFFFBE30];
	v33 =	vsub.f32 v33, v35;
	[tilespmem:v40+s3+$0x0] =	vst.idx.msk $0xffff, v28;
	v28 =	vsub.f32 v31, v23  }
0x4df: {  	v31 =	vmul.f32 v32, v10;
	v32 =	vld [tilespmem:s4+$0xFFFFBFC0]  }
0x4e0: {  	v42 =	vor.u32 v7, v9;
	v9 =	vmovc v27;
	v33 =	vmul.f32 v33, v10;
	v40 =	vld [tilespmem:s4+$0xFFFFC000];
	v28 =	vmul.f32 v28, v11  }
0x4e1: {  	v27 =	vor.u32 $0x80, v30;
	v11 =	vmovc v17;
	v17 =	vmovc v34;
	v30 =	vadd.f32 v31, v36;
	v29 =	vsub.f32 v29, v41;
	v31 =	vld [tilespmem:s4+$0xFFFFFFC0]  }
0x4e2: {  	v34 =	vor.u32 $0x80, v38;
	v33 =	vadd.f32 v33, v35;
	v35 =	vsub.f32 v37, v22;
	v36 =	vld [tilespmem:s4+$0x0]  }
0x4e3: {  	v23 =	vadd.f32 v28, v23;
	v43 =	vld [tilespmem:s4+$0xFFFFBE70];
	v29 =	vmul.f32 v29, v12  }
0x4e4: {  	v37 =	vld [tilespmem:s4+$0xFFFFFE30];
	v28 =	vsub.f32 v33, v30;
	v33 =	vmul.f32 v35, v12  }
0x4e5: {  	v38 =	vor.u32 v6, v15;
	v35 =	vld [tilespmem:s4+$0xFFFFFE70];
	v29 =	vadd.f32 v29, v41;
	[tilespmem:v42+s3+$0x0] =	vst.idx.msk $0xffff, v23  }
0x4e6: {  	s15 =	sadd.s32 $0x3, s12;
	v23 =	vld.idx.msk [tilespmem:v27+s30+$0x0], $0xffff;
	v27 =	vmul.f32 v28, v13;
	v33 =	vadd.f32 v33, v22  }
0x4e7: {  	s4 =	sadd.s32 $0x200, s4;
	v31 =	vsub.f32 v31, v32;
	v22 =	vld.idx.msk [tilespmem:v34+s30+$0x0], $0xffff;
	v34 =	vmov s15;
	v36 =	vsub.f32 v36, v40  }
0x4e8: {  	v41 =	vor.u32 v6, v16;
	v28 =	vld [tilespmem:s4+$0xFFFFBF90];
	v27 =	vadd.f32 v27, v30;
	v33 =	vsub.f32 v33, v29  }
0x4e9: {  	v31 =	vmul.f32 v31, v20;
	v30 =	vld [tilespmem:s4+$0xFFFFBFD0];
	v42 =	vsub.f32 v37, v39;
	v20 =	vmul.f32 v36, v20  }
0x4ea: {  	v36 =	vld [tilespmem:s4+$0xFFFFFF90];
	v35 =	vsub.f32 v35, v43;
	[tilespmem:v38+s3+$0x0] =	vst.idx.msk $0xffff, v27;
	v33 =	vmul.f32 v33, v14  }
.Ltmp4:
0x4eb: {  	v27 =	vadd.f32 v31, v32;
	v37 =	vld [tilespmem:s4+$0xFFFFFFD0];
	v42 =	vmul.f32 v42, v8;
	v31 =	vadd.f32 v20, v40;
	(pc) =	sbr.rel @p0 .LBB2_11-.Ltmp4, $4  }
0x4ec: {  	v20 =	vld.idx.msk [tilespmem:v34+s30+$0x0], $0xffff;
	v40 =	vmul.f32 v35, v8;
	v29 =	vadd.f32 v33, v29  }
0x4ed: {  	v38 =	vor.u32 $0x80, v34;
	v35 =	vld [tilespmem:s4+$0xFFFFBE10];
	v32 =	vadd.f32 v42, v39;
	v39 =	vsub.f32 v31, v27  }
0x4ee: {  	v26 =	vor.u32 v7, v26;
	v34 =	vld [tilespmem:s4+$0xFFFFBE50];
	v33 =	vadd.f32 v40, v43;
	[tilespmem:v41+s3+$0x0] =	vst.idx.msk $0xffff, v29  }
0x4ef: {  	s12 =	sadd.s32 $0x4, s12;
	v31 =	vld [tilespmem:s4+$0xFFFFFE10];
	v29 =	vmul.f32 v39, v25  }
0x4f0: {  	_ =	sdelay $0x2  }
0x4f1: {  	v39 =	vld [tilespmem:s4+$0xFFFFBE90]  }
0x4f2: {  	v25 =	vld.idx.msk [tilespmem:v38+s30+$0x0], $0xffff  }
0x4f3: {  	v54 =	vld [tilespmem:s4+$0xFFFFBED0]  }
0x4f4: {  	v40 =	vld [tilespmem:s4+$0xFFFFFE90]  }
0x4f5: {  	v41 =	vld [tilespmem:s4+$0xFFFFFED0]  }
0x4f6: {  	v36 =	vsub.f32 v36, v28;
	v37 =	vsub.f32 v37, v30;
	v42 =	vld [tilespmem:s4+$0xFFFFBF10]  }
0x4f7: {  	v43 =	vld [tilespmem:s4+$0xFFFFBF50]  }
0x4f8: {  	v56 =	vld [tilespmem:s4+$0xFFFFFF10];
	v36 =	vmul.f32 v36, v20;
	v37 =	vmul.f32 v37, v20  }
0x4f9: {  	s12 =	sadd.s32 $0x83, s8;
	v58 =	vld [tilespmem:s4+$0xFFFFFF50]  }
0x4fa: {  	v44 =	vmov s12;
	v36 =	vadd.f32 v36, v28;
	v55 =	vadd.f32 v37, v30  }
0x4fb: {  	s19 =	sadd.s32 $0x81, s8;
	v57 =	vand.u32 $0x7F, v44;
	v40 =	vsub.f32 v40, v39;
	v41 =	vsub.f32 v41, v54  }
0x4fc: {  	v46 =	vmov s19;
	v28 =	vbroadcast v57, $0x0;
	v30 =	vsub.f32 v55, v36  }
0x4fd: {  	v37 =	vsub.f32 v56, v42;
	v40 =	vmul.f32 v40, v21;
	v41 =	vmul.f32 v41, v21  }
0x4fe: {  	v60 =	vsub.f32 v58, v43;
	v45 =	vor.u32 v4, v28;
	v30 =	vmul.f32 v30, v25  }
0x4ff: {  	v59 =	vld [tilespmem:s4+$0xFFFFFE50];
	v46 =	vand.u32 $0x7D, v46;
	v39 =	vadd.f32 v40, v39;
	v38 =	vadd.f32 v41, v54  }
0x500: {  	v37 =	vmul.f32 v37, v19;
	v36 =	vadd.f32 v30, v36;
	v30 =	vbroadcast v46, $0x0  }
0x501: {  	s20 =	sadd.s32 $0x82, s8;
	v41 =	vmul.f32 v60, v19;
	v38 =	vsub.f32 v38, v39  }
0x502: {  	v61 =	vmov s20;
	v37 =	vadd.f32 v37, v42;
	v63 =	vor.u32 v4, v30  }
0x503: {  	v62 =	vand.u32 $0x7E, v61;
	v41 =	vadd.f32 v41, v43;
	[tilespmem:v45+s3+$0x0] =	vst.idx.msk $0xffff, v36;
	v38 =	vmul.f32 v38, v23  }
0x504: {  	v48 =	vsub.f32 v31, v35;
	v31 =	vbroadcast v62, $0x0;
	v40 =	vsub.f32 v59, v34;
	v45 =	vld [tilespmem:s4+$0xFFFFBFA0]  }
0x505: {  	v49 =	vld [tilespmem:s4+$0xFFFFBFE0];
	v55 =	vsub.f32 v41, v37;
	v38 =	vadd.f32 v38, v39  }
0x506: {  	v56 =	vmul.f32 v48, v18;
	v58 =	vor.u32 v4, v31;
	v54 =	vld [tilespmem:s4+$0xFFFFFFA0]  }
0x507: {  	v40 =	vmul.f32 v40, v18;
	v57 =	vld [tilespmem:s4+$0xFFFFFFE0];
	v59 =	vmul.f32 v55, v22;
	[tilespmem:v63+s3+$0x0] =	vst.idx.msk $0xffff, v38  }
0x508: {  	v60 =	vadd.f32 v56, v35;
	v62 =	vld [tilespmem:s4+$0xFFFFBEA0]  }
0x509: {  	v24 =	vand.u32 $0x7C, v24;
	v61 =	vadd.f32 v40, v34;
	v37 =	vadd.f32 v59, v37;
	v63 =	vld [tilespmem:s4+$0xFFFFBEE0]  }
0x50a: {  	v24 =	vbroadcast v24, $0x0;
	v50 =	vld [tilespmem:s4+$0xFFFFFEA0]  }
0x50b: {  	v34 =	vsub.f32 v61, v60;
	v44 =	vld [tilespmem:s4+$0xFFFFFEE0];
	[tilespmem:v58+s3+$0x0] =	vst.idx.msk $0xffff, v37  }
0x50c: {  	v51 =	vor.u32 v4, v24;
	v36 =	vsub.f32 v54, v45;
	v42 =	vsub.f32 v57, v49;
	v37 =	vld [tilespmem:s4+$0xFFFFBF20]  }
0x50d: {  	v34 =	vmul.f32 v34, v17;
	v46 =	vld [tilespmem:s4+$0xFFFFBF60]  }
0x50e: {  	v36 =	vmul.f32 v36, v20;
	v42 =	vmul.f32 v42, v20;
	v53 =	vld [tilespmem:s4+$0xFFFFFF20]  }
0x50f: {  	v34 =	vadd.f32 v34, v60;
	v54 =	vld [tilespmem:s4+$0xFFFFFF60]  }
0x510: {  	v47 =	vld [tilespmem:s11+$0xFFFFBEC0];
	v52 =	vadd.f32 v36, v45;
	v42 =	vadd.f32 v42, v49  }
0x511: {  	v43 =	vld [tilespmem:s11+$0xFFFFFEC0];
	[tilespmem:v51+s3+$0x0] =	vst.idx.msk $0xffff, v34;
	v38 =	vsub.f32 v50, v62;
	v55 =	vsub.f32 v44, v63  }
0x512: {  	v41 =	vld [tilespmem:s4+$0xFFFFBE20]  }
0x513: {  	v48 =	vld [tilespmem:s4+$0xFFFFBE60];
	v42 =	vsub.f32 v42, v52;
	v38 =	vmul.f32 v38, v21;
	v34 =	vmul.f32 v55, v21  }
0x514: {  	v56 =	vor.u32 v5, v28;
	v49 =	vld [tilespmem:s4+$0xFFFFFE20];
	v36 =	vsub.f32 v53, v37;
	v58 =	vsub.f32 v54, v46  }
0x515: {  	v57 =	vld [tilespmem:s4+$0xFFFFFE60];
	v42 =	vmul.f32 v42, v25;
	v38 =	vadd.f32 v38, v62;
	v34 =	vadd.f32 v34, v63  }
0x516: {  	v45 =	vld [tilespmem:s11+$0xFFFFBF00];
	v36 =	vmul.f32 v36, v19  }
0x517: {  	v50 =	vld [tilespmem:s11+$0xFFFFBF40];
	v40 =	vmul.f32 v58, v19;
	v35 =	vadd.f32 v42, v52;
	v34 =	vsub.f32 v34, v38  }
0x518: {  	v59 =	vor.u32 v5, v30;
	v44 =	vld [tilespmem:s11+$0xFFFFBF80];
	v36 =	vadd.f32 v36, v37  }
0x519: {  	v42 =	vld [tilespmem:s11+$0xFFFFFF00];
	v60 =	vadd.f32 v40, v46;
	[tilespmem:v56+s3+$0x0] =	vst.idx.msk $0xffff, v35;
	v34 =	vmul.f32 v34, v23  }
0x51a: {  	v61 =	vsub.f32 v49, v41;
	v39 =	vsub.f32 v57, v48;
	v40 =	vld [tilespmem:s4+$0xFFFFBFB0]  }
0x51b: {  	v49 =	vld [tilespmem:s4+$0xFFFFBFF0];
	v37 =	vsub.f32 v60, v36;
	v34 =	vadd.f32 v34, v38  }
0x51c: {  	v51 =	vor.u32 v5, v31;
	v46 =	vmul.f32 v61, v18;
	v39 =	vmul.f32 v39, v18;
	v62 =	vld [tilespmem:s4+$0xFFFFFFB0]  }
0x51d: {  	v52 =	vld [tilespmem:s4+$0xFFFFFFF0];
	v37 =	vmul.f32 v37, v22;
	[tilespmem:v59+s3+$0x0] =	vst.idx.msk $0xffff, v34  }
0x51e: {  	v63 =	vadd.f32 v46, v41;
	v55 =	vadd.f32 v39, v48;
	v39 =	vld [tilespmem:s4+$0xFFFFBEB0]  }
0x51f: {  	v36 =	vadd.f32 v37, v36;
	v37 =	vld [tilespmem:s4+$0xFFFFBEF0]  }
0x520: {  	v33 =	vsub.f32 v33, v32;
	v35 =	vsub.f32 v55, v63;
	v56 =	vld [tilespmem:s4+$0xFFFFFEB0]  }
0x521: {  	v27 =	vadd.f32 v29, v27;
	v57 =	vor.u32 v5, v24;
	v58 =	vld [tilespmem:s4+$0xFFFFFEF0];
	[tilespmem:v51+s3+$0x0] =	vst.idx.msk $0xffff, v36  }
0x522: {  	v35 =	vmul.f32 v35, v17;
	v38 =	vsub.f32 v62, v40;
	v60 =	vsub.f32 v52, v49;
	v52 =	vld [tilespmem:s4+$0xFFFFBF30]  }
0x523: {  	v33 =	vmul.f32 v33, v11;
	v43 =	vsub.f32 v43, v47;
	v59 =	vor.u32 v6, v9;
	v53 =	vld [tilespmem:s4+$0xFFFFBF70]  }
0x524: {  	v34 =	vadd.f32 v35, v63;
	v38 =	vmul.f32 v38, v20;
	v62 =	vmul.f32 v60, v20;
	v63 =	vld [tilespmem:s4+$0xFFFFFF30]  }
0x525: {  	v61 =	vadd.f32 v33, v32;
	v42 =	vsub.f32 v42, v45;
	v54 =	vld [tilespmem:s4+$0xFFFFFF70]  }
0x526: {  	[tilespmem:v57+s3+$0x0] =	vst.idx.msk $0xffff, v34;
	v38 =	vadd.f32 v38, v40;
	v33 =	vadd.f32 v62, v49;
	v49 =	vld [tilespmem:s11+$0xFFFFFF40]  }
0x527: {  	v57 =	vor.u32 v6, v28;
	v32 =	vld [tilespmem:s4+$0xFFFFBE30];
	v55 =	vsub.f32 v56, v39;
	v36 =	vsub.f32 v58, v37  }
0x528: {  	[tilespmem:v59+s3+$0x0] =	vst.idx.msk $0xffff, v61;
	v56 =	vmul.f32 v43, v10;
	v58 =	vld [tilespmem:s4+$0xFFFFFE30];
	v33 =	vsub.f32 v33, v38  }
0x529: {  	v60 =	vld [tilespmem:s4+$0xFFFFFE70];
	v34 =	vmul.f32 v55, v21;
	v36 =	vmul.f32 v36, v21;
	v35 =	vsub.f32 v63, v52  }
0x52a: {  	v43 =	vld [tilespmem:s4+$0xFFFFBE70];
	v59 =	vsub.f32 v54, v53;
	v41 =	vadd.f32 v56, v47;
	v33 =	vmul.f32 v33, v25  }
0x52b: {  	v61 =	vld [tilespmem:s11+$0xFFFFFF80];
	v34 =	vadd.f32 v34, v39;
	v36 =	vadd.f32 v36, v37  }
0x52c: {  	v51 =	vld [tilespmem:s11+$0xFFFFFE40];
	v35 =	vmul.f32 v35, v19;
	v62 =	vmul.f32 v59, v19;
	v33 =	vadd.f32 v33, v38  }
0x52d: {  	v47 =	vld [tilespmem:s11+$0xFFFFBE40];
	v48 =	vsub.f32 v58, v32;
	v36 =	vsub.f32 v36, v34  }
0x52e: {  	v63 =	vor.u32 v6, v30;
	v55 =	vld [tilespmem:s11+$0xFFFFFE80];
	v35 =	vadd.f32 v35, v52;
	v38 =	vadd.f32 v62, v53  }
0x52f: {  	v39 =	vld [tilespmem:s11+$0xFFFFBE80];
	v40 =	vsub.f32 v60, v43;
	[tilespmem:v57+s3+$0x0] =	vst.idx.msk $0xffff, v33;
	v36 =	vmul.f32 v36, v23  }
0x530: {  	v56 =	vmul.f32 v42, v10;
	v49 =	vsub.f32 v49, v50;
	v42 =	vld [tilespmem:s4+$0xFFFFBFC0];
	v38 =	vsub.f32 v38, v35  }
0x531: {  	v57 =	vmul.f32 v48, v18;
	v40 =	vmul.f32 v40, v18;
	v48 =	vld [tilespmem:s4+$0xFFFFC000];
	v34 =	vadd.f32 v36, v34  }
0x532: {  	v59 =	vsub.f32 v61, v44;
	v58 =	vor.u32 v6, v31;
	v46 =	vld [tilespmem:s4+$0xFFFFFFC0];
	v38 =	vmul.f32 v38, v22  }
0x533: {  	v61 =	vld [tilespmem:s4+$0x0];
	v32 =	vadd.f32 v57, v32;
	v60 =	vadd.f32 v40, v43;
	[tilespmem:v63+s3+$0x0] =	vst.idx.msk $0xffff, v34  }
0x534: {  	v10 =	vadd.f32 v56, v45;
	v35 =	vadd.f32 v38, v35;
	v38 =	vld [tilespmem:s4+$0xFFFFBEC0]  }
0x535: {  	v62 =	vmul.f32 v49, v12;
	v53 =	vmul.f32 v59, v12;
	v37 =	vsub.f32 v60, v32;
	v49 =	vld [tilespmem:s4+$0xFFFFBF00]  }
0x536: {  	v33 =	vsub.f32 v55, v39;
	v63 =	vsub.f32 v51, v47;
	v51 =	vor.u32 v6, v24;
	v52 =	vld [tilespmem:s4+$0xFFFFFEC0]  }
0x537: {  	v12 =	vadd.f32 v53, v44;
	v54 =	vmul.f32 v37, v17;
	v55 =	vld [tilespmem:s4+$0xFFFFFF00];
	[tilespmem:v58+s3+$0x0] =	vst.idx.msk $0xffff, v35  }
0x538: {  	v43 =	vadd.f32 v62, v50;
	v45 =	vmul.f32 v63, v8;
	v8 =	vmul.f32 v33, v8;
	v33 =	vld [tilespmem:s4+$0xFFFFBF40]  }
0x539: {  	v60 =	vsub.f32 v46, v42;
	v56 =	vadd.f32 v54, v32;
	v32 =	vld [tilespmem:s4+$0xFFFFBF80]  }
0x53a: {  	v10 =	vsub.f32 v10, v41;
	v40 =	vsub.f32 v61, v48;
	v58 =	vld [tilespmem:s4+$0xFFFFFF40]  }
0x53b: {  	v12 =	vsub.f32 v12, v43;
	v59 =	vld [tilespmem:s4+$0xFFFFFF80];
	v35 =	vmul.f32 v60, v20;
	[tilespmem:v51+s3+$0x0] =	vst.idx.msk $0xffff, v56  }
0x53c: {  	v44 =	vmul.f32 v40, v20;
	v57 =	vadd.f32 v45, v47;
	v8 =	vadd.f32 v8, v39;
	v29 =	vld [tilespmem:s4+$0xFFFFBE40]  }
0x53d: {  	v15 =	vor.u32 v7, v15;
	v10 =	vmul.f32 v10, v13;
	v47 =	vadd.f32 v35, v42;
	v61 =	vld [tilespmem:s4+$0xFFFFBE80]  }
0x53e: {  	v12 =	vmul.f32 v12, v14;
	v20 =	vadd.f32 v44, v48;
	v8 =	vsub.f32 v8, v57;
	v63 =	vld [tilespmem:s4+$0xFFFFFE40]  }
0x53f: {  	v16 =	vor.u32 v7, v16;
	v62 =	vsub.f32 v52, v38;
	v45 =	vsub.f32 v55, v49;
	v46 =	vld [tilespmem:s4+$0xFFFFFE80]  }
0x540: {  	v10 =	vadd.f32 v10, v41;
	v12 =	vadd.f32 v12, v43;
	v8 =	vmul.f32 v8, v11  }
0x541: {  	v56 =	vsub.f32 v20, v47;
	v11 =	vmul.f32 v62, v21;
	v50 =	vmul.f32 v45, v21  }
0x542: {  	[tilespmem:v26+s3+$0x0] =	vst.idx.msk $0xffff, v27;
	v51 =	vsub.f32 v58, v33;
	v52 =	vsub.f32 v59, v32  }
0x543: {  	[tilespmem:v15+s3+$0x0] =	vst.idx.msk $0xffff, v10;
	v11 =	vadd.f32 v11, v38;
	v53 =	vadd.f32 v50, v49  }
0x544: {  	[tilespmem:v16+s3+$0x0] =	vst.idx.msk $0xffff, v12;
	v54 =	vsub.f32 v63, v29;
	v55 =	vsub.f32 v46, v61  }
0x545: {  	v8 =	vadd.f32 v8, v57;
	v57 =	vmul.f32 v51, v19;
	v10 =	vmul.f32 v52, v19  }
0x546: {  	v13 =	vsub.f32 v53, v11;
	v12 =	vmul.f32 v54, v18;
	v14 =	vmul.f32 v55, v18  }
0x547: {  	v58 =	vor.u32 v7, v9;
	v16 =	vadd.f32 v57, v33;
	v10 =	vadd.f32 v10, v32  }
0x548: {  	v59 =	vor.u32 v7, v28;
	v12 =	vadd.f32 v12, v29;
	v14 =	vadd.f32 v14, v61  }
0x549: {  	v60 =	vor.u32 v7, v30;
	v15 =	vmul.f32 v56, v25;
	v10 =	vsub.f32 v10, v16  }
0x54a: {  	v13 =	vmul.f32 v13, v23;
	v61 =	vor.u32 v7, v31;
	v14 =	vsub.f32 v14, v12  }
0x54b: {  	s6 =	sadd.s32 $0x1, s6;
	v62 =	vor.u32 v7, v24;
	v15 =	vadd.f32 v15, v47;
	v10 =	vmul.f32 v10, v22  }
0x54c: {  	p0 =	sne.s32 s6, $0x20;
	[tilespmem:v58+s3+$0x0] =	vst.idx.msk $0xffff, v8;
	v8 =	vadd.f32 v13, v11;
	v63 =	vmul.f32 v14, v17  }
.Ltmp5:
0x54d: {  	[tilespmem:v59+s3+$0x0] =	vst.idx.msk $0xffff, v15;
	v10 =	vadd.f32 v10, v16;
	(pc) =	sbr.rel @p0 .LBB2_2-.Ltmp5, $4  }
0x54e: {  	[tilespmem:v60+s3+$0x0] =	vst.idx.msk $0xffff, v8;
	v8 =	vadd.f32 v63, v12  }
0x54f: {  	s21 =	sshll.u32 s9, $0x7;
	[tilespmem:v61+s3+$0x0] =	vst.idx.msk $0xffff, v10  }
0x550: {  	s22 =	simm.s32 $0x800;
	s4 =	sadd.s32 s21, s10;
	[tilespmem:v62+s3+$0x0] =	vst.idx.msk $0xffff, v8  }
0x551: {  	[hbm4b:s4+s22] =	stream.strided.scatter [tilespmem:s3], [sflag:$0x4], $0x4000, s1, s22, $0x38;
	[tilespmem:$0x18600] =	vst v63  }
0x552: {  	s4 =	simm.s32 $0x3  }
0x553: {  	_ =	swait.ge [sflag:s4], $0x4000  }
0x554: {  	[sflag:s4] =	ssyncset.done $0x0  }
0x555: {  	s6 =	simm.s32 $0x4;
	[sflag:s4] =	ssyncadd.s32 $0xFFFFC000  }
0x556: {  	_ =	swait.ge [sflag:s6], $0x4000  }
0x557: {  	s8 =	rddreg [dreg:$0x8]  }
0x558: {  	s22 =	rddreg [dreg:$0x7];
	s8 =	sadd.s32 $0x1, s8  }
0x559: {  	p0 =	sne.s32 s8, s22  }
.Ltmp6:
0x55a: {  	_ = 	snop;
	(pc) =	sbr.rel @p0 .LBB2_1-.Ltmp6, $3  }
0x55b: {  	_ =	sdelay $0x1  }
0x55c: {  	[sflag:s6] =	ssyncset.done $0x0  }
0x55d: {  	[sflag:s6] =	ssyncadd.s32 $0xFFFFC000  }
0x55e: {  	_ =	sfence.sel $0x180000  }
0x55f: {  	[bflag:$0x0] =	sbarrier.arrive $0xFFFF  }
0x560: {  	_ =	strace $0x9000004A  }
0x561: {  	s0 =	stileid.u32;
	[bflag:$0x2] =	sbarrier.arrive $0xFFFF  }
0x562: {  	p0 =	sne.s32 s0, $0x0;
	s0 =	rddreg [dreg:$0x3]  }
0x563: {  	s0 =	sadd.s32 @!p0 $0x100000, s0  }
0x564: {  	[sflag:s0] =	ssyncadd.tile.s32 @!p0 $0x1;
	_ =	shalt  }
.Lfunc_end2:
_tile_overlayer_lowered:
.L_overlay_start_2:
0x565: {  	(tag) =	ssettag $0x2  }
0x566: {  	s0 =	rddreg [dreg:$0x0];
	s2 =	stileid.u32  }
0x567: {  	s1 =	rddreg [dreg:$0x1];
	p0 =	sne.s32 s2, $0x0  }
0x568: {  	s3 =	rddreg [dreg:$0x2];
	[bflag:$0x3] =	sbarrier.arrive $0xFFFF;
	s2 =	simm.s32 @!p0 $0x1C05  }
0x569: {  	[timem:s3], [sflag:s2] =	dma.local @!p0 [hbm:s0], s1  }
0x56a: {  	s0 =	simm.s32 @!p0 $0x5  }
0x56b: {  	_ =	swait.ge @!p0 [sflag:s0], s1  }
0x56c: {  	s1 =	ssub.s32 @!p0 $0x0, s1;
	[sflag:s0] =	ssyncset.done @!p0 $0x0  }
0x56d: {  	[sflag:s0] =	ssyncadd.s32 @!p0 s1  }
0x56e: {  	[bflag:$0x3] =	sbarrier.arrive $0xFFFF  }
0x56f: {  	_ =	shalt  }

</sc_bundles>
